<compile_context>
chip_gen: v7x
topology: tpu7x:2x2x1
jax: 0.10.2.dev20260603
libtpu: 0.0.44.dev20260713+nightly
codegen_flags: <defaults>
</compile_context>

<pallas_src>
import jax
import jax.numpy as jnp
from jax import lax
from jax.experimental import pallas as pl
from jax.experimental.pallas import tpu as pltpu
from jax.experimental.pallas import tpu_sc as plsc

B, T, N, D = 16, 4, 1024, 256
IN_N = 512
NC, NS = 2, 16
NW = NC * NS
CHUNKS = NW // T
OUT_ROWS = N // CHUNKS
IN_ROWS = OUT_ROWS // 2
BUF_ROWS = IN_ROWS + 16
LANES = 16
VPR = D // LANES
SUB = 4
SUB_J = IN_ROWS // SUB


def _body(pe_hbm, out_hbm, in_v, out_v, sem):
    wid = lax.axis_index("s") * NC + lax.axis_index("c")
    tt = wid // CHUNKS
    c = wid % CHUNKS
    k0 = c * IN_ROWS
    start = pl.multiple_of(jnp.clip(k0 - 8, 0, IN_N - BUF_ROWS), 8)
    pltpu.sync_copy(pe_hbm.at[0, tt, pl.ds(start, BUF_ROWS)], in_v)

    w_lo = jnp.full((LANES,), 0.25, jnp.float32)
    w_hi = jnp.full((LANES,), 0.75, jnp.float32)

    def j_body(j, carry):
        row_a = jnp.maximum(k0 + j - 1, 0) - start
        row_b = k0 + j - start
        row_c = jnp.minimum(k0 + j + 1, IN_N - 1) - start
        for v in range(VPR):
            sl = pl.ds(v * LANES, LANES)
            a = in_v[row_a, sl]
            bb = in_v[row_b, sl]
            cc = in_v[row_c, sl]
            out_v[2 * j, sl] = w_lo * a + w_hi * bb
            out_v[2 * j + 1, sl] = w_hi * bb + w_lo * cc
        return carry

    i0 = c * OUT_ROWS
    copies = []
    for s in range(SUB):
        lax.fori_loop(s * SUB_J, (s + 1) * SUB_J, j_body, 0)
        src = out_v.at[pl.ds(s * 2 * SUB_J, 2 * SUB_J)]
        dst_row = pl.multiple_of(i0 + s * 2 * SUB_J, 8)
        for b in range(B):
            copies.append(
                pltpu.async_copy(
                    src, out_hbm.at[b, tt, pl.ds(dst_row, 2 * SUB_J)], sem
                )
            )
    for cp in copies:
        cp.wait()


def kernel(x, pos_embedding):
    mesh = plsc.VectorSubcoreMesh(core_axis_name="c", subcore_axis_name="s")
    f = pl.kernel(
        _body,
        out_type=jax.ShapeDtypeStruct((B, T, N, D), jnp.float32),
        mesh=mesh,
        scratch_types=[
            pltpu.VMEM((BUF_ROWS, D), jnp.float32),
            pltpu.VMEM((OUT_ROWS, D), jnp.float32),
            pltpu.SemaphoreType.DMA,
        ],
    )
    return f(pos_embedding)

# --- scband reference (transcript-rebuilt; emitter-appended) ---
"""Pipeline reference for scband-positional-encoding-slin-tslice-84688165143199 (READ-ONLY COPY).

The authoritative reference and input builder live on the scoring server;
editing this copy changes nothing except your own understanding.
"""

import jax, jax.numpy as jnp
import numpy as np


def _interpolate_linear_1d(x, out_size):
    in_size = x.shape[-1]
    if in_size == out_size:
        return x
    out_idx = jnp.arange(out_size, dtype=jnp.float32)
    src = (out_idx + 0.5) * in_size / out_size - 0.5
    src_low = jnp.floor(src).astype(jnp.int32)
    src_high = src_low + 1
    src_low = jnp.clip(src_low, 0, in_size - 1)
    src_high = jnp.clip(src_high, 0, in_size - 1)
    w = src - jnp.floor(src)
    return x[..., src_low] * (1 - w) + x[..., src_high] * w


def setup_inputs(seed: int = 0):
    key = jax.random.key(seed)
    k1, k2 = jax.random.split(key)
    x = jax.random.normal(k1, (16, 4, 1024, 256), dtype=jnp.float32)
    pos_embedding = jax.random.normal(k2, (1, 5, 512, 256), dtype=jnp.float32)
    return {"x": x, "pos_embedding": pos_embedding}


def reference(x, pos_embedding):
    B, t, n, D = x.shape
    pe = pos_embedding[:, :t, :, :]
    pe = jnp.transpose(pe, (0, 3, 1, 2)).reshape(1, D * t, -1)
    pe = _interpolate_linear_1d(pe, n)
    pe = pe.reshape(1, D, t, n)
    pe = jnp.transpose(pe, (0, 2, 3, 1))
    pe = jnp.broadcast_to(pe, (B, t, n, D))
    return pe

if __name__ == "__main__":
    import jax
    _d = setup_inputs()
    print(jax.jit(kernel)(*tuple(_d.values())))

</pallas_src>

<mosaic_0001>
#map = affine_map<(d0, d1) -> (0, 0, 0, 0)>
module attributes {stable_mosaic.version = 14 : i64} {
  func.func @_body(%arg0: i32, %arg1: i32, %arg2: memref<1x5x512x256xf32, #tpu.memory_space<hbm>>, %arg3: memref<16x4x1024x256xf32, #tpu.memory_space<hbm>>, %arg4: memref<80x256xf32, #tpu.memory_space<vmem>>, %arg5: memref<128x256xf32, #tpu.memory_space<vmem>>, %arg6: memref<!tpu.dma_semaphore, #tpu.memory_space<semaphore_mem>>) attributes {dimension_semantics = [#tpu.dimension_semantics<core_parallel>, #tpu.dimension_semantics<subcore_parallel>], iteration_bounds = array<i64: 2, 16>, scalar_prefetch = 0 : i64, scratch_operands = 3 : i64, tpu.core_type = #tpu.core_type<sc_vector_subcore>, window_params = [{transform_indices = #map}, {transform_indices = #map}]} {
    %mul3A = arith.constant 2 : i32
    %mul3A_0 = arith.muli %arg1, %mul3A : i32
    %add3A = arith.addi %mul3A_0, %arg0 : i32
    %jit3A = arith.constant 8 : i32
    %div3A = arith.divsi %add3A, %jit3A : i32
    %sign3A = arith.constant 0 : i32
    %sign3A_1 = arith.cmpi sgt, %add3A, %sign3A : i32
    %sign3A_2 = arith.extui %sign3A_1 : i1 to i32
    %sign3A_3 = arith.constant 0 : i32
    %sign3A_4 = arith.cmpi slt, %add3A, %sign3A_3 : i32
    %sign3A_5 = arith.extui %sign3A_4 : i1 to i32
    %sign3A_6 = arith.subi %sign3A_2, %sign3A_5 : i32
    %sign3A_7 = arith.constant 0 : i32
    %sign3A_8 = arith.cmpi sgt, %jit3A, %sign3A_7 : i32
    %sign3A_9 = arith.extui %sign3A_8 : i1 to i32
    %sign3A_10 = arith.constant 0 : i32
    %sign3A_11 = arith.cmpi slt, %jit3A, %sign3A_10 : i32
    %sign3A_12 = arith.extui %sign3A_11 : i1 to i32
    %sign3A_13 = arith.subi %sign3A_9, %sign3A_12 : i32
    %ne3A = arith.cmpi ne, %sign3A_6, %sign3A_13 : i32
    %rem3A = arith.remsi %add3A, %jit3A : i32
    %ne3A_14 = arith.constant 0 : i32
    %ne3A_15 = arith.cmpi ne, %rem3A, %ne3A_14 : i32
    %and3A = arith.andi %ne3A, %ne3A_15 : i1
    %sub3A = arith.constant 1 : i32
    %sub3A_16 = arith.subi %div3A, %sub3A : i32
    %select_n3A = arith.select %and3A, %sub3A_16, %div3A : i32
    %jit3A_17 = arith.constant 8 : i32
    %eq3A = arith.constant 0 : i32
    %eq3A_18 = arith.cmpi eq, %jit3A_17, %eq3A : i32
    %jit3A_19 = arith.constant 1 : i32
    %select_n3A_20 = arith.select %eq3A_18, %jit3A_19, %jit3A_17 : i32
    %rem3A_21 = arith.remsi %add3A, %select_n3A_20 : i32
    %ne3A_22 = arith.constant 0 : i32
    %ne3A_23 = arith.cmpi ne, %rem3A_21, %ne3A_22 : i32
    %lt3A = arith.constant 0 : i32
    %lt3A_24 = arith.cmpi slt, %rem3A_21, %lt3A : i32
    %lt3A_25 = arith.constant 0 : i32
    %lt3A_26 = arith.cmpi slt, %select_n3A_20, %lt3A_25 : i32
    %ne3A_27 = arith.xori %lt3A_24, %lt3A_26 : i1
    %and3A_28 = arith.andi %ne3A_27, %ne3A_23 : i1
    %add3A_29 = arith.addi %rem3A_21, %select_n3A_20 : i32
    %select_n3A_30 = arith.select %and3A_28, %add3A_29, %rem3A_21 : i32
    %mul3A_31 = arith.constant 64 : i32
    %mul3A_32 = arith.muli %select_n3A_30, %mul3A_31 : i32
    %sub3A_33 = arith.constant 8 : i32
    %sub3A_34 = arith.subi %mul3A_32, %sub3A_33 : i32
    %jit3A_35 = arith.constant 0 : i32
    %jit3A_36 = arith.constant 432 : i32
    %max3A = arith.maxsi %jit3A_35, %sub3A_34 : i32
    %min3A = arith.minsi %jit3A_36, %max3A : i32
    %multiple_of3A = tpu.assume_multiple %min3A, 8 : i32
    %run_scoped3A = arith.constant 0 : i32
    "tpu.region"() ({
      %run_scoped3A_1739 = tpu.sem_alloc : memref<!tpu.dma_semaphore, #tpu.memory_space<semaphore_mem>>
      %dma_start3A_1740 = arith.constant 0 : i32
      %dma_start3A_1741 = tpu.memref_slice %arg2[%run_scoped3A, %select_n3A, %multiple_of3A, %dma_start3A_1740] : memref<1x5x512x256xf32, #tpu.memory_space<hbm>> -> memref<1x1x80x256xf32, #tpu.memory_space<hbm>>
      %dma_start3A_1742 = tpu.memref_squeeze %dma_start3A_1741 : memref<1x1x80x256xf32, #tpu.memory_space<hbm>> -> memref<80x256xf32, #tpu.memory_space<hbm>>
      %dma_start3A_1743 = arith.constant 0 : i32
      %dma_start3A_1744 = tpu.memref_slice %arg2[%run_scoped3A, %select_n3A, %multiple_of3A, %dma_start3A_1743] : memref<1x5x512x256xf32, #tpu.memory_space<hbm>> -> memref<1x1x80x256xf32, #tpu.memory_space<hbm>>
      %dma_start3A_1745 = tpu.memref_squeeze %dma_start3A_1744 : memref<1x1x80x256xf32, #tpu.memory_space<hbm>> -> memref<80x256xf32, #tpu.memory_space<hbm>>
      tpu.enqueue_dma source(%dma_start3A_1745 : memref<80x256xf32, #tpu.memory_space<hbm>>) target(%arg4 : memref<80x256xf32, #tpu.memory_space<vmem>>) target_semaphore(%run_scoped3A_1739 : memref<!tpu.dma_semaphore, #tpu.memory_space<semaphore_mem>>)
      %dma_wait3A_1746 = arith.constant 0 : i32
      %dma_wait3A_1747 = tpu.memref_slice %arg2[%run_scoped3A, %select_n3A, %multiple_of3A, %dma_wait3A_1746] : memref<1x5x512x256xf32, #tpu.memory_space<hbm>> -> memref<1x1x80x256xf32, #tpu.memory_space<hbm>>
      %dma_wait3A_1748 = tpu.memref_squeeze %dma_wait3A_1747 : memref<1x1x80x256xf32, #tpu.memory_space<hbm>> -> memref<80x256xf32, #tpu.memory_space<hbm>>
      %dma_wait3A_1749 = arith.constant 0 : i32
      %dma_wait3A_1750 = tpu.memref_slice %arg2[%run_scoped3A, %select_n3A, %multiple_of3A, %dma_wait3A_1749] : memref<1x5x512x256xf32, #tpu.memory_space<hbm>> -> memref<1x1x80x256xf32, #tpu.memory_space<hbm>>
      %dma_wait3A_1751 = tpu.memref_squeeze %dma_wait3A_1750 : memref<1x1x80x256xf32, #tpu.memory_space<hbm>> -> memref<80x256xf32, #tpu.memory_space<hbm>>
      tpu.wait_dma2 semaphore(%run_scoped3A_1739 : memref<!tpu.dma_semaphore, #tpu.memory_space<semaphore_mem>>) src(%dma_wait3A_1751 : memref<80x256xf32, #tpu.memory_space<hbm>>) dst(%arg4 : memref<80x256xf32, #tpu.memory_space<vmem>>)
      tpu.yield
    }) : () -> ()
    %broadcast_in_dim3A = arith.constant 2.500000e-01 : f32
    %broadcast_in_dim3A_37 = vector.broadcast %broadcast_in_dim3A : f32 to vector<16xf32>
    %broadcast_in_dim3A_38 = arith.constant 7.500000e-01 : f32
    %broadcast_in_dim3A_39 = vector.broadcast %broadcast_in_dim3A_38 : f32 to vector<16xf32>
    %mul3A_40 = arith.constant 128 : i32
    %mul3A_41 = arith.muli %select_n3A_30, %mul3A_40 : i32
    %scan3A = arith.constant 0 : i32
    %scan3A_42 = arith.constant 0 : i32
    %scan3A_43 = arith.constant 16 : i32
    %scan3A_44 = arith.addi %scan3A_42, %scan3A_43 : i32
    %scan3A_45 = arith.constant 1 : i32
    scf.for %scan3A_1739 = %scan3A_42 to %scan3A_44 step %scan3A_45  : i32 {
      %add3A_1740 = arith.addi %mul3A_32, %scan3A_1739 : i32
      %sub3A_1741 = arith.constant 1 : i32
      %sub3A_1742 = arith.subi %add3A_1740, %sub3A_1741 : i32
      %max3A_1743 = arith.constant 0 : i32
      %max3A_1744 = arith.maxsi %sub3A_1742, %max3A_1743 : i32
      %sub3A_1745 = arith.subi %max3A_1744, %multiple_of3A : i32
      %add3A_1746 = arith.addi %mul3A_32, %scan3A_1739 : i32
      %sub3A_1747 = arith.subi %add3A_1746, %multiple_of3A : i32
      %add3A_1748 = arith.addi %mul3A_32, %scan3A_1739 : i32
      %add3A_1749 = arith.constant 1 : i32
      %add3A_1750 = arith.addi %add3A_1748, %add3A_1749 : i32
      %min3A_1751 = arith.constant 511 : i32
      %min3A_1752 = arith.minsi %add3A_1750, %min3A_1751 : i32
      %sub3A_1753 = arith.subi %min3A_1752, %multiple_of3A : i32
      %get3A = arith.index_cast %sub3A_1745 : i32 to index
      %get3A_1754 = arith.constant 0 : index
      %get3A_1755 = tpu.vector_load %arg4[%get3A, %get3A_1754] {strides = array<i32>} : memref<80x256xf32, #tpu.memory_space<vmem>>, vector<1x16xf32>,
      %get3A_1756 = vector.shape_cast %get3A_1755 : vector<1x16xf32> to vector<16xf32>
      %get3A_1757 = arith.index_cast %sub3A_1747 : i32 to index
      %get3A_1758 = arith.constant 0 : index
      %get3A_1759 = tpu.vector_load %arg4[%get3A_1757, %get3A_1758] {strides = array<i32>} : memref<80x256xf32, #tpu.memory_space<vmem>>, vector<1x16xf32>,
      %get3A_1760 = vector.shape_cast %get3A_1759 : vector<1x16xf32> to vector<16xf32>
      %get3A_1761 = arith.index_cast %sub3A_1753 : i32 to index
      %get3A_1762 = arith.constant 0 : index
      %get3A_1763 = tpu.vector_load %arg4[%get3A_1761, %get3A_1762] {strides = array<i32>} : memref<80x256xf32, #tpu.memory_space<vmem>>, vector<1x16xf32>,
      %get3A_1764 = vector.shape_cast %get3A_1763 : vector<1x16xf32> to vector<16xf32>
      %mul3A_1765 = arith.mulf %broadcast_in_dim3A_37, %get3A_1756 : vector<16xf32>
      %mul3A_1766 = arith.mulf %broadcast_in_dim3A_39, %get3A_1760 : vector<16xf32>
      %add3A_1767 = arith.addf %mul3A_1765, %mul3A_1766 : vector<16xf32>
      %mul3A_1768 = arith.constant 2 : i32
      %mul3A_1769 = arith.muli %mul3A_1768, %scan3A_1739 : i32
      %swap3A = arith.index_cast %mul3A_1769 : i32 to index
      %swap3A_1770 = arith.constant 0 : index
      %swap3A_1771 = tpu.vector_load %arg5[%swap3A, %swap3A_1770] {strides = array<i32>} : memref<128x256xf32, #tpu.memory_space<vmem>>, vector<1x16xf32>,
      %swap3A_1772 = vector.shape_cast %swap3A_1771 : vector<1x16xf32> to vector<16xf32>
      %swap3A_1773 = vector.shape_cast %add3A_1767 : vector<16xf32> to vector<1x16xf32>
      tpu.vector_store %arg5[%swap3A, %swap3A_1770], %swap3A_1773 {strides = array<i32>} : memref<128x256xf32, #tpu.memory_space<vmem>>, vector<1x16xf32>,
      %mul3A_1774 = arith.mulf %broadcast_in_dim3A_39, %get3A_1760 : vector<16xf32>
      %mul3A_1775 = arith.mulf %broadcast_in_dim3A_37, %get3A_1764 : vector<16xf32>
      %add3A_1776 = arith.addf %mul3A_1774, %mul3A_1775 : vector<16xf32>
      %mul3A_1777 = arith.constant 2 : i32
      %mul3A_1778 = arith.muli %mul3A_1777, %scan3A_1739 : i32
      %add3A_1779 = arith.constant 1 : i32
      %add3A_1780 = arith.addi %mul3A_1778, %add3A_1779 : i32
      %swap3A_1781 = arith.index_cast %add3A_1780 : i32 to index
      %swap3A_1782 = arith.constant 0 : index
      %swap3A_1783 = tpu.vector_load %arg5[%swap3A_1781, %swap3A_1782] {strides = array<i32>} : memref<128x256xf32, #tpu.memory_space<vmem>>, vector<1x16xf32>,
      %swap3A_1784 = vector.shape_cast %swap3A_1783 : vector<1x16xf32> to vector<16xf32>
      %swap3A_1785 = vector.shape_cast %add3A_1776 : vector<16xf32> to vector<1x16xf32>
      tpu.vector_store %arg5[%swap3A_1781, %swap3A_1782], %swap3A_1785 {strides = array<i32>} : memref<128x256xf32, #tpu.memory_space<vmem>>, vector<1x16xf32>,
      %get3A_1786 = arith.index_cast %sub3A_1745 : i32 to index
      %get3A_1787 = arith.constant 16 : index
      %get3A_1788 = tpu.vector_load %arg4[%get3A_1786, %get3A_1787] {strides = array<i32>} : memref<80x256xf32, #tpu.memory_space<vmem>>, vector<1x16xf32>,
      %get3A_1789 = vector.shape_cast %get3A_1788 : vector<1x16xf32> to vector<16xf32>
      %get3A_1790 = arith.index_cast %sub3A_1747 : i32 to index
      %get3A_1791 = arith.constant 16 : index
      %get3A_1792 = tpu.vector_load %arg4[%get3A_1790, %get3A_1791] {strides = array<i32>} : memref<80x256xf32, #tpu.memory_space<vmem>>, vector<1x16xf32>,
      %get3A_1793 = vector.shape_cast %get3A_1792 : vector<1x16xf32> to vector<16xf32>
      %get3A_1794 = arith.index_cast %sub3A_1753 : i32 to index
      %get3A_1795 = arith.constant 16 : index
      %get3A_1796 = tpu.vector_load %arg4[%get3A_1794, %get3A_1795] {strides = array<i32>} : memref<80x256xf32, #tpu.memory_space<vmem>>, vector<1x16xf32>,
      %get3A_1797 = vector.shape_cast %get3A_1796 : vector<1x16xf32> to vector<16xf32>
      %mul3A_1798 = arith.mulf %broadcast_in_dim3A_37, %get3A_1789 : vector<16xf32>
      %mul3A_1799 = arith.mulf %broadcast_in_dim3A_39, %get3A_1793 : vector<16xf32>
      %add3A_1800 = arith.addf %mul3A_1798, %mul3A_1799 : vector<16xf32>
      %mul3A_1801 = arith.constant 2 : i32
      %mul3A_1802 = arith.muli %mul3A_1801, %scan3A_1739 : i32
      %swap3A_1803 = arith.index_cast %mul3A_1802 : i32 to index
      %swap3A_1804 = arith.constant 16 : index
      %swap3A_1805 = tpu.vector_load %arg5[%swap3A_1803, %swap3A_1804] {strides = array<i32>} : memref<128x256xf32, #tpu.memory_space<vmem>>, vector<1x16xf32>,
      %swap3A_1806 = vector.shape_cast %swap3A_1805 : vector<1x16xf32> to vector<16xf32>
      %swap3A_1807 = vector.shape_cast %add3A_1800 : vector<16xf32> to vector<1x16xf32>
      tpu.vector_store %arg5[%swap3A_1803, %swap3A_1804], %swap3A_1807 {strides = array<i32>} : memref<128x256xf32, #tpu.memory_space<vmem>>, vector<1x16xf32>,
      %mul3A_1808 = arith.mulf %broadcast_in_dim3A_39, %get3A_1793 : vector<16xf32>
      %mul3A_1809 = arith.mulf %broadcast_in_dim3A_37, %get3A_1797 : vector<16xf32>
      %add3A_1810 = arith.addf %mul3A_1808, %mul3A_1809 : vector<16xf32>
      %mul3A_1811 = arith.constant 2 : i32
      %mul3A_1812 = arith.muli %mul3A_1811, %scan3A_1739 : i32
      %add3A_1813 = arith.constant 1 : i32
      %add3A_1814 = arith.addi %mul3A_1812, %add3A_1813 : i32
      %swap3A_1815 = arith.index_cast %add3A_1814 : i32 to index
      %swap3A_1816 = arith.constant 16 : index
      %swap3A_1817 = tpu.vector_load %arg5[%swap3A_1815, %swap3A_1816] {strides = array<i32>} : memref<128x256xf32, #tpu.memory_space<vmem>>, vector<1x16xf32>,
      %swap3A_1818 = vector.shape_cast %swap3A_1817 : vector<1x16xf32> to vector<16xf32>
      %swap3A_1819 = vector.shape_cast %add3A_1810 : vector<16xf32> to vector<1x16xf32>
      tpu.vector_store %arg5[%swap3A_1815, %swap3A_1816], %swap3A_1819 {strides = array<i32>} : memref<128x256xf32, #tpu.memory_space<vmem>>, vector<1x16xf32>,
      %get3A_1820 = arith.index_cast %sub3A_1745 : i32 to index
      %get3A_1821 = arith.constant 32 : index
      %get3A_1822 = tpu.vector_load %arg4[%get3A_1820, %get3A_1821] {strides = array<i32>} : memref<80x256xf32, #tpu.memory_space<vmem>>, vector<1x16xf32>,
      %get3A_1823 = vector.shape_cast %get3A_1822 : vector<1x16xf32> to vector<16xf32>
      %get3A_1824 = arith.index_cast %sub3A_1747 : i32 to index
      %get3A_1825 = arith.constant 32 : index
      %get3A_1826 = tpu.vector_load %arg4[%get3A_1824, %get3A_1825] {strides = array<i32>} : memref<80x256xf32, #tpu.memory_space<vmem>>, vector<1x16xf32>,
      %get3A_1827 = vector.shape_cast %get3A_1826 : vector<1x16xf32> to vector<16xf32>
      %get3A_1828 = arith.index_cast %sub3A_1753 : i32 to index
      %get3A_1829 = arith.constant 32 : index
      %get3A_1830 = tpu.vector_load %arg4[%get3A_1828, %get3A_1829] {strides = array<i32>} : memref<80x256xf32, #tpu.memory_space<vmem>>, vector<1x16xf32>,
      %get3A_1831 = vector.shape_cast %get3A_1830 : vector<1x16xf32> to vector<16xf32>
      %mul3A_1832 = arith.mulf %broadcast_in_dim3A_37, %get3A_1823 : vector<16xf32>
      %mul3A_1833 = arith.mulf %broadcast_in_dim3A_39, %get3A_1827 : vector<16xf32>
      %add3A_1834 = arith.addf %mul3A_1832, %mul3A_1833 : vector<16xf32>
      %mul3A_1835 = arith.constant 2 : i32
      %mul3A_1836 = arith.muli %mul3A_1835, %scan3A_1739 : i32
      %swap3A_1837 = arith.index_cast %mul3A_1836 : i32 to index
      %swap3A_1838 = arith.constant 32 : index
      %swap3A_1839 = tpu.vector_load %arg5[%swap3A_1837, %swap3A_1838] {strides = array<i32>} : memref<128x256xf32, #tpu.memory_space<vmem>>, vector<1x16xf32>,
      %swap3A_1840 = vector.shape_cast %swap3A_1839 : vector<1x16xf32> to vector<16xf32>
      %swap3A_1841 = vector.shape_cast %add3A_1834 : vector<16xf32> to vector<1x16xf32>
      tpu.vector_store %arg5[%swap3A_1837, %swap3A_1838], %swap3A_1841 {strides = array<i32>} : memref<128x256xf32, #tpu.memory_space<vmem>>, vector<1x16xf32>,
      %mul3A_1842 = arith.mulf %broadcast_in_dim3A_39, %get3A_1827 : vector<16xf32>
      %mul3A_1843 = arith.mulf %broadcast_in_dim3A_37, %get3A_1831 : vector<16xf32>
      %add3A_1844 = arith.addf %mul3A_1842, %mul3A_1843 : vector<16xf32>
      %mul3A_1845 = arith.constant 2 : i32
      %mul3A_1846 = arith.muli %mul3A_1845, %scan3A_1739 : i32
      %add3A_1847 = arith.constant 1 : i32
      %add3A_1848 = arith.addi %mul3A_1846, %add3A_1847 : i32
      %swap3A_1849 = arith.index_cast %add3A_1848 : i32 to index
      %swap3A_1850 = arith.constant 32 : index
      %swap3A_1851 = tpu.vector_load %arg5[%swap3A_1849, %swap3A_1850] {strides = array<i32>} : memref<128x256xf32, #tpu.memory_space<vmem>>, vector<1x16xf32>,
      %swap3A_1852 = vector.shape_cast %swap3A_1851 : vector<1x16xf32> to vector<16xf32>
      %swap3A_1853 = vector.shape_cast %add3A_1844 : vector<16xf32> to vector<1x16xf32>
      tpu.vector_store %arg5[%swap3A_1849, %swap3A_1850], %swap3A_1853 {strides = array<i32>} : memref<128x256xf32, #tpu.memory_space<vmem>>, vector<1x16xf32>,
      %get3A_1854 = arith.index_cast %sub3A_1745 : i32 to index
      %get3A_1855 = arith.constant 48 : index
      %get3A_1856 = tpu.vector_load %arg4[%get3A_1854, %get3A_1855] {strides = array<i32>} : memref<80x256xf32, #tpu.memory_space<vmem>>, vector<1x16xf32>,
      %get3A_1857 = vector.shape_cast %get3A_1856 : vector<1x16xf32> to vector<16xf32>
      %get3A_1858 = arith.index_cast %sub3A_1747 : i32 to index
      %get3A_1859 = arith.constant 48 : index
      %get3A_1860 = tpu.vector_load %arg4[%get3A_1858, %get3A_1859] {strides = array<i32>} : memref<80x256xf32, #tpu.memory_space<vmem>>, vector<1x16xf32>,
      %get3A_1861 = vector.shape_cast %get3A_1860 : vector<1x16xf32> to vector<16xf32>
      %get3A_1862 = arith.index_cast %sub3A_1753 : i32 to index
      %get3A_1863 = arith.constant 48 : index
      %get3A_1864 = tpu.vector_load %arg4[%get3A_1862, %get3A_1863] {strides = array<i32>} : memref<80x256xf32, #tpu.memory_space<vmem>>, vector<1x16xf32>,
      %get3A_1865 = vector.shape_cast %get3A_1864 : vector<1x16xf32> to vector<16xf32>
      %mul3A_1866 = arith.mulf %broadcast_in_dim3A_37, %get3A_1857 : vector<16xf32>
      %mul3A_1867 = arith.mulf %broadcast_in_dim3A_39, %get3A_1861 : vector<16xf32>
      %add3A_1868 = arith.addf %mul3A_1866, %mul3A_1867 : vector<16xf32>
      %mul3A_1869 = arith.constant 2 : i32
      %mul3A_1870 = arith.muli %mul3A_1869, %scan3A_1739 : i32
      %swap3A_1871 = arith.index_cast %mul3A_1870 : i32 to index
      %swap3A_1872 = arith.constant 48 : index
      %swap3A_1873 = tpu.vector_load %arg5[%swap3A_1871, %swap3A_1872] {strides = array<i32>} : memref<128x256xf32, #tpu.memory_space<vmem>>, vector<1x16xf32>,
      %swap3A_1874 = vector.shape_cast %swap3A_1873 : vector<1x16xf32> to vector<16xf32>
      %swap3A_1875 = vector.shape_cast %add3A_1868 : vector<16xf32> to vector<1x16xf32>
      tpu.vector_store %arg5[%swap3A_1871, %swap3A_1872], %swap3A_1875 {strides = array<i32>} : memref<128x256xf32, #tpu.memory_space<vmem>>, vector<1x16xf32>,
      %mul3A_1876 = arith.mulf %broadcast_in_dim3A_39, %get3A_1861 : vector<16xf32>
      %mul3A_1877 = arith.mulf %broadcast_in_dim3A_37, %get3A_1865 : vector<16xf32>
      %add3A_1878 = arith.addf %mul3A_1876, %mul3A_1877 : vector<16xf32>
      %mul3A_1879 = arith.constant 2 : i32
      %mul3A_1880 = arith.muli %mul3A_1879, %scan3A_1739 : i32
      %add3A_1881 = arith.constant 1 : i32
      %add3A_1882 = arith.addi %mul3A_1880, %add3A_1881 : i32
      %swap3A_1883 = arith.index_cast %add3A_1882 : i32 to index
      %swap3A_1884 = arith.constant 48 : index
      %swap3A_1885 = tpu.vector_load %arg5[%swap3A_1883, %swap3A_1884] {strides = array<i32>} : memref<128x256xf32, #tpu.memory_space<vmem>>, vector<1x16xf32>,
      %swap3A_1886 = vector.shape_cast %swap3A_1885 : vector<1x16xf32> to vector<16xf32>
      %swap3A_1887 = vector.shape_cast %add3A_1878 : vector<16xf32> to vector<1x16xf32>
      tpu.vector_store %arg5[%swap3A_1883, %swap3A_1884], %swap3A_1887 {strides = array<i32>} : memref<128x256xf32, #tpu.memory_space<vmem>>, vector<1x16xf32>,
      %get3A_1888 = arith.index_cast %sub3A_1745 : i32 to index
      %get3A_1889 = arith.constant 64 : index
      %get3A_1890 = tpu.vector_load %arg4[%get3A_1888, %get3A_1889] {strides = array<i32>} : memref<80x256xf32, #tpu.memory_space<vmem>>, vector<1x16xf32>,
      %get3A_1891 = vector.shape_cast %get3A_1890 : vector<1x16xf32> to vector<16xf32>
      %get3A_1892 = arith.index_cast %sub3A_1747 : i32 to index
      %get3A_1893 = arith.constant 64 : index
      %get3A_1894 = tpu.vector_load %arg4[%get3A_1892, %get3A_1893] {strides = array<i32>} : memref<80x256xf32, #tpu.memory_space<vmem>>, vector<1x16xf32>,
      %get3A_1895 = vector.shape_cast %get3A_1894 : vector<1x16xf32> to vector<16xf32>
      %get3A_1896 = arith.index_cast %sub3A_1753 : i32 to index
      %get3A_1897 = arith.constant 64 : index
      %get3A_1898 = tpu.vector_load %arg4[%get3A_1896, %get3A_1897] {strides = array<i32>} : memref<80x256xf32, #tpu.memory_space<vmem>>, vector<1x16xf32>,
      %get3A_1899 = vector.shape_cast %get3A_1898 : vector<1x16xf32> to vector<16xf32>
      %mul3A_1900 = arith.mulf %broadcast_in_dim3A_37, %get3A_1891 : vector<16xf32>
      %mul3A_1901 = arith.mulf %broadcast_in_dim3A_39, %get3A_1895 : vector<16xf32>
      %add3A_1902 = arith.addf %mul3A_1900, %mul3A_1901 : vector<16xf32>
      %mul3A_1903 = arith.constant 2 : i32
      %mul3A_1904 = arith.muli %mul3A_1903, %scan3A_1739 : i32
      %swap3A_1905 = arith.index_cast %mul3A_1904 : i32 to index
      %swap3A_1906 = arith.constant 64 : index
      %swap3A_1907 = tpu.vector_load %arg5[%swap3A_1905, %swap3A_1906] {strides = array<i32>} : memref<128x256xf32, #tpu.memory_space<vmem>>, vector<1x16xf32>,
      %swap3A_1908 = vector.shape_cast %swap3A_1907 : vector<1x16xf32> to vector<16xf32>
      %swap3A_1909 = vector.shape_cast %add3A_1902 : vector<16xf32> to vector<1x16xf32>
      tpu.vector_store %arg5[%swap3A_1905, %swap3A_1906], %swap3A_1909 {strides = array<i32>} : memref<128x256xf32, #tpu.memory_space<vmem>>, vector<1x16xf32>,
      %mul3A_1910 = arith.mulf %broadcast_in_dim3A_39, %get3A_1895 : vector<16xf32>
      %mul3A_1911 = arith.mulf %broadcast_in_dim3A_37, %get3A_1899 : vector<16xf32>
      %add3A_1912 = arith.addf %mul3A_1910, %mul3A_1911 : vector<16xf32>
      %mul3A_1913 = arith.constant 2 : i32
      %mul3A_1914 = arith.muli %mul3A_1913, %scan3A_1739 : i32
      %add3A_1915 = arith.constant 1 : i32
      %add3A_1916 = arith.addi %mul3A_1914, %add3A_1915 : i32
      %swap3A_1917 = arith.index_cast %add3A_1916 : i32 to index
      %swap3A_1918 = arith.constant 64 : index
      %swap3A_1919 = tpu.vector_load %arg5[%swap3A_1917, %swap3A_1918] {strides = array<i32>} : memref<128x256xf32, #tpu.memory_space<vmem>>, vector<1x16xf32>,
      %swap3A_1920 = vector.shape_cast %swap3A_1919 : vector<1x16xf32> to vector<16xf32>
      %swap3A_1921 = vector.shape_cast %add3A_1912 : vector<16xf32> to vector<1x16xf32>
      tpu.vector_store %arg5[%swap3A_1917, %swap3A_1918], %swap3A_1921 {strides = array<i32>} : memref<128x256xf32, #tpu.memory_space<vmem>>, vector<1x16xf32>,
      %get3A_1922 = arith.index_cast %sub3A_1745 : i32 to index
      %get3A_1923 = arith.constant 80 : index
      %get3A_1924 = tpu.vector_load %arg4[%get3A_1922, %get3A_1923] {strides = array<i32>} : memref<80x256xf32, #tpu.memory_space<vmem>>, vector<1x16xf32>,
      %get3A_1925 = vector.shape_cast %get3A_1924 : vector<1x16xf32> to vector<16xf32>
      %get3A_1926 = arith.index_cast %sub3A_1747 : i32 to index
      %get3A_1927 = arith.constant 80 : index
      %get3A_1928 = tpu.vector_load %arg4[%get3A_1926, %get3A_1927] {strides = array<i32>} : memref<80x256xf32, #tpu.memory_space<vmem>>, vector<1x16xf32>,
      %get3A_1929 = vector.shape_cast %get3A_1928 : vector<1x16xf32> to vector<16xf32>
      %get3A_1930 = arith.index_cast %sub3A_1753 : i32 to index
      %get3A_1931 = arith.constant 80 : index
      %get3A_1932 = tpu.vector_load %arg4[%get3A_1930, %get3A_1931] {strides = array<i32>} : memref<80x256xf32, #tpu.memory_space<vmem>>, vector<1x16xf32>,
      %get3A_1933 = vector.shape_cast %get3A_1932 : vector<1x16xf32> to vector<16xf32>
      %mul3A_1934 = arith.mulf %broadcast_in_dim3A_37, %get3A_1925 : vector<16xf32>
      %mul3A_1935 = arith.mulf %broadcast_in_dim3A_39, %get3A_1929 : vector<16xf32>
      %add3A_1936 = arith.addf %mul3A_1934, %mul3A_1935 : vector<16xf32>
      %mul3A_1937 = arith.constant 2 : i32
      %mul3A_1938 = arith.muli %mul3A_1937, %scan3A_1739 : i32
      %swap3A_1939 = arith.index_cast %mul3A_1938 : i32 to index
      %swap3A_1940 = arith.constant 80 : index
      %swap3A_1941 = tpu.vector_load %arg5[%swap3A_1939, %swap3A_1940] {strides = array<i32>} : memref<128x256xf32, #tpu.memory_space<vmem>>, vector<1x16xf32>,
      %swap3A_1942 = vector.shape_cast %swap3A_1941 : vector<1x16xf32> to vector<16xf32>
      %swap3A_1943 = vector.shape_cast %add3A_1936 : vector<16xf32> to vector<1x16xf32>
      tpu.vector_store %arg5[%swap3A_1939, %swap3A_1940], %swap3A_1943 {strides = array<i32>} : memref<128x256xf32, #tpu.memory_space<vmem>>, vector<1x16xf32>,
      %mul3A_1944 = arith.mulf %broadcast_in_dim3A_39, %get3A_1929 : vector<16xf32>
      %mul3A_1945 = arith.mulf %broadcast_in_dim3A_37, %get3A_1933 : vector<16xf32>
      %add3A_1946 = arith.addf %mul3A_1944, %mul3A_1945 : vector<16xf32>
      %mul3A_1947 = arith.constant 2 : i32
      %mul3A_1948 = arith.muli %mul3A_1947, %scan3A_1739 : i32
      %add3A_1949 = arith.constant 1 : i32
      %add3A_1950 = arith.addi %mul3A_1948, %add3A_1949 : i32
      %swap3A_1951 = arith.index_cast %add3A_1950 : i32 to index
      %swap3A_1952 = arith.constant 80 : index
      %swap3A_1953 = tpu.vector_load %arg5[%swap3A_1951, %swap3A_1952] {strides = array<i32>} : memref<128x256xf32, #tpu.memory_space<vmem>>, vector<1x16xf32>,
      %swap3A_1954 = vector.shape_cast %swap3A_1953 : vector<1x16xf32> to vector<16xf32>
      %swap3A_1955 = vector.shape_cast %add3A_1946 : vector<16xf32> to vector<1x16xf32>
      tpu.vector_store %arg5[%swap3A_1951, %swap3A_1952], %swap3A_1955 {strides = array<i32>} : memref<128x256xf32, #tpu.memory_space<vmem>>, vector<1x16xf32>,
      %get3A_1956 = arith.index_cast %sub3A_1745 : i32 to index
      %get3A_1957 = arith.constant 96 : index
      %get3A_1958 = tpu.vector_load %arg4[%get3A_1956, %get3A_1957] {strides = array<i32>} : memref<80x256xf32, #tpu.memory_space<vmem>>, vector<1x16xf32>,
      %get3A_1959 = vector.shape_cast %get3A_1958 : vector<1x16xf32> to vector<16xf32>
      %get3A_1960 = arith.index_cast %sub3A_1747 : i32 to index
      %get3A_1961 = arith.constant 96 : index
      %get3A_1962 = tpu.vector_load %arg4[%get3A_1960, %get3A_1961] {strides = array<i32>} : memref<80x256xf32, #tpu.memory_space<vmem>>, vector<1x16xf32>,
      %get3A_1963 = vector.shape_cast %get3A_1962 : vector<1x16xf32> to vector<16xf32>
      %get3A_1964 = arith.index_cast %sub3A_1753 : i32 to index
      %get3A_1965 = arith.constant 96 : index
      %get3A_1966 = tpu.vector_load %arg4[%get3A_1964, %get3A_1965] {strides = array<i32>} : memref<80x256xf32, #tpu.memory_space<vmem>>, vector<1x16xf32>,
      %get3A_1967 = vector.shape_cast %get3A_1966 : vector<1x16xf32> to vector<16xf32>
      %mul3A_1968 = arith.mulf %broadcast_in_dim3A_37, %get3A_1959 : vector<16xf32>
      %mul3A_1969 = arith.mulf %broadcast_in_dim3A_39, %get3A_1963 : vector<16xf32>
      %add3A_1970 = arith.addf %mul3A_1968, %mul3A_1969 : vector<16xf32>
      %mul3A_1971 = arith.constant 2 : i32
      %mul3A_1972 = arith.muli %mul3A_1971, %scan3A_1739 : i32
      %swap3A_1973 = arith.index_cast %mul3A_1972 : i32 to index
      %swap3A_1974 = arith.constant 96 : index
      %swap3A_1975 = tpu.vector_load %arg5[%swap3A_1973, %swap3A_1974] {strides = array<i32>} : memref<128x256xf32, #tpu.memory_space<vmem>>, vector<1x16xf32>,
      %swap3A_1976 = vector.shape_cast %swap3A_1975 : vector<1x16xf32> to vector<16xf32>
      %swap3A_1977 = vector.shape_cast %add3A_1970 : vector<16xf32> to vector<1x16xf32>
      tpu.vector_store %arg5[%swap3A_1973, %swap3A_1974], %swap3A_1977 {strides = array<i32>} : memref<128x256xf32, #tpu.memory_space<vmem>>, vector<1x16xf32>,
      %mul3A_1978 = arith.mulf %broadcast_in_dim3A_39, %get3A_1963 : vector<16xf32>
      %mul3A_1979 = arith.mulf %broadcast_in_dim3A_37, %get3A_1967 : vector<16xf32>
      %add3A_1980 = arith.addf %mul3A_1978, %mul3A_1979 : vector<16xf32>
      %mul3A_1981 = arith.constant 2 : i32
      %mul3A_1982 = arith.muli %mul3A_1981, %scan3A_1739 : i32
      %add3A_1983 = arith.constant 1 : i32
      %add3A_1984 = arith.addi %mul3A_1982, %add3A_1983 : i32
      %swap3A_1985 = arith.index_cast %add3A_1984 : i32 to index
      %swap3A_1986 = arith.constant 96 : index
      %swap3A_1987 = tpu.vector_load %arg5[%swap3A_1985, %swap3A_1986] {strides = array<i32>} : memref<128x256xf32, #tpu.memory_space<vmem>>, vector<1x16xf32>,
      %swap3A_1988 = vector.shape_cast %swap3A_1987 : vector<1x16xf32> to vector<16xf32>
      %swap3A_1989 = vector.shape_cast %add3A_1980 : vector<16xf32> to vector<1x16xf32>
      tpu.vector_store %arg5[%swap3A_1985, %swap3A_1986], %swap3A_1989 {strides = array<i32>} : memref<128x256xf32, #tpu.memory_space<vmem>>, vector<1x16xf32>,
      %get3A_1990 = arith.index_cast %sub3A_1745 : i32 to index
      %get3A_1991 = arith.constant 112 : index
      %get3A_1992 = tpu.vector_load %arg4[%get3A_1990, %get3A_1991] {strides = array<i32>} : memref<80x256xf32, #tpu.memory_space<vmem>>, vector<1x16xf32>,
      %get3A_1993 = vector.shape_cast %get3A_1992 : vector<1x16xf32> to vector<16xf32>
      %get3A_1994 = arith.index_cast %sub3A_1747 : i32 to index
      %get3A_1995 = arith.constant 112 : index
      %get3A_1996 = tpu.vector_load %arg4[%get3A_1994, %get3A_1995] {strides = array<i32>} : memref<80x256xf32, #tpu.memory_space<vmem>>, vector<1x16xf32>,
      %get3A_1997 = vector.shape_cast %get3A_1996 : vector<1x16xf32> to vector<16xf32>
      %get3A_1998 = arith.index_cast %sub3A_1753 : i32 to index
      %get3A_1999 = arith.constant 112 : index
      %get3A_2000 = tpu.vector_load %arg4[%get3A_1998, %get3A_1999] {strides = array<i32>} : memref<80x256xf32, #tpu.memory_space<vmem>>, vector<1x16xf32>,
      %get3A_2001 = vector.shape_cast %get3A_2000 : vector<1x16xf32> to vector<16xf32>
      %mul3A_2002 = arith.mulf %broadcast_in_dim3A_37, %get3A_1993 : vector<16xf32>
      %mul3A_2003 = arith.mulf %broadcast_in_dim3A_39, %get3A_1997 : vector<16xf32>
      %add3A_2004 = arith.addf %mul3A_2002, %mul3A_2003 : vector<16xf32>
      %mul3A_2005 = arith.constant 2 : i32
      %mul3A_2006 = arith.muli %mul3A_2005, %scan3A_1739 : i32
      %swap3A_2007 = arith.index_cast %mul3A_2006 : i32 to index
      %swap3A_2008 = arith.constant 112 : index
      %swap3A_2009 = tpu.vector_load %arg5[%swap3A_2007, %swap3A_2008] {strides = array<i32>} : memref<128x256xf32, #tpu.memory_space<vmem>>, vector<1x16xf32>,
      %swap3A_2010 = vector.shape_cast %swap3A_2009 : vector<1x16xf32> to vector<16xf32>
      %swap3A_2011 = vector.shape_cast %add3A_2004 : vector<16xf32> to vector<1x16xf32>
      tpu.vector_store %arg5[%swap3A_2007, %swap3A_2008], %swap3A_2011 {strides = array<i32>} : memref<128x256xf32, #tpu.memory_space<vmem>>, vector<1x16xf32>,
      %mul3A_2012 = arith.mulf %broadcast_in_dim3A_39, %get3A_1997 : vector<16xf32>
      %mul3A_2013 = arith.mulf %broadcast_in_dim3A_37, %get3A_2001 : vector<16xf32>
      %add3A_2014 = arith.addf %mul3A_2012, %mul3A_2013 : vector<16xf32>
      %mul3A_2015 = arith.constant 2 : i32
      %mul3A_2016 = arith.muli %mul3A_2015, %scan3A_1739 : i32
      %add3A_2017 = arith.constant 1 : i32
      %add3A_2018 = arith.addi %mul3A_2016, %add3A_2017 : i32
      %swap3A_2019 = arith.index_cast %add3A_2018 : i32 to index
      %swap3A_2020 = arith.constant 112 : index
      %swap3A_2021 = tpu.vector_load %arg5[%swap3A_2019, %swap3A_2020] {strides = array<i32>} : memref<128x256xf32, #tpu.memory_space<vmem>>, vector<1x16xf32>,
      %swap3A_2022 = vector.shape_cast %swap3A_2021 : vector<1x16xf32> to vector<16xf32>
      %swap3A_2023 = vector.shape_cast %add3A_2014 : vector<16xf32> to vector<1x16xf32>
      tpu.vector_store %arg5[%swap3A_2019, %swap3A_2020], %swap3A_2023 {strides = array<i32>} : memref<128x256xf32, #tpu.memory_space<vmem>>, vector<1x16xf32>,
      %get3A_2024 = arith.index_cast %sub3A_1745 : i32 to index
      %get3A_2025 = arith.constant 128 : index
      %get3A_2026 = tpu.vector_load %arg4[%get3A_2024, %get3A_2025] {strides = array<i32>} : memref<80x256xf32, #tpu.memory_space<vmem>>, vector<1x16xf32>,
      %get3A_2027 = vector.shape_cast %get3A_2026 : vector<1x16xf32> to vector<16xf32>
      %get3A_2028 = arith.index_cast %sub3A_1747 : i32 to index
      %get3A_2029 = arith.constant 128 : index
      %get3A_2030 = tpu.vector_load %arg4[%get3A_2028, %get3A_2029] {strides = array<i32>} : memref<80x256xf32, #tpu.memory_space<vmem>>, vector<1x16xf32>,
      %get3A_2031 = vector.shape_cast %get3A_2030 : vector<1x16xf32> to vector<16xf32>
      %get3A_2032 = arith.index_cast %sub3A_1753 : i32 to index
      %get3A_2033 = arith.constant 128 : index
      %get3A_2034 = tpu.vector_load %arg4[%get3A_2032, %get3A_2033] {strides = array<i32>} : memref<80x256xf32, #tpu.memory_space<vmem>>, vector<1x16xf32>,
      %get3A_2035 = vector.shape_cast %get3A_2034 : vector<1x16xf32> to vector<16xf32>
      %mul3A_2036 = arith.mulf %broadcast_in_dim3A_37, %get3A_2027 : vector<16xf32>
      %mul3A_2037 = arith.mulf %broadcast_in_dim3A_39, %get3A_2031 : vector<16xf32>
      %add3A_2038 = arith.addf %mul3A_2036, %mul3A_2037 : vector<16xf32>
      %mul3A_2039 = arith.constant 2 : i32
      %mul3A_2040 = arith.muli %mul3A_2039, %scan3A_1739 : i32
      %swap3A_2041 = arith.index_cast %mul3A_2040 : i32 to index
      %swap3A_2042 = arith.constant 128 : index
      %swap3A_2043 = tpu.vector_load %arg5[%swap3A_2041, %swap3A_2042] {strides = array<i32>} : memref<128x256xf32, #tpu.memory_space<vmem>>, vector<1x16xf32>,
      %swap3A_2044 = vector.shape_cast %swap3A_2043 : vector<1x16xf32> to vector<16xf32>
      %swap3A_2045 = vector.shape_cast %add3A_2038 : vector<16xf32> to vector<1x16xf32>
      tpu.vector_store %arg5[%swap3A_2041, %swap3A_2042], %swap3A_2045 {strides = array<i32>} : memref<128x256xf32, #tpu.memory_space<vmem>>, vector<1x16xf32>,
      %mul3A_2046 = arith.mulf %broadcast_in_dim3A_39, %get3A_2031 : vector<16xf32>
      %mul3A_2047 = arith.mulf %broadcast_in_dim3A_37, %get3A_2035 : vector<16xf32>
      %add3A_2048 = arith.addf %mul3A_2046, %mul3A_2047 : vector<16xf32>
      %mul3A_2049 = arith.constant 2 : i32
      %mul3A_2050 = arith.muli %mul3A_2049, %scan3A_1739 : i32
      %add3A_2051 = arith.constant 1 : i32
      %add3A_2052 = arith.addi %mul3A_2050, %add3A_2051 : i32
      %swap3A_2053 = arith.index_cast %add3A_2052 : i32 to index
      %swap3A_2054 = arith.constant 128 : index
      %swap3A_2055 = tpu.vector_load %arg5[%swap3A_2053, %swap3A_2054] {strides = array<i32>} : memref<128x256xf32, #tpu.memory_space<vmem>>, vector<1x16xf32>,
      %swap3A_2056 = vector.shape_cast %swap3A_2055 : vector<1x16xf32> to vector<16xf32>
      %swap3A_2057 = vector.shape_cast %add3A_2048 : vector<16xf32> to vector<1x16xf32>
      tpu.vector_store %arg5[%swap3A_2053, %swap3A_2054], %swap3A_2057 {strides = array<i32>} : memref<128x256xf32, #tpu.memory_space<vmem>>, vector<1x16xf32>,
      %get3A_2058 = arith.index_cast %sub3A_1745 : i32 to index
      %get3A_2059 = arith.constant 144 : index
      %get3A_2060 = tpu.vector_load %arg4[%get3A_2058, %get3A_2059] {strides = array<i32>} : memref<80x256xf32, #tpu.memory_space<vmem>>, vector<1x16xf32>,
      %get3A_2061 = vector.shape_cast %get3A_2060 : vector<1x16xf32> to vector<16xf32>
      %get3A_2062 = arith.index_cast %sub3A_1747 : i32 to index
      %get3A_2063 = arith.constant 144 : index
      %get3A_2064 = tpu.vector_load %arg4[%get3A_2062, %get3A_2063] {strides = array<i32>} : memref<80x256xf32, #tpu.memory_space<vmem>>, vector<1x16xf32>,
      %get3A_2065 = vector.shape_cast %get3A_2064 : vector<1x16xf32> to vector<16xf32>
      %get3A_2066 = arith.index_cast %sub3A_1753 : i32 to index
      %get3A_2067 = arith.constant 144 : index
      %get3A_2068 = tpu.vector_load %arg4[%get3A_2066, %get3A_2067] {strides = array<i32>} : memref<80x256xf32, #tpu.memory_space<vmem>>, vector<1x16xf32>,
      %get3A_2069 = vector.shape_cast %get3A_2068 : vector<1x16xf32> to vector<16xf32>
      %mul3A_2070 = arith.mulf %broadcast_in_dim3A_37, %get3A_2061 : vector<16xf32>
      %mul3A_2071 = arith.mulf %broadcast_in_dim3A_39, %get3A_2065 : vector<16xf32>
      %add3A_2072 = arith.addf %mul3A_2070, %mul3A_2071 : vector<16xf32>
      %mul3A_2073 = arith.constant 2 : i32
      %mul3A_2074 = arith.muli %mul3A_2073, %scan3A_1739 : i32
      %swap3A_2075 = arith.index_cast %mul3A_2074 : i32 to index
      %swap3A_2076 = arith.constant 144 : index
      %swap3A_2077 = tpu.vector_load %arg5[%swap3A_2075, %swap3A_2076] {strides = array<i32>} : memref<128x256xf32, #tpu.memory_space<vmem>>, vector<1x16xf32>,
      %swap3A_2078 = vector.shape_cast %swap3A_2077 : vector<1x16xf32> to vector<16xf32>
      %swap3A_2079 = vector.shape_cast %add3A_2072 : vector<16xf32> to vector<1x16xf32>
      tpu.vector_store %arg5[%swap3A_2075, %swap3A_2076], %swap3A_2079 {strides = array<i32>} : memref<128x256xf32, #tpu.memory_space<vmem>>, vector<1x16xf32>,
      %mul3A_2080 = arith.mulf %broadcast_in_dim3A_39, %get3A_2065 : vector<16xf32>
      %mul3A_2081 = arith.mulf %broadcast_in_dim3A_37, %get3A_2069 : vector<16xf32>
      %add3A_2082 = arith.addf %mul3A_2080, %mul3A_2081 : vector<16xf32>
      %mul3A_2083 = arith.constant 2 : i32
      %mul3A_2084 = arith.muli %mul3A_2083, %scan3A_1739 : i32
      %add3A_2085 = arith.constant 1 : i32
      %add3A_2086 = arith.addi %mul3A_2084, %add3A_2085 : i32
      %swap3A_2087 = arith.index_cast %add3A_2086 : i32 to index
      %swap3A_2088 = arith.constant 144 : index
      %swap3A_2089 = tpu.vector_load %arg5[%swap3A_2087, %swap3A_2088] {strides = array<i32>} : memref<128x256xf32, #tpu.memory_space<vmem>>, vector<1x16xf32>,
      %swap3A_2090 = vector.shape_cast %swap3A_2089 : vector<1x16xf32> to vector<16xf32>
      %swap3A_2091 = vector.shape_cast %add3A_2082 : vector<16xf32> to vector<1x16xf32>
      tpu.vector_store %arg5[%swap3A_2087, %swap3A_2088], %swap3A_2091 {strides = array<i32>} : memref<128x256xf32, #tpu.memory_space<vmem>>, vector<1x16xf32>,
      %get3A_2092 = arith.index_cast %sub3A_1745 : i32 to index
      %get3A_2093 = arith.constant 160 : index
      %get3A_2094 = tpu.vector_load %arg4[%get3A_2092, %get3A_2093] {strides = array<i32>} : memref<80x256xf32, #tpu.memory_space<vmem>>, vector<1x16xf32>,
      %get3A_2095 = vector.shape_cast %get3A_2094 : vector<1x16xf32> to vector<16xf32>
      %get3A_2096 = arith.index_cast %sub3A_1747 : i32 to index
      %get3A_2097 = arith.constant 160 : index
      %get3A_2098 = tpu.vector_load %arg4[%get3A_2096, %get3A_2097] {strides = array<i32>} : memref<80x256xf32, #tpu.memory_space<vmem>>, vector<1x16xf32>,
      %get3A_2099 = vector.shape_cast %get3A_2098 : vector<1x16xf32> to vector<16xf32>
      %get3A_2100 = arith.index_cast %sub3A_1753 : i32 to index
      %get3A_2101 = arith.constant 160 : index
      %get3A_2102 = tpu.vector_load %arg4[%get3A_2100, %get3A_2101] {strides = array<i32>} : memref<80x256xf32, #tpu.memory_space<vmem>>, vector<1x16xf32>,
      %get3A_2103 = vector.shape_cast %get3A_2102 : vector<1x16xf32> to vector<16xf32>
      %mul3A_2104 = arith.mulf %broadcast_in_dim3A_37, %get3A_2095 : vector<16xf32>
      %mul3A_2105 = arith.mulf %broadcast_in_dim3A_39, %get3A_2099 : vector<16xf32>
      %add3A_2106 = arith.addf %mul3A_2104, %mul3A_2105 : vector<16xf32>
      %mul3A_2107 = arith.constant 2 : i32
      %mul3A_2108 = arith.muli %mul3A_2107, %scan3A_1739 : i32
      %swap3A_2109 = arith.index_cast %mul3A_2108 : i32 to index
      %swap3A_2110 = arith.constant 160 : index
      %swap3A_2111 = tpu.vector_load %arg5[%swap3A_2109, %swap3A_2110] {strides = array<i32>} : memref<128x256xf32, #tpu.memory_space<vmem>>, vector<1x16xf32>,
      %swap3A_2112 = vector.shape_cast %swap3A_2111 : vector<1x16xf32> to vector<16xf32>
      %swap3A_2113 = vector.shape_cast %add3A_2106 : vector<16xf32> to vector<1x16xf32>
      tpu.vector_store %arg5[%swap3A_2109, %swap3A_2110], %swap3A_2113 {strides = array<i32>} : memref<128x256xf32, #tpu.memory_space<vmem>>, vector<1x16xf32>,
      %mul3A_2114 = arith.mulf %broadcast_in_dim3A_39, %get3A_2099 : vector<16xf32>
      %mul3A_2115 = arith.mulf %broadcast_in_dim3A_37, %get3A_2103 : vector<16xf32>
      %add3A_2116 = arith.addf %mul3A_2114, %mul3A_2115 : vector<16xf32>
      %mul3A_2117 = arith.constant 2 : i32
      %mul3A_2118 = arith.muli %mul3A_2117, %scan3A_1739 : i32
      %add3A_2119 = arith.constant 1 : i32
      %add3A_2120 = arith.addi %mul3A_2118, %add3A_2119 : i32
      %swap3A_2121 = arith.index_cast %add3A_2120 : i32 to index
      %swap3A_2122 = arith.constant 160 : index
      %swap3A_2123 = tpu.vector_load %arg5[%swap3A_2121, %swap3A_2122] {strides = array<i32>} : memref<128x256xf32, #tpu.memory_space<vmem>>, vector<1x16xf32>,
      %swap3A_2124 = vector.shape_cast %swap3A_2123 : vector<1x16xf32> to vector<16xf32>
      %swap3A_2125 = vector.shape_cast %add3A_2116 : vector<16xf32> to vector<1x16xf32>
      tpu.vector_store %arg5[%swap3A_2121, %swap3A_2122], %swap3A_2125 {strides = array<i32>} : memref<128x256xf32, #tpu.memory_space<vmem>>, vector<1x16xf32>,
      %get3A_2126 = arith.index_cast %sub3A_1745 : i32 to index
      %get3A_2127 = arith.constant 176 : index
      %get3A_2128 = tpu.vector_load %arg4[%get3A_2126, %get3A_2127] {strides = array<i32>} : memref<80x256xf32, #tpu.memory_space<vmem>>, vector<1x16xf32>,
      %get3A_2129 = vector.shape_cast %get3A_2128 : vector<1x16xf32> to vector<16xf32>
      %get3A_2130 = arith.index_cast %sub3A_1747 : i32 to index
      %get3A_2131 = arith.constant 176 : index
      %get3A_2132 = tpu.vector_load %arg4[%get3A_2130, %get3A_2131] {strides = array<i32>} : memref<80x256xf32, #tpu.memory_space<vmem>>, vector<1x16xf32>,
      %get3A_2133 = vector.shape_cast %get3A_2132 : vector<1x16xf32> to vector<16xf32>
      %get3A_2134 = arith.index_cast %sub3A_1753 : i32 to index
      %get3A_2135 = arith.constant 176 : index
      %get3A_2136 = tpu.vector_load %arg4[%get3A_2134, %get3A_2135] {strides = array<i32>} : memref<80x256xf32, #tpu.memory_space<vmem>>, vector<1x16xf32>,
      %get3A_2137 = vector.shape_cast %get3A_2136 : vector<1x16xf32> to vector<16xf32>
      %mul3A_2138 = arith.mulf %broadcast_in_dim3A_37, %get3A_2129 : vector<16xf32>
      %mul3A_2139 = arith.mulf %broadcast_in_dim3A_39, %get3A_2133 : vector<16xf32>
      %add3A_2140 = arith.addf %mul3A_2138, %mul3A_2139 : vector<16xf32>
      %mul3A_2141 = arith.constant 2 : i32
      %mul3A_2142 = arith.muli %mul3A_2141, %scan3A_1739 : i32
      %swap3A_2143 = arith.index_cast %mul3A_2142 : i32 to index
      %swap3A_2144 = arith.constant 176 : index
      %swap3A_2145 = tpu.vector_load %arg5[%swap3A_2143, %swap3A_2144] {strides = array<i32>} : memref<128x256xf32, #tpu.memory_space<vmem>>, vector<1x16xf32>,
      %swap3A_2146 = vector.shape_cast %swap3A_2145 : vector<1x16xf32> to vector<16xf32>
      %swap3A_2147 = vector.shape_cast %add3A_2140 : vector<16xf32> to vector<1x16xf32>
      tpu.vector_store %arg5[%swap3A_2143, %swap3A_2144], %swap3A_2147 {strides = array<i32>} : memref<128x256xf32, #tpu.memory_space<vmem>>, vector<1x16xf32>,
      %mul3A_2148 = arith.mulf %broadcast_in_dim3A_39, %get3A_2133 : vector<16xf32>
      %mul3A_2149 = arith.mulf %broadcast_in_dim3A_37, %get3A_2137 : vector<16xf32>
      %add3A_2150 = arith.addf %mul3A_2148, %mul3A_2149 : vector<16xf32>
      %mul3A_2151 = arith.constant 2 : i32
      %mul3A_2152 = arith.muli %mul3A_2151, %scan3A_1739 : i32
      %add3A_2153 = arith.constant 1 : i32
      %add3A_2154 = arith.addi %mul3A_2152, %add3A_2153 : i32
      %swap3A_2155 = arith.index_cast %add3A_2154 : i32 to index
      %swap3A_2156 = arith.constant 176 : index
      %swap3A_2157 = tpu.vector_load %arg5[%swap3A_2155, %swap3A_2156] {strides = array<i32>} : memref<128x256xf32, #tpu.memory_space<vmem>>, vector<1x16xf32>,
      %swap3A_2158 = vector.shape_cast %swap3A_2157 : vector<1x16xf32> to vector<16xf32>
      %swap3A_2159 = vector.shape_cast %add3A_2150 : vector<16xf32> to vector<1x16xf32>
      tpu.vector_store %arg5[%swap3A_2155, %swap3A_2156], %swap3A_2159 {strides = array<i32>} : memref<128x256xf32, #tpu.memory_space<vmem>>, vector<1x16xf32>,
      %get3A_2160 = arith.index_cast %sub3A_1745 : i32 to index
      %get3A_2161 = arith.constant 192 : index
      %get3A_2162 = tpu.vector_load %arg4[%get3A_2160, %get3A_2161] {strides = array<i32>} : memref<80x256xf32, #tpu.memory_space<vmem>>, vector<1x16xf32>,
      %get3A_2163 = vector.shape_cast %get3A_2162 : vector<1x16xf32> to vector<16xf32>
      %get3A_2164 = arith.index_cast %sub3A_1747 : i32 to index
      %get3A_2165 = arith.constant 192 : index
      %get3A_2166 = tpu.vector_load %arg4[%get3A_2164, %get3A_2165] {strides = array<i32>} : memref<80x256xf32, #tpu.memory_space<vmem>>, vector<1x16xf32>,
      %get3A_2167 = vector.shape_cast %get3A_2166 : vector<1x16xf32> to vector<16xf32>
      %get3A_2168 = arith.index_cast %sub3A_1753 : i32 to index
      %get3A_2169 = arith.constant 192 : index
      %get3A_2170 = tpu.vector_load %arg4[%get3A_2168, %get3A_2169] {strides = array<i32>} : memref<80x256xf32, #tpu.memory_space<vmem>>, vector<1x16xf32>,
      %get3A_2171 = vector.shape_cast %get3A_2170 : vector<1x16xf32> to vector<16xf32>
      %mul3A_2172 = arith.mulf %broadcast_in_dim3A_37, %get3A_2163 : vector<16xf32>
      %mul3A_2173 = arith.mulf %broadcast_in_dim3A_39, %get3A_2167 : vector<16xf32>
      %add3A_2174 = arith.addf %mul3A_2172, %mul3A_2173 : vector<16xf32>
      %mul3A_2175 = arith.constant 2 : i32
      %mul3A_2176 = arith.muli %mul3A_2175, %scan3A_1739 : i32
      %swap3A_2177 = arith.index_cast %mul3A_2176 : i32 to index
      %swap3A_2178 = arith.constant 192 : index
      %swap3A_2179 = tpu.vector_load %arg5[%swap3A_2177, %swap3A_2178] {strides = array<i32>} : memref<128x256xf32, #tpu.memory_space<vmem>>, vector<1x16xf32>,
      %swap3A_2180 = vector.shape_cast %swap3A_2179 : vector<1x16xf32> to vector<16xf32>
      %swap3A_2181 = vector.shape_cast %add3A_2174 : vector<16xf32> to vector<1x16xf32>
      tpu.vector_store %arg5[%swap3A_2177, %swap3A_2178], %swap3A_2181 {strides = array<i32>} : memref<128x256xf32, #tpu.memory_space<vmem>>, vector<1x16xf32>,
      %mul3A_2182 = arith.mulf %broadcast_in_dim3A_39, %get3A_2167 : vector<16xf32>
      %mul3A_2183 = arith.mulf %broadcast_in_dim3A_37, %get3A_2171 : vector<16xf32>
      %add3A_2184 = arith.addf %mul3A_2182, %mul3A_2183 : vector<16xf32>
      %mul3A_2185 = arith.constant 2 : i32
      %mul3A_2186 = arith.muli %mul3A_2185, %scan3A_1739 : i32
      %add3A_2187 = arith.constant 1 : i32
      %add3A_2188 = arith.addi %mul3A_2186, %add3A_2187 : i32
      %swap3A_2189 = arith.index_cast %add3A_2188 : i32 to index
      %swap3A_2190 = arith.constant 192 : index
      %swap3A_2191 = tpu.vector_load %arg5[%swap3A_2189, %swap3A_2190] {strides = array<i32>} : memref<128x256xf32, #tpu.memory_space<vmem>>, vector<1x16xf32>,
      %swap3A_2192 = vector.shape_cast %swap3A_2191 : vector<1x16xf32> to vector<16xf32>
      %swap3A_2193 = vector.shape_cast %add3A_2184 : vector<16xf32> to vector<1x16xf32>
      tpu.vector_store %arg5[%swap3A_2189, %swap3A_2190], %swap3A_2193 {strides = array<i32>} : memref<128x256xf32, #tpu.memory_space<vmem>>, vector<1x16xf32>,
      %get3A_2194 = arith.index_cast %sub3A_1745 : i32 to index
      %get3A_2195 = arith.constant 208 : index
      %get3A_2196 = tpu.vector_load %arg4[%get3A_2194, %get3A_2195] {strides = array<i32>} : memref<80x256xf32, #tpu.memory_space<vmem>>, vector<1x16xf32>,
      %get3A_2197 = vector.shape_cast %get3A_2196 : vector<1x16xf32> to vector<16xf32>
      %get3A_2198 = arith.index_cast %sub3A_1747 : i32 to index
      %get3A_2199 = arith.constant 208 : index
      %get3A_2200 = tpu.vector_load %arg4[%get3A_2198, %get3A_2199] {strides = array<i32>} : memref<80x256xf32, #tpu.memory_space<vmem>>, vector<1x16xf32>,
      %get3A_2201 = vector.shape_cast %get3A_2200 : vector<1x16xf32> to vector<16xf32>
      %get3A_2202 = arith.index_cast %sub3A_1753 : i32 to index
      %get3A_2203 = arith.constant 208 : index
      %get3A_2204 = tpu.vector_load %arg4[%get3A_2202, %get3A_2203] {strides = array<i32>} : memref<80x256xf32, #tpu.memory_space<vmem>>, vector<1x16xf32>,
      %get3A_2205 = vector.shape_cast %get3A_2204 : vector<1x16xf32> to vector<16xf32>
      %mul3A_2206 = arith.mulf %broadcast_in_dim3A_37, %get3A_2197 : vector<16xf32>
      %mul3A_2207 = arith.mulf %broadcast_in_dim3A_39, %get3A_2201 : vector<16xf32>
      %add3A_2208 = arith.addf %mul3A_2206, %mul3A_2207 : vector<16xf32>
      %mul3A_2209 = arith.constant 2 : i32
      %mul3A_2210 = arith.muli %mul3A_2209, %scan3A_1739 : i32
      %swap3A_2211 = arith.index_cast %mul3A_2210 : i32 to index
      %swap3A_2212 = arith.constant 208 : index
      %swap3A_2213 = tpu.vector_load %arg5[%swap3A_2211, %swap3A_2212] {strides = array<i32>} : memref<128x256xf32, #tpu.memory_space<vmem>>, vector<1x16xf32>,
      %swap3A_2214 = vector.shape_cast %swap3A_2213 : vector<1x16xf32> to vector<16xf32>
      %swap3A_2215 = vector.shape_cast %add3A_2208 : vector<16xf32> to vector<1x16xf32>
      tpu.vector_store %arg5[%swap3A_2211, %swap3A_2212], %swap3A_2215 {strides = array<i32>} : memref<128x256xf32, #tpu.memory_space<vmem>>, vector<1x16xf32>,
      %mul3A_2216 = arith.mulf %broadcast_in_dim3A_39, %get3A_2201 : vector<16xf32>
      %mul3A_2217 = arith.mulf %broadcast_in_dim3A_37, %get3A_2205 : vector<16xf32>
      %add3A_2218 = arith.addf %mul3A_2216, %mul3A_2217 : vector<16xf32>
      %mul3A_2219 = arith.constant 2 : i32
      %mul3A_2220 = arith.muli %mul3A_2219, %scan3A_1739 : i32
      %add3A_2221 = arith.constant 1 : i32
      %add3A_2222 = arith.addi %mul3A_2220, %add3A_2221 : i32
      %swap3A_2223 = arith.index_cast %add3A_2222 : i32 to index
      %swap3A_2224 = arith.constant 208 : index
      %swap3A_2225 = tpu.vector_load %arg5[%swap3A_2223, %swap3A_2224] {strides = array<i32>} : memref<128x256xf32, #tpu.memory_space<vmem>>, vector<1x16xf32>,
      %swap3A_2226 = vector.shape_cast %swap3A_2225 : vector<1x16xf32> to vector<16xf32>
      %swap3A_2227 = vector.shape_cast %add3A_2218 : vector<16xf32> to vector<1x16xf32>
      tpu.vector_store %arg5[%swap3A_2223, %swap3A_2224], %swap3A_2227 {strides = array<i32>} : memref<128x256xf32, #tpu.memory_space<vmem>>, vector<1x16xf32>,
      %get3A_2228 = arith.index_cast %sub3A_1745 : i32 to index
      %get3A_2229 = arith.constant 224 : index
      %get3A_2230 = tpu.vector_load %arg4[%get3A_2228, %get3A_2229] {strides = array<i32>} : memref<80x256xf32, #tpu.memory_space<vmem>>, vector<1x16xf32>,
      %get3A_2231 = vector.shape_cast %get3A_2230 : vector<1x16xf32> to vector<16xf32>
      %get3A_2232 = arith.index_cast %sub3A_1747 : i32 to index
      %get3A_2233 = arith.constant 224 : index
      %get3A_2234 = tpu.vector_load %arg4[%get3A_2232, %get3A_2233] {strides = array<i32>} : memref<80x256xf32, #tpu.memory_space<vmem>>, vector<1x16xf32>,
      %get3A_2235 = vector.shape_cast %get3A_2234 : vector<1x16xf32> to vector<16xf32>
      %get3A_2236 = arith.index_cast %sub3A_1753 : i32 to index
      %get3A_2237 = arith.constant 224 : index
      %get3A_2238 = tpu.vector_load %arg4[%get3A_2236, %get3A_2237] {strides = array<i32>} : memref<80x256xf32, #tpu.memory_space<vmem>>, vector<1x16xf32>,
      %get3A_2239 = vector.shape_cast %get3A_2238 : vector<1x16xf32> to vector<16xf32>
      %mul3A_2240 = arith.mulf %broadcast_in_dim3A_37, %get3A_2231 : vector<16xf32>
      %mul3A_2241 = arith.mulf %broadcast_in_dim3A_39, %get3A_2235 : vector<16xf32>
      %add3A_2242 = arith.addf %mul3A_2240, %mul3A_2241 : vector<16xf32>
      %mul3A_2243 = arith.constant 2 : i32
      %mul3A_2244 = arith.muli %mul3A_2243, %scan3A_1739 : i32
      %swap3A_2245 = arith.index_cast %mul3A_2244 : i32 to index
      %swap3A_2246 = arith.constant 224 : index
      %swap3A_2247 = tpu.vector_load %arg5[%swap3A_2245, %swap3A_2246] {strides = array<i32>} : memref<128x256xf32, #tpu.memory_space<vmem>>, vector<1x16xf32>,
      %swap3A_2248 = vector.shape_cast %swap3A_2247 : vector<1x16xf32> to vector<16xf32>
      %swap3A_2249 = vector.shape_cast %add3A_2242 : vector<16xf32> to vector<1x16xf32>
      tpu.vector_store %arg5[%swap3A_2245, %swap3A_2246], %swap3A_2249 {strides = array<i32>} : memref<128x256xf32, #tpu.memory_space<vmem>>, vector<1x16xf32>,
      %mul3A_2250 = arith.mulf %broadcast_in_dim3A_39, %get3A_2235 : vector<16xf32>
      %mul3A_2251 = arith.mulf %broadcast_in_dim3A_37, %get3A_2239 : vector<16xf32>
      %add3A_2252 = arith.addf %mul3A_2250, %mul3A_2251 : vector<16xf32>
      %mul3A_2253 = arith.constant 2 : i32
      %mul3A_2254 = arith.muli %mul3A_2253, %scan3A_1739 : i32
      %add3A_2255 = arith.constant 1 : i32
      %add3A_2256 = arith.addi %mul3A_2254, %add3A_2255 : i32
      %swap3A_2257 = arith.index_cast %add3A_2256 : i32 to index
      %swap3A_2258 = arith.constant 224 : index
      %swap3A_2259 = tpu.vector_load %arg5[%swap3A_2257, %swap3A_2258] {strides = array<i32>} : memref<128x256xf32, #tpu.memory_space<vmem>>, vector<1x16xf32>,
      %swap3A_2260 = vector.shape_cast %swap3A_2259 : vector<1x16xf32> to vector<16xf32>
      %swap3A_2261 = vector.shape_cast %add3A_2252 : vector<16xf32> to vector<1x16xf32>
      tpu.vector_store %arg5[%swap3A_2257, %swap3A_2258], %swap3A_2261 {strides = array<i32>} : memref<128x256xf32, #tpu.memory_space<vmem>>, vector<1x16xf32>,
      %get3A_2262 = arith.index_cast %sub3A_1745 : i32 to index
      %get3A_2263 = arith.constant 240 : index
      %get3A_2264 = tpu.vector_load %arg4[%get3A_2262, %get3A_2263] {strides = array<i32>} : memref<80x256xf32, #tpu.memory_space<vmem>>, vector<1x16xf32>,
      %get3A_2265 = vector.shape_cast %get3A_2264 : vector<1x16xf32> to vector<16xf32>
      %get3A_2266 = arith.index_cast %sub3A_1747 : i32 to index
      %get3A_2267 = arith.constant 240 : index
      %get3A_2268 = tpu.vector_load %arg4[%get3A_2266, %get3A_2267] {strides = array<i32>} : memref<80x256xf32, #tpu.memory_space<vmem>>, vector<1x16xf32>,
      %get3A_2269 = vector.shape_cast %get3A_2268 : vector<1x16xf32> to vector<16xf32>
      %get3A_2270 = arith.index_cast %sub3A_1753 : i32 to index
      %get3A_2271 = arith.constant 240 : index
      %get3A_2272 = tpu.vector_load %arg4[%get3A_2270, %get3A_2271] {strides = array<i32>} : memref<80x256xf32, #tpu.memory_space<vmem>>, vector<1x16xf32>,
      %get3A_2273 = vector.shape_cast %get3A_2272 : vector<1x16xf32> to vector<16xf32>
      %mul3A_2274 = arith.mulf %broadcast_in_dim3A_37, %get3A_2265 : vector<16xf32>
      %mul3A_2275 = arith.mulf %broadcast_in_dim3A_39, %get3A_2269 : vector<16xf32>
      %add3A_2276 = arith.addf %mul3A_2274, %mul3A_2275 : vector<16xf32>
      %mul3A_2277 = arith.constant 2 : i32
      %mul3A_2278 = arith.muli %mul3A_2277, %scan3A_1739 : i32
      %swap3A_2279 = arith.index_cast %mul3A_2278 : i32 to index
      %swap3A_2280 = arith.constant 240 : index
      %swap3A_2281 = tpu.vector_load %arg5[%swap3A_2279, %swap3A_2280] {strides = array<i32>} : memref<128x256xf32, #tpu.memory_space<vmem>>, vector<1x16xf32>,
      %swap3A_2282 = vector.shape_cast %swap3A_2281 : vector<1x16xf32> to vector<16xf32>
      %swap3A_2283 = vector.shape_cast %add3A_2276 : vector<16xf32> to vector<1x16xf32>
      tpu.vector_store %arg5[%swap3A_2279, %swap3A_2280], %swap3A_2283 {strides = array<i32>} : memref<128x256xf32, #tpu.memory_space<vmem>>, vector<1x16xf32>,
      %mul3A_2284 = arith.mulf %broadcast_in_dim3A_39, %get3A_2269 : vector<16xf32>
      %mul3A_2285 = arith.mulf %broadcast_in_dim3A_37, %get3A_2273 : vector<16xf32>
      %add3A_2286 = arith.addf %mul3A_2284, %mul3A_2285 : vector<16xf32>
      %mul3A_2287 = arith.constant 2 : i32
      %mul3A_2288 = arith.muli %mul3A_2287, %scan3A_1739 : i32
      %add3A_2289 = arith.constant 1 : i32
      %add3A_2290 = arith.addi %mul3A_2288, %add3A_2289 : i32
      %swap3A_2291 = arith.index_cast %add3A_2290 : i32 to index
      %swap3A_2292 = arith.constant 240 : index
      %swap3A_2293 = tpu.vector_load %arg5[%swap3A_2291, %swap3A_2292] {strides = array<i32>} : memref<128x256xf32, #tpu.memory_space<vmem>>, vector<1x16xf32>,
      %swap3A_2294 = vector.shape_cast %swap3A_2293 : vector<1x16xf32> to vector<16xf32>
      %swap3A_2295 = vector.shape_cast %add3A_2286 : vector<16xf32> to vector<1x16xf32>
      tpu.vector_store %arg5[%swap3A_2291, %swap3A_2292], %swap3A_2295 {strides = array<i32>} : memref<128x256xf32, #tpu.memory_space<vmem>>, vector<1x16xf32>,
    }
    %scan3A_46 = arith.constant 16 : i32
    %add3A_47 = arith.constant 0 : i32
    %add3A_48 = arith.addi %mul3A_41, %add3A_47 : i32
    %multiple_of3A_49 = tpu.assume_multiple %add3A_48, 8 : i32
    %dma_start3A = arith.constant 0 : i32
    %dma_start3A_50 = arith.constant 0 : i32
    %dma_start3A_51 = arith.constant 0 : i32
    %dma_start3A_52 = tpu.memref_slice %arg5[%dma_start3A_50, %dma_start3A_51] : memref<128x256xf32, #tpu.memory_space<vmem>> -> memref<32x256xf32, #tpu.memory_space<vmem>>
    %dma_start3A_53 = arith.constant 0 : i32
    %dma_start3A_54 = tpu.memref_slice %arg3[%dma_start3A, %select_n3A, %multiple_of3A_49, %dma_start3A_53] : memref<16x4x1024x256xf32, #tpu.memory_space<hbm>> -> memref<1x1x32x256xf32, #tpu.memory_space<hbm>>
    %dma_start3A_55 = tpu.memref_squeeze %dma_start3A_54 : memref<1x1x32x256xf32, #tpu.memory_space<hbm>> -> memref<32x256xf32, #tpu.memory_space<hbm>>
    %dma_start3A_56 = arith.constant 0 : i32
    %dma_start3A_57 = tpu.memref_slice %arg3[%dma_start3A, %select_n3A, %multiple_of3A_49, %dma_start3A_56] : memref<16x4x1024x256xf32, #tpu.memory_space<hbm>> -> memref<1x1x32x256xf32, #tpu.memory_space<hbm>>
    %dma_start3A_58 = tpu.memref_squeeze %dma_start3A_57 : memref<1x1x32x256xf32, #tpu.memory_space<hbm>> -> memref<32x256xf32, #tpu.memory_space<hbm>>
    %dma_start3A_59 = arith.constant 0 : i32
    %dma_start3A_60 = arith.constant 0 : i32
    %dma_start3A_61 = tpu.memref_slice %arg5[%dma_start3A_59, %dma_start3A_60] : memref<128x256xf32, #tpu.memory_space<vmem>> -> memref<32x256xf32, #tpu.memory_space<vmem>>
    tpu.enqueue_dma source(%dma_start3A_61 : memref<32x256xf32, #tpu.memory_space<vmem>>) target(%dma_start3A_58 : memref<32x256xf32, #tpu.memory_space<hbm>>) target_semaphore(%arg6 : memref<!tpu.dma_semaphore, #tpu.memory_space<semaphore_mem>>)
    %dma_start3A_62 = arith.constant 1 : i32
    %dma_start3A_63 = arith.constant 0 : i32
    %dma_start3A_64 = arith.constant 0 : i32
    %dma_start3A_65 = tpu.memref_slice %arg5[%dma_start3A_63, %dma_start3A_64] : memref<128x256xf32, #tpu.memory_space<vmem>> -> memref<32x256xf32, #tpu.memory_space<vmem>>
    %dma_start3A_66 = arith.constant 0 : i32
    %dma_start3A_67 = tpu.memref_slice %arg3[%dma_start3A_62, %select_n3A, %multiple_of3A_49, %dma_start3A_66] : memref<16x4x1024x256xf32, #tpu.memory_space<hbm>> -> memref<1x1x32x256xf32, #tpu.memory_space<hbm>>
    %dma_start3A_68 = tpu.memref_squeeze %dma_start3A_67 : memref<1x1x32x256xf32, #tpu.memory_space<hbm>> -> memref<32x256xf32, #tpu.memory_space<hbm>>
    %dma_start3A_69 = arith.constant 0 : i32
    %dma_start3A_70 = tpu.memref_slice %arg3[%dma_start3A_62, %select_n3A, %multiple_of3A_49, %dma_start3A_69] : memref<16x4x1024x256xf32, #tpu.memory_space<hbm>> -> memref<1x1x32x256xf32, #tpu.memory_space<hbm>>
    %dma_start3A_71 = tpu.memref_squeeze %dma_start3A_70 : memref<1x1x32x256xf32, #tpu.memory_space<hbm>> -> memref<32x256xf32, #tpu.memory_space<hbm>>
    %dma_start3A_72 = arith.constant 0 : i32
    %dma_start3A_73 = arith.constant 0 : i32
    %dma_start3A_74 = tpu.memref_slice %arg5[%dma_start3A_72, %dma_start3A_73] : memref<128x256xf32, #tpu.memory_space<vmem>> -> memref<32x256xf32, #tpu.memory_space<vmem>>
    tpu.enqueue_dma source(%dma_start3A_74 : memref<32x256xf32, #tpu.memory_space<vmem>>) target(%dma_start3A_71 : memref<32x256xf32, #tpu.memory_space<hbm>>) target_semaphore(%arg6 : memref<!tpu.dma_semaphore, #tpu.memory_space<semaphore_mem>>)
    %dma_start3A_75 = arith.constant 2 : i32
    %dma_start3A_76 = arith.constant 0 : i32
    %dma_start3A_77 = arith.constant 0 : i32
    %dma_start3A_78 = tpu.memref_slice %arg5[%dma_start3A_76, %dma_start3A_77] : memref<128x256xf32, #tpu.memory_space<vmem>> -> memref<32x256xf32, #tpu.memory_space<vmem>>
    %dma_start3A_79 = arith.constant 0 : i32
    %dma_start3A_80 = tpu.memref_slice %arg3[%dma_start3A_75, %select_n3A, %multiple_of3A_49, %dma_start3A_79] : memref<16x4x1024x256xf32, #tpu.memory_space<hbm>> -> memref<1x1x32x256xf32, #tpu.memory_space<hbm>>
    %dma_start3A_81 = tpu.memref_squeeze %dma_start3A_80 : memref<1x1x32x256xf32, #tpu.memory_space<hbm>> -> memref<32x256xf32, #tpu.memory_space<hbm>>
    %dma_start3A_82 = arith.constant 0 : i32
    %dma_start3A_83 = tpu.memref_slice %arg3[%dma_start3A_75, %select_n3A, %multiple_of3A_49, %dma_start3A_82] : memref<16x4x1024x256xf32, #tpu.memory_space<hbm>> -> memref<1x1x32x256xf32, #tpu.memory_space<hbm>>
    %dma_start3A_84 = tpu.memref_squeeze %dma_start3A_83 : memref<1x1x32x256xf32, #tpu.memory_space<hbm>> -> memref<32x256xf32, #tpu.memory_space<hbm>>
    %dma_start3A_85 = arith.constant 0 : i32
    %dma_start3A_86 = arith.constant 0 : i32
    %dma_start3A_87 = tpu.memref_slice %arg5[%dma_start3A_85, %dma_start3A_86] : memref<128x256xf32, #tpu.memory_space<vmem>> -> memref<32x256xf32, #tpu.memory_space<vmem>>
    tpu.enqueue_dma source(%dma_start3A_87 : memref<32x256xf32, #tpu.memory_space<vmem>>) target(%dma_start3A_84 : memref<32x256xf32, #tpu.memory_space<hbm>>) target_semaphore(%arg6 : memref<!tpu.dma_semaphore, #tpu.memory_space<semaphore_mem>>)
    %dma_start3A_88 = arith.constant 3 : i32
    %dma_start3A_89 = arith.constant 0 : i32
    %dma_start3A_90 = arith.constant 0 : i32
    %dma_start3A_91 = tpu.memref_slice %arg5[%dma_start3A_89, %dma_start3A_90] : memref<128x256xf32, #tpu.memory_space<vmem>> -> memref<32x256xf32, #tpu.memory_space<vmem>>
    %dma_start3A_92 = arith.constant 0 : i32
    %dma_start3A_93 = tpu.memref_slice %arg3[%dma_start3A_88, %select_n3A, %multiple_of3A_49, %dma_start3A_92] : memref<16x4x1024x256xf32, #tpu.memory_space<hbm>> -> memref<1x1x32x256xf32, #tpu.memory_space<hbm>>
    %dma_start3A_94 = tpu.memref_squeeze %dma_start3A_93 : memref<1x1x32x256xf32, #tpu.memory_space<hbm>> -> memref<32x256xf32, #tpu.memory_space<hbm>>
    %dma_start3A_95 = arith.constant 0 : i32
    %dma_start3A_96 = tpu.memref_slice %arg3[%dma_start3A_88, %select_n3A, %multiple_of3A_49, %dma_start3A_95] : memref<16x4x1024x256xf32, #tpu.memory_space<hbm>> -> memref<1x1x32x256xf32, #tpu.memory_space<hbm>>
    %dma_start3A_97 = tpu.memref_squeeze %dma_start3A_96 : memref<1x1x32x256xf32, #tpu.memory_space<hbm>> -> memref<32x256xf32, #tpu.memory_space<hbm>>
    %dma_start3A_98 = arith.constant 0 : i32
    %dma_start3A_99 = arith.constant 0 : i32
    %dma_start3A_100 = tpu.memref_slice %arg5[%dma_start3A_98, %dma_start3A_99] : memref<128x256xf32, #tpu.memory_space<vmem>> -> memref<32x256xf32, #tpu.memory_space<vmem>>
    tpu.enqueue_dma source(%dma_start3A_100 : memref<32x256xf32, #tpu.memory_space<vmem>>) target(%dma_start3A_97 : memref<32x256xf32, #tpu.memory_space<hbm>>) target_semaphore(%arg6 : memref<!tpu.dma_semaphore, #tpu.memory_space<semaphore_mem>>)
    %dma_start3A_101 = arith.constant 4 : i32
    %dma_start3A_102 = arith.constant 0 : i32
    %dma_start3A_103 = arith.constant 0 : i32
    %dma_start3A_104 = tpu.memref_slice %arg5[%dma_start3A_102, %dma_start3A_103] : memref<128x256xf32, #tpu.memory_space<vmem>> -> memref<32x256xf32, #tpu.memory_space<vmem>>
    %dma_start3A_105 = arith.constant 0 : i32
    %dma_start3A_106 = tpu.memref_slice %arg3[%dma_start3A_101, %select_n3A, %multiple_of3A_49, %dma_start3A_105] : memref<16x4x1024x256xf32, #tpu.memory_space<hbm>> -> memref<1x1x32x256xf32, #tpu.memory_space<hbm>>
    %dma_start3A_107 = tpu.memref_squeeze %dma_start3A_106 : memref<1x1x32x256xf32, #tpu.memory_space<hbm>> -> memref<32x256xf32, #tpu.memory_space<hbm>>
    %dma_start3A_108 = arith.constant 0 : i32
    %dma_start3A_109 = tpu.memref_slice %arg3[%dma_start3A_101, %select_n3A, %multiple_of3A_49, %dma_start3A_108] : memref<16x4x1024x256xf32, #tpu.memory_space<hbm>> -> memref<1x1x32x256xf32, #tpu.memory_space<hbm>>
    %dma_start3A_110 = tpu.memref_squeeze %dma_start3A_109 : memref<1x1x32x256xf32, #tpu.memory_space<hbm>> -> memref<32x256xf32, #tpu.memory_space<hbm>>
    %dma_start3A_111 = arith.constant 0 : i32
    %dma_start3A_112 = arith.constant 0 : i32
    %dma_start3A_113 = tpu.memref_slice %arg5[%dma_start3A_111, %dma_start3A_112] : memref<128x256xf32, #tpu.memory_space<vmem>> -> memref<32x256xf32, #tpu.memory_space<vmem>>
    tpu.enqueue_dma source(%dma_start3A_113 : memref<32x256xf32, #tpu.memory_space<vmem>>) target(%dma_start3A_110 : memref<32x256xf32, #tpu.memory_space<hbm>>) target_semaphore(%arg6 : memref<!tpu.dma_semaphore, #tpu.memory_space<semaphore_mem>>)
    %dma_start3A_114 = arith.constant 5 : i32
    %dma_start3A_115 = arith.constant 0 : i32
    %dma_start3A_116 = arith.constant 0 : i32
    %dma_start3A_117 = tpu.memref_slice %arg5[%dma_start3A_115, %dma_start3A_116] : memref<128x256xf32, #tpu.memory_space<vmem>> -> memref<32x256xf32, #tpu.memory_space<vmem>>
    %dma_start3A_118 = arith.constant 0 : i32
    %dma_start3A_119 = tpu.memref_slice %arg3[%dma_start3A_114, %select_n3A, %multiple_of3A_49, %dma_start3A_118] : memref<16x4x1024x256xf32, #tpu.memory_space<hbm>> -> memref<1x1x32x256xf32, #tpu.memory_space<hbm>>
    %dma_start3A_120 = tpu.memref_squeeze %dma_start3A_119 : memref<1x1x32x256xf32, #tpu.memory_space<hbm>> -> memref<32x256xf32, #tpu.memory_space<hbm>>
    %dma_start3A_121 = arith.constant 0 : i32
    %dma_start3A_122 = tpu.memref_slice %arg3[%dma_start3A_114, %select_n3A, %multiple_of3A_49, %dma_start3A_121] : memref<16x4x1024x256xf32, #tpu.memory_space<hbm>> -> memref<1x1x32x256xf32, #tpu.memory_space<hbm>>
    %dma_start3A_123 = tpu.memref_squeeze %dma_start3A_122 : memref<1x1x32x256xf32, #tpu.memory_space<hbm>> -> memref<32x256xf32, #tpu.memory_space<hbm>>
    %dma_start3A_124 = arith.constant 0 : i32
    %dma_start3A_125 = arith.constant 0 : i32
    %dma_start3A_126 = tpu.memref_slice %arg5[%dma_start3A_124, %dma_start3A_125] : memref<128x256xf32, #tpu.memory_space<vmem>> -> memref<32x256xf32, #tpu.memory_space<vmem>>
    tpu.enqueue_dma source(%dma_start3A_126 : memref<32x256xf32, #tpu.memory_space<vmem>>) target(%dma_start3A_123 : memref<32x256xf32, #tpu.memory_space<hbm>>) target_semaphore(%arg6 : memref<!tpu.dma_semaphore, #tpu.memory_space<semaphore_mem>>)
    %dma_start3A_127 = arith.constant 6 : i32
    %dma_start3A_128 = arith.constant 0 : i32
    %dma_start3A_129 = arith.constant 0 : i32
    %dma_start3A_130 = tpu.memref_slice %arg5[%dma_start3A_128, %dma_start3A_129] : memref<128x256xf32, #tpu.memory_space<vmem>> -> memref<32x256xf32, #tpu.memory_space<vmem>>
    %dma_start3A_131 = arith.constant 0 : i32
    %dma_start3A_132 = tpu.memref_slice %arg3[%dma_start3A_127, %select_n3A, %multiple_of3A_49, %dma_start3A_131] : memref<16x4x1024x256xf32, #tpu.memory_space<hbm>> -> memref<1x1x32x256xf32, #tpu.memory_space<hbm>>
    %dma_start3A_133 = tpu.memref_squeeze %dma_start3A_132 : memref<1x1x32x256xf32, #tpu.memory_space<hbm>> -> memref<32x256xf32, #tpu.memory_space<hbm>>
    %dma_start3A_134 = arith.constant 0 : i32
    %dma_start3A_135 = tpu.memref_slice %arg3[%dma_start3A_127, %select_n3A, %multiple_of3A_49, %dma_start3A_134] : memref<16x4x1024x256xf32, #tpu.memory_space<hbm>> -> memref<1x1x32x256xf32, #tpu.memory_space<hbm>>
    %dma_start3A_136 = tpu.memref_squeeze %dma_start3A_135 : memref<1x1x32x256xf32, #tpu.memory_space<hbm>> -> memref<32x256xf32, #tpu.memory_space<hbm>>
    %dma_start3A_137 = arith.constant 0 : i32
    %dma_start3A_138 = arith.constant 0 : i32
    %dma_start3A_139 = tpu.memref_slice %arg5[%dma_start3A_137, %dma_start3A_138] : memref<128x256xf32, #tpu.memory_space<vmem>> -> memref<32x256xf32, #tpu.memory_space<vmem>>
    tpu.enqueue_dma source(%dma_start3A_139 : memref<32x256xf32, #tpu.memory_space<vmem>>) target(%dma_start3A_136 : memref<32x256xf32, #tpu.memory_space<hbm>>) target_semaphore(%arg6 : memref<!tpu.dma_semaphore, #tpu.memory_space<semaphore_mem>>)
    %dma_start3A_140 = arith.constant 7 : i32
    %dma_start3A_141 = arith.constant 0 : i32
    %dma_start3A_142 = arith.constant 0 : i32
    %dma_start3A_143 = tpu.memref_slice %arg5[%dma_start3A_141, %dma_start3A_142] : memref<128x256xf32, #tpu.memory_space<vmem>> -> memref<32x256xf32, #tpu.memory_space<vmem>>
    %dma_start3A_144 = arith.constant 0 : i32
    %dma_start3A_145 = tpu.memref_slice %arg3[%dma_start3A_140, %select_n3A, %multiple_of3A_49, %dma_start3A_144] : memref<16x4x1024x256xf32, #tpu.memory_space<hbm>> -> memref<1x1x32x256xf32, #tpu.memory_space<hbm>>
    %dma_start3A_146 = tpu.memref_squeeze %dma_start3A_145 : memref<1x1x32x256xf32, #tpu.memory_space<hbm>> -> memref<32x256xf32, #tpu.memory_space<hbm>>
    %dma_start3A_147 = arith.constant 0 : i32
    %dma_start3A_148 = tpu.memref_slice %arg3[%dma_start3A_140, %select_n3A, %multiple_of3A_49, %dma_start3A_147] : memref<16x4x1024x256xf32, #tpu.memory_space<hbm>> -> memref<1x1x32x256xf32, #tpu.memory_space<hbm>>
    %dma_start3A_149 = tpu.memref_squeeze %dma_start3A_148 : memref<1x1x32x256xf32, #tpu.memory_space<hbm>> -> memref<32x256xf32, #tpu.memory_space<hbm>>
    %dma_start3A_150 = arith.constant 0 : i32
    %dma_start3A_151 = arith.constant 0 : i32
    %dma_start3A_152 = tpu.memref_slice %arg5[%dma_start3A_150, %dma_start3A_151] : memref<128x256xf32, #tpu.memory_space<vmem>> -> memref<32x256xf32, #tpu.memory_space<vmem>>
    tpu.enqueue_dma source(%dma_start3A_152 : memref<32x256xf32, #tpu.memory_space<vmem>>) target(%dma_start3A_149 : memref<32x256xf32, #tpu.memory_space<hbm>>) target_semaphore(%arg6 : memref<!tpu.dma_semaphore, #tpu.memory_space<semaphore_mem>>)
    %dma_start3A_153 = arith.constant 8 : i32
    %dma_start3A_154 = arith.constant 0 : i32
    %dma_start3A_155 = arith.constant 0 : i32
    %dma_start3A_156 = tpu.memref_slice %arg5[%dma_start3A_154, %dma_start3A_155] : memref<128x256xf32, #tpu.memory_space<vmem>> -> memref<32x256xf32, #tpu.memory_space<vmem>>
    %dma_start3A_157 = arith.constant 0 : i32
    %dma_start3A_158 = tpu.memref_slice %arg3[%dma_start3A_153, %select_n3A, %multiple_of3A_49, %dma_start3A_157] : memref<16x4x1024x256xf32, #tpu.memory_space<hbm>> -> memref<1x1x32x256xf32, #tpu.memory_space<hbm>>
    %dma_start3A_159 = tpu.memref_squeeze %dma_start3A_158 : memref<1x1x32x256xf32, #tpu.memory_space<hbm>> -> memref<32x256xf32, #tpu.memory_space<hbm>>
    %dma_start3A_160 = arith.constant 0 : i32
    %dma_start3A_161 = tpu.memref_slice %arg3[%dma_start3A_153, %select_n3A, %multiple_of3A_49, %dma_start3A_160] : memref<16x4x1024x256xf32, #tpu.memory_space<hbm>> -> memref<1x1x32x256xf32, #tpu.memory_space<hbm>>
    %dma_start3A_162 = tpu.memref_squeeze %dma_start3A_161 : memref<1x1x32x256xf32, #tpu.memory_space<hbm>> -> memref<32x256xf32, #tpu.memory_space<hbm>>
    %dma_start3A_163 = arith.constant 0 : i32
    %dma_start3A_164 = arith.constant 0 : i32
    %dma_start3A_165 = tpu.memref_slice %arg5[%dma_start3A_163, %dma_start3A_164] : memref<128x256xf32, #tpu.memory_space<vmem>> -> memref<32x256xf32, #tpu.memory_space<vmem>>
    tpu.enqueue_dma source(%dma_start3A_165 : memref<32x256xf32, #tpu.memory_space<vmem>>) target(%dma_start3A_162 : memref<32x256xf32, #tpu.memory_space<hbm>>) target_semaphore(%arg6 : memref<!tpu.dma_semaphore, #tpu.memory_space<semaphore_mem>>)
    %dma_start3A_166 = arith.constant 9 : i32
    %dma_start3A_167 = arith.constant 0 : i32
    %dma_start3A_168 = arith.constant 0 : i32
    %dma_start3A_169 = tpu.memref_slice %arg5[%dma_start3A_167, %dma_start3A_168] : memref<128x256xf32, #tpu.memory_space<vmem>> -> memref<32x256xf32, #tpu.memory_space<vmem>>
    %dma_start3A_170 = arith.constant 0 : i32
    %dma_start3A_171 = tpu.memref_slice %arg3[%dma_start3A_166, %select_n3A, %multiple_of3A_49, %dma_start3A_170] : memref<16x4x1024x256xf32, #tpu.memory_space<hbm>> -> memref<1x1x32x256xf32, #tpu.memory_space<hbm>>
    %dma_start3A_172 = tpu.memref_squeeze %dma_start3A_171 : memref<1x1x32x256xf32, #tpu.memory_space<hbm>> -> memref<32x256xf32, #tpu.memory_space<hbm>>
    %dma_start3A_173 = arith.constant 0 : i32
    %dma_start3A_174 = tpu.memref_slice %arg3[%dma_start3A_166, %select_n3A, %multiple_of3A_49, %dma_start3A_173] : memref<16x4x1024x256xf32, #tpu.memory_space<hbm>> -> memref<1x1x32x256xf32, #tpu.memory_space<hbm>>
    %dma_start3A_175 = tpu.memref_squeeze %dma_start3A_174 : memref<1x1x32x256xf32, #tpu.memory_space<hbm>> -> memref<32x256xf32, #tpu.memory_space<hbm>>
    %dma_start3A_176 = arith.constant 0 : i32
    %dma_start3A_177 = arith.constant 0 : i32
    %dma_start3A_178 = tpu.memref_slice %arg5[%dma_start3A_176, %dma_start3A_177] : memref<128x256xf32, #tpu.memory_space<vmem>> -> memref<32x256xf32, #tpu.memory_space<vmem>>
    tpu.enqueue_dma source(%dma_start3A_178 : memref<32x256xf32, #tpu.memory_space<vmem>>) target(%dma_start3A_175 : memref<32x256xf32, #tpu.memory_space<hbm>>) target_semaphore(%arg6 : memref<!tpu.dma_semaphore, #tpu.memory_space<semaphore_mem>>)
    %dma_start3A_179 = arith.constant 10 : i32
    %dma_start3A_180 = arith.constant 0 : i32
    %dma_start3A_181 = arith.constant 0 : i32
    %dma_start3A_182 = tpu.memref_slice %arg5[%dma_start3A_180, %dma_start3A_181] : memref<128x256xf32, #tpu.memory_space<vmem>> -> memref<32x256xf32, #tpu.memory_space<vmem>>
    %dma_start3A_183 = arith.constant 0 : i32
    %dma_start3A_184 = tpu.memref_slice %arg3[%dma_start3A_179, %select_n3A, %multiple_of3A_49, %dma_start3A_183] : memref<16x4x1024x256xf32, #tpu.memory_space<hbm>> -> memref<1x1x32x256xf32, #tpu.memory_space<hbm>>
    %dma_start3A_185 = tpu.memref_squeeze %dma_start3A_184 : memref<1x1x32x256xf32, #tpu.memory_space<hbm>> -> memref<32x256xf32, #tpu.memory_space<hbm>>
    %dma_start3A_186 = arith.constant 0 : i32
    %dma_start3A_187 = tpu.memref_slice %arg3[%dma_start3A_179, %select_n3A, %multiple_of3A_49, %dma_start3A_186] : memref<16x4x1024x256xf32, #tpu.memory_space<hbm>> -> memref<1x1x32x256xf32, #tpu.memory_space<hbm>>
    %dma_start3A_188 = tpu.memref_squeeze %dma_start3A_187 : memref<1x1x32x256xf32, #tpu.memory_space<hbm>> -> memref<32x256xf32, #tpu.memory_space<hbm>>
    %dma_start3A_189 = arith.constant 0 : i32
    %dma_start3A_190 = arith.constant 0 : i32
    %dma_start3A_191 = tpu.memref_slice %arg5[%dma_start3A_189, %dma_start3A_190] : memref<128x256xf32, #tpu.memory_space<vmem>> -> memref<32x256xf32, #tpu.memory_space<vmem>>
    tpu.enqueue_dma source(%dma_start3A_191 : memref<32x256xf32, #tpu.memory_space<vmem>>) target(%dma_start3A_188 : memref<32x256xf32, #tpu.memory_space<hbm>>) target_semaphore(%arg6 : memref<!tpu.dma_semaphore, #tpu.memory_space<semaphore_mem>>)
    %dma_start3A_192 = arith.constant 11 : i32
    %dma_start3A_193 = arith.constant 0 : i32
    %dma_start3A_194 = arith.constant 0 : i32
    %dma_start3A_195 = tpu.memref_slice %arg5[%dma_start3A_193, %dma_start3A_194] : memref<128x256xf32, #tpu.memory_space<vmem>> -> memref<32x256xf32, #tpu.memory_space<vmem>>
    %dma_start3A_196 = arith.constant 0 : i32
    %dma_start3A_197 = tpu.memref_slice %arg3[%dma_start3A_192, %select_n3A, %multiple_of3A_49, %dma_start3A_196] : memref<16x4x1024x256xf32, #tpu.memory_space<hbm>> -> memref<1x1x32x256xf32, #tpu.memory_space<hbm>>
    %dma_start3A_198 = tpu.memref_squeeze %dma_start3A_197 : memref<1x1x32x256xf32, #tpu.memory_space<hbm>> -> memref<32x256xf32, #tpu.memory_space<hbm>>
    %dma_start3A_199 = arith.constant 0 : i32
    %dma_start3A_200 = tpu.memref_slice %arg3[%dma_start3A_192, %select_n3A, %multiple_of3A_49, %dma_start3A_199] : memref<16x4x1024x256xf32, #tpu.memory_space<hbm>> -> memref<1x1x32x256xf32, #tpu.memory_space<hbm>>
    %dma_start3A_201 = tpu.memref_squeeze %dma_start3A_200 : memref<1x1x32x256xf32, #tpu.memory_space<hbm>> -> memref<32x256xf32, #tpu.memory_space<hbm>>
    %dma_start3A_202 = arith.constant 0 : i32
    %dma_start3A_203 = arith.constant 0 : i32
    %dma_start3A_204 = tpu.memref_slice %arg5[%dma_start3A_202, %dma_start3A_203] : memref<128x256xf32, #tpu.memory_space<vmem>> -> memref<32x256xf32, #tpu.memory_space<vmem>>
    tpu.enqueue_dma source(%dma_start3A_204 : memref<32x256xf32, #tpu.memory_space<vmem>>) target(%dma_start3A_201 : memref<32x256xf32, #tpu.memory_space<hbm>>) target_semaphore(%arg6 : memref<!tpu.dma_semaphore, #tpu.memory_space<semaphore_mem>>)
    %dma_start3A_205 = arith.constant 12 : i32
    %dma_start3A_206 = arith.constant 0 : i32
    %dma_start3A_207 = arith.constant 0 : i32
    %dma_start3A_208 = tpu.memref_slice %arg5[%dma_start3A_206, %dma_start3A_207] : memref<128x256xf32, #tpu.memory_space<vmem>> -> memref<32x256xf32, #tpu.memory_space<vmem>>
    %dma_start3A_209 = arith.constant 0 : i32
    %dma_start3A_210 = tpu.memref_slice %arg3[%dma_start3A_205, %select_n3A, %multiple_of3A_49, %dma_start3A_209] : memref<16x4x1024x256xf32, #tpu.memory_space<hbm>> -> memref<1x1x32x256xf32, #tpu.memory_space<hbm>>
    %dma_start3A_211 = tpu.memref_squeeze %dma_start3A_210 : memref<1x1x32x256xf32, #tpu.memory_space<hbm>> -> memref<32x256xf32, #tpu.memory_space<hbm>>
    %dma_start3A_212 = arith.constant 0 : i32
    %dma_start3A_213 = tpu.memref_slice %arg3[%dma_start3A_205, %select_n3A, %multiple_of3A_49, %dma_start3A_212] : memref<16x4x1024x256xf32, #tpu.memory_space<hbm>> -> memref<1x1x32x256xf32, #tpu.memory_space<hbm>>
    %dma_start3A_214 = tpu.memref_squeeze %dma_start3A_213 : memref<1x1x32x256xf32, #tpu.memory_space<hbm>> -> memref<32x256xf32, #tpu.memory_space<hbm>>
    %dma_start3A_215 = arith.constant 0 : i32
    %dma_start3A_216 = arith.constant 0 : i32
    %dma_start3A_217 = tpu.memref_slice %arg5[%dma_start3A_215, %dma_start3A_216] : memref<128x256xf32, #tpu.memory_space<vmem>> -> memref<32x256xf32, #tpu.memory_space<vmem>>
    tpu.enqueue_dma source(%dma_start3A_217 : memref<32x256xf32, #tpu.memory_space<vmem>>) target(%dma_start3A_214 : memref<32x256xf32, #tpu.memory_space<hbm>>) target_semaphore(%arg6 : memref<!tpu.dma_semaphore, #tpu.memory_space<semaphore_mem>>)
    %dma_start3A_218 = arith.constant 13 : i32
    %dma_start3A_219 = arith.constant 0 : i32
    %dma_start3A_220 = arith.constant 0 : i32
    %dma_start3A_221 = tpu.memref_slice %arg5[%dma_start3A_219, %dma_start3A_220] : memref<128x256xf32, #tpu.memory_space<vmem>> -> memref<32x256xf32, #tpu.memory_space<vmem>>
    %dma_start3A_222 = arith.constant 0 : i32
    %dma_start3A_223 = tpu.memref_slice %arg3[%dma_start3A_218, %select_n3A, %multiple_of3A_49, %dma_start3A_222] : memref<16x4x1024x256xf32, #tpu.memory_space<hbm>> -> memref<1x1x32x256xf32, #tpu.memory_space<hbm>>
    %dma_start3A_224 = tpu.memref_squeeze %dma_start3A_223 : memref<1x1x32x256xf32, #tpu.memory_space<hbm>> -> memref<32x256xf32, #tpu.memory_space<hbm>>
    %dma_start3A_225 = arith.constant 0 : i32
    %dma_start3A_226 = tpu.memref_slice %arg3[%dma_start3A_218, %select_n3A, %multiple_of3A_49, %dma_start3A_225] : memref<16x4x1024x256xf32, #tpu.memory_space<hbm>> -> memref<1x1x32x256xf32, #tpu.memory_space<hbm>>
    %dma_start3A_227 = tpu.memref_squeeze %dma_start3A_226 : memref<1x1x32x256xf32, #tpu.memory_space<hbm>> -> memref<32x256xf32, #tpu.memory_space<hbm>>
    %dma_start3A_228 = arith.constant 0 : i32
    %dma_start3A_229 = arith.constant 0 : i32
    %dma_start3A_230 = tpu.memref_slice %arg5[%dma_start3A_228, %dma_start3A_229] : memref<128x256xf32, #tpu.memory_space<vmem>> -> memref<32x256xf32, #tpu.memory_space<vmem>>
    tpu.enqueue_dma source(%dma_start3A_230 : memref<32x256xf32, #tpu.memory_space<vmem>>) target(%dma_start3A_227 : memref<32x256xf32, #tpu.memory_space<hbm>>) target_semaphore(%arg6 : memref<!tpu.dma_semaphore, #tpu.memory_space<semaphore_mem>>)
    %dma_start3A_231 = arith.constant 14 : i32
    %dma_start3A_232 = arith.constant 0 : i32
    %dma_start3A_233 = arith.constant 0 : i32
    %dma_start3A_234 = tpu.memref_slice %arg5[%dma_start3A_232, %dma_start3A_233] : memref<128x256xf32, #tpu.memory_space<vmem>> -> memref<32x256xf32, #tpu.memory_space<vmem>>
    %dma_start3A_235 = arith.constant 0 : i32
    %dma_start3A_236 = tpu.memref_slice %arg3[%dma_start3A_231, %select_n3A, %multiple_of3A_49, %dma_start3A_235] : memref<16x4x1024x256xf32, #tpu.memory_space<hbm>> -> memref<1x1x32x256xf32, #tpu.memory_space<hbm>>
    %dma_start3A_237 = tpu.memref_squeeze %dma_start3A_236 : memref<1x1x32x256xf32, #tpu.memory_space<hbm>> -> memref<32x256xf32, #tpu.memory_space<hbm>>
    %dma_start3A_238 = arith.constant 0 : i32
    %dma_start3A_239 = tpu.memref_slice %arg3[%dma_start3A_231, %select_n3A, %multiple_of3A_49, %dma_start3A_238] : memref<16x4x1024x256xf32, #tpu.memory_space<hbm>> -> memref<1x1x32x256xf32, #tpu.memory_space<hbm>>
    %dma_start3A_240 = tpu.memref_squeeze %dma_start3A_239 : memref<1x1x32x256xf32, #tpu.memory_space<hbm>> -> memref<32x256xf32, #tpu.memory_space<hbm>>
    %dma_start3A_241 = arith.constant 0 : i32
    %dma_start3A_242 = arith.constant 0 : i32
    %dma_start3A_243 = tpu.memref_slice %arg5[%dma_start3A_241, %dma_start3A_242] : memref<128x256xf32, #tpu.memory_space<vmem>> -> memref<32x256xf32, #tpu.memory_space<vmem>>
    tpu.enqueue_dma source(%dma_start3A_243 : memref<32x256xf32, #tpu.memory_space<vmem>>) target(%dma_start3A_240 : memref<32x256xf32, #tpu.memory_space<hbm>>) target_semaphore(%arg6 : memref<!tpu.dma_semaphore, #tpu.memory_space<semaphore_mem>>)
    %dma_start3A_244 = arith.constant 15 : i32
    %dma_start3A_245 = arith.constant 0 : i32
    %dma_start3A_246 = arith.constant 0 : i32
    %dma_start3A_247 = tpu.memref_slice %arg5[%dma_start3A_245, %dma_start3A_246] : memref<128x256xf32, #tpu.memory_space<vmem>> -> memref<32x256xf32, #tpu.memory_space<vmem>>
    %dma_start3A_248 = arith.constant 0 : i32
    %dma_start3A_249 = tpu.memref_slice %arg3[%dma_start3A_244, %select_n3A, %multiple_of3A_49, %dma_start3A_248] : memref<16x4x1024x256xf32, #tpu.memory_space<hbm>> -> memref<1x1x32x256xf32, #tpu.memory_space<hbm>>
    %dma_start3A_250 = tpu.memref_squeeze %dma_start3A_249 : memref<1x1x32x256xf32, #tpu.memory_space<hbm>> -> memref<32x256xf32, #tpu.memory_space<hbm>>
    %dma_start3A_251 = arith.constant 0 : i32
    %dma_start3A_252 = tpu.memref_slice %arg3[%dma_start3A_244, %select_n3A, %multiple_of3A_49, %dma_start3A_251] : memref<16x4x1024x256xf32, #tpu.memory_space<hbm>> -> memref<1x1x32x256xf32, #tpu.memory_space<hbm>>
    %dma_start3A_253 = tpu.memref_squeeze %dma_start3A_252 : memref<1x1x32x256xf32, #tpu.memory_space<hbm>> -> memref<32x256xf32, #tpu.memory_space<hbm>>
    %dma_start3A_254 = arith.constant 0 : i32
    %dma_start3A_255 = arith.constant 0 : i32
    %dma_start3A_256 = tpu.memref_slice %arg5[%dma_start3A_254, %dma_start3A_255] : memref<128x256xf32, #tpu.memory_space<vmem>> -> memref<32x256xf32, #tpu.memory_space<vmem>>
    tpu.enqueue_dma source(%dma_start3A_256 : memref<32x256xf32, #tpu.memory_space<vmem>>) target(%dma_start3A_253 : memref<32x256xf32, #tpu.memory_space<hbm>>) target_semaphore(%arg6 : memref<!tpu.dma_semaphore, #tpu.memory_space<semaphore_mem>>)
    %scan3A_257 = arith.constant 0 : i32
    %scan3A_258 = arith.constant 16 : i32
    %scan3A_259 = arith.constant 16 : i32
    %scan3A_260 = arith.addi %scan3A_258, %scan3A_259 : i32
    %scan3A_261 = arith.constant 1 : i32
    scf.for %scan3A_1739 = %scan3A_258 to %scan3A_260 step %scan3A_261  : i32 {
      %add3A_1740 = arith.addi %mul3A_32, %scan3A_1739 : i32
      %sub3A_1741 = arith.constant 1 : i32
      %sub3A_1742 = arith.subi %add3A_1740, %sub3A_1741 : i32
      %max3A_1743 = arith.constant 0 : i32
      %max3A_1744 = arith.maxsi %sub3A_1742, %max3A_1743 : i32
      %sub3A_1745 = arith.subi %max3A_1744, %multiple_of3A : i32
      %add3A_1746 = arith.addi %mul3A_32, %scan3A_1739 : i32
      %sub3A_1747 = arith.subi %add3A_1746, %multiple_of3A : i32
      %add3A_1748 = arith.addi %mul3A_32, %scan3A_1739 : i32
      %add3A_1749 = arith.constant 1 : i32
      %add3A_1750 = arith.addi %add3A_1748, %add3A_1749 : i32
      %min3A_1751 = arith.constant 511 : i32
      %min3A_1752 = arith.minsi %add3A_1750, %min3A_1751 : i32
      %sub3A_1753 = arith.subi %min3A_1752, %multiple_of3A : i32
      %get3A = arith.index_cast %sub3A_1745 : i32 to index
      %get3A_1754 = arith.constant 0 : index
      %get3A_1755 = tpu.vector_load %arg4[%get3A, %get3A_1754] {strides = array<i32>} : memref<80x256xf32, #tpu.memory_space<vmem>>, vector<1x16xf32>,
      %get3A_1756 = vector.shape_cast %get3A_1755 : vector<1x16xf32> to vector<16xf32>
      %get3A_1757 = arith.index_cast %sub3A_1747 : i32 to index
      %get3A_1758 = arith.constant 0 : index
      %get3A_1759 = tpu.vector_load %arg4[%get3A_1757, %get3A_1758] {strides = array<i32>} : memref<80x256xf32, #tpu.memory_space<vmem>>, vector<1x16xf32>,
      %get3A_1760 = vector.shape_cast %get3A_1759 : vector<1x16xf32> to vector<16xf32>
      %get3A_1761 = arith.index_cast %sub3A_1753 : i32 to index
      %get3A_1762 = arith.constant 0 : index
      %get3A_1763 = tpu.vector_load %arg4[%get3A_1761, %get3A_1762] {strides = array<i32>} : memref<80x256xf32, #tpu.memory_space<vmem>>, vector<1x16xf32>,
      %get3A_1764 = vector.shape_cast %get3A_1763 : vector<1x16xf32> to vector<16xf32>
      %mul3A_1765 = arith.mulf %broadcast_in_dim3A_37, %get3A_1756 : vector<16xf32>
      %mul3A_1766 = arith.mulf %broadcast_in_dim3A_39, %get3A_1760 : vector<16xf32>
      %add3A_1767 = arith.addf %mul3A_1765, %mul3A_1766 : vector<16xf32>
      %mul3A_1768 = arith.constant 2 : i32
      %mul3A_1769 = arith.muli %mul3A_1768, %scan3A_1739 : i32
      %swap3A = arith.index_cast %mul3A_1769 : i32 to index
      %swap3A_1770 = arith.constant 0 : index
      %swap3A_1771 = tpu.vector_load %arg5[%swap3A, %swap3A_1770] {strides = array<i32>} : memref<128x256xf32, #tpu.memory_space<vmem>>, vector<1x16xf32>,
      %swap3A_1772 = vector.shape_cast %swap3A_1771 : vector<1x16xf32> to vector<16xf32>
      %swap3A_1773 = vector.shape_cast %add3A_1767 : vector<16xf32> to vector<1x16xf32>
      tpu.vector_store %arg5[%swap3A, %swap3A_1770], %swap3A_1773 {strides = array<i32>} : memref<128x256xf32, #tpu.memory_space<vmem>>, vector<1x16xf32>,
      %mul3A_1774 = arith.mulf %broadcast_in_dim3A_39, %get3A_1760 : vector<16xf32>
      %mul3A_1775 = arith.mulf %broadcast_in_dim3A_37, %get3A_1764 : vector<16xf32>
      %add3A_1776 = arith.addf %mul3A_1774, %mul3A_1775 : vector<16xf32>
      %mul3A_1777 = arith.constant 2 : i32
      %mul3A_1778 = arith.muli %mul3A_1777, %scan3A_1739 : i32
      %add3A_1779 = arith.constant 1 : i32
      %add3A_1780 = arith.addi %mul3A_1778, %add3A_1779 : i32
      %swap3A_1781 = arith.index_cast %add3A_1780 : i32 to index
      %swap3A_1782 = arith.constant 0 : index
      %swap3A_1783 = tpu.vector_load %arg5[%swap3A_1781, %swap3A_1782] {strides = array<i32>} : memref<128x256xf32, #tpu.memory_space<vmem>>, vector<1x16xf32>,
      %swap3A_1784 = vector.shape_cast %swap3A_1783 : vector<1x16xf32> to vector<16xf32>
      %swap3A_1785 = vector.shape_cast %add3A_1776 : vector<16xf32> to vector<1x16xf32>
      tpu.vector_store %arg5[%swap3A_1781, %swap3A_1782], %swap3A_1785 {strides = array<i32>} : memref<128x256xf32, #tpu.memory_space<vmem>>, vector<1x16xf32>,
      %get3A_1786 = arith.index_cast %sub3A_1745 : i32 to index
      %get3A_1787 = arith.constant 16 : index
      %get3A_1788 = tpu.vector_load %arg4[%get3A_1786, %get3A_1787] {strides = array<i32>} : memref<80x256xf32, #tpu.memory_space<vmem>>, vector<1x16xf32>,
      %get3A_1789 = vector.shape_cast %get3A_1788 : vector<1x16xf32> to vector<16xf32>
      %get3A_1790 = arith.index_cast %sub3A_1747 : i32 to index
      %get3A_1791 = arith.constant 16 : index
      %get3A_1792 = tpu.vector_load %arg4[%get3A_1790, %get3A_1791] {strides = array<i32>} : memref<80x256xf32, #tpu.memory_space<vmem>>, vector<1x16xf32>,
      %get3A_1793 = vector.shape_cast %get3A_1792 : vector<1x16xf32> to vector<16xf32>
      %get3A_1794 = arith.index_cast %sub3A_1753 : i32 to index
      %get3A_1795 = arith.constant 16 : index
      %get3A_1796 = tpu.vector_load %arg4[%get3A_1794, %get3A_1795] {strides = array<i32>} : memref<80x256xf32, #tpu.memory_space<vmem>>, vector<1x16xf32>,
      %get3A_1797 = vector.shape_cast %get3A_1796 : vector<1x16xf32> to vector<16xf32>
      %mul3A_1798 = arith.mulf %broadcast_in_dim3A_37, %get3A_1789 : vector<16xf32>
      %mul3A_1799 = arith.mulf %broadcast_in_dim3A_39, %get3A_1793 : vector<16xf32>
      %add3A_1800 = arith.addf %mul3A_1798, %mul3A_1799 : vector<16xf32>
      %mul3A_1801 = arith.constant 2 : i32
      %mul3A_1802 = arith.muli %mul3A_1801, %scan3A_1739 : i32
      %swap3A_1803 = arith.index_cast %mul3A_1802 : i32 to index
      %swap3A_1804 = arith.constant 16 : index
      %swap3A_1805 = tpu.vector_load %arg5[%swap3A_1803, %swap3A_1804] {strides = array<i32>} : memref<128x256xf32, #tpu.memory_space<vmem>>, vector<1x16xf32>,
      %swap3A_1806 = vector.shape_cast %swap3A_1805 : vector<1x16xf32> to vector<16xf32>
      %swap3A_1807 = vector.shape_cast %add3A_1800 : vector<16xf32> to vector<1x16xf32>
      tpu.vector_store %arg5[%swap3A_1803, %swap3A_1804], %swap3A_1807 {strides = array<i32>} : memref<128x256xf32, #tpu.memory_space<vmem>>, vector<1x16xf32>,
      %mul3A_1808 = arith.mulf %broadcast_in_dim3A_39, %get3A_1793 : vector<16xf32>
      %mul3A_1809 = arith.mulf %broadcast_in_dim3A_37, %get3A_1797 : vector<16xf32>
      %add3A_1810 = arith.addf %mul3A_1808, %mul3A_1809 : vector<16xf32>
      %mul3A_1811 = arith.constant 2 : i32
      %mul3A_1812 = arith.muli %mul3A_1811, %scan3A_1739 : i32
      %add3A_1813 = arith.constant 1 : i32
      %add3A_1814 = arith.addi %mul3A_1812, %add3A_1813 : i32
      %swap3A_1815 = arith.index_cast %add3A_1814 : i32 to index
      %swap3A_1816 = arith.constant 16 : index
      %swap3A_1817 = tpu.vector_load %arg5[%swap3A_1815, %swap3A_1816] {strides = array<i32>} : memref<128x256xf32, #tpu.memory_space<vmem>>, vector<1x16xf32>,
      %swap3A_1818 = vector.shape_cast %swap3A_1817 : vector<1x16xf32> to vector<16xf32>
      %swap3A_1819 = vector.shape_cast %add3A_1810 : vector<16xf32> to vector<1x16xf32>
      tpu.vector_store %arg5[%swap3A_1815, %swap3A_1816], %swap3A_1819 {strides = array<i32>} : memref<128x256xf32, #tpu.memory_space<vmem>>, vector<1x16xf32>,
      %get3A_1820 = arith.index_cast %sub3A_1745 : i32 to index
      %get3A_1821 = arith.constant 32 : index
      %get3A_1822 = tpu.vector_load %arg4[%get3A_1820, %get3A_1821] {strides = array<i32>} : memref<80x256xf32, #tpu.memory_space<vmem>>, vector<1x16xf32>,
      %get3A_1823 = vector.shape_cast %get3A_1822 : vector<1x16xf32> to vector<16xf32>
      %get3A_1824 = arith.index_cast %sub3A_1747 : i32 to index
      %get3A_1825 = arith.constant 32 : index
      %get3A_1826 = tpu.vector_load %arg4[%get3A_1824, %get3A_1825] {strides = array<i32>} : memref<80x256xf32, #tpu.memory_space<vmem>>, vector<1x16xf32>,
      %get3A_1827 = vector.shape_cast %get3A_1826 : vector<1x16xf32> to vector<16xf32>
      %get3A_1828 = arith.index_cast %sub3A_1753 : i32 to index
      %get3A_1829 = arith.constant 32 : index
      %get3A_1830 = tpu.vector_load %arg4[%get3A_1828, %get3A_1829] {strides = array<i32>} : memref<80x256xf32, #tpu.memory_space<vmem>>, vector<1x16xf32>,
      %get3A_1831 = vector.shape_cast %get3A_1830 : vector<1x16xf32> to vector<16xf32>
      %mul3A_1832 = arith.mulf %broadcast_in_dim3A_37, %get3A_1823 : vector<16xf32>
      %mul3A_1833 = arith.mulf %broadcast_in_dim3A_39, %get3A_1827 : vector<16xf32>
      %add3A_1834 = arith.addf %mul3A_1832, %mul3A_1833 : vector<16xf32>
      %mul3A_1835 = arith.constant 2 : i32
      %mul3A_1836 = arith.muli %mul3A_1835, %scan3A_1739 : i32
      %swap3A_1837 = arith.index_cast %mul3A_1836 : i32 to index
      %swap3A_1838 = arith.constant 32 : index
      %swap3A_1839 = tpu.vector_load %arg5[%swap3A_1837, %swap3A_1838] {strides = array<i32>} : memref<128x256xf32, #tpu.memory_space<vmem>>, vector<1x16xf32>,
      %swap3A_1840 = vector.shape_cast %swap3A_1839 : vector<1x16xf32> to vector<16xf32>
      %swap3A_1841 = vector.shape_cast %add3A_1834 : vector<16xf32> to vector<1x16xf32>
      tpu.vector_store %arg5[%swap3A_1837, %swap3A_1838], %swap3A_1841 {strides = array<i32>} : memref<128x256xf32, #tpu.memory_space<vmem>>, vector<1x16xf32>,
      %mul3A_1842 = arith.mulf %broadcast_in_dim3A_39, %get3A_1827 : vector<16xf32>
      %mul3A_1843 = arith.mulf %broadcast_in_dim3A_37, %get3A_1831 : vector<16xf32>
      %add3A_1844 = arith.addf %mul3A_1842, %mul3A_1843 : vector<16xf32>
      %mul3A_1845 = arith.constant 2 : i32
      %mul3A_1846 = arith.muli %mul3A_1845, %scan3A_1739 : i32
      %add3A_1847 = arith.constant 1 : i32
      %add3A_1848 = arith.addi %mul3A_1846, %add3A_1847 : i32
      %swap3A_1849 = arith.index_cast %add3A_1848 : i32 to index
      %swap3A_1850 = arith.constant 32 : index
      %swap3A_1851 = tpu.vector_load %arg5[%swap3A_1849, %swap3A_1850] {strides = array<i32>} : memref<128x256xf32, #tpu.memory_space<vmem>>, vector<1x16xf32>,
      %swap3A_1852 = vector.shape_cast %swap3A_1851 : vector<1x16xf32> to vector<16xf32>
      %swap3A_1853 = vector.shape_cast %add3A_1844 : vector<16xf32> to vector<1x16xf32>
      tpu.vector_store %arg5[%swap3A_1849, %swap3A_1850], %swap3A_1853 {strides = array<i32>} : memref<128x256xf32, #tpu.memory_space<vmem>>, vector<1x16xf32>,
      %get3A_1854 = arith.index_cast %sub3A_1745 : i32 to index
      %get3A_1855 = arith.constant 48 : index
      %get3A_1856 = tpu.vector_load %arg4[%get3A_1854, %get3A_1855] {strides = array<i32>} : memref<80x256xf32, #tpu.memory_space<vmem>>, vector<1x16xf32>,
      %get3A_1857 = vector.shape_cast %get3A_1856 : vector<1x16xf32> to vector<16xf32>
      %get3A_1858 = arith.index_cast %sub3A_1747 : i32 to index
      %get3A_1859 = arith.constant 48 : index
      %get3A_1860 = tpu.vector_load %arg4[%get3A_1858, %get3A_1859] {strides = array<i32>} : memref<80x256xf32, #tpu.memory_space<vmem>>, vector<1x16xf32>,
      %get3A_1861 = vector.shape_cast %get3A_1860 : vector<1x16xf32> to vector<16xf32>
      %get3A_1862 = arith.index_cast %sub3A_1753 : i32 to index
      %get3A_1863 = arith.constant 48 : index
      %get3A_1864 = tpu.vector_load %arg4[%get3A_1862, %get3A_1863] {strides = array<i32>} : memref<80x256xf32, #tpu.memory_space<vmem>>, vector<1x16xf32>,
      %get3A_1865 = vector.shape_cast %get3A_1864 : vector<1x16xf32> to vector<16xf32>
      %mul3A_1866 = arith.mulf %broadcast_in_dim3A_37, %get3A_1857 : vector<16xf32>
      %mul3A_1867 = arith.mulf %broadcast_in_dim3A_39, %get3A_1861 : vector<16xf32>
      %add3A_1868 = arith.addf %mul3A_1866, %mul3A_1867 : vector<16xf32>
      %mul3A_1869 = arith.constant 2 : i32
      %mul3A_1870 = arith.muli %mul3A_1869, %scan3A_1739 : i32
      %swap3A_1871 = arith.index_cast %mul3A_1870 : i32 to index
      %swap3A_1872 = arith.constant 48 : index
      %swap3A_1873 = tpu.vector_load %arg5[%swap3A_1871, %swap3A_1872] {strides = array<i32>} : memref<128x256xf32, #tpu.memory_space<vmem>>, vector<1x16xf32>,
      %swap3A_1874 = vector.shape_cast %swap3A_1873 : vector<1x16xf32> to vector<16xf32>
      %swap3A_1875 = vector.shape_cast %add3A_1868 : vector<16xf32> to vector<1x16xf32>
      tpu.vector_store %arg5[%swap3A_1871, %swap3A_1872], %swap3A_1875 {strides = array<i32>} : memref<128x256xf32, #tpu.memory_space<vmem>>, vector<1x16xf32>,
      %mul3A_1876 = arith.mulf %broadcast_in_dim3A_39, %get3A_1861 : vector<16xf32>
      %mul3A_1877 = arith.mulf %broadcast_in_dim3A_37, %get3A_1865 : vector<16xf32>
      %add3A_1878 = arith.addf %mul3A_1876, %mul3A_1877 : vector<16xf32>
      %mul3A_1879 = arith.constant 2 : i32
      %mul3A_1880 = arith.muli %mul3A_1879, %scan3A_1739 : i32
      %add3A_1881 = arith.constant 1 : i32
      %add3A_1882 = arith.addi %mul3A_1880, %add3A_1881 : i32
      %swap3A_1883 = arith.index_cast %add3A_1882 : i32 to index
      %swap3A_1884 = arith.constant 48 : index
      %swap3A_1885 = tpu.vector_load %arg5[%swap3A_1883, %swap3A_1884] {strides = array<i32>} : memref<128x256xf32, #tpu.memory_space<vmem>>, vector<1x16xf32>,
      %swap3A_1886 = vector.shape_cast %swap3A_1885 : vector<1x16xf32> to vector<16xf32>
      %swap3A_1887 = vector.shape_cast %add3A_1878 : vector<16xf32> to vector<1x16xf32>
      tpu.vector_store %arg5[%swap3A_1883, %swap3A_1884], %swap3A_1887 {strides = array<i32>} : memref<128x256xf32, #tpu.memory_space<vmem>>, vector<1x16xf32>,
      %get3A_1888 = arith.index_cast %sub3A_1745 : i32 to index
      %get3A_1889 = arith.constant 64 : index
      %get3A_1890 = tpu.vector_load %arg4[%get3A_1888, %get3A_1889] {strides = array<i32>} : memref<80x256xf32, #tpu.memory_space<vmem>>, vector<1x16xf32>,
      %get3A_1891 = vector.shape_cast %get3A_1890 : vector<1x16xf32> to vector<16xf32>
      %get3A_1892 = arith.index_cast %sub3A_1747 : i32 to index
      %get3A_1893 = arith.constant 64 : index
      %get3A_1894 = tpu.vector_load %arg4[%get3A_1892, %get3A_1893] {strides = array<i32>} : memref<80x256xf32, #tpu.memory_space<vmem>>, vector<1x16xf32>,
      %get3A_1895 = vector.shape_cast %get3A_1894 : vector<1x16xf32> to vector<16xf32>
      %get3A_1896 = arith.index_cast %sub3A_1753 : i32 to index
      %get3A_1897 = arith.constant 64 : index
      %get3A_1898 = tpu.vector_load %arg4[%get3A_1896, %get3A_1897] {strides = array<i32>} : memref<80x256xf32, #tpu.memory_space<vmem>>, vector<1x16xf32>,
      %get3A_1899 = vector.shape_cast %get3A_1898 : vector<1x16xf32> to vector<16xf32>
      %mul3A_1900 = arith.mulf %broadcast_in_dim3A_37, %get3A_1891 : vector<16xf32>
      %mul3A_1901 = arith.mulf %broadcast_in_dim3A_39, %get3A_1895 : vector<16xf32>
      %add3A_1902 = arith.addf %mul3A_1900, %mul3A_1901 : vector<16xf32>
      %mul3A_1903 = arith.constant 2 : i32
      %mul3A_1904 = arith.muli %mul3A_1903, %scan3A_1739 : i32
      %swap3A_1905 = arith.index_cast %mul3A_1904 : i32 to index
      %swap3A_1906 = arith.constant 64 : index
      %swap3A_1907 = tpu.vector_load %arg5[%swap3A_1905, %swap3A_1906] {strides = array<i32>} : memref<128x256xf32, #tpu.memory_space<vmem>>, vector<1x16xf32>,
      %swap3A_1908 = vector.shape_cast %swap3A_1907 : vector<1x16xf32> to vector<16xf32>
      %swap3A_1909 = vector.shape_cast %add3A_1902 : vector<16xf32> to vector<1x16xf32>
      tpu.vector_store %arg5[%swap3A_1905, %swap3A_1906], %swap3A_1909 {strides = array<i32>} : memref<128x256xf32, #tpu.memory_space<vmem>>, vector<1x16xf32>,
      %mul3A_1910 = arith.mulf %broadcast_in_dim3A_39, %get3A_1895 : vector<16xf32>
      %mul3A_1911 = arith.mulf %broadcast_in_dim3A_37, %get3A_1899 : vector<16xf32>
      %add3A_1912 = arith.addf %mul3A_1910, %mul3A_1911 : vector<16xf32>
      %mul3A_1913 = arith.constant 2 : i32
      %mul3A_1914 = arith.muli %mul3A_1913, %scan3A_1739 : i32
      %add3A_1915 = arith.constant 1 : i32
      %add3A_1916 = arith.addi %mul3A_1914, %add3A_1915 : i32
      %swap3A_1917 = arith.index_cast %add3A_1916 : i32 to index
      %swap3A_1918 = arith.constant 64 : index
      %swap3A_1919 = tpu.vector_load %arg5[%swap3A_1917, %swap3A_1918] {strides = array<i32>} : memref<128x256xf32, #tpu.memory_space<vmem>>, vector<1x16xf32>,
      %swap3A_1920 = vector.shape_cast %swap3A_1919 : vector<1x16xf32> to vector<16xf32>
      %swap3A_1921 = vector.shape_cast %add3A_1912 : vector<16xf32> to vector<1x16xf32>
      tpu.vector_store %arg5[%swap3A_1917, %swap3A_1918], %swap3A_1921 {strides = array<i32>} : memref<128x256xf32, #tpu.memory_space<vmem>>, vector<1x16xf32>,
      %get3A_1922 = arith.index_cast %sub3A_1745 : i32 to index
      %get3A_1923 = arith.constant 80 : index
      %get3A_1924 = tpu.vector_load %arg4[%get3A_1922, %get3A_1923] {strides = array<i32>} : memref<80x256xf32, #tpu.memory_space<vmem>>, vector<1x16xf32>,
      %get3A_1925 = vector.shape_cast %get3A_1924 : vector<1x16xf32> to vector<16xf32>
      %get3A_1926 = arith.index_cast %sub3A_1747 : i32 to index
      %get3A_1927 = arith.constant 80 : index
      %get3A_1928 = tpu.vector_load %arg4[%get3A_1926, %get3A_1927] {strides = array<i32>} : memref<80x256xf32, #tpu.memory_space<vmem>>, vector<1x16xf32>,
      %get3A_1929 = vector.shape_cast %get3A_1928 : vector<1x16xf32> to vector<16xf32>
      %get3A_1930 = arith.index_cast %sub3A_1753 : i32 to index
      %get3A_1931 = arith.constant 80 : index
      %get3A_1932 = tpu.vector_load %arg4[%get3A_1930, %get3A_1931] {strides = array<i32>} : memref<80x256xf32, #tpu.memory_space<vmem>>, vector<1x16xf32>,
      %get3A_1933 = vector.shape_cast %get3A_1932 : vector<1x16xf32> to vector<16xf32>
      %mul3A_1934 = arith.mulf %broadcast_in_dim3A_37, %get3A_1925 : vector<16xf32>
      %mul3A_1935 = arith.mulf %broadcast_in_dim3A_39, %get3A_1929 : vector<16xf32>
      %add3A_1936 = arith.addf %mul3A_1934, %mul3A_1935 : vector<16xf32>
      %mul3A_1937 = arith.constant 2 : i32
      %mul3A_1938 = arith.muli %mul3A_1937, %scan3A_1739 : i32
      %swap3A_1939 = arith.index_cast %mul3A_1938 : i32 to index
      %swap3A_1940 = arith.constant 80 : index
      %swap3A_1941 = tpu.vector_load %arg5[%swap3A_1939, %swap3A_1940] {strides = array<i32>} : memref<128x256xf32, #tpu.memory_space<vmem>>, vector<1x16xf32>,
      %swap3A_1942 = vector.shape_cast %swap3A_1941 : vector<1x16xf32> to vector<16xf32>
      %swap3A_1943 = vector.shape_cast %add3A_1936 : vector<16xf32> to vector<1x16xf32>
      tpu.vector_store %arg5[%swap3A_1939, %swap3A_1940], %swap3A_1943 {strides = array<i32>} : memref<128x256xf32, #tpu.memory_space<vmem>>, vector<1x16xf32>,
      %mul3A_1944 = arith.mulf %broadcast_in_dim3A_39, %get3A_1929 : vector<16xf32>
      %mul3A_1945 = arith.mulf %broadcast_in_dim3A_37, %get3A_1933 : vector<16xf32>
      %add3A_1946 = arith.addf %mul3A_1944, %mul3A_1945 : vector<16xf32>
      %mul3A_1947 = arith.constant 2 : i32
      %mul3A_1948 = arith.muli %mul3A_1947, %scan3A_1739 : i32
      %add3A_1949 = arith.constant 1 : i32
      %add3A_1950 = arith.addi %mul3A_1948, %add3A_1949 : i32
      %swap3A_1951 = arith.index_cast %add3A_1950 : i32 to index
      %swap3A_1952 = arith.constant 80 : index
      %swap3A_1953 = tpu.vector_load %arg5[%swap3A_1951, %swap3A_1952] {strides = array<i32>} : memref<128x256xf32, #tpu.memory_space<vmem>>, vector<1x16xf32>,
      %swap3A_1954 = vector.shape_cast %swap3A_1953 : vector<1x16xf32> to vector<16xf32>
      %swap3A_1955 = vector.shape_cast %add3A_1946 : vector<16xf32> to vector<1x16xf32>
      tpu.vector_store %arg5[%swap3A_1951, %swap3A_1952], %swap3A_1955 {strides = array<i32>} : memref<128x256xf32, #tpu.memory_space<vmem>>, vector<1x16xf32>,
      %get3A_1956 = arith.index_cast %sub3A_1745 : i32 to index
      %get3A_1957 = arith.constant 96 : index
      %get3A_1958 = tpu.vector_load %arg4[%get3A_1956, %get3A_1957] {strides = array<i32>} : memref<80x256xf32, #tpu.memory_space<vmem>>, vector<1x16xf32>,
      %get3A_1959 = vector.shape_cast %get3A_1958 : vector<1x16xf32> to vector<16xf32>
      %get3A_1960 = arith.index_cast %sub3A_1747 : i32 to index
      %get3A_1961 = arith.constant 96 : index
      %get3A_1962 = tpu.vector_load %arg4[%get3A_1960, %get3A_1961] {strides = array<i32>} : memref<80x256xf32, #tpu.memory_space<vmem>>, vector<1x16xf32>,
      %get3A_1963 = vector.shape_cast %get3A_1962 : vector<1x16xf32> to vector<16xf32>
      %get3A_1964 = arith.index_cast %sub3A_1753 : i32 to index
      %get3A_1965 = arith.constant 96 : index
      %get3A_1966 = tpu.vector_load %arg4[%get3A_1964, %get3A_1965] {strides = array<i32>} : memref<80x256xf32, #tpu.memory_space<vmem>>, vector<1x16xf32>,
      %get3A_1967 = vector.shape_cast %get3A_1966 : vector<1x16xf32> to vector<16xf32>
      %mul3A_1968 = arith.mulf %broadcast_in_dim3A_37, %get3A_1959 : vector<16xf32>
      %mul3A_1969 = arith.mulf %broadcast_in_dim3A_39, %get3A_1963 : vector<16xf32>
      %add3A_1970 = arith.addf %mul3A_1968, %mul3A_1969 : vector<16xf32>
      %mul3A_1971 = arith.constant 2 : i32
      %mul3A_1972 = arith.muli %mul3A_1971, %scan3A_1739 : i32
      %swap3A_1973 = arith.index_cast %mul3A_1972 : i32 to index
      %swap3A_1974 = arith.constant 96 : index
      %swap3A_1975 = tpu.vector_load %arg5[%swap3A_1973, %swap3A_1974] {strides = array<i32>} : memref<128x256xf32, #tpu.memory_space<vmem>>, vector<1x16xf32>,
      %swap3A_1976 = vector.shape_cast %swap3A_1975 : vector<1x16xf32> to vector<16xf32>
      %swap3A_1977 = vector.shape_cast %add3A_1970 : vector<16xf32> to vector<1x16xf32>
      tpu.vector_store %arg5[%swap3A_1973, %swap3A_1974], %swap3A_1977 {strides = array<i32>} : memref<128x256xf32, #tpu.memory_space<vmem>>, vector<1x16xf32>,
      %mul3A_1978 = arith.mulf %broadcast_in_dim3A_39, %get3A_1963 : vector<16xf32>
      %mul3A_1979 = arith.mulf %broadcast_in_dim3A_37, %get3A_1967 : vector<16xf32>
      %add3A_1980 = arith.addf %mul3A_1978, %mul3A_1979 : vector<16xf32>
      %mul3A_1981 = arith.constant 2 : i32
      %mul3A_1982 = arith.muli %mul3A_1981, %scan3A_1739 : i32
      %add3A_1983 = arith.constant 1 : i32
      %add3A_1984 = arith.addi %mul3A_1982, %add3A_1983 : i32
      %swap3A_1985 = arith.index_cast %add3A_1984 : i32 to index
      %swap3A_1986 = arith.constant 96 : index
      %swap3A_1987 = tpu.vector_load %arg5[%swap3A_1985, %swap3A_1986] {strides = array<i32>} : memref<128x256xf32, #tpu.memory_space<vmem>>, vector<1x16xf32>,
      %swap3A_1988 = vector.shape_cast %swap3A_1987 : vector<1x16xf32> to vector<16xf32>
      %swap3A_1989 = vector.shape_cast %add3A_1980 : vector<16xf32> to vector<1x16xf32>
      tpu.vector_store %arg5[%swap3A_1985, %swap3A_1986], %swap3A_1989 {strides = array<i32>} : memref<128x256xf32, #tpu.memory_space<vmem>>, vector<1x16xf32>,
      %get3A_1990 = arith.index_cast %sub3A_1745 : i32 to index
      %get3A_1991 = arith.constant 112 : index
      %get3A_1992 = tpu.vector_load %arg4[%get3A_1990, %get3A_1991] {strides = array<i32>} : memref<80x256xf32, #tpu.memory_space<vmem>>, vector<1x16xf32>,
      %get3A_1993 = vector.shape_cast %get3A_1992 : vector<1x16xf32> to vector<16xf32>
      %get3A_1994 = arith.index_cast %sub3A_1747 : i32 to index
      %get3A_1995 = arith.constant 112 : index
      %get3A_1996 = tpu.vector_load %arg4[%get3A_1994, %get3A_1995] {strides = array<i32>} : memref<80x256xf32, #tpu.memory_space<vmem>>, vector<1x16xf32>,
      %get3A_1997 = vector.shape_cast %get3A_1996 : vector<1x16xf32> to vector<16xf32>
      %get3A_1998 = arith.index_cast %sub3A_1753 : i32 to index
      %get3A_1999 = arith.constant 112 : index
      %get3A_2000 = tpu.vector_load %arg4[%get3A_1998, %get3A_1999] {strides = array<i32>} : memref<80x256xf32, #tpu.memory_space<vmem>>, vector<1x16xf32>,
      %get3A_2001 = vector.shape_cast %get3A_2000 : vector<1x16xf32> to vector<16xf32>
      %mul3A_2002 = arith.mulf %broadcast_in_dim3A_37, %get3A_1993 : vector<16xf32>
      %mul3A_2003 = arith.mulf %broadcast_in_dim3A_39, %get3A_1997 : vector<16xf32>
      %add3A_2004 = arith.addf %mul3A_2002, %mul3A_2003 : vector<16xf32>
      %mul3A_2005 = arith.constant 2 : i32
      %mul3A_2006 = arith.muli %mul3A_2005, %scan3A_1739 : i32
      %swap3A_2007 = arith.index_cast %mul3A_2006 : i32 to index
      %swap3A_2008 = arith.constant 112 : index
      %swap3A_2009 = tpu.vector_load %arg5[%swap3A_2007, %swap3A_2008] {strides = array<i32>} : memref<128x256xf32, #tpu.memory_space<vmem>>, vector<1x16xf32>,
      %swap3A_2010 = vector.shape_cast %swap3A_2009 : vector<1x16xf32> to vector<16xf32>
      %swap3A_2011 = vector.shape_cast %add3A_2004 : vector<16xf32> to vector<1x16xf32>
      tpu.vector_store %arg5[%swap3A_2007, %swap3A_2008], %swap3A_2011 {strides = array<i32>} : memref<128x256xf32, #tpu.memory_space<vmem>>, vector<1x16xf32>,
      %mul3A_2012 = arith.mulf %broadcast_in_dim3A_39, %get3A_1997 : vector<16xf32>
      %mul3A_2013 = arith.mulf %broadcast_in_dim3A_37, %get3A_2001 : vector<16xf32>
      %add3A_2014 = arith.addf %mul3A_2012, %mul3A_2013 : vector<16xf32>
      %mul3A_2015 = arith.constant 2 : i32
      %mul3A_2016 = arith.muli %mul3A_2015, %scan3A_1739 : i32
      %add3A_2017 = arith.constant 1 : i32
      %add3A_2018 = arith.addi %mul3A_2016, %add3A_2017 : i32
      %swap3A_2019 = arith.index_cast %add3A_2018 : i32 to index
      %swap3A_2020 = arith.constant 112 : index
      %swap3A_2021 = tpu.vector_load %arg5[%swap3A_2019, %swap3A_2020] {strides = array<i32>} : memref<128x256xf32, #tpu.memory_space<vmem>>, vector<1x16xf32>,
      %swap3A_2022 = vector.shape_cast %swap3A_2021 : vector<1x16xf32> to vector<16xf32>
      %swap3A_2023 = vector.shape_cast %add3A_2014 : vector<16xf32> to vector<1x16xf32>
      tpu.vector_store %arg5[%swap3A_2019, %swap3A_2020], %swap3A_2023 {strides = array<i32>} : memref<128x256xf32, #tpu.memory_space<vmem>>, vector<1x16xf32>,
      %get3A_2024 = arith.index_cast %sub3A_1745 : i32 to index
      %get3A_2025 = arith.constant 128 : index
      %get3A_2026 = tpu.vector_load %arg4[%get3A_2024, %get3A_2025] {strides = array<i32>} : memref<80x256xf32, #tpu.memory_space<vmem>>, vector<1x16xf32>,
      %get3A_2027 = vector.shape_cast %get3A_2026 : vector<1x16xf32> to vector<16xf32>
      %get3A_2028 = arith.index_cast %sub3A_1747 : i32 to index
      %get3A_2029 = arith.constant 128 : index
      %get3A_2030 = tpu.vector_load %arg4[%get3A_2028, %get3A_2029] {strides = array<i32>} : memref<80x256xf32, #tpu.memory_space<vmem>>, vector<1x16xf32>,
      %get3A_2031 = vector.shape_cast %get3A_2030 : vector<1x16xf32> to vector<16xf32>
      %get3A_2032 = arith.index_cast %sub3A_1753 : i32 to index
      %get3A_2033 = arith.constant 128 : index
      %get3A_2034 = tpu.vector_load %arg4[%get3A_2032, %get3A_2033] {strides = array<i32>} : memref<80x256xf32, #tpu.memory_space<vmem>>, vector<1x16xf32>,
      %get3A_2035 = vector.shape_cast %get3A_2034 : vector<1x16xf32> to vector<16xf32>
      %mul3A_2036 = arith.mulf %broadcast_in_dim3A_37, %get3A_2027 : vector<16xf32>
      %mul3A_2037 = arith.mulf %broadcast_in_dim3A_39, %get3A_2031 : vector<16xf32>
      %add3A_2038 = arith.addf %mul3A_2036, %mul3A_2037 : vector<16xf32>
      %mul3A_2039 = arith.constant 2 : i32
      %mul3A_2040 = arith.muli %mul3A_2039, %scan3A_1739 : i32
      %swap3A_2041 = arith.index_cast %mul3A_2040 : i32 to index
      %swap3A_2042 = arith.constant 128 : index
      %swap3A_2043 = tpu.vector_load %arg5[%swap3A_2041, %swap3A_2042] {strides = array<i32>} : memref<128x256xf32, #tpu.memory_space<vmem>>, vector<1x16xf32>,
      %swap3A_2044 = vector.shape_cast %swap3A_2043 : vector<1x16xf32> to vector<16xf32>
      %swap3A_2045 = vector.shape_cast %add3A_2038 : vector<16xf32> to vector<1x16xf32>
      tpu.vector_store %arg5[%swap3A_2041, %swap3A_2042], %swap3A_2045 {strides = array<i32>} : memref<128x256xf32, #tpu.memory_space<vmem>>, vector<1x16xf32>,
      %mul3A_2046 = arith.mulf %broadcast_in_dim3A_39, %get3A_2031 : vector<16xf32>
      %mul3A_2047 = arith.mulf %broadcast_in_dim3A_37, %get3A_2035 : vector<16xf32>
      %add3A_2048 = arith.addf %mul3A_2046, %mul3A_2047 : vector<16xf32>
      %mul3A_2049 = arith.constant 2 : i32
      %mul3A_2050 = arith.muli %mul3A_2049, %scan3A_1739 : i32
      %add3A_2051 = arith.constant 1 : i32
      %add3A_2052 = arith.addi %mul3A_2050, %add3A_2051 : i32
      %swap3A_2053 = arith.index_cast %add3A_2052 : i32 to index
      %swap3A_2054 = arith.constant 128 : index
      %swap3A_2055 = tpu.vector_load %arg5[%swap3A_2053, %swap3A_2054] {strides = array<i32>} : memref<128x256xf32, #tpu.memory_space<vmem>>, vector<1x16xf32>,
      %swap3A_2056 = vector.shape_cast %swap3A_2055 : vector<1x16xf32> to vector<16xf32>
      %swap3A_2057 = vector.shape_cast %add3A_2048 : vector<16xf32> to vector<1x16xf32>
      tpu.vector_store %arg5[%swap3A_2053, %swap3A_2054], %swap3A_2057 {strides = array<i32>} : memref<128x256xf32, #tpu.memory_space<vmem>>, vector<1x16xf32>,
      %get3A_2058 = arith.index_cast %sub3A_1745 : i32 to index
      %get3A_2059 = arith.constant 144 : index
      %get3A_2060 = tpu.vector_load %arg4[%get3A_2058, %get3A_2059] {strides = array<i32>} : memref<80x256xf32, #tpu.memory_space<vmem>>, vector<1x16xf32>,
      %get3A_2061 = vector.shape_cast %get3A_2060 : vector<1x16xf32> to vector<16xf32>
      %get3A_2062 = arith.index_cast %sub3A_1747 : i32 to index
      %get3A_2063 = arith.constant 144 : index
      %get3A_2064 = tpu.vector_load %arg4[%get3A_2062, %get3A_2063] {strides = array<i32>} : memref<80x256xf32, #tpu.memory_space<vmem>>, vector<1x16xf32>,
      %get3A_2065 = vector.shape_cast %get3A_2064 : vector<1x16xf32> to vector<16xf32>
      %get3A_2066 = arith.index_cast %sub3A_1753 : i32 to index
      %get3A_2067 = arith.constant 144 : index
      %get3A_2068 = tpu.vector_load %arg4[%get3A_2066, %get3A_2067] {strides = array<i32>} : memref<80x256xf32, #tpu.memory_space<vmem>>, vector<1x16xf32>,
      %get3A_2069 = vector.shape_cast %get3A_2068 : vector<1x16xf32> to vector<16xf32>
      %mul3A_2070 = arith.mulf %broadcast_in_dim3A_37, %get3A_2061 : vector<16xf32>
      %mul3A_2071 = arith.mulf %broadcast_in_dim3A_39, %get3A_2065 : vector<16xf32>
      %add3A_2072 = arith.addf %mul3A_2070, %mul3A_2071 : vector<16xf32>
      %mul3A_2073 = arith.constant 2 : i32
      %mul3A_2074 = arith.muli %mul3A_2073, %scan3A_1739 : i32
      %swap3A_2075 = arith.index_cast %mul3A_2074 : i32 to index
      %swap3A_2076 = arith.constant 144 : index
      %swap3A_2077 = tpu.vector_load %arg5[%swap3A_2075, %swap3A_2076] {strides = array<i32>} : memref<128x256xf32, #tpu.memory_space<vmem>>, vector<1x16xf32>,
      %swap3A_2078 = vector.shape_cast %swap3A_2077 : vector<1x16xf32> to vector<16xf32>
      %swap3A_2079 = vector.shape_cast %add3A_2072 : vector<16xf32> to vector<1x16xf32>
      tpu.vector_store %arg5[%swap3A_2075, %swap3A_2076], %swap3A_2079 {strides = array<i32>} : memref<128x256xf32, #tpu.memory_space<vmem>>, vector<1x16xf32>,
      %mul3A_2080 = arith.mulf %broadcast_in_dim3A_39, %get3A_2065 : vector<16xf32>
      %mul3A_2081 = arith.mulf %broadcast_in_dim3A_37, %get3A_2069 : vector<16xf32>
      %add3A_2082 = arith.addf %mul3A_2080, %mul3A_2081 : vector<16xf32>
      %mul3A_2083 = arith.constant 2 : i32
      %mul3A_2084 = arith.muli %mul3A_2083, %scan3A_1739 : i32
      %add3A_2085 = arith.constant 1 : i32
      %add3A_2086 = arith.addi %mul3A_2084, %add3A_2085 : i32
      %swap3A_2087 = arith.index_cast %add3A_2086 : i32 to index
      %swap3A_2088 = arith.constant 144 : index
      %swap3A_2089 = tpu.vector_load %arg5[%swap3A_2087, %swap3A_2088] {strides = array<i32>} : memref<128x256xf32, #tpu.memory_space<vmem>>, vector<1x16xf32>,
      %swap3A_2090 = vector.shape_cast %swap3A_2089 : vector<1x16xf32> to vector<16xf32>
      %swap3A_2091 = vector.shape_cast %add3A_2082 : vector<16xf32> to vector<1x16xf32>
      tpu.vector_store %arg5[%swap3A_2087, %swap3A_2088], %swap3A_2091 {strides = array<i32>} : memref<128x256xf32, #tpu.memory_space<vmem>>, vector<1x16xf32>,
      %get3A_2092 = arith.index_cast %sub3A_1745 : i32 to index
      %get3A_2093 = arith.constant 160 : index
      %get3A_2094 = tpu.vector_load %arg4[%get3A_2092, %get3A_2093] {strides = array<i32>} : memref<80x256xf32, #tpu.memory_space<vmem>>, vector<1x16xf32>,
      %get3A_2095 = vector.shape_cast %get3A_2094 : vector<1x16xf32> to vector<16xf32>
      %get3A_2096 = arith.index_cast %sub3A_1747 : i32 to index
      %get3A_2097 = arith.constant 160 : index
      %get3A_2098 = tpu.vector_load %arg4[%get3A_2096, %get3A_2097] {strides = array<i32>} : memref<80x256xf32, #tpu.memory_space<vmem>>, vector<1x16xf32>,
      %get3A_2099 = vector.shape_cast %get3A_2098 : vector<1x16xf32> to vector<16xf32>
      %get3A_2100 = arith.index_cast %sub3A_1753 : i32 to index
      %get3A_2101 = arith.constant 160 : index
      %get3A_2102 = tpu.vector_load %arg4[%get3A_2100, %get3A_2101] {strides = array<i32>} : memref<80x256xf32, #tpu.memory_space<vmem>>, vector<1x16xf32>,
      %get3A_2103 = vector.shape_cast %get3A_2102 : vector<1x16xf32> to vector<16xf32>
      %mul3A_2104 = arith.mulf %broadcast_in_dim3A_37, %get3A_2095 : vector<16xf32>
      %mul3A_2105 = arith.mulf %broadcast_in_dim3A_39, %get3A_2099 : vector<16xf32>
      %add3A_2106 = arith.addf %mul3A_2104, %mul3A_2105 : vector<16xf32>
      %mul3A_2107 = arith.constant 2 : i32
      %mul3A_2108 = arith.muli %mul3A_2107, %scan3A_1739 : i32
      %swap3A_2109 = arith.index_cast %mul3A_2108 : i32 to index
      %swap3A_2110 = arith.constant 160 : index
      %swap3A_2111 = tpu.vector_load %arg5[%swap3A_2109, %swap3A_2110] {strides = array<i32>} : memref<128x256xf32, #tpu.memory_space<vmem>>, vector<1x16xf32>,
      %swap3A_2112 = vector.shape_cast %swap3A_2111 : vector<1x16xf32> to vector<16xf32>
      %swap3A_2113 = vector.shape_cast %add3A_2106 : vector<16xf32> to vector<1x16xf32>
      tpu.vector_store %arg5[%swap3A_2109, %swap3A_2110], %swap3A_2113 {strides = array<i32>} : memref<128x256xf32, #tpu.memory_space<vmem>>, vector<1x16xf32>,
      %mul3A_2114 = arith.mulf %broadcast_in_dim3A_39, %get3A_2099 : vector<16xf32>
      %mul3A_2115 = arith.mulf %broadcast_in_dim3A_37, %get3A_2103 : vector<16xf32>
      %add3A_2116 = arith.addf %mul3A_2114, %mul3A_2115 : vector<16xf32>
      %mul3A_2117 = arith.constant 2 : i32
      %mul3A_2118 = arith.muli %mul3A_2117, %scan3A_1739 : i32
      %add3A_2119 = arith.constant 1 : i32
      %add3A_2120 = arith.addi %mul3A_2118, %add3A_2119 : i32
      %swap3A_2121 = arith.index_cast %add3A_2120 : i32 to index
      %swap3A_2122 = arith.constant 160 : index
      %swap3A_2123 = tpu.vector_load %arg5[%swap3A_2121, %swap3A_2122] {strides = array<i32>} : memref<128x256xf32, #tpu.memory_space<vmem>>, vector<1x16xf32>,
      %swap3A_2124 = vector.shape_cast %swap3A_2123 : vector<1x16xf32> to vector<16xf32>
      %swap3A_2125 = vector.shape_cast %add3A_2116 : vector<16xf32> to vector<1x16xf32>
      tpu.vector_store %arg5[%swap3A_2121, %swap3A_2122], %swap3A_2125 {strides = array<i32>} : memref<128x256xf32, #tpu.memory_space<vmem>>, vector<1x16xf32>,
      %get3A_2126 = arith.index_cast %sub3A_1745 : i32 to index
      %get3A_2127 = arith.constant 176 : index
      %get3A_2128 = tpu.vector_load %arg4[%get3A_2126, %get3A_2127] {strides = array<i32>} : memref<80x256xf32, #tpu.memory_space<vmem>>, vector<1x16xf32>,
      %get3A_2129 = vector.shape_cast %get3A_2128 : vector<1x16xf32> to vector<16xf32>
      %get3A_2130 = arith.index_cast %sub3A_1747 : i32 to index
      %get3A_2131 = arith.constant 176 : index
      %get3A_2132 = tpu.vector_load %arg4[%get3A_2130, %get3A_2131] {strides = array<i32>} : memref<80x256xf32, #tpu.memory_space<vmem>>, vector<1x16xf32>,
      %get3A_2133 = vector.shape_cast %get3A_2132 : vector<1x16xf32> to vector<16xf32>
      %get3A_2134 = arith.index_cast %sub3A_1753 : i32 to index
      %get3A_2135 = arith.constant 176 : index
      %get3A_2136 = tpu.vector_load %arg4[%get3A_2134, %get3A_2135] {strides = array<i32>} : memref<80x256xf32, #tpu.memory_space<vmem>>, vector<1x16xf32>,
      %get3A_2137 = vector.shape_cast %get3A_2136 : vector<1x16xf32> to vector<16xf32>
      %mul3A_2138 = arith.mulf %broadcast_in_dim3A_37, %get3A_2129 : vector<16xf32>
      %mul3A_2139 = arith.mulf %broadcast_in_dim3A_39, %get3A_2133 : vector<16xf32>
      %add3A_2140 = arith.addf %mul3A_2138, %mul3A_2139 : vector<16xf32>
      %mul3A_2141 = arith.constant 2 : i32
      %mul3A_2142 = arith.muli %mul3A_2141, %scan3A_1739 : i32
      %swap3A_2143 = arith.index_cast %mul3A_2142 : i32 to index
      %swap3A_2144 = arith.constant 176 : index
      %swap3A_2145 = tpu.vector_load %arg5[%swap3A_2143, %swap3A_2144] {strides = array<i32>} : memref<128x256xf32, #tpu.memory_space<vmem>>, vector<1x16xf32>,
      %swap3A_2146 = vector.shape_cast %swap3A_2145 : vector<1x16xf32> to vector<16xf32>
      %swap3A_2147 = vector.shape_cast %add3A_2140 : vector<16xf32> to vector<1x16xf32>
      tpu.vector_store %arg5[%swap3A_2143, %swap3A_2144], %swap3A_2147 {strides = array<i32>} : memref<128x256xf32, #tpu.memory_space<vmem>>, vector<1x16xf32>,
      %mul3A_2148 = arith.mulf %broadcast_in_dim3A_39, %get3A_2133 : vector<16xf32>
      %mul3A_2149 = arith.mulf %broadcast_in_dim3A_37, %get3A_2137 : vector<16xf32>
      %add3A_2150 = arith.addf %mul3A_2148, %mul3A_2149 : vector<16xf32>
      %mul3A_2151 = arith.constant 2 : i32
      %mul3A_2152 = arith.muli %mul3A_2151, %scan3A_1739 : i32
      %add3A_2153 = arith.constant 1 : i32
      %add3A_2154 = arith.addi %mul3A_2152, %add3A_2153 : i32
      %swap3A_2155 = arith.index_cast %add3A_2154 : i32 to index
      %swap3A_2156 = arith.constant 176 : index
      %swap3A_2157 = tpu.vector_load %arg5[%swap3A_2155, %swap3A_2156] {strides = array<i32>} : memref<128x256xf32, #tpu.memory_space<vmem>>, vector<1x16xf32>,
      %swap3A_2158 = vector.shape_cast %swap3A_2157 : vector<1x16xf32> to vector<16xf32>
      %swap3A_2159 = vector.shape_cast %add3A_2150 : vector<16xf32> to vector<1x16xf32>
      tpu.vector_store %arg5[%swap3A_2155, %swap3A_2156], %swap3A_2159 {strides = array<i32>} : memref<128x256xf32, #tpu.memory_space<vmem>>, vector<1x16xf32>,
      %get3A_2160 = arith.index_cast %sub3A_1745 : i32 to index
      %get3A_2161 = arith.constant 192 : index
      %get3A_2162 = tpu.vector_load %arg4[%get3A_2160, %get3A_2161] {strides = array<i32>} : memref<80x256xf32, #tpu.memory_space<vmem>>, vector<1x16xf32>,
      %get3A_2163 = vector.shape_cast %get3A_2162 : vector<1x16xf32> to vector<16xf32>
      %get3A_2164 = arith.index_cast %sub3A_1747 : i32 to index
      %get3A_2165 = arith.constant 192 : index
      %get3A_2166 = tpu.vector_load %arg4[%get3A_2164, %get3A_2165] {strides = array<i32>} : memref<80x256xf32, #tpu.memory_space<vmem>>, vector<1x16xf32>,
      %get3A_2167 = vector.shape_cast %get3A_2166 : vector<1x16xf32> to vector<16xf32>
      %get3A_2168 = arith.index_cast %sub3A_1753 : i32 to index
      %get3A_2169 = arith.constant 192 : index
      %get3A_2170 = tpu.vector_load %arg4[%get3A_2168, %get3A_2169] {strides = array<i32>} : memref<80x256xf32, #tpu.memory_space<vmem>>, vector<1x16xf32>,
      %get3A_2171 = vector.shape_cast %get3A_2170 : vector<1x16xf32> to vector<16xf32>
      %mul3A_2172 = arith.mulf %broadcast_in_dim3A_37, %get3A_2163 : vector<16xf32>
      %mul3A_2173 = arith.mulf %broadcast_in_dim3A_39, %get3A_2167 : vector<16xf32>
      %add3A_2174 = arith.addf %mul3A_2172, %mul3A_2173 : vector<16xf32>
      %mul3A_2175 = arith.constant 2 : i32
      %mul3A_2176 = arith.muli %mul3A_2175, %scan3A_1739 : i32
      %swap3A_2177 = arith.index_cast %mul3A_2176 : i32 to index
      %swap3A_2178 = arith.constant 192 : index
      %swap3A_2179 = tpu.vector_load %arg5[%swap3A_2177, %swap3A_2178] {strides = array<i32>} : memref<128x256xf32, #tpu.memory_space<vmem>>, vector<1x16xf32>,
      %swap3A_2180 = vector.shape_cast %swap3A_2179 : vector<1x16xf32> to vector<16xf32>
      %swap3A_2181 = vector.shape_cast %add3A_2174 : vector<16xf32> to vector<1x16xf32>
      tpu.vector_store %arg5[%swap3A_2177, %swap3A_2178], %swap3A_2181 {strides = array<i32>} : memref<128x256xf32, #tpu.memory_space<vmem>>, vector<1x16xf32>,
      %mul3A_2182 = arith.mulf %broadcast_in_dim3A_39, %get3A_2167 : vector<16xf32>
      %mul3A_2183 = arith.mulf %broadcast_in_dim3A_37, %get3A_2171 : vector<16xf32>
      %add3A_2184 = arith.addf %mul3A_2182, %mul3A_2183 : vector<16xf32>
      %mul3A_2185 = arith.constant 2 : i32
      %mul3A_2186 = arith.muli %mul3A_2185, %scan3A_1739 : i32
      %add3A_2187 = arith.constant 1 : i32
      %add3A_2188 = arith.addi %mul3A_2186, %add3A_2187 : i32
      %swap3A_2189 = arith.index_cast %add3A_2188 : i32 to index
      %swap3A_2190 = arith.constant 192 : index
      %swap3A_2191 = tpu.vector_load %arg5[%swap3A_2189, %swap3A_2190] {strides = array<i32>} : memref<128x256xf32, #tpu.memory_space<vmem>>, vector<1x16xf32>,
      %swap3A_2192 = vector.shape_cast %swap3A_2191 : vector<1x16xf32> to vector<16xf32>
      %swap3A_2193 = vector.shape_cast %add3A_2184 : vector<16xf32> to vector<1x16xf32>
      tpu.vector_store %arg5[%swap3A_2189, %swap3A_2190], %swap3A_2193 {strides = array<i32>} : memref<128x256xf32, #tpu.memory_space<vmem>>, vector<1x16xf32>,
      %get3A_2194 = arith.index_cast %sub3A_1745 : i32 to index
      %get3A_2195 = arith.constant 208 : index
      %get3A_2196 = tpu.vector_load %arg4[%get3A_2194, %get3A_2195] {strides = array<i32>} : memref<80x256xf32, #tpu.memory_space<vmem>>, vector<1x16xf32>,
      %get3A_2197 = vector.shape_cast %get3A_2196 : vector<1x16xf32> to vector<16xf32>
      %get3A_2198 = arith.index_cast %sub3A_1747 : i32 to index
      %get3A_2199 = arith.constant 208 : index
      %get3A_2200 = tpu.vector_load %arg4[%get3A_2198, %get3A_2199] {strides = array<i32>} : memref<80x256xf32, #tpu.memory_space<vmem>>, vector<1x16xf32>,
      %get3A_2201 = vector.shape_cast %get3A_2200 : vector<1x16xf32> to vector<16xf32>
      %get3A_2202 = arith.index_cast %sub3A_1753 : i32 to index
      %get3A_2203 = arith.constant 208 : index
      %get3A_2204 = tpu.vector_load %arg4[%get3A_2202, %get3A_2203] {strides = array<i32>} : memref<80x256xf32, #tpu.memory_space<vmem>>, vector<1x16xf32>,
      %get3A_2205 = vector.shape_cast %get3A_2204 : vector<1x16xf32> to vector<16xf32>
      %mul3A_2206 = arith.mulf %broadcast_in_dim3A_37, %get3A_2197 : vector<16xf32>
      %mul3A_2207 = arith.mulf %broadcast_in_dim3A_39, %get3A_2201 : vector<16xf32>
      %add3A_2208 = arith.addf %mul3A_2206, %mul3A_2207 : vector<16xf32>
      %mul3A_2209 = arith.constant 2 : i32
      %mul3A_2210 = arith.muli %mul3A_2209, %scan3A_1739 : i32
      %swap3A_2211 = arith.index_cast %mul3A_2210 : i32 to index
      %swap3A_2212 = arith.constant 208 : index
      %swap3A_2213 = tpu.vector_load %arg5[%swap3A_2211, %swap3A_2212] {strides = array<i32>} : memref<128x256xf32, #tpu.memory_space<vmem>>, vector<1x16xf32>,
      %swap3A_2214 = vector.shape_cast %swap3A_2213 : vector<1x16xf32> to vector<16xf32>
      %swap3A_2215 = vector.shape_cast %add3A_2208 : vector<16xf32> to vector<1x16xf32>
      tpu.vector_store %arg5[%swap3A_2211, %swap3A_2212], %swap3A_2215 {strides = array<i32>} : memref<128x256xf32, #tpu.memory_space<vmem>>, vector<1x16xf32>,
      %mul3A_2216 = arith.mulf %broadcast_in_dim3A_39, %get3A_2201 : vector<16xf32>
      %mul3A_2217 = arith.mulf %broadcast_in_dim3A_37, %get3A_2205 : vector<16xf32>
      %add3A_2218 = arith.addf %mul3A_2216, %mul3A_2217 : vector<16xf32>
      %mul3A_2219 = arith.constant 2 : i32
      %mul3A_2220 = arith.muli %mul3A_2219, %scan3A_1739 : i32
      %add3A_2221 = arith.constant 1 : i32
      %add3A_2222 = arith.addi %mul3A_2220, %add3A_2221 : i32
      %swap3A_2223 = arith.index_cast %add3A_2222 : i32 to index
      %swap3A_2224 = arith.constant 208 : index
      %swap3A_2225 = tpu.vector_load %arg5[%swap3A_2223, %swap3A_2224] {strides = array<i32>} : memref<128x256xf32, #tpu.memory_space<vmem>>, vector<1x16xf32>,
      %swap3A_2226 = vector.shape_cast %swap3A_2225 : vector<1x16xf32> to vector<16xf32>
      %swap3A_2227 = vector.shape_cast %add3A_2218 : vector<16xf32> to vector<1x16xf32>
      tpu.vector_store %arg5[%swap3A_2223, %swap3A_2224], %swap3A_2227 {strides = array<i32>} : memref<128x256xf32, #tpu.memory_space<vmem>>, vector<1x16xf32>,
      %get3A_2228 = arith.index_cast %sub3A_1745 : i32 to index
      %get3A_2229 = arith.constant 224 : index
      %get3A_2230 = tpu.vector_load %arg4[%get3A_2228, %get3A_2229] {strides = array<i32>} : memref<80x256xf32, #tpu.memory_space<vmem>>, vector<1x16xf32>,
      %get3A_2231 = vector.shape_cast %get3A_2230 : vector<1x16xf32> to vector<16xf32>
      %get3A_2232 = arith.index_cast %sub3A_1747 : i32 to index
      %get3A_2233 = arith.constant 224 : index
      %get3A_2234 = tpu.vector_load %arg4[%get3A_2232, %get3A_2233] {strides = array<i32>} : memref<80x256xf32, #tpu.memory_space<vmem>>, vector<1x16xf32>,
      %get3A_2235 = vector.shape_cast %get3A_2234 : vector<1x16xf32> to vector<16xf32>
      %get3A_2236 = arith.index_cast %sub3A_1753 : i32 to index
      %get3A_2237 = arith.constant 224 : index
      %get3A_2238 = tpu.vector_load %arg4[%get3A_2236, %get3A_2237] {strides = array<i32>} : memref<80x256xf32, #tpu.memory_space<vmem>>, vector<1x16xf32>,
      %get3A_2239 = vector.shape_cast %get3A_2238 : vector<1x16xf32> to vector<16xf32>
      %mul3A_2240 = arith.mulf %broadcast_in_dim3A_37, %get3A_2231 : vector<16xf32>
      %mul3A_2241 = arith.mulf %broadcast_in_dim3A_39, %get3A_2235 : vector<16xf32>
      %add3A_2242 = arith.addf %mul3A_2240, %mul3A_2241 : vector<16xf32>
      %mul3A_2243 = arith.constant 2 : i32
      %mul3A_2244 = arith.muli %mul3A_2243, %scan3A_1739 : i32
      %swap3A_2245 = arith.index_cast %mul3A_2244 : i32 to index
      %swap3A_2246 = arith.constant 224 : index
      %swap3A_2247 = tpu.vector_load %arg5[%swap3A_2245, %swap3A_2246] {strides = array<i32>} : memref<128x256xf32, #tpu.memory_space<vmem>>, vector<1x16xf32>,
      %swap3A_2248 = vector.shape_cast %swap3A_2247 : vector<1x16xf32> to vector<16xf32>
      %swap3A_2249 = vector.shape_cast %add3A_2242 : vector<16xf32> to vector<1x16xf32>
      tpu.vector_store %arg5[%swap3A_2245, %swap3A_2246], %swap3A_2249 {strides = array<i32>} : memref<128x256xf32, #tpu.memory_space<vmem>>, vector<1x16xf32>,
      %mul3A_2250 = arith.mulf %broadcast_in_dim3A_39, %get3A_2235 : vector<16xf32>
      %mul3A_2251 = arith.mulf %broadcast_in_dim3A_37, %get3A_2239 : vector<16xf32>
      %add3A_2252 = arith.addf %mul3A_2250, %mul3A_2251 : vector<16xf32>
      %mul3A_2253 = arith.constant 2 : i32
      %mul3A_2254 = arith.muli %mul3A_2253, %scan3A_1739 : i32
      %add3A_2255 = arith.constant 1 : i32
      %add3A_2256 = arith.addi %mul3A_2254, %add3A_2255 : i32
      %swap3A_2257 = arith.index_cast %add3A_2256 : i32 to index
      %swap3A_2258 = arith.constant 224 : index
      %swap3A_2259 = tpu.vector_load %arg5[%swap3A_2257, %swap3A_2258] {strides = array<i32>} : memref<128x256xf32, #tpu.memory_space<vmem>>, vector<1x16xf32>,
      %swap3A_2260 = vector.shape_cast %swap3A_2259 : vector<1x16xf32> to vector<16xf32>
      %swap3A_2261 = vector.shape_cast %add3A_2252 : vector<16xf32> to vector<1x16xf32>
      tpu.vector_store %arg5[%swap3A_2257, %swap3A_2258], %swap3A_2261 {strides = array<i32>} : memref<128x256xf32, #tpu.memory_space<vmem>>, vector<1x16xf32>,
      %get3A_2262 = arith.index_cast %sub3A_1745 : i32 to index
      %get3A_2263 = arith.constant 240 : index
      %get3A_2264 = tpu.vector_load %arg4[%get3A_2262, %get3A_2263] {strides = array<i32>} : memref<80x256xf32, #tpu.memory_space<vmem>>, vector<1x16xf32>,
      %get3A_2265 = vector.shape_cast %get3A_2264 : vector<1x16xf32> to vector<16xf32>
      %get3A_2266 = arith.index_cast %sub3A_1747 : i32 to index
      %get3A_2267 = arith.constant 240 : index
      %get3A_2268 = tpu.vector_load %arg4[%get3A_2266, %get3A_2267] {strides = array<i32>} : memref<80x256xf32, #tpu.memory_space<vmem>>, vector<1x16xf32>,
      %get3A_2269 = vector.shape_cast %get3A_2268 : vector<1x16xf32> to vector<16xf32>
      %get3A_2270 = arith.index_cast %sub3A_1753 : i32 to index
      %get3A_2271 = arith.constant 240 : index
      %get3A_2272 = tpu.vector_load %arg4[%get3A_2270, %get3A_2271] {strides = array<i32>} : memref<80x256xf32, #tpu.memory_space<vmem>>, vector<1x16xf32>,
      %get3A_2273 = vector.shape_cast %get3A_2272 : vector<1x16xf32> to vector<16xf32>
      %mul3A_2274 = arith.mulf %broadcast_in_dim3A_37, %get3A_2265 : vector<16xf32>
      %mul3A_2275 = arith.mulf %broadcast_in_dim3A_39, %get3A_2269 : vector<16xf32>
      %add3A_2276 = arith.addf %mul3A_2274, %mul3A_2275 : vector<16xf32>
      %mul3A_2277 = arith.constant 2 : i32
      %mul3A_2278 = arith.muli %mul3A_2277, %scan3A_1739 : i32
      %swap3A_2279 = arith.index_cast %mul3A_2278 : i32 to index
      %swap3A_2280 = arith.constant 240 : index
      %swap3A_2281 = tpu.vector_load %arg5[%swap3A_2279, %swap3A_2280] {strides = array<i32>} : memref<128x256xf32, #tpu.memory_space<vmem>>, vector<1x16xf32>,
      %swap3A_2282 = vector.shape_cast %swap3A_2281 : vector<1x16xf32> to vector<16xf32>
      %swap3A_2283 = vector.shape_cast %add3A_2276 : vector<16xf32> to vector<1x16xf32>
      tpu.vector_store %arg5[%swap3A_2279, %swap3A_2280], %swap3A_2283 {strides = array<i32>} : memref<128x256xf32, #tpu.memory_space<vmem>>, vector<1x16xf32>,
      %mul3A_2284 = arith.mulf %broadcast_in_dim3A_39, %get3A_2269 : vector<16xf32>
      %mul3A_2285 = arith.mulf %broadcast_in_dim3A_37, %get3A_2273 : vector<16xf32>
      %add3A_2286 = arith.addf %mul3A_2284, %mul3A_2285 : vector<16xf32>
      %mul3A_2287 = arith.constant 2 : i32
      %mul3A_2288 = arith.muli %mul3A_2287, %scan3A_1739 : i32
      %add3A_2289 = arith.constant 1 : i32
      %add3A_2290 = arith.addi %mul3A_2288, %add3A_2289 : i32
      %swap3A_2291 = arith.index_cast %add3A_2290 : i32 to index
      %swap3A_2292 = arith.constant 240 : index
      %swap3A_2293 = tpu.vector_load %arg5[%swap3A_2291, %swap3A_2292] {strides = array<i32>} : memref<128x256xf32, #tpu.memory_space<vmem>>, vector<1x16xf32>,
      %swap3A_2294 = vector.shape_cast %swap3A_2293 : vector<1x16xf32> to vector<16xf32>
      %swap3A_2295 = vector.shape_cast %add3A_2286 : vector<16xf32> to vector<1x16xf32>
      tpu.vector_store %arg5[%swap3A_2291, %swap3A_2292], %swap3A_2295 {strides = array<i32>} : memref<128x256xf32, #tpu.memory_space<vmem>>, vector<1x16xf32>,
    }
    %scan3A_262 = arith.constant 16 : i32
    %add3A_263 = arith.constant 32 : i32
    %add3A_264 = arith.addi %mul3A_41, %add3A_263 : i32
    %multiple_of3A_265 = tpu.assume_multiple %add3A_264, 8 : i32
    %dma_start3A_266 = arith.constant 0 : i32
    %dma_start3A_267 = arith.constant 32 : i32
    %dma_start3A_268 = arith.constant 0 : i32
    %dma_start3A_269 = tpu.memref_slice %arg5[%dma_start3A_267, %dma_start3A_268] : memref<128x256xf32, #tpu.memory_space<vmem>> -> memref<32x256xf32, #tpu.memory_space<vmem>>
    %dma_start3A_270 = arith.constant 0 : i32
    %dma_start3A_271 = tpu.memref_slice %arg3[%dma_start3A_266, %select_n3A, %multiple_of3A_265, %dma_start3A_270] : memref<16x4x1024x256xf32, #tpu.memory_space<hbm>> -> memref<1x1x32x256xf32, #tpu.memory_space<hbm>>
    %dma_start3A_272 = tpu.memref_squeeze %dma_start3A_271 : memref<1x1x32x256xf32, #tpu.memory_space<hbm>> -> memref<32x256xf32, #tpu.memory_space<hbm>>
    %dma_start3A_273 = arith.constant 0 : i32
    %dma_start3A_274 = tpu.memref_slice %arg3[%dma_start3A_266, %select_n3A, %multiple_of3A_265, %dma_start3A_273] : memref<16x4x1024x256xf32, #tpu.memory_space<hbm>> -> memref<1x1x32x256xf32, #tpu.memory_space<hbm>>
    %dma_start3A_275 = tpu.memref_squeeze %dma_start3A_274 : memref<1x1x32x256xf32, #tpu.memory_space<hbm>> -> memref<32x256xf32, #tpu.memory_space<hbm>>
    %dma_start3A_276 = arith.constant 32 : i32
    %dma_start3A_277 = arith.constant 0 : i32
    %dma_start3A_278 = tpu.memref_slice %arg5[%dma_start3A_276, %dma_start3A_277] : memref<128x256xf32, #tpu.memory_space<vmem>> -> memref<32x256xf32, #tpu.memory_space<vmem>>
    tpu.enqueue_dma source(%dma_start3A_278 : memref<32x256xf32, #tpu.memory_space<vmem>>) target(%dma_start3A_275 : memref<32x256xf32, #tpu.memory_space<hbm>>) target_semaphore(%arg6 : memref<!tpu.dma_semaphore, #tpu.memory_space<semaphore_mem>>)
    %dma_start3A_279 = arith.constant 1 : i32
    %dma_start3A_280 = arith.constant 32 : i32
    %dma_start3A_281 = arith.constant 0 : i32
    %dma_start3A_282 = tpu.memref_slice %arg5[%dma_start3A_280, %dma_start3A_281] : memref<128x256xf32, #tpu.memory_space<vmem>> -> memref<32x256xf32, #tpu.memory_space<vmem>>
    %dma_start3A_283 = arith.constant 0 : i32
    %dma_start3A_284 = tpu.memref_slice %arg3[%dma_start3A_279, %select_n3A, %multiple_of3A_265, %dma_start3A_283] : memref<16x4x1024x256xf32, #tpu.memory_space<hbm>> -> memref<1x1x32x256xf32, #tpu.memory_space<hbm>>
    %dma_start3A_285 = tpu.memref_squeeze %dma_start3A_284 : memref<1x1x32x256xf32, #tpu.memory_space<hbm>> -> memref<32x256xf32, #tpu.memory_space<hbm>>
    %dma_start3A_286 = arith.constant 0 : i32
    %dma_start3A_287 = tpu.memref_slice %arg3[%dma_start3A_279, %select_n3A, %multiple_of3A_265, %dma_start3A_286] : memref<16x4x1024x256xf32, #tpu.memory_space<hbm>> -> memref<1x1x32x256xf32, #tpu.memory_space<hbm>>
    %dma_start3A_288 = tpu.memref_squeeze %dma_start3A_287 : memref<1x1x32x256xf32, #tpu.memory_space<hbm>> -> memref<32x256xf32, #tpu.memory_space<hbm>>
    %dma_start3A_289 = arith.constant 32 : i32
    %dma_start3A_290 = arith.constant 0 : i32
    %dma_start3A_291 = tpu.memref_slice %arg5[%dma_start3A_289, %dma_start3A_290] : memref<128x256xf32, #tpu.memory_space<vmem>> -> memref<32x256xf32, #tpu.memory_space<vmem>>
    tpu.enqueue_dma source(%dma_start3A_291 : memref<32x256xf32, #tpu.memory_space<vmem>>) target(%dma_start3A_288 : memref<32x256xf32, #tpu.memory_space<hbm>>) target_semaphore(%arg6 : memref<!tpu.dma_semaphore, #tpu.memory_space<semaphore_mem>>)
    %dma_start3A_292 = arith.constant 2 : i32
    %dma_start3A_293 = arith.constant 32 : i32
    %dma_start3A_294 = arith.constant 0 : i32
    %dma_start3A_295 = tpu.memref_slice %arg5[%dma_start3A_293, %dma_start3A_294] : memref<128x256xf32, #tpu.memory_space<vmem>> -> memref<32x256xf32, #tpu.memory_space<vmem>>
    %dma_start3A_296 = arith.constant 0 : i32
    %dma_start3A_297 = tpu.memref_slice %arg3[%dma_start3A_292, %select_n3A, %multiple_of3A_265, %dma_start3A_296] : memref<16x4x1024x256xf32, #tpu.memory_space<hbm>> -> memref<1x1x32x256xf32, #tpu.memory_space<hbm>>
    %dma_start3A_298 = tpu.memref_squeeze %dma_start3A_297 : memref<1x1x32x256xf32, #tpu.memory_space<hbm>> -> memref<32x256xf32, #tpu.memory_space<hbm>>
    %dma_start3A_299 = arith.constant 0 : i32
    %dma_start3A_300 = tpu.memref_slice %arg3[%dma_start3A_292, %select_n3A, %multiple_of3A_265, %dma_start3A_299] : memref<16x4x1024x256xf32, #tpu.memory_space<hbm>> -> memref<1x1x32x256xf32, #tpu.memory_space<hbm>>
    %dma_start3A_301 = tpu.memref_squeeze %dma_start3A_300 : memref<1x1x32x256xf32, #tpu.memory_space<hbm>> -> memref<32x256xf32, #tpu.memory_space<hbm>>
    %dma_start3A_302 = arith.constant 32 : i32
    %dma_start3A_303 = arith.constant 0 : i32
    %dma_start3A_304 = tpu.memref_slice %arg5[%dma_start3A_302, %dma_start3A_303] : memref<128x256xf32, #tpu.memory_space<vmem>> -> memref<32x256xf32, #tpu.memory_space<vmem>>
    tpu.enqueue_dma source(%dma_start3A_304 : memref<32x256xf32, #tpu.memory_space<vmem>>) target(%dma_start3A_301 : memref<32x256xf32, #tpu.memory_space<hbm>>) target_semaphore(%arg6 : memref<!tpu.dma_semaphore, #tpu.memory_space<semaphore_mem>>)
    %dma_start3A_305 = arith.constant 3 : i32
    %dma_start3A_306 = arith.constant 32 : i32
    %dma_start3A_307 = arith.constant 0 : i32
    %dma_start3A_308 = tpu.memref_slice %arg5[%dma_start3A_306, %dma_start3A_307] : memref<128x256xf32, #tpu.memory_space<vmem>> -> memref<32x256xf32, #tpu.memory_space<vmem>>
    %dma_start3A_309 = arith.constant 0 : i32
    %dma_start3A_310 = tpu.memref_slice %arg3[%dma_start3A_305, %select_n3A, %multiple_of3A_265, %dma_start3A_309] : memref<16x4x1024x256xf32, #tpu.memory_space<hbm>> -> memref<1x1x32x256xf32, #tpu.memory_space<hbm>>
    %dma_start3A_311 = tpu.memref_squeeze %dma_start3A_310 : memref<1x1x32x256xf32, #tpu.memory_space<hbm>> -> memref<32x256xf32, #tpu.memory_space<hbm>>
    %dma_start3A_312 = arith.constant 0 : i32
    %dma_start3A_313 = tpu.memref_slice %arg3[%dma_start3A_305, %select_n3A, %multiple_of3A_265, %dma_start3A_312] : memref<16x4x1024x256xf32, #tpu.memory_space<hbm>> -> memref<1x1x32x256xf32, #tpu.memory_space<hbm>>
    %dma_start3A_314 = tpu.memref_squeeze %dma_start3A_313 : memref<1x1x32x256xf32, #tpu.memory_space<hbm>> -> memref<32x256xf32, #tpu.memory_space<hbm>>
    %dma_start3A_315 = arith.constant 32 : i32
    %dma_start3A_316 = arith.constant 0 : i32
    %dma_start3A_317 = tpu.memref_slice %arg5[%dma_start3A_315, %dma_start3A_316] : memref<128x256xf32, #tpu.memory_space<vmem>> -> memref<32x256xf32, #tpu.memory_space<vmem>>
    tpu.enqueue_dma source(%dma_start3A_317 : memref<32x256xf32, #tpu.memory_space<vmem>>) target(%dma_start3A_314 : memref<32x256xf32, #tpu.memory_space<hbm>>) target_semaphore(%arg6 : memref<!tpu.dma_semaphore, #tpu.memory_space<semaphore_mem>>)
    %dma_start3A_318 = arith.constant 4 : i32
    %dma_start3A_319 = arith.constant 32 : i32
    %dma_start3A_320 = arith.constant 0 : i32
    %dma_start3A_321 = tpu.memref_slice %arg5[%dma_start3A_319, %dma_start3A_320] : memref<128x256xf32, #tpu.memory_space<vmem>> -> memref<32x256xf32, #tpu.memory_space<vmem>>
    %dma_start3A_322 = arith.constant 0 : i32
    %dma_start3A_323 = tpu.memref_slice %arg3[%dma_start3A_318, %select_n3A, %multiple_of3A_265, %dma_start3A_322] : memref<16x4x1024x256xf32, #tpu.memory_space<hbm>> -> memref<1x1x32x256xf32, #tpu.memory_space<hbm>>
    %dma_start3A_324 = tpu.memref_squeeze %dma_start3A_323 : memref<1x1x32x256xf32, #tpu.memory_space<hbm>> -> memref<32x256xf32, #tpu.memory_space<hbm>>
    %dma_start3A_325 = arith.constant 0 : i32
    %dma_start3A_326 = tpu.memref_slice %arg3[%dma_start3A_318, %select_n3A, %multiple_of3A_265, %dma_start3A_325] : memref<16x4x1024x256xf32, #tpu.memory_space<hbm>> -> memref<1x1x32x256xf32, #tpu.memory_space<hbm>>
    %dma_start3A_327 = tpu.memref_squeeze %dma_start3A_326 : memref<1x1x32x256xf32, #tpu.memory_space<hbm>> -> memref<32x256xf32, #tpu.memory_space<hbm>>
    %dma_start3A_328 = arith.constant 32 : i32
    %dma_start3A_329 = arith.constant 0 : i32
    %dma_start3A_330 = tpu.memref_slice %arg5[%dma_start3A_328, %dma_start3A_329] : memref<128x256xf32, #tpu.memory_space<vmem>> -> memref<32x256xf32, #tpu.memory_space<vmem>>
    tpu.enqueue_dma source(%dma_start3A_330 : memref<32x256xf32, #tpu.memory_space<vmem>>) target(%dma_start3A_327 : memref<32x256xf32, #tpu.memory_space<hbm>>) target_semaphore(%arg6 : memref<!tpu.dma_semaphore, #tpu.memory_space<semaphore_mem>>)
    %dma_start3A_331 = arith.constant 5 : i32
    %dma_start3A_332 = arith.constant 32 : i32
    %dma_start3A_333 = arith.constant 0 : i32
    %dma_start3A_334 = tpu.memref_slice %arg5[%dma_start3A_332, %dma_start3A_333] : memref<128x256xf32, #tpu.memory_space<vmem>> -> memref<32x256xf32, #tpu.memory_space<vmem>>
    %dma_start3A_335 = arith.constant 0 : i32
    %dma_start3A_336 = tpu.memref_slice %arg3[%dma_start3A_331, %select_n3A, %multiple_of3A_265, %dma_start3A_335] : memref<16x4x1024x256xf32, #tpu.memory_space<hbm>> -> memref<1x1x32x256xf32, #tpu.memory_space<hbm>>
    %dma_start3A_337 = tpu.memref_squeeze %dma_start3A_336 : memref<1x1x32x256xf32, #tpu.memory_space<hbm>> -> memref<32x256xf32, #tpu.memory_space<hbm>>
    %dma_start3A_338 = arith.constant 0 : i32
    %dma_start3A_339 = tpu.memref_slice %arg3[%dma_start3A_331, %select_n3A, %multiple_of3A_265, %dma_start3A_338] : memref<16x4x1024x256xf32, #tpu.memory_space<hbm>> -> memref<1x1x32x256xf32, #tpu.memory_space<hbm>>
    %dma_start3A_340 = tpu.memref_squeeze %dma_start3A_339 : memref<1x1x32x256xf32, #tpu.memory_space<hbm>> -> memref<32x256xf32, #tpu.memory_space<hbm>>
    %dma_start3A_341 = arith.constant 32 : i32
    %dma_start3A_342 = arith.constant 0 : i32
    %dma_start3A_343 = tpu.memref_slice %arg5[%dma_start3A_341, %dma_start3A_342] : memref<128x256xf32, #tpu.memory_space<vmem>> -> memref<32x256xf32, #tpu.memory_space<vmem>>
    tpu.enqueue_dma source(%dma_start3A_343 : memref<32x256xf32, #tpu.memory_space<vmem>>) target(%dma_start3A_340 : memref<32x256xf32, #tpu.memory_space<hbm>>) target_semaphore(%arg6 : memref<!tpu.dma_semaphore, #tpu.memory_space<semaphore_mem>>)
    %dma_start3A_344 = arith.constant 6 : i32
    %dma_start3A_345 = arith.constant 32 : i32
    %dma_start3A_346 = arith.constant 0 : i32
    %dma_start3A_347 = tpu.memref_slice %arg5[%dma_start3A_345, %dma_start3A_346] : memref<128x256xf32, #tpu.memory_space<vmem>> -> memref<32x256xf32, #tpu.memory_space<vmem>>
    %dma_start3A_348 = arith.constant 0 : i32
    %dma_start3A_349 = tpu.memref_slice %arg3[%dma_start3A_344, %select_n3A, %multiple_of3A_265, %dma_start3A_348] : memref<16x4x1024x256xf32, #tpu.memory_space<hbm>> -> memref<1x1x32x256xf32, #tpu.memory_space<hbm>>
    %dma_start3A_350 = tpu.memref_squeeze %dma_start3A_349 : memref<1x1x32x256xf32, #tpu.memory_space<hbm>> -> memref<32x256xf32, #tpu.memory_space<hbm>>
    %dma_start3A_351 = arith.constant 0 : i32
    %dma_start3A_352 = tpu.memref_slice %arg3[%dma_start3A_344, %select_n3A, %multiple_of3A_265, %dma_start3A_351] : memref<16x4x1024x256xf32, #tpu.memory_space<hbm>> -> memref<1x1x32x256xf32, #tpu.memory_space<hbm>>
    %dma_start3A_353 = tpu.memref_squeeze %dma_start3A_352 : memref<1x1x32x256xf32, #tpu.memory_space<hbm>> -> memref<32x256xf32, #tpu.memory_space<hbm>>
    %dma_start3A_354 = arith.constant 32 : i32
    %dma_start3A_355 = arith.constant 0 : i32
    %dma_start3A_356 = tpu.memref_slice %arg5[%dma_start3A_354, %dma_start3A_355] : memref<128x256xf32, #tpu.memory_space<vmem>> -> memref<32x256xf32, #tpu.memory_space<vmem>>
    tpu.enqueue_dma source(%dma_start3A_356 : memref<32x256xf32, #tpu.memory_space<vmem>>) target(%dma_start3A_353 : memref<32x256xf32, #tpu.memory_space<hbm>>) target_semaphore(%arg6 : memref<!tpu.dma_semaphore, #tpu.memory_space<semaphore_mem>>)
    %dma_start3A_357 = arith.constant 7 : i32
    %dma_start3A_358 = arith.constant 32 : i32
    %dma_start3A_359 = arith.constant 0 : i32
    %dma_start3A_360 = tpu.memref_slice %arg5[%dma_start3A_358, %dma_start3A_359] : memref<128x256xf32, #tpu.memory_space<vmem>> -> memref<32x256xf32, #tpu.memory_space<vmem>>
    %dma_start3A_361 = arith.constant 0 : i32
    %dma_start3A_362 = tpu.memref_slice %arg3[%dma_start3A_357, %select_n3A, %multiple_of3A_265, %dma_start3A_361] : memref<16x4x1024x256xf32, #tpu.memory_space<hbm>> -> memref<1x1x32x256xf32, #tpu.memory_space<hbm>>
    %dma_start3A_363 = tpu.memref_squeeze %dma_start3A_362 : memref<1x1x32x256xf32, #tpu.memory_space<hbm>> -> memref<32x256xf32, #tpu.memory_space<hbm>>
    %dma_start3A_364 = arith.constant 0 : i32
    %dma_start3A_365 = tpu.memref_slice %arg3[%dma_start3A_357, %select_n3A, %multiple_of3A_265, %dma_start3A_364] : memref<16x4x1024x256xf32, #tpu.memory_space<hbm>> -> memref<1x1x32x256xf32, #tpu.memory_space<hbm>>
    %dma_start3A_366 = tpu.memref_squeeze %dma_start3A_365 : memref<1x1x32x256xf32, #tpu.memory_space<hbm>> -> memref<32x256xf32, #tpu.memory_space<hbm>>
    %dma_start3A_367 = arith.constant 32 : i32
    %dma_start3A_368 = arith.constant 0 : i32
    %dma_start3A_369 = tpu.memref_slice %arg5[%dma_start3A_367, %dma_start3A_368] : memref<128x256xf32, #tpu.memory_space<vmem>> -> memref<32x256xf32, #tpu.memory_space<vmem>>
    tpu.enqueue_dma source(%dma_start3A_369 : memref<32x256xf32, #tpu.memory_space<vmem>>) target(%dma_start3A_366 : memref<32x256xf32, #tpu.memory_space<hbm>>) target_semaphore(%arg6 : memref<!tpu.dma_semaphore, #tpu.memory_space<semaphore_mem>>)
    %dma_start3A_370 = arith.constant 8 : i32
    %dma_start3A_371 = arith.constant 32 : i32
    %dma_start3A_372 = arith.constant 0 : i32
    %dma_start3A_373 = tpu.memref_slice %arg5[%dma_start3A_371, %dma_start3A_372] : memref<128x256xf32, #tpu.memory_space<vmem>> -> memref<32x256xf32, #tpu.memory_space<vmem>>
    %dma_start3A_374 = arith.constant 0 : i32
    %dma_start3A_375 = tpu.memref_slice %arg3[%dma_start3A_370, %select_n3A, %multiple_of3A_265, %dma_start3A_374] : memref<16x4x1024x256xf32, #tpu.memory_space<hbm>> -> memref<1x1x32x256xf32, #tpu.memory_space<hbm>>
    %dma_start3A_376 = tpu.memref_squeeze %dma_start3A_375 : memref<1x1x32x256xf32, #tpu.memory_space<hbm>> -> memref<32x256xf32, #tpu.memory_space<hbm>>
    %dma_start3A_377 = arith.constant 0 : i32
    %dma_start3A_378 = tpu.memref_slice %arg3[%dma_start3A_370, %select_n3A, %multiple_of3A_265, %dma_start3A_377] : memref<16x4x1024x256xf32, #tpu.memory_space<hbm>> -> memref<1x1x32x256xf32, #tpu.memory_space<hbm>>
    %dma_start3A_379 = tpu.memref_squeeze %dma_start3A_378 : memref<1x1x32x256xf32, #tpu.memory_space<hbm>> -> memref<32x256xf32, #tpu.memory_space<hbm>>
    %dma_start3A_380 = arith.constant 32 : i32
    %dma_start3A_381 = arith.constant 0 : i32
    %dma_start3A_382 = tpu.memref_slice %arg5[%dma_start3A_380, %dma_start3A_381] : memref<128x256xf32, #tpu.memory_space<vmem>> -> memref<32x256xf32, #tpu.memory_space<vmem>>
    tpu.enqueue_dma source(%dma_start3A_382 : memref<32x256xf32, #tpu.memory_space<vmem>>) target(%dma_start3A_379 : memref<32x256xf32, #tpu.memory_space<hbm>>) target_semaphore(%arg6 : memref<!tpu.dma_semaphore, #tpu.memory_space<semaphore_mem>>)
    %dma_start3A_383 = arith.constant 9 : i32
    %dma_start3A_384 = arith.constant 32 : i32
    %dma_start3A_385 = arith.constant 0 : i32
    %dma_start3A_386 = tpu.memref_slice %arg5[%dma_start3A_384, %dma_start3A_385] : memref<128x256xf32, #tpu.memory_space<vmem>> -> memref<32x256xf32, #tpu.memory_space<vmem>>
    %dma_start3A_387 = arith.constant 0 : i32
    %dma_start3A_388 = tpu.memref_slice %arg3[%dma_start3A_383, %select_n3A, %multiple_of3A_265, %dma_start3A_387] : memref<16x4x1024x256xf32, #tpu.memory_space<hbm>> -> memref<1x1x32x256xf32, #tpu.memory_space<hbm>>
    %dma_start3A_389 = tpu.memref_squeeze %dma_start3A_388 : memref<1x1x32x256xf32, #tpu.memory_space<hbm>> -> memref<32x256xf32, #tpu.memory_space<hbm>>
    %dma_start3A_390 = arith.constant 0 : i32
    %dma_start3A_391 = tpu.memref_slice %arg3[%dma_start3A_383, %select_n3A, %multiple_of3A_265, %dma_start3A_390] : memref<16x4x1024x256xf32, #tpu.memory_space<hbm>> -> memref<1x1x32x256xf32, #tpu.memory_space<hbm>>
    %dma_start3A_392 = tpu.memref_squeeze %dma_start3A_391 : memref<1x1x32x256xf32, #tpu.memory_space<hbm>> -> memref<32x256xf32, #tpu.memory_space<hbm>>
    %dma_start3A_393 = arith.constant 32 : i32
    %dma_start3A_394 = arith.constant 0 : i32
    %dma_start3A_395 = tpu.memref_slice %arg5[%dma_start3A_393, %dma_start3A_394] : memref<128x256xf32, #tpu.memory_space<vmem>> -> memref<32x256xf32, #tpu.memory_space<vmem>>
    tpu.enqueue_dma source(%dma_start3A_395 : memref<32x256xf32, #tpu.memory_space<vmem>>) target(%dma_start3A_392 : memref<32x256xf32, #tpu.memory_space<hbm>>) target_semaphore(%arg6 : memref<!tpu.dma_semaphore, #tpu.memory_space<semaphore_mem>>)
    %dma_start3A_396 = arith.constant 10 : i32
    %dma_start3A_397 = arith.constant 32 : i32
    %dma_start3A_398 = arith.constant 0 : i32
    %dma_start3A_399 = tpu.memref_slice %arg5[%dma_start3A_397, %dma_start3A_398] : memref<128x256xf32, #tpu.memory_space<vmem>> -> memref<32x256xf32, #tpu.memory_space<vmem>>
    %dma_start3A_400 = arith.constant 0 : i32
    %dma_start3A_401 = tpu.memref_slice %arg3[%dma_start3A_396, %select_n3A, %multiple_of3A_265, %dma_start3A_400] : memref<16x4x1024x256xf32, #tpu.memory_space<hbm>> -> memref<1x1x32x256xf32, #tpu.memory_space<hbm>>
    %dma_start3A_402 = tpu.memref_squeeze %dma_start3A_401 : memref<1x1x32x256xf32, #tpu.memory_space<hbm>> -> memref<32x256xf32, #tpu.memory_space<hbm>>
    %dma_start3A_403 = arith.constant 0 : i32
    %dma_start3A_404 = tpu.memref_slice %arg3[%dma_start3A_396, %select_n3A, %multiple_of3A_265, %dma_start3A_403] : memref<16x4x1024x256xf32, #tpu.memory_space<hbm>> -> memref<1x1x32x256xf32, #tpu.memory_space<hbm>>
    %dma_start3A_405 = tpu.memref_squeeze %dma_start3A_404 : memref<1x1x32x256xf32, #tpu.memory_space<hbm>> -> memref<32x256xf32, #tpu.memory_space<hbm>>
    %dma_start3A_406 = arith.constant 32 : i32
    %dma_start3A_407 = arith.constant 0 : i32
    %dma_start3A_408 = tpu.memref_slice %arg5[%dma_start3A_406, %dma_start3A_407] : memref<128x256xf32, #tpu.memory_space<vmem>> -> memref<32x256xf32, #tpu.memory_space<vmem>>
    tpu.enqueue_dma source(%dma_start3A_408 : memref<32x256xf32, #tpu.memory_space<vmem>>) target(%dma_start3A_405 : memref<32x256xf32, #tpu.memory_space<hbm>>) target_semaphore(%arg6 : memref<!tpu.dma_semaphore, #tpu.memory_space<semaphore_mem>>)
    %dma_start3A_409 = arith.constant 11 : i32
    %dma_start3A_410 = arith.constant 32 : i32
    %dma_start3A_411 = arith.constant 0 : i32
    %dma_start3A_412 = tpu.memref_slice %arg5[%dma_start3A_410, %dma_start3A_411] : memref<128x256xf32, #tpu.memory_space<vmem>> -> memref<32x256xf32, #tpu.memory_space<vmem>>
    %dma_start3A_413 = arith.constant 0 : i32
    %dma_start3A_414 = tpu.memref_slice %arg3[%dma_start3A_409, %select_n3A, %multiple_of3A_265, %dma_start3A_413] : memref<16x4x1024x256xf32, #tpu.memory_space<hbm>> -> memref<1x1x32x256xf32, #tpu.memory_space<hbm>>
    %dma_start3A_415 = tpu.memref_squeeze %dma_start3A_414 : memref<1x1x32x256xf32, #tpu.memory_space<hbm>> -> memref<32x256xf32, #tpu.memory_space<hbm>>
    %dma_start3A_416 = arith.constant 0 : i32
    %dma_start3A_417 = tpu.memref_slice %arg3[%dma_start3A_409, %select_n3A, %multiple_of3A_265, %dma_start3A_416] : memref<16x4x1024x256xf32, #tpu.memory_space<hbm>> -> memref<1x1x32x256xf32, #tpu.memory_space<hbm>>
    %dma_start3A_418 = tpu.memref_squeeze %dma_start3A_417 : memref<1x1x32x256xf32, #tpu.memory_space<hbm>> -> memref<32x256xf32, #tpu.memory_space<hbm>>
    %dma_start3A_419 = arith.constant 32 : i32
    %dma_start3A_420 = arith.constant 0 : i32
    %dma_start3A_421 = tpu.memref_slice %arg5[%dma_start3A_419, %dma_start3A_420] : memref<128x256xf32, #tpu.memory_space<vmem>> -> memref<32x256xf32, #tpu.memory_space<vmem>>
    tpu.enqueue_dma source(%dma_start3A_421 : memref<32x256xf32, #tpu.memory_space<vmem>>) target(%dma_start3A_418 : memref<32x256xf32, #tpu.memory_space<hbm>>) target_semaphore(%arg6 : memref<!tpu.dma_semaphore, #tpu.memory_space<semaphore_mem>>)
    %dma_start3A_422 = arith.constant 12 : i32
    %dma_start3A_423 = arith.constant 32 : i32
    %dma_start3A_424 = arith.constant 0 : i32
    %dma_start3A_425 = tpu.memref_slice %arg5[%dma_start3A_423, %dma_start3A_424] : memref<128x256xf32, #tpu.memory_space<vmem>> -> memref<32x256xf32, #tpu.memory_space<vmem>>
    %dma_start3A_426 = arith.constant 0 : i32
    %dma_start3A_427 = tpu.memref_slice %arg3[%dma_start3A_422, %select_n3A, %multiple_of3A_265, %dma_start3A_426] : memref<16x4x1024x256xf32, #tpu.memory_space<hbm>> -> memref<1x1x32x256xf32, #tpu.memory_space<hbm>>
    %dma_start3A_428 = tpu.memref_squeeze %dma_start3A_427 : memref<1x1x32x256xf32, #tpu.memory_space<hbm>> -> memref<32x256xf32, #tpu.memory_space<hbm>>
    %dma_start3A_429 = arith.constant 0 : i32
    %dma_start3A_430 = tpu.memref_slice %arg3[%dma_start3A_422, %select_n3A, %multiple_of3A_265, %dma_start3A_429] : memref<16x4x1024x256xf32, #tpu.memory_space<hbm>> -> memref<1x1x32x256xf32, #tpu.memory_space<hbm>>
    %dma_start3A_431 = tpu.memref_squeeze %dma_start3A_430 : memref<1x1x32x256xf32, #tpu.memory_space<hbm>> -> memref<32x256xf32, #tpu.memory_space<hbm>>
    %dma_start3A_432 = arith.constant 32 : i32
    %dma_start3A_433 = arith.constant 0 : i32
    %dma_start3A_434 = tpu.memref_slice %arg5[%dma_start3A_432, %dma_start3A_433] : memref<128x256xf32, #tpu.memory_space<vmem>> -> memref<32x256xf32, #tpu.memory_space<vmem>>
    tpu.enqueue_dma source(%dma_start3A_434 : memref<32x256xf32, #tpu.memory_space<vmem>>) target(%dma_start3A_431 : memref<32x256xf32, #tpu.memory_space<hbm>>) target_semaphore(%arg6 : memref<!tpu.dma_semaphore, #tpu.memory_space<semaphore_mem>>)
    %dma_start3A_435 = arith.constant 13 : i32
    %dma_start3A_436 = arith.constant 32 : i32
    %dma_start3A_437 = arith.constant 0 : i32
    %dma_start3A_438 = tpu.memref_slice %arg5[%dma_start3A_436, %dma_start3A_437] : memref<128x256xf32, #tpu.memory_space<vmem>> -> memref<32x256xf32, #tpu.memory_space<vmem>>
    %dma_start3A_439 = arith.constant 0 : i32
    %dma_start3A_440 = tpu.memref_slice %arg3[%dma_start3A_435, %select_n3A, %multiple_of3A_265, %dma_start3A_439] : memref<16x4x1024x256xf32, #tpu.memory_space<hbm>> -> memref<1x1x32x256xf32, #tpu.memory_space<hbm>>
    %dma_start3A_441 = tpu.memref_squeeze %dma_start3A_440 : memref<1x1x32x256xf32, #tpu.memory_space<hbm>> -> memref<32x256xf32, #tpu.memory_space<hbm>>
    %dma_start3A_442 = arith.constant 0 : i32
    %dma_start3A_443 = tpu.memref_slice %arg3[%dma_start3A_435, %select_n3A, %multiple_of3A_265, %dma_start3A_442] : memref<16x4x1024x256xf32, #tpu.memory_space<hbm>> -> memref<1x1x32x256xf32, #tpu.memory_space<hbm>>
    %dma_start3A_444 = tpu.memref_squeeze %dma_start3A_443 : memref<1x1x32x256xf32, #tpu.memory_space<hbm>> -> memref<32x256xf32, #tpu.memory_space<hbm>>
    %dma_start3A_445 = arith.constant 32 : i32
    %dma_start3A_446 = arith.constant 0 : i32
    %dma_start3A_447 = tpu.memref_slice %arg5[%dma_start3A_445, %dma_start3A_446] : memref<128x256xf32, #tpu.memory_space<vmem>> -> memref<32x256xf32, #tpu.memory_space<vmem>>
    tpu.enqueue_dma source(%dma_start3A_447 : memref<32x256xf32, #tpu.memory_space<vmem>>) target(%dma_start3A_444 : memref<32x256xf32, #tpu.memory_space<hbm>>) target_semaphore(%arg6 : memref<!tpu.dma_semaphore, #tpu.memory_space<semaphore_mem>>)
    %dma_start3A_448 = arith.constant 14 : i32
    %dma_start3A_449 = arith.constant 32 : i32
    %dma_start3A_450 = arith.constant 0 : i32
    %dma_start3A_451 = tpu.memref_slice %arg5[%dma_start3A_449, %dma_start3A_450] : memref<128x256xf32, #tpu.memory_space<vmem>> -> memref<32x256xf32, #tpu.memory_space<vmem>>
    %dma_start3A_452 = arith.constant 0 : i32
    %dma_start3A_453 = tpu.memref_slice %arg3[%dma_start3A_448, %select_n3A, %multiple_of3A_265, %dma_start3A_452] : memref<16x4x1024x256xf32, #tpu.memory_space<hbm>> -> memref<1x1x32x256xf32, #tpu.memory_space<hbm>>
    %dma_start3A_454 = tpu.memref_squeeze %dma_start3A_453 : memref<1x1x32x256xf32, #tpu.memory_space<hbm>> -> memref<32x256xf32, #tpu.memory_space<hbm>>
    %dma_start3A_455 = arith.constant 0 : i32
    %dma_start3A_456 = tpu.memref_slice %arg3[%dma_start3A_448, %select_n3A, %multiple_of3A_265, %dma_start3A_455] : memref<16x4x1024x256xf32, #tpu.memory_space<hbm>> -> memref<1x1x32x256xf32, #tpu.memory_space<hbm>>
    %dma_start3A_457 = tpu.memref_squeeze %dma_start3A_456 : memref<1x1x32x256xf32, #tpu.memory_space<hbm>> -> memref<32x256xf32, #tpu.memory_space<hbm>>
    %dma_start3A_458 = arith.constant 32 : i32
    %dma_start3A_459 = arith.constant 0 : i32
    %dma_start3A_460 = tpu.memref_slice %arg5[%dma_start3A_458, %dma_start3A_459] : memref<128x256xf32, #tpu.memory_space<vmem>> -> memref<32x256xf32, #tpu.memory_space<vmem>>
    tpu.enqueue_dma source(%dma_start3A_460 : memref<32x256xf32, #tpu.memory_space<vmem>>) target(%dma_start3A_457 : memref<32x256xf32, #tpu.memory_space<hbm>>) target_semaphore(%arg6 : memref<!tpu.dma_semaphore, #tpu.memory_space<semaphore_mem>>)
    %dma_start3A_461 = arith.constant 15 : i32
    %dma_start3A_462 = arith.constant 32 : i32
    %dma_start3A_463 = arith.constant 0 : i32
    %dma_start3A_464 = tpu.memref_slice %arg5[%dma_start3A_462, %dma_start3A_463] : memref<128x256xf32, #tpu.memory_space<vmem>> -> memref<32x256xf32, #tpu.memory_space<vmem>>
    %dma_start3A_465 = arith.constant 0 : i32
    %dma_start3A_466 = tpu.memref_slice %arg3[%dma_start3A_461, %select_n3A, %multiple_of3A_265, %dma_start3A_465] : memref<16x4x1024x256xf32, #tpu.memory_space<hbm>> -> memref<1x1x32x256xf32, #tpu.memory_space<hbm>>
    %dma_start3A_467 = tpu.memref_squeeze %dma_start3A_466 : memref<1x1x32x256xf32, #tpu.memory_space<hbm>> -> memref<32x256xf32, #tpu.memory_space<hbm>>
    %dma_start3A_468 = arith.constant 0 : i32
    %dma_start3A_469 = tpu.memref_slice %arg3[%dma_start3A_461, %select_n3A, %multiple_of3A_265, %dma_start3A_468] : memref<16x4x1024x256xf32, #tpu.memory_space<hbm>> -> memref<1x1x32x256xf32, #tpu.memory_space<hbm>>
    %dma_start3A_470 = tpu.memref_squeeze %dma_start3A_469 : memref<1x1x32x256xf32, #tpu.memory_space<hbm>> -> memref<32x256xf32, #tpu.memory_space<hbm>>
    %dma_start3A_471 = arith.constant 32 : i32
    %dma_start3A_472 = arith.constant 0 : i32
    %dma_start3A_473 = tpu.memref_slice %arg5[%dma_start3A_471, %dma_start3A_472] : memref<128x256xf32, #tpu.memory_space<vmem>> -> memref<32x256xf32, #tpu.memory_space<vmem>>
    tpu.enqueue_dma source(%dma_start3A_473 : memref<32x256xf32, #tpu.memory_space<vmem>>) target(%dma_start3A_470 : memref<32x256xf32, #tpu.memory_space<hbm>>) target_semaphore(%arg6 : memref<!tpu.dma_semaphore, #tpu.memory_space<semaphore_mem>>)
    %scan3A_474 = arith.constant 0 : i32
    %scan3A_475 = arith.constant 32 : i32
    %scan3A_476 = arith.constant 16 : i32
    %scan3A_477 = arith.addi %scan3A_475, %scan3A_476 : i32
    %scan3A_478 = arith.constant 1 : i32
    scf.for %scan3A_1739 = %scan3A_475 to %scan3A_477 step %scan3A_478  : i32 {
      %add3A_1740 = arith.addi %mul3A_32, %scan3A_1739 : i32
      %sub3A_1741 = arith.constant 1 : i32
      %sub3A_1742 = arith.subi %add3A_1740, %sub3A_1741 : i32
      %max3A_1743 = arith.constant 0 : i32
      %max3A_1744 = arith.maxsi %sub3A_1742, %max3A_1743 : i32
      %sub3A_1745 = arith.subi %max3A_1744, %multiple_of3A : i32
      %add3A_1746 = arith.addi %mul3A_32, %scan3A_1739 : i32
      %sub3A_1747 = arith.subi %add3A_1746, %multiple_of3A : i32
      %add3A_1748 = arith.addi %mul3A_32, %scan3A_1739 : i32
      %add3A_1749 = arith.constant 1 : i32
      %add3A_1750 = arith.addi %add3A_1748, %add3A_1749 : i32
      %min3A_1751 = arith.constant 511 : i32
      %min3A_1752 = arith.minsi %add3A_1750, %min3A_1751 : i32
      %sub3A_1753 = arith.subi %min3A_1752, %multiple_of3A : i32
      %get3A = arith.index_cast %sub3A_1745 : i32 to index
      %get3A_1754 = arith.constant 0 : index
      %get3A_1755 = tpu.vector_load %arg4[%get3A, %get3A_1754] {strides = array<i32>} : memref<80x256xf32, #tpu.memory_space<vmem>>, vector<1x16xf32>,
      %get3A_1756 = vector.shape_cast %get3A_1755 : vector<1x16xf32> to vector<16xf32>
      %get3A_1757 = arith.index_cast %sub3A_1747 : i32 to index
      %get3A_1758 = arith.constant 0 : index
      %get3A_1759 = tpu.vector_load %arg4[%get3A_1757, %get3A_1758] {strides = array<i32>} : memref<80x256xf32, #tpu.memory_space<vmem>>, vector<1x16xf32>,
      %get3A_1760 = vector.shape_cast %get3A_1759 : vector<1x16xf32> to vector<16xf32>
      %get3A_1761 = arith.index_cast %sub3A_1753 : i32 to index
      %get3A_1762 = arith.constant 0 : index
      %get3A_1763 = tpu.vector_load %arg4[%get3A_1761, %get3A_1762] {strides = array<i32>} : memref<80x256xf32, #tpu.memory_space<vmem>>, vector<1x16xf32>,
      %get3A_1764 = vector.shape_cast %get3A_1763 : vector<1x16xf32> to vector<16xf32>
      %mul3A_1765 = arith.mulf %broadcast_in_dim3A_37, %get3A_1756 : vector<16xf32>
      %mul3A_1766 = arith.mulf %broadcast_in_dim3A_39, %get3A_1760 : vector<16xf32>
      %add3A_1767 = arith.addf %mul3A_1765, %mul3A_1766 : vector<16xf32>
      %mul3A_1768 = arith.constant 2 : i32
      %mul3A_1769 = arith.muli %mul3A_1768, %scan3A_1739 : i32
      %swap3A = arith.index_cast %mul3A_1769 : i32 to index
      %swap3A_1770 = arith.constant 0 : index
      %swap3A_1771 = tpu.vector_load %arg5[%swap3A, %swap3A_1770] {strides = array<i32>} : memref<128x256xf32, #tpu.memory_space<vmem>>, vector<1x16xf32>,
      %swap3A_1772 = vector.shape_cast %swap3A_1771 : vector<1x16xf32> to vector<16xf32>
      %swap3A_1773 = vector.shape_cast %add3A_1767 : vector<16xf32> to vector<1x16xf32>
      tpu.vector_store %arg5[%swap3A, %swap3A_1770], %swap3A_1773 {strides = array<i32>} : memref<128x256xf32, #tpu.memory_space<vmem>>, vector<1x16xf32>,
      %mul3A_1774 = arith.mulf %broadcast_in_dim3A_39, %get3A_1760 : vector<16xf32>
      %mul3A_1775 = arith.mulf %broadcast_in_dim3A_37, %get3A_1764 : vector<16xf32>
      %add3A_1776 = arith.addf %mul3A_1774, %mul3A_1775 : vector<16xf32>
      %mul3A_1777 = arith.constant 2 : i32
      %mul3A_1778 = arith.muli %mul3A_1777, %scan3A_1739 : i32
      %add3A_1779 = arith.constant 1 : i32
      %add3A_1780 = arith.addi %mul3A_1778, %add3A_1779 : i32
      %swap3A_1781 = arith.index_cast %add3A_1780 : i32 to index
      %swap3A_1782 = arith.constant 0 : index
      %swap3A_1783 = tpu.vector_load %arg5[%swap3A_1781, %swap3A_1782] {strides = array<i32>} : memref<128x256xf32, #tpu.memory_space<vmem>>, vector<1x16xf32>,
      %swap3A_1784 = vector.shape_cast %swap3A_1783 : vector<1x16xf32> to vector<16xf32>
      %swap3A_1785 = vector.shape_cast %add3A_1776 : vector<16xf32> to vector<1x16xf32>
      tpu.vector_store %arg5[%swap3A_1781, %swap3A_1782], %swap3A_1785 {strides = array<i32>} : memref<128x256xf32, #tpu.memory_space<vmem>>, vector<1x16xf32>,
      %get3A_1786 = arith.index_cast %sub3A_1745 : i32 to index
      %get3A_1787 = arith.constant 16 : index
      %get3A_1788 = tpu.vector_load %arg4[%get3A_1786, %get3A_1787] {strides = array<i32>} : memref<80x256xf32, #tpu.memory_space<vmem>>, vector<1x16xf32>,
      %get3A_1789 = vector.shape_cast %get3A_1788 : vector<1x16xf32> to vector<16xf32>
      %get3A_1790 = arith.index_cast %sub3A_1747 : i32 to index
      %get3A_1791 = arith.constant 16 : index
      %get3A_1792 = tpu.vector_load %arg4[%get3A_1790, %get3A_1791] {strides = array<i32>} : memref<80x256xf32, #tpu.memory_space<vmem>>, vector<1x16xf32>,
      %get3A_1793 = vector.shape_cast %get3A_1792 : vector<1x16xf32> to vector<16xf32>
      %get3A_1794 = arith.index_cast %sub3A_1753 : i32 to index
      %get3A_1795 = arith.constant 16 : index
      %get3A_1796 = tpu.vector_load %arg4[%get3A_1794, %get3A_1795] {strides = array<i32>} : memref<80x256xf32, #tpu.memory_space<vmem>>, vector<1x16xf32>,
      %get3A_1797 = vector.shape_cast %get3A_1796 : vector<1x16xf32> to vector<16xf32>
      %mul3A_1798 = arith.mulf %broadcast_in_dim3A_37, %get3A_1789 : vector<16xf32>
      %mul3A_1799 = arith.mulf %broadcast_in_dim3A_39, %get3A_1793 : vector<16xf32>
      %add3A_1800 = arith.addf %mul3A_1798, %mul3A_1799 : vector<16xf32>
      %mul3A_1801 = arith.constant 2 : i32
      %mul3A_1802 = arith.muli %mul3A_1801, %scan3A_1739 : i32
      %swap3A_1803 = arith.index_cast %mul3A_1802 : i32 to index
      %swap3A_1804 = arith.constant 16 : index
      %swap3A_1805 = tpu.vector_load %arg5[%swap3A_1803, %swap3A_1804] {strides = array<i32>} : memref<128x256xf32, #tpu.memory_space<vmem>>, vector<1x16xf32>,
      %swap3A_1806 = vector.shape_cast %swap3A_1805 : vector<1x16xf32> to vector<16xf32>
      %swap3A_1807 = vector.shape_cast %add3A_1800 : vector<16xf32> to vector<1x16xf32>
      tpu.vector_store %arg5[%swap3A_1803, %swap3A_1804], %swap3A_1807 {strides = array<i32>} : memref<128x256xf32, #tpu.memory_space<vmem>>, vector<1x16xf32>,
      %mul3A_1808 = arith.mulf %broadcast_in_dim3A_39, %get3A_1793 : vector<16xf32>
      %mul3A_1809 = arith.mulf %broadcast_in_dim3A_37, %get3A_1797 : vector<16xf32>
      %add3A_1810 = arith.addf %mul3A_1808, %mul3A_1809 : vector<16xf32>
      %mul3A_1811 = arith.constant 2 : i32
      %mul3A_1812 = arith.muli %mul3A_1811, %scan3A_1739 : i32
      %add3A_1813 = arith.constant 1 : i32
      %add3A_1814 = arith.addi %mul3A_1812, %add3A_1813 : i32
      %swap3A_1815 = arith.index_cast %add3A_1814 : i32 to index
      %swap3A_1816 = arith.constant 16 : index
      %swap3A_1817 = tpu.vector_load %arg5[%swap3A_1815, %swap3A_1816] {strides = array<i32>} : memref<128x256xf32, #tpu.memory_space<vmem>>, vector<1x16xf32>,
      %swap3A_1818 = vector.shape_cast %swap3A_1817 : vector<1x16xf32> to vector<16xf32>
      %swap3A_1819 = vector.shape_cast %add3A_1810 : vector<16xf32> to vector<1x16xf32>
      tpu.vector_store %arg5[%swap3A_1815, %swap3A_1816], %swap3A_1819 {strides = array<i32>} : memref<128x256xf32, #tpu.memory_space<vmem>>, vector<1x16xf32>,
      %get3A_1820 = arith.index_cast %sub3A_1745 : i32 to index
      %get3A_1821 = arith.constant 32 : index
      %get3A_1822 = tpu.vector_load %arg4[%get3A_1820, %get3A_1821] {strides = array<i32>} : memref<80x256xf32, #tpu.memory_space<vmem>>, vector<1x16xf32>,
      %get3A_1823 = vector.shape_cast %get3A_1822 : vector<1x16xf32> to vector<16xf32>
      %get3A_1824 = arith.index_cast %sub3A_1747 : i32 to index
      %get3A_1825 = arith.constant 32 : index
      %get3A_1826 = tpu.vector_load %arg4[%get3A_1824, %get3A_1825] {strides = array<i32>} : memref<80x256xf32, #tpu.memory_space<vmem>>, vector<1x16xf32>,
      %get3A_1827 = vector.shape_cast %get3A_1826 : vector<1x16xf32> to vector<16xf32>
      %get3A_1828 = arith.index_cast %sub3A_1753 : i32 to index
      %get3A_1829 = arith.constant 32 : index
      %get3A_1830 = tpu.vector_load %arg4[%get3A_1828, %get3A_1829] {strides = array<i32>} : memref<80x256xf32, #tpu.memory_space<vmem>>, vector<1x16xf32>,
      %get3A_1831 = vector.shape_cast %get3A_1830 : vector<1x16xf32> to vector<16xf32>
      %mul3A_1832 = arith.mulf %broadcast_in_dim3A_37, %get3A_1823 : vector<16xf32>
      %mul3A_1833 = arith.mulf %broadcast_in_dim3A_39, %get3A_1827 : vector<16xf32>
      %add3A_1834 = arith.addf %mul3A_1832, %mul3A_1833 : vector<16xf32>
      %mul3A_1835 = arith.constant 2 : i32
      %mul3A_1836 = arith.muli %mul3A_1835, %scan3A_1739 : i32
      %swap3A_1837 = arith.index_cast %mul3A_1836 : i32 to index
      %swap3A_1838 = arith.constant 32 : index
      %swap3A_1839 = tpu.vector_load %arg5[%swap3A_1837, %swap3A_1838] {strides = array<i32>} : memref<128x256xf32, #tpu.memory_space<vmem>>, vector<1x16xf32>,
      %swap3A_1840 = vector.shape_cast %swap3A_1839 : vector<1x16xf32> to vector<16xf32>
      %swap3A_1841 = vector.shape_cast %add3A_1834 : vector<16xf32> to vector<1x16xf32>
      tpu.vector_store %arg5[%swap3A_1837, %swap3A_1838], %swap3A_1841 {strides = array<i32>} : memref<128x256xf32, #tpu.memory_space<vmem>>, vector<1x16xf32>,
      %mul3A_1842 = arith.mulf %broadcast_in_dim3A_39, %get3A_1827 : vector<16xf32>
      %mul3A_1843 = arith.mulf %broadcast_in_dim3A_37, %get3A_1831 : vector<16xf32>
      %add3A_1844 = arith.addf %mul3A_1842, %mul3A_1843 : vector<16xf32>
      %mul3A_1845 = arith.constant 2 : i32
      %mul3A_1846 = arith.muli %mul3A_1845, %scan3A_1739 : i32
      %add3A_1847 = arith.constant 1 : i32
      %add3A_1848 = arith.addi %mul3A_1846, %add3A_1847 : i32
      %swap3A_1849 = arith.index_cast %add3A_1848 : i32 to index
      %swap3A_1850 = arith.constant 32 : index
      %swap3A_1851 = tpu.vector_load %arg5[%swap3A_1849, %swap3A_1850] {strides = array<i32>} : memref<128x256xf32, #tpu.memory_space<vmem>>, vector<1x16xf32>,
      %swap3A_1852 = vector.shape_cast %swap3A_1851 : vector<1x16xf32> to vector<16xf32>
      %swap3A_1853 = vector.shape_cast %add3A_1844 : vector<16xf32> to vector<1x16xf32>
      tpu.vector_store %arg5[%swap3A_1849, %swap3A_1850], %swap3A_1853 {strides = array<i32>} : memref<128x256xf32, #tpu.memory_space<vmem>>, vector<1x16xf32>,
      %get3A_1854 = arith.index_cast %sub3A_1745 : i32 to index
      %get3A_1855 = arith.constant 48 : index
      %get3A_1856 = tpu.vector_load %arg4[%get3A_1854, %get3A_1855] {strides = array<i32>} : memref<80x256xf32, #tpu.memory_space<vmem>>, vector<1x16xf32>,
      %get3A_1857 = vector.shape_cast %get3A_1856 : vector<1x16xf32> to vector<16xf32>
      %get3A_1858 = arith.index_cast %sub3A_1747 : i32 to index
      %get3A_1859 = arith.constant 48 : index
      %get3A_1860 = tpu.vector_load %arg4[%get3A_1858, %get3A_1859] {strides = array<i32>} : memref<80x256xf32, #tpu.memory_space<vmem>>, vector<1x16xf32>,
      %get3A_1861 = vector.shape_cast %get3A_1860 : vector<1x16xf32> to vector<16xf32>
      %get3A_1862 = arith.index_cast %sub3A_1753 : i32 to index
      %get3A_1863 = arith.constant 48 : index
      %get3A_1864 = tpu.vector_load %arg4[%get3A_1862, %get3A_1863] {strides = array<i32>} : memref<80x256xf32, #tpu.memory_space<vmem>>, vector<1x16xf32>,
      %get3A_1865 = vector.shape_cast %get3A_1864 : vector<1x16xf32> to vector<16xf32>
      %mul3A_1866 = arith.mulf %broadcast_in_dim3A_37, %get3A_1857 : vector<16xf32>
      %mul3A_1867 = arith.mulf %broadcast_in_dim3A_39, %get3A_1861 : vector<16xf32>
      %add3A_1868 = arith.addf %mul3A_1866, %mul3A_1867 : vector<16xf32>
      %mul3A_1869 = arith.constant 2 : i32
      %mul3A_1870 = arith.muli %mul3A_1869, %scan3A_1739 : i32
      %swap3A_1871 = arith.index_cast %mul3A_1870 : i32 to index
      %swap3A_1872 = arith.constant 48 : index
      %swap3A_1873 = tpu.vector_load %arg5[%swap3A_1871, %swap3A_1872] {strides = array<i32>} : memref<128x256xf32, #tpu.memory_space<vmem>>, vector<1x16xf32>,
      %swap3A_1874 = vector.shape_cast %swap3A_1873 : vector<1x16xf32> to vector<16xf32>
      %swap3A_1875 = vector.shape_cast %add3A_1868 : vector<16xf32> to vector<1x16xf32>
      tpu.vector_store %arg5[%swap3A_1871, %swap3A_1872], %swap3A_1875 {strides = array<i32>} : memref<128x256xf32, #tpu.memory_space<vmem>>, vector<1x16xf32>,
      %mul3A_1876 = arith.mulf %broadcast_in_dim3A_39, %get3A_1861 : vector<16xf32>
      %mul3A_1877 = arith.mulf %broadcast_in_dim3A_37, %get3A_1865 : vector<16xf32>
      %add3A_1878 = arith.addf %mul3A_1876, %mul3A_1877 : vector<16xf32>
      %mul3A_1879 = arith.constant 2 : i32
      %mul3A_1880 = arith.muli %mul3A_1879, %scan3A_1739 : i32
      %add3A_1881 = arith.constant 1 : i32
      %add3A_1882 = arith.addi %mul3A_1880, %add3A_1881 : i32
      %swap3A_1883 = arith.index_cast %add3A_1882 : i32 to index
      %swap3A_1884 = arith.constant 48 : index
      %swap3A_1885 = tpu.vector_load %arg5[%swap3A_1883, %swap3A_1884] {strides = array<i32>} : memref<128x256xf32, #tpu.memory_space<vmem>>, vector<1x16xf32>,
      %swap3A_1886 = vector.shape_cast %swap3A_1885 : vector<1x16xf32> to vector<16xf32>
      %swap3A_1887 = vector.shape_cast %add3A_1878 : vector<16xf32> to vector<1x16xf32>
      tpu.vector_store %arg5[%swap3A_1883, %swap3A_1884], %swap3A_1887 {strides = array<i32>} : memref<128x256xf32, #tpu.memory_space<vmem>>, vector<1x16xf32>,
      %get3A_1888 = arith.index_cast %sub3A_1745 : i32 to index
      %get3A_1889 = arith.constant 64 : index
      %get3A_1890 = tpu.vector_load %arg4[%get3A_1888, %get3A_1889] {strides = array<i32>} : memref<80x256xf32, #tpu.memory_space<vmem>>, vector<1x16xf32>,
      %get3A_1891 = vector.shape_cast %get3A_1890 : vector<1x16xf32> to vector<16xf32>
      %get3A_1892 = arith.index_cast %sub3A_1747 : i32 to index
      %get3A_1893 = arith.constant 64 : index
      %get3A_1894 = tpu.vector_load %arg4[%get3A_1892, %get3A_1893] {strides = array<i32>} : memref<80x256xf32, #tpu.memory_space<vmem>>, vector<1x16xf32>,
      %get3A_1895 = vector.shape_cast %get3A_1894 : vector<1x16xf32> to vector<16xf32>
      %get3A_1896 = arith.index_cast %sub3A_1753 : i32 to index
      %get3A_1897 = arith.constant 64 : index
      %get3A_1898 = tpu.vector_load %arg4[%get3A_1896, %get3A_1897] {strides = array<i32>} : memref<80x256xf32, #tpu.memory_space<vmem>>, vector<1x16xf32>,
      %get3A_1899 = vector.shape_cast %get3A_1898 : vector<1x16xf32> to vector<16xf32>
      %mul3A_1900 = arith.mulf %broadcast_in_dim3A_37, %get3A_1891 : vector<16xf32>
      %mul3A_1901 = arith.mulf %broadcast_in_dim3A_39, %get3A_1895 : vector<16xf32>
      %add3A_1902 = arith.addf %mul3A_1900, %mul3A_1901 : vector<16xf32>
      %mul3A_1903 = arith.constant 2 : i32
      %mul3A_1904 = arith.muli %mul3A_1903, %scan3A_1739 : i32
      %swap3A_1905 = arith.index_cast %mul3A_1904 : i32 to index
      %swap3A_1906 = arith.constant 64 : index
      %swap3A_1907 = tpu.vector_load %arg5[%swap3A_1905, %swap3A_1906] {strides = array<i32>} : memref<128x256xf32, #tpu.memory_space<vmem>>, vector<1x16xf32>,
      %swap3A_1908 = vector.shape_cast %swap3A_1907 : vector<1x16xf32> to vector<16xf32>
      %swap3A_1909 = vector.shape_cast %add3A_1902 : vector<16xf32> to vector<1x16xf32>
      tpu.vector_store %arg5[%swap3A_1905, %swap3A_1906], %swap3A_1909 {strides = array<i32>} : memref<128x256xf32, #tpu.memory_space<vmem>>, vector<1x16xf32>,
      %mul3A_1910 = arith.mulf %broadcast_in_dim3A_39, %get3A_1895 : vector<16xf32>
      %mul3A_1911 = arith.mulf %broadcast_in_dim3A_37, %get3A_1899 : vector<16xf32>
      %add3A_1912 = arith.addf %mul3A_1910, %mul3A_1911 : vector<16xf32>
      %mul3A_1913 = arith.constant 2 : i32
      %mul3A_1914 = arith.muli %mul3A_1913, %scan3A_1739 : i32
      %add3A_1915 = arith.constant 1 : i32
      %add3A_1916 = arith.addi %mul3A_1914, %add3A_1915 : i32
      %swap3A_1917 = arith.index_cast %add3A_1916 : i32 to index
      %swap3A_1918 = arith.constant 64 : index
      %swap3A_1919 = tpu.vector_load %arg5[%swap3A_1917, %swap3A_1918] {strides = array<i32>} : memref<128x256xf32, #tpu.memory_space<vmem>>, vector<1x16xf32>,
      %swap3A_1920 = vector.shape_cast %swap3A_1919 : vector<1x16xf32> to vector<16xf32>
      %swap3A_1921 = vector.shape_cast %add3A_1912 : vector<16xf32> to vector<1x16xf32>
      tpu.vector_store %arg5[%swap3A_1917, %swap3A_1918], %swap3A_1921 {strides = array<i32>} : memref<128x256xf32, #tpu.memory_space<vmem>>, vector<1x16xf32>,
      %get3A_1922 = arith.index_cast %sub3A_1745 : i32 to index
      %get3A_1923 = arith.constant 80 : index
      %get3A_1924 = tpu.vector_load %arg4[%get3A_1922, %get3A_1923] {strides = array<i32>} : memref<80x256xf32, #tpu.memory_space<vmem>>, vector<1x16xf32>,
      %get3A_1925 = vector.shape_cast %get3A_1924 : vector<1x16xf32> to vector<16xf32>
      %get3A_1926 = arith.index_cast %sub3A_1747 : i32 to index
      %get3A_1927 = arith.constant 80 : index
      %get3A_1928 = tpu.vector_load %arg4[%get3A_1926, %get3A_1927] {strides = array<i32>} : memref<80x256xf32, #tpu.memory_space<vmem>>, vector<1x16xf32>,
      %get3A_1929 = vector.shape_cast %get3A_1928 : vector<1x16xf32> to vector<16xf32>
      %get3A_1930 = arith.index_cast %sub3A_1753 : i32 to index
      %get3A_1931 = arith.constant 80 : index
      %get3A_1932 = tpu.vector_load %arg4[%get3A_1930, %get3A_1931] {strides = array<i32>} : memref<80x256xf32, #tpu.memory_space<vmem>>, vector<1x16xf32>,
      %get3A_1933 = vector.shape_cast %get3A_1932 : vector<1x16xf32> to vector<16xf32>
      %mul3A_1934 = arith.mulf %broadcast_in_dim3A_37, %get3A_1925 : vector<16xf32>
      %mul3A_1935 = arith.mulf %broadcast_in_dim3A_39, %get3A_1929 : vector<16xf32>
      %add3A_1936 = arith.addf %mul3A_1934, %mul3A_1935 : vector<16xf32>
      %mul3A_1937 = arith.constant 2 : i32
      %mul3A_1938 = arith.muli %mul3A_1937, %scan3A_1739 : i32
      %swap3A_1939 = arith.index_cast %mul3A_1938 : i32 to index
      %swap3A_1940 = arith.constant 80 : index
      %swap3A_1941 = tpu.vector_load %arg5[%swap3A_1939, %swap3A_1940] {strides = array<i32>} : memref<128x256xf32, #tpu.memory_space<vmem>>, vector<1x16xf32>,
      %swap3A_1942 = vector.shape_cast %swap3A_1941 : vector<1x16xf32> to vector<16xf32>
      %swap3A_1943 = vector.shape_cast %add3A_1936 : vector<16xf32> to vector<1x16xf32>
      tpu.vector_store %arg5[%swap3A_1939, %swap3A_1940], %swap3A_1943 {strides = array<i32>} : memref<128x256xf32, #tpu.memory_space<vmem>>, vector<1x16xf32>,
      %mul3A_1944 = arith.mulf %broadcast_in_dim3A_39, %get3A_1929 : vector<16xf32>
      %mul3A_1945 = arith.mulf %broadcast_in_dim3A_37, %get3A_1933 : vector<16xf32>
      %add3A_1946 = arith.addf %mul3A_1944, %mul3A_1945 : vector<16xf32>
      %mul3A_1947 = arith.constant 2 : i32
      %mul3A_1948 = arith.muli %mul3A_1947, %scan3A_1739 : i32
      %add3A_1949 = arith.constant 1 : i32
      %add3A_1950 = arith.addi %mul3A_1948, %add3A_1949 : i32
      %swap3A_1951 = arith.index_cast %add3A_1950 : i32 to index
      %swap3A_1952 = arith.constant 80 : index
      %swap3A_1953 = tpu.vector_load %arg5[%swap3A_1951, %swap3A_1952] {strides = array<i32>} : memref<128x256xf32, #tpu.memory_space<vmem>>, vector<1x16xf32>,
      %swap3A_1954 = vector.shape_cast %swap3A_1953 : vector<1x16xf32> to vector<16xf32>
      %swap3A_1955 = vector.shape_cast %add3A_1946 : vector<16xf32> to vector<1x16xf32>
      tpu.vector_store %arg5[%swap3A_1951, %swap3A_1952], %swap3A_1955 {strides = array<i32>} : memref<128x256xf32, #tpu.memory_space<vmem>>, vector<1x16xf32>,
      %get3A_1956 = arith.index_cast %sub3A_1745 : i32 to index
      %get3A_1957 = arith.constant 96 : index
      %get3A_1958 = tpu.vector_load %arg4[%get3A_1956, %get3A_1957] {strides = array<i32>} : memref<80x256xf32, #tpu.memory_space<vmem>>, vector<1x16xf32>,
      %get3A_1959 = vector.shape_cast %get3A_1958 : vector<1x16xf32> to vector<16xf32>
      %get3A_1960 = arith.index_cast %sub3A_1747 : i32 to index
      %get3A_1961 = arith.constant 96 : index
      %get3A_1962 = tpu.vector_load %arg4[%get3A_1960, %get3A_1961] {strides = array<i32>} : memref<80x256xf32, #tpu.memory_space<vmem>>, vector<1x16xf32>,
      %get3A_1963 = vector.shape_cast %get3A_1962 : vector<1x16xf32> to vector<16xf32>
      %get3A_1964 = arith.index_cast %sub3A_1753 : i32 to index
      %get3A_1965 = arith.constant 96 : index
      %get3A_1966 = tpu.vector_load %arg4[%get3A_1964, %get3A_1965] {strides = array<i32>} : memref<80x256xf32, #tpu.memory_space<vmem>>, vector<1x16xf32>,
      %get3A_1967 = vector.shape_cast %get3A_1966 : vector<1x16xf32> to vector<16xf32>
      %mul3A_1968 = arith.mulf %broadcast_in_dim3A_37, %get3A_1959 : vector<16xf32>
      %mul3A_1969 = arith.mulf %broadcast_in_dim3A_39, %get3A_1963 : vector<16xf32>
      %add3A_1970 = arith.addf %mul3A_1968, %mul3A_1969 : vector<16xf32>
      %mul3A_1971 = arith.constant 2 : i32
      %mul3A_1972 = arith.muli %mul3A_1971, %scan3A_1739 : i32
      %swap3A_1973 = arith.index_cast %mul3A_1972 : i32 to index
      %swap3A_1974 = arith.constant 96 : index
      %swap3A_1975 = tpu.vector_load %arg5[%swap3A_1973, %swap3A_1974] {strides = array<i32>} : memref<128x256xf32, #tpu.memory_space<vmem>>, vector<1x16xf32>,
      %swap3A_1976 = vector.shape_cast %swap3A_1975 : vector<1x16xf32> to vector<16xf32>
      %swap3A_1977 = vector.shape_cast %add3A_1970 : vector<16xf32> to vector<1x16xf32>
      tpu.vector_store %arg5[%swap3A_1973, %swap3A_1974], %swap3A_1977 {strides = array<i32>} : memref<128x256xf32, #tpu.memory_space<vmem>>, vector<1x16xf32>,
      %mul3A_1978 = arith.mulf %broadcast_in_dim3A_39, %get3A_1963 : vector<16xf32>
      %mul3A_1979 = arith.mulf %broadcast_in_dim3A_37, %get3A_1967 : vector<16xf32>
      %add3A_1980 = arith.addf %mul3A_1978, %mul3A_1979 : vector<16xf32>
      %mul3A_1981 = arith.constant 2 : i32
      %mul3A_1982 = arith.muli %mul3A_1981, %scan3A_1739 : i32
      %add3A_1983 = arith.constant 1 : i32
      %add3A_1984 = arith.addi %mul3A_1982, %add3A_1983 : i32
      %swap3A_1985 = arith.index_cast %add3A_1984 : i32 to index
      %swap3A_1986 = arith.constant 96 : index
      %swap3A_1987 = tpu.vector_load %arg5[%swap3A_1985, %swap3A_1986] {strides = array<i32>} : memref<128x256xf32, #tpu.memory_space<vmem>>, vector<1x16xf32>,
      %swap3A_1988 = vector.shape_cast %swap3A_1987 : vector<1x16xf32> to vector<16xf32>
      %swap3A_1989 = vector.shape_cast %add3A_1980 : vector<16xf32> to vector<1x16xf32>
      tpu.vector_store %arg5[%swap3A_1985, %swap3A_1986], %swap3A_1989 {strides = array<i32>} : memref<128x256xf32, #tpu.memory_space<vmem>>, vector<1x16xf32>,
      %get3A_1990 = arith.index_cast %sub3A_1745 : i32 to index
      %get3A_1991 = arith.constant 112 : index
      %get3A_1992 = tpu.vector_load %arg4[%get3A_1990, %get3A_1991] {strides = array<i32>} : memref<80x256xf32, #tpu.memory_space<vmem>>, vector<1x16xf32>,
      %get3A_1993 = vector.shape_cast %get3A_1992 : vector<1x16xf32> to vector<16xf32>
      %get3A_1994 = arith.index_cast %sub3A_1747 : i32 to index
      %get3A_1995 = arith.constant 112 : index
      %get3A_1996 = tpu.vector_load %arg4[%get3A_1994, %get3A_1995] {strides = array<i32>} : memref<80x256xf32, #tpu.memory_space<vmem>>, vector<1x16xf32>,
      %get3A_1997 = vector.shape_cast %get3A_1996 : vector<1x16xf32> to vector<16xf32>
      %get3A_1998 = arith.index_cast %sub3A_1753 : i32 to index
      %get3A_1999 = arith.constant 112 : index
      %get3A_2000 = tpu.vector_load %arg4[%get3A_1998, %get3A_1999] {strides = array<i32>} : memref<80x256xf32, #tpu.memory_space<vmem>>, vector<1x16xf32>,
      %get3A_2001 = vector.shape_cast %get3A_2000 : vector<1x16xf32> to vector<16xf32>
      %mul3A_2002 = arith.mulf %broadcast_in_dim3A_37, %get3A_1993 : vector<16xf32>
      %mul3A_2003 = arith.mulf %broadcast_in_dim3A_39, %get3A_1997 : vector<16xf32>
      %add3A_2004 = arith.addf %mul3A_2002, %mul3A_2003 : vector<16xf32>
      %mul3A_2005 = arith.constant 2 : i32
      %mul3A_2006 = arith.muli %mul3A_2005, %scan3A_1739 : i32
      %swap3A_2007 = arith.index_cast %mul3A_2006 : i32 to index
      %swap3A_2008 = arith.constant 112 : index
      %swap3A_2009 = tpu.vector_load %arg5[%swap3A_2007, %swap3A_2008] {strides = array<i32>} : memref<128x256xf32, #tpu.memory_space<vmem>>, vector<1x16xf32>,
      %swap3A_2010 = vector.shape_cast %swap3A_2009 : vector<1x16xf32> to vector<16xf32>
      %swap3A_2011 = vector.shape_cast %add3A_2004 : vector<16xf32> to vector<1x16xf32>
      tpu.vector_store %arg5[%swap3A_2007, %swap3A_2008], %swap3A_2011 {strides = array<i32>} : memref<128x256xf32, #tpu.memory_space<vmem>>, vector<1x16xf32>,
      %mul3A_2012 = arith.mulf %broadcast_in_dim3A_39, %get3A_1997 : vector<16xf32>
      %mul3A_2013 = arith.mulf %broadcast_in_dim3A_37, %get3A_2001 : vector<16xf32>
      %add3A_2014 = arith.addf %mul3A_2012, %mul3A_2013 : vector<16xf32>
      %mul3A_2015 = arith.constant 2 : i32
      %mul3A_2016 = arith.muli %mul3A_2015, %scan3A_1739 : i32
      %add3A_2017 = arith.constant 1 : i32
      %add3A_2018 = arith.addi %mul3A_2016, %add3A_2017 : i32
      %swap3A_2019 = arith.index_cast %add3A_2018 : i32 to index
      %swap3A_2020 = arith.constant 112 : index
      %swap3A_2021 = tpu.vector_load %arg5[%swap3A_2019, %swap3A_2020] {strides = array<i32>} : memref<128x256xf32, #tpu.memory_space<vmem>>, vector<1x16xf32>,
      %swap3A_2022 = vector.shape_cast %swap3A_2021 : vector<1x16xf32> to vector<16xf32>
      %swap3A_2023 = vector.shape_cast %add3A_2014 : vector<16xf32> to vector<1x16xf32>
      tpu.vector_store %arg5[%swap3A_2019, %swap3A_2020], %swap3A_2023 {strides = array<i32>} : memref<128x256xf32, #tpu.memory_space<vmem>>, vector<1x16xf32>,
      %get3A_2024 = arith.index_cast %sub3A_1745 : i32 to index
      %get3A_2025 = arith.constant 128 : index
      %get3A_2026 = tpu.vector_load %arg4[%get3A_2024, %get3A_2025] {strides = array<i32>} : memref<80x256xf32, #tpu.memory_space<vmem>>, vector<1x16xf32>,
      %get3A_2027 = vector.shape_cast %get3A_2026 : vector<1x16xf32> to vector<16xf32>
      %get3A_2028 = arith.index_cast %sub3A_1747 : i32 to index
      %get3A_2029 = arith.constant 128 : index
      %get3A_2030 = tpu.vector_load %arg4[%get3A_2028, %get3A_2029] {strides = array<i32>} : memref<80x256xf32, #tpu.memory_space<vmem>>, vector<1x16xf32>,
      %get3A_2031 = vector.shape_cast %get3A_2030 : vector<1x16xf32> to vector<16xf32>
      %get3A_2032 = arith.index_cast %sub3A_1753 : i32 to index
      %get3A_2033 = arith.constant 128 : index
      %get3A_2034 = tpu.vector_load %arg4[%get3A_2032, %get3A_2033] {strides = array<i32>} : memref<80x256xf32, #tpu.memory_space<vmem>>, vector<1x16xf32>,
      %get3A_2035 = vector.shape_cast %get3A_2034 : vector<1x16xf32> to vector<16xf32>
      %mul3A_2036 = arith.mulf %broadcast_in_dim3A_37, %get3A_2027 : vector<16xf32>
      %mul3A_2037 = arith.mulf %broadcast_in_dim3A_39, %get3A_2031 : vector<16xf32>
      %add3A_2038 = arith.addf %mul3A_2036, %mul3A_2037 : vector<16xf32>
      %mul3A_2039 = arith.constant 2 : i32
      %mul3A_2040 = arith.muli %mul3A_2039, %scan3A_1739 : i32
      %swap3A_2041 = arith.index_cast %mul3A_2040 : i32 to index
      %swap3A_2042 = arith.constant 128 : index
      %swap3A_2043 = tpu.vector_load %arg5[%swap3A_2041, %swap3A_2042] {strides = array<i32>} : memref<128x256xf32, #tpu.memory_space<vmem>>, vector<1x16xf32>,
      %swap3A_2044 = vector.shape_cast %swap3A_2043 : vector<1x16xf32> to vector<16xf32>
      %swap3A_2045 = vector.shape_cast %add3A_2038 : vector<16xf32> to vector<1x16xf32>
      tpu.vector_store %arg5[%swap3A_2041, %swap3A_2042], %swap3A_2045 {strides = array<i32>} : memref<128x256xf32, #tpu.memory_space<vmem>>, vector<1x16xf32>,
      %mul3A_2046 = arith.mulf %broadcast_in_dim3A_39, %get3A_2031 : vector<16xf32>
      %mul3A_2047 = arith.mulf %broadcast_in_dim3A_37, %get3A_2035 : vector<16xf32>
      %add3A_2048 = arith.addf %mul3A_2046, %mul3A_2047 : vector<16xf32>
      %mul3A_2049 = arith.constant 2 : i32
      %mul3A_2050 = arith.muli %mul3A_2049, %scan3A_1739 : i32
      %add3A_2051 = arith.constant 1 : i32
      %add3A_2052 = arith.addi %mul3A_2050, %add3A_2051 : i32
      %swap3A_2053 = arith.index_cast %add3A_2052 : i32 to index
      %swap3A_2054 = arith.constant 128 : index
      %swap3A_2055 = tpu.vector_load %arg5[%swap3A_2053, %swap3A_2054] {strides = array<i32>} : memref<128x256xf32, #tpu.memory_space<vmem>>, vector<1x16xf32>,
      %swap3A_2056 = vector.shape_cast %swap3A_2055 : vector<1x16xf32> to vector<16xf32>
      %swap3A_2057 = vector.shape_cast %add3A_2048 : vector<16xf32> to vector<1x16xf32>
      tpu.vector_store %arg5[%swap3A_2053, %swap3A_2054], %swap3A_2057 {strides = array<i32>} : memref<128x256xf32, #tpu.memory_space<vmem>>, vector<1x16xf32>,
      %get3A_2058 = arith.index_cast %sub3A_1745 : i32 to index
      %get3A_2059 = arith.constant 144 : index
      %get3A_2060 = tpu.vector_load %arg4[%get3A_2058, %get3A_2059] {strides = array<i32>} : memref<80x256xf32, #tpu.memory_space<vmem>>, vector<1x16xf32>,
      %get3A_2061 = vector.shape_cast %get3A_2060 : vector<1x16xf32> to vector<16xf32>
      %get3A_2062 = arith.index_cast %sub3A_1747 : i32 to index
      %get3A_2063 = arith.constant 144 : index
      %get3A_2064 = tpu.vector_load %arg4[%get3A_2062, %get3A_2063] {strides = array<i32>} : memref<80x256xf32, #tpu.memory_space<vmem>>, vector<1x16xf32>,
      %get3A_2065 = vector.shape_cast %get3A_2064 : vector<1x16xf32> to vector<16xf32>
      %get3A_2066 = arith.index_cast %sub3A_1753 : i32 to index
      %get3A_2067 = arith.constant 144 : index
      %get3A_2068 = tpu.vector_load %arg4[%get3A_2066, %get3A_2067] {strides = array<i32>} : memref<80x256xf32, #tpu.memory_space<vmem>>, vector<1x16xf32>,
      %get3A_2069 = vector.shape_cast %get3A_2068 : vector<1x16xf32> to vector<16xf32>
      %mul3A_2070 = arith.mulf %broadcast_in_dim3A_37, %get3A_2061 : vector<16xf32>
      %mul3A_2071 = arith.mulf %broadcast_in_dim3A_39, %get3A_2065 : vector<16xf32>
      %add3A_2072 = arith.addf %mul3A_2070, %mul3A_2071 : vector<16xf32>
      %mul3A_2073 = arith.constant 2 : i32
      %mul3A_2074 = arith.muli %mul3A_2073, %scan3A_1739 : i32
      %swap3A_2075 = arith.index_cast %mul3A_2074 : i32 to index
      %swap3A_2076 = arith.constant 144 : index
      %swap3A_2077 = tpu.vector_load %arg5[%swap3A_2075, %swap3A_2076] {strides = array<i32>} : memref<128x256xf32, #tpu.memory_space<vmem>>, vector<1x16xf32>,
      %swap3A_2078 = vector.shape_cast %swap3A_2077 : vector<1x16xf32> to vector<16xf32>
      %swap3A_2079 = vector.shape_cast %add3A_2072 : vector<16xf32> to vector<1x16xf32>
      tpu.vector_store %arg5[%swap3A_2075, %swap3A_2076], %swap3A_2079 {strides = array<i32>} : memref<128x256xf32, #tpu.memory_space<vmem>>, vector<1x16xf32>,
      %mul3A_2080 = arith.mulf %broadcast_in_dim3A_39, %get3A_2065 : vector<16xf32>
      %mul3A_2081 = arith.mulf %broadcast_in_dim3A_37, %get3A_2069 : vector<16xf32>
      %add3A_2082 = arith.addf %mul3A_2080, %mul3A_2081 : vector<16xf32>
      %mul3A_2083 = arith.constant 2 : i32
      %mul3A_2084 = arith.muli %mul3A_2083, %scan3A_1739 : i32
      %add3A_2085 = arith.constant 1 : i32
      %add3A_2086 = arith.addi %mul3A_2084, %add3A_2085 : i32
      %swap3A_2087 = arith.index_cast %add3A_2086 : i32 to index
      %swap3A_2088 = arith.constant 144 : index
      %swap3A_2089 = tpu.vector_load %arg5[%swap3A_2087, %swap3A_2088] {strides = array<i32>} : memref<128x256xf32, #tpu.memory_space<vmem>>, vector<1x16xf32>,
      %swap3A_2090 = vector.shape_cast %swap3A_2089 : vector<1x16xf32> to vector<16xf32>
      %swap3A_2091 = vector.shape_cast %add3A_2082 : vector<16xf32> to vector<1x16xf32>
      tpu.vector_store %arg5[%swap3A_2087, %swap3A_2088], %swap3A_2091 {strides = array<i32>} : memref<128x256xf32, #tpu.memory_space<vmem>>, vector<1x16xf32>,
      %get3A_2092 = arith.index_cast %sub3A_1745 : i32 to index
      %get3A_2093 = arith.constant 160 : index
      %get3A_2094 = tpu.vector_load %arg4[%get3A_2092, %get3A_2093] {strides = array<i32>} : memref<80x256xf32, #tpu.memory_space<vmem>>, vector<1x16xf32>,
      %get3A_2095 = vector.shape_cast %get3A_2094 : vector<1x16xf32> to vector<16xf32>
      %get3A_2096 = arith.index_cast %sub3A_1747 : i32 to index
      %get3A_2097 = arith.constant 160 : index
      %get3A_2098 = tpu.vector_load %arg4[%get3A_2096, %get3A_2097] {strides = array<i32>} : memref<80x256xf32, #tpu.memory_space<vmem>>, vector<1x16xf32>,
      %get3A_2099 = vector.shape_cast %get3A_2098 : vector<1x16xf32> to vector<16xf32>
      %get3A_2100 = arith.index_cast %sub3A_1753 : i32 to index
      %get3A_2101 = arith.constant 160 : index
      %get3A_2102 = tpu.vector_load %arg4[%get3A_2100, %get3A_2101] {strides = array<i32>} : memref<80x256xf32, #tpu.memory_space<vmem>>, vector<1x16xf32>,
      %get3A_2103 = vector.shape_cast %get3A_2102 : vector<1x16xf32> to vector<16xf32>
      %mul3A_2104 = arith.mulf %broadcast_in_dim3A_37, %get3A_2095 : vector<16xf32>
      %mul3A_2105 = arith.mulf %broadcast_in_dim3A_39, %get3A_2099 : vector<16xf32>
      %add3A_2106 = arith.addf %mul3A_2104, %mul3A_2105 : vector<16xf32>
      %mul3A_2107 = arith.constant 2 : i32
      %mul3A_2108 = arith.muli %mul3A_2107, %scan3A_1739 : i32
      %swap3A_2109 = arith.index_cast %mul3A_2108 : i32 to index
      %swap3A_2110 = arith.constant 160 : index
      %swap3A_2111 = tpu.vector_load %arg5[%swap3A_2109, %swap3A_2110] {strides = array<i32>} : memref<128x256xf32, #tpu.memory_space<vmem>>, vector<1x16xf32>,
      %swap3A_2112 = vector.shape_cast %swap3A_2111 : vector<1x16xf32> to vector<16xf32>
      %swap3A_2113 = vector.shape_cast %add3A_2106 : vector<16xf32> to vector<1x16xf32>
      tpu.vector_store %arg5[%swap3A_2109, %swap3A_2110], %swap3A_2113 {strides = array<i32>} : memref<128x256xf32, #tpu.memory_space<vmem>>, vector<1x16xf32>,
      %mul3A_2114 = arith.mulf %broadcast_in_dim3A_39, %get3A_2099 : vector<16xf32>
      %mul3A_2115 = arith.mulf %broadcast_in_dim3A_37, %get3A_2103 : vector<16xf32>
      %add3A_2116 = arith.addf %mul3A_2114, %mul3A_2115 : vector<16xf32>
      %mul3A_2117 = arith.constant 2 : i32
      %mul3A_2118 = arith.muli %mul3A_2117, %scan3A_1739 : i32
      %add3A_2119 = arith.constant 1 : i32
      %add3A_2120 = arith.addi %mul3A_2118, %add3A_2119 : i32
      %swap3A_2121 = arith.index_cast %add3A_2120 : i32 to index
      %swap3A_2122 = arith.constant 160 : index
      %swap3A_2123 = tpu.vector_load %arg5[%swap3A_2121, %swap3A_2122] {strides = array<i32>} : memref<128x256xf32, #tpu.memory_space<vmem>>, vector<1x16xf32>,
      %swap3A_2124 = vector.shape_cast %swap3A_2123 : vector<1x16xf32> to vector<16xf32>
      %swap3A_2125 = vector.shape_cast %add3A_2116 : vector<16xf32> to vector<1x16xf32>
      tpu.vector_store %arg5[%swap3A_2121, %swap3A_2122], %swap3A_2125 {strides = array<i32>} : memref<128x256xf32, #tpu.memory_space<vmem>>, vector<1x16xf32>,
      %get3A_2126 = arith.index_cast %sub3A_1745 : i32 to index
      %get3A_2127 = arith.constant 176 : index
      %get3A_2128 = tpu.vector_load %arg4[%get3A_2126, %get3A_2127] {strides = array<i32>} : memref<80x256xf32, #tpu.memory_space<vmem>>, vector<1x16xf32>,
      %get3A_2129 = vector.shape_cast %get3A_2128 : vector<1x16xf32> to vector<16xf32>
      %get3A_2130 = arith.index_cast %sub3A_1747 : i32 to index
      %get3A_2131 = arith.constant 176 : index
      %get3A_2132 = tpu.vector_load %arg4[%get3A_2130, %get3A_2131] {strides = array<i32>} : memref<80x256xf32, #tpu.memory_space<vmem>>, vector<1x16xf32>,
      %get3A_2133 = vector.shape_cast %get3A_2132 : vector<1x16xf32> to vector<16xf32>
      %get3A_2134 = arith.index_cast %sub3A_1753 : i32 to index
      %get3A_2135 = arith.constant 176 : index
      %get3A_2136 = tpu.vector_load %arg4[%get3A_2134, %get3A_2135] {strides = array<i32>} : memref<80x256xf32, #tpu.memory_space<vmem>>, vector<1x16xf32>,
      %get3A_2137 = vector.shape_cast %get3A_2136 : vector<1x16xf32> to vector<16xf32>
      %mul3A_2138 = arith.mulf %broadcast_in_dim3A_37, %get3A_2129 : vector<16xf32>
      %mul3A_2139 = arith.mulf %broadcast_in_dim3A_39, %get3A_2133 : vector<16xf32>
      %add3A_2140 = arith.addf %mul3A_2138, %mul3A_2139 : vector<16xf32>
      %mul3A_2141 = arith.constant 2 : i32
      %mul3A_2142 = arith.muli %mul3A_2141, %scan3A_1739 : i32
      %swap3A_2143 = arith.index_cast %mul3A_2142 : i32 to index
      %swap3A_2144 = arith.constant 176 : index
      %swap3A_2145 = tpu.vector_load %arg5[%swap3A_2143, %swap3A_2144] {strides = array<i32>} : memref<128x256xf32, #tpu.memory_space<vmem>>, vector<1x16xf32>,
      %swap3A_2146 = vector.shape_cast %swap3A_2145 : vector<1x16xf32> to vector<16xf32>
      %swap3A_2147 = vector.shape_cast %add3A_2140 : vector<16xf32> to vector<1x16xf32>
      tpu.vector_store %arg5[%swap3A_2143, %swap3A_2144], %swap3A_2147 {strides = array<i32>} : memref<128x256xf32, #tpu.memory_space<vmem>>, vector<1x16xf32>,
      %mul3A_2148 = arith.mulf %broadcast_in_dim3A_39, %get3A_2133 : vector<16xf32>
      %mul3A_2149 = arith.mulf %broadcast_in_dim3A_37, %get3A_2137 : vector<16xf32>
      %add3A_2150 = arith.addf %mul3A_2148, %mul3A_2149 : vector<16xf32>
      %mul3A_2151 = arith.constant 2 : i32
      %mul3A_2152 = arith.muli %mul3A_2151, %scan3A_1739 : i32
      %add3A_2153 = arith.constant 1 : i32
      %add3A_2154 = arith.addi %mul3A_2152, %add3A_2153 : i32
      %swap3A_2155 = arith.index_cast %add3A_2154 : i32 to index
      %swap3A_2156 = arith.constant 176 : index
      %swap3A_2157 = tpu.vector_load %arg5[%swap3A_2155, %swap3A_2156] {strides = array<i32>} : memref<128x256xf32, #tpu.memory_space<vmem>>, vector<1x16xf32>,
      %swap3A_2158 = vector.shape_cast %swap3A_2157 : vector<1x16xf32> to vector<16xf32>
      %swap3A_2159 = vector.shape_cast %add3A_2150 : vector<16xf32> to vector<1x16xf32>
      tpu.vector_store %arg5[%swap3A_2155, %swap3A_2156], %swap3A_2159 {strides = array<i32>} : memref<128x256xf32, #tpu.memory_space<vmem>>, vector<1x16xf32>,
      %get3A_2160 = arith.index_cast %sub3A_1745 : i32 to index
      %get3A_2161 = arith.constant 192 : index
      %get3A_2162 = tpu.vector_load %arg4[%get3A_2160, %get3A_2161] {strides = array<i32>} : memref<80x256xf32, #tpu.memory_space<vmem>>, vector<1x16xf32>,
      %get3A_2163 = vector.shape_cast %get3A_2162 : vector<1x16xf32> to vector<16xf32>
      %get3A_2164 = arith.index_cast %sub3A_1747 : i32 to index
      %get3A_2165 = arith.constant 192 : index
      %get3A_2166 = tpu.vector_load %arg4[%get3A_2164, %get3A_2165] {strides = array<i32>} : memref<80x256xf32, #tpu.memory_space<vmem>>, vector<1x16xf32>,
      %get3A_2167 = vector.shape_cast %get3A_2166 : vector<1x16xf32> to vector<16xf32>
      %get3A_2168 = arith.index_cast %sub3A_1753 : i32 to index
      %get3A_2169 = arith.constant 192 : index
      %get3A_2170 = tpu.vector_load %arg4[%get3A_2168, %get3A_2169] {strides = array<i32>} : memref<80x256xf32, #tpu.memory_space<vmem>>, vector<1x16xf32>,
      %get3A_2171 = vector.shape_cast %get3A_2170 : vector<1x16xf32> to vector<16xf32>
      %mul3A_2172 = arith.mulf %broadcast_in_dim3A_37, %get3A_2163 : vector<16xf32>
      %mul3A_2173 = arith.mulf %broadcast_in_dim3A_39, %get3A_2167 : vector<16xf32>
      %add3A_2174 = arith.addf %mul3A_2172, %mul3A_2173 : vector<16xf32>
      %mul3A_2175 = arith.constant 2 : i32
      %mul3A_2176 = arith.muli %mul3A_2175, %scan3A_1739 : i32
      %swap3A_2177 = arith.index_cast %mul3A_2176 : i32 to index
      %swap3A_2178 = arith.constant 192 : index
      %swap3A_2179 = tpu.vector_load %arg5[%swap3A_2177, %swap3A_2178] {strides = array<i32>} : memref<128x256xf32, #tpu.memory_space<vmem>>, vector<1x16xf32>,
      %swap3A_2180 = vector.shape_cast %swap3A_2179 : vector<1x16xf32> to vector<16xf32>
      %swap3A_2181 = vector.shape_cast %add3A_2174 : vector<16xf32> to vector<1x16xf32>
      tpu.vector_store %arg5[%swap3A_2177, %swap3A_2178], %swap3A_2181 {strides = array<i32>} : memref<128x256xf32, #tpu.memory_space<vmem>>, vector<1x16xf32>,
      %mul3A_2182 = arith.mulf %broadcast_in_dim3A_39, %get3A_2167 : vector<16xf32>
      %mul3A_2183 = arith.mulf %broadcast_in_dim3A_37, %get3A_2171 : vector<16xf32>
      %add3A_2184 = arith.addf %mul3A_2182, %mul3A_2183 : vector<16xf32>
      %mul3A_2185 = arith.constant 2 : i32
      %mul3A_2186 = arith.muli %mul3A_2185, %scan3A_1739 : i32
      %add3A_2187 = arith.constant 1 : i32
      %add3A_2188 = arith.addi %mul3A_2186, %add3A_2187 : i32
      %swap3A_2189 = arith.index_cast %add3A_2188 : i32 to index
      %swap3A_2190 = arith.constant 192 : index
      %swap3A_2191 = tpu.vector_load %arg5[%swap3A_2189, %swap3A_2190] {strides = array<i32>} : memref<128x256xf32, #tpu.memory_space<vmem>>, vector<1x16xf32>,
      %swap3A_2192 = vector.shape_cast %swap3A_2191 : vector<1x16xf32> to vector<16xf32>
      %swap3A_2193 = vector.shape_cast %add3A_2184 : vector<16xf32> to vector<1x16xf32>
      tpu.vector_store %arg5[%swap3A_2189, %swap3A_2190], %swap3A_2193 {strides = array<i32>} : memref<128x256xf32, #tpu.memory_space<vmem>>, vector<1x16xf32>,
      %get3A_2194 = arith.index_cast %sub3A_1745 : i32 to index
      %get3A_2195 = arith.constant 208 : index
      %get3A_2196 = tpu.vector_load %arg4[%get3A_2194, %get3A_2195] {strides = array<i32>} : memref<80x256xf32, #tpu.memory_space<vmem>>, vector<1x16xf32>,
      %get3A_2197 = vector.shape_cast %get3A_2196 : vector<1x16xf32> to vector<16xf32>
      %get3A_2198 = arith.index_cast %sub3A_1747 : i32 to index
      %get3A_2199 = arith.constant 208 : index
      %get3A_2200 = tpu.vector_load %arg4[%get3A_2198, %get3A_2199] {strides = array<i32>} : memref<80x256xf32, #tpu.memory_space<vmem>>, vector<1x16xf32>,
      %get3A_2201 = vector.shape_cast %get3A_2200 : vector<1x16xf32> to vector<16xf32>
      %get3A_2202 = arith.index_cast %sub3A_1753 : i32 to index
      %get3A_2203 = arith.constant 208 : index
      %get3A_2204 = tpu.vector_load %arg4[%get3A_2202, %get3A_2203] {strides = array<i32>} : memref<80x256xf32, #tpu.memory_space<vmem>>, vector<1x16xf32>,
      %get3A_2205 = vector.shape_cast %get3A_2204 : vector<1x16xf32> to vector<16xf32>
      %mul3A_2206 = arith.mulf %broadcast_in_dim3A_37, %get3A_2197 : vector<16xf32>
      %mul3A_2207 = arith.mulf %broadcast_in_dim3A_39, %get3A_2201 : vector<16xf32>
      %add3A_2208 = arith.addf %mul3A_2206, %mul3A_2207 : vector<16xf32>
      %mul3A_2209 = arith.constant 2 : i32
      %mul3A_2210 = arith.muli %mul3A_2209, %scan3A_1739 : i32
      %swap3A_2211 = arith.index_cast %mul3A_2210 : i32 to index
      %swap3A_2212 = arith.constant 208 : index
      %swap3A_2213 = tpu.vector_load %arg5[%swap3A_2211, %swap3A_2212] {strides = array<i32>} : memref<128x256xf32, #tpu.memory_space<vmem>>, vector<1x16xf32>,
      %swap3A_2214 = vector.shape_cast %swap3A_2213 : vector<1x16xf32> to vector<16xf32>
      %swap3A_2215 = vector.shape_cast %add3A_2208 : vector<16xf32> to vector<1x16xf32>
      tpu.vector_store %arg5[%swap3A_2211, %swap3A_2212], %swap3A_2215 {strides = array<i32>} : memref<128x256xf32, #tpu.memory_space<vmem>>, vector<1x16xf32>,
      %mul3A_2216 = arith.mulf %broadcast_in_dim3A_39, %get3A_2201 : vector<16xf32>
      %mul3A_2217 = arith.mulf %broadcast_in_dim3A_37, %get3A_2205 : vector<16xf32>
      %add3A_2218 = arith.addf %mul3A_2216, %mul3A_2217 : vector<16xf32>
      %mul3A_2219 = arith.constant 2 : i32
      %mul3A_2220 = arith.muli %mul3A_2219, %scan3A_1739 : i32
      %add3A_2221 = arith.constant 1 : i32
      %add3A_2222 = arith.addi %mul3A_2220, %add3A_2221 : i32
      %swap3A_2223 = arith.index_cast %add3A_2222 : i32 to index
      %swap3A_2224 = arith.constant 208 : index
      %swap3A_2225 = tpu.vector_load %arg5[%swap3A_2223, %swap3A_2224] {strides = array<i32>} : memref<128x256xf32, #tpu.memory_space<vmem>>, vector<1x16xf32>,
      %swap3A_2226 = vector.shape_cast %swap3A_2225 : vector<1x16xf32> to vector<16xf32>
      %swap3A_2227 = vector.shape_cast %add3A_2218 : vector<16xf32> to vector<1x16xf32>
      tpu.vector_store %arg5[%swap3A_2223, %swap3A_2224], %swap3A_2227 {strides = array<i32>} : memref<128x256xf32, #tpu.memory_space<vmem>>, vector<1x16xf32>,
      %get3A_2228 = arith.index_cast %sub3A_1745 : i32 to index
      %get3A_2229 = arith.constant 224 : index
      %get3A_2230 = tpu.vector_load %arg4[%get3A_2228, %get3A_2229] {strides = array<i32>} : memref<80x256xf32, #tpu.memory_space<vmem>>, vector<1x16xf32>,
      %get3A_2231 = vector.shape_cast %get3A_2230 : vector<1x16xf32> to vector<16xf32>
      %get3A_2232 = arith.index_cast %sub3A_1747 : i32 to index
      %get3A_2233 = arith.constant 224 : index
      %get3A_2234 = tpu.vector_load %arg4[%get3A_2232, %get3A_2233] {strides = array<i32>} : memref<80x256xf32, #tpu.memory_space<vmem>>, vector<1x16xf32>,
      %get3A_2235 = vector.shape_cast %get3A_2234 : vector<1x16xf32> to vector<16xf32>
      %get3A_2236 = arith.index_cast %sub3A_1753 : i32 to index
      %get3A_2237 = arith.constant 224 : index
      %get3A_2238 = tpu.vector_load %arg4[%get3A_2236, %get3A_2237] {strides = array<i32>} : memref<80x256xf32, #tpu.memory_space<vmem>>, vector<1x16xf32>,
      %get3A_2239 = vector.shape_cast %get3A_2238 : vector<1x16xf32> to vector<16xf32>
      %mul3A_2240 = arith.mulf %broadcast_in_dim3A_37, %get3A_2231 : vector<16xf32>
      %mul3A_2241 = arith.mulf %broadcast_in_dim3A_39, %get3A_2235 : vector<16xf32>
      %add3A_2242 = arith.addf %mul3A_2240, %mul3A_2241 : vector<16xf32>
      %mul3A_2243 = arith.constant 2 : i32
      %mul3A_2244 = arith.muli %mul3A_2243, %scan3A_1739 : i32
      %swap3A_2245 = arith.index_cast %mul3A_2244 : i32 to index
      %swap3A_2246 = arith.constant 224 : index
      %swap3A_2247 = tpu.vector_load %arg5[%swap3A_2245, %swap3A_2246] {strides = array<i32>} : memref<128x256xf32, #tpu.memory_space<vmem>>, vector<1x16xf32>,
      %swap3A_2248 = vector.shape_cast %swap3A_2247 : vector<1x16xf32> to vector<16xf32>
      %swap3A_2249 = vector.shape_cast %add3A_2242 : vector<16xf32> to vector<1x16xf32>
      tpu.vector_store %arg5[%swap3A_2245, %swap3A_2246], %swap3A_2249 {strides = array<i32>} : memref<128x256xf32, #tpu.memory_space<vmem>>, vector<1x16xf32>,
      %mul3A_2250 = arith.mulf %broadcast_in_dim3A_39, %get3A_2235 : vector<16xf32>
      %mul3A_2251 = arith.mulf %broadcast_in_dim3A_37, %get3A_2239 : vector<16xf32>
      %add3A_2252 = arith.addf %mul3A_2250, %mul3A_2251 : vector<16xf32>
      %mul3A_2253 = arith.constant 2 : i32
      %mul3A_2254 = arith.muli %mul3A_2253, %scan3A_1739 : i32
      %add3A_2255 = arith.constant 1 : i32
      %add3A_2256 = arith.addi %mul3A_2254, %add3A_2255 : i32
      %swap3A_2257 = arith.index_cast %add3A_2256 : i32 to index
      %swap3A_2258 = arith.constant 224 : index
      %swap3A_2259 = tpu.vector_load %arg5[%swap3A_2257, %swap3A_2258] {strides = array<i32>} : memref<128x256xf32, #tpu.memory_space<vmem>>, vector<1x16xf32>,
      %swap3A_2260 = vector.shape_cast %swap3A_2259 : vector<1x16xf32> to vector<16xf32>
      %swap3A_2261 = vector.shape_cast %add3A_2252 : vector<16xf32> to vector<1x16xf32>
      tpu.vector_store %arg5[%swap3A_2257, %swap3A_2258], %swap3A_2261 {strides = array<i32>} : memref<128x256xf32, #tpu.memory_space<vmem>>, vector<1x16xf32>,
      %get3A_2262 = arith.index_cast %sub3A_1745 : i32 to index
      %get3A_2263 = arith.constant 240 : index
      %get3A_2264 = tpu.vector_load %arg4[%get3A_2262, %get3A_2263] {strides = array<i32>} : memref<80x256xf32, #tpu.memory_space<vmem>>, vector<1x16xf32>,
      %get3A_2265 = vector.shape_cast %get3A_2264 : vector<1x16xf32> to vector<16xf32>
      %get3A_2266 = arith.index_cast %sub3A_1747 : i32 to index
      %get3A_2267 = arith.constant 240 : index
      %get3A_2268 = tpu.vector_load %arg4[%get3A_2266, %get3A_2267] {strides = array<i32>} : memref<80x256xf32, #tpu.memory_space<vmem>>, vector<1x16xf32>,
      %get3A_2269 = vector.shape_cast %get3A_2268 : vector<1x16xf32> to vector<16xf32>
      %get3A_2270 = arith.index_cast %sub3A_1753 : i32 to index
      %get3A_2271 = arith.constant 240 : index
      %get3A_2272 = tpu.vector_load %arg4[%get3A_2270, %get3A_2271] {strides = array<i32>} : memref<80x256xf32, #tpu.memory_space<vmem>>, vector<1x16xf32>,
      %get3A_2273 = vector.shape_cast %get3A_2272 : vector<1x16xf32> to vector<16xf32>
      %mul3A_2274 = arith.mulf %broadcast_in_dim3A_37, %get3A_2265 : vector<16xf32>
      %mul3A_2275 = arith.mulf %broadcast_in_dim3A_39, %get3A_2269 : vector<16xf32>
      %add3A_2276 = arith.addf %mul3A_2274, %mul3A_2275 : vector<16xf32>
      %mul3A_2277 = arith.constant 2 : i32
      %mul3A_2278 = arith.muli %mul3A_2277, %scan3A_1739 : i32
      %swap3A_2279 = arith.index_cast %mul3A_2278 : i32 to index
      %swap3A_2280 = arith.constant 240 : index
      %swap3A_2281 = tpu.vector_load %arg5[%swap3A_2279, %swap3A_2280] {strides = array<i32>} : memref<128x256xf32, #tpu.memory_space<vmem>>, vector<1x16xf32>,
      %swap3A_2282 = vector.shape_cast %swap3A_2281 : vector<1x16xf32> to vector<16xf32>
      %swap3A_2283 = vector.shape_cast %add3A_2276 : vector<16xf32> to vector<1x16xf32>
      tpu.vector_store %arg5[%swap3A_2279, %swap3A_2280], %swap3A_2283 {strides = array<i32>} : memref<128x256xf32, #tpu.memory_space<vmem>>, vector<1x16xf32>,
      %mul3A_2284 = arith.mulf %broadcast_in_dim3A_39, %get3A_2269 : vector<16xf32>
      %mul3A_2285 = arith.mulf %broadcast_in_dim3A_37, %get3A_2273 : vector<16xf32>
      %add3A_2286 = arith.addf %mul3A_2284, %mul3A_2285 : vector<16xf32>
      %mul3A_2287 = arith.constant 2 : i32
      %mul3A_2288 = arith.muli %mul3A_2287, %scan3A_1739 : i32
      %add3A_2289 = arith.constant 1 : i32
      %add3A_2290 = arith.addi %mul3A_2288, %add3A_2289 : i32
      %swap3A_2291 = arith.index_cast %add3A_2290 : i32 to index
      %swap3A_2292 = arith.constant 240 : index
      %swap3A_2293 = tpu.vector_load %arg5[%swap3A_2291, %swap3A_2292] {strides = array<i32>} : memref<128x256xf32, #tpu.memory_space<vmem>>, vector<1x16xf32>,
      %swap3A_2294 = vector.shape_cast %swap3A_2293 : vector<1x16xf32> to vector<16xf32>
      %swap3A_2295 = vector.shape_cast %add3A_2286 : vector<16xf32> to vector<1x16xf32>
      tpu.vector_store %arg5[%swap3A_2291, %swap3A_2292], %swap3A_2295 {strides = array<i32>} : memref<128x256xf32, #tpu.memory_space<vmem>>, vector<1x16xf32>,
    }
    %scan3A_479 = arith.constant 16 : i32
    %add3A_480 = arith.constant 64 : i32
    %add3A_481 = arith.addi %mul3A_41, %add3A_480 : i32
    %multiple_of3A_482 = tpu.assume_multiple %add3A_481, 8 : i32
    %dma_start3A_483 = arith.constant 0 : i32
    %dma_start3A_484 = arith.constant 64 : i32
    %dma_start3A_485 = arith.constant 0 : i32
    %dma_start3A_486 = tpu.memref_slice %arg5[%dma_start3A_484, %dma_start3A_485] : memref<128x256xf32, #tpu.memory_space<vmem>> -> memref<32x256xf32, #tpu.memory_space<vmem>>
    %dma_start3A_487 = arith.constant 0 : i32
    %dma_start3A_488 = tpu.memref_slice %arg3[%dma_start3A_483, %select_n3A, %multiple_of3A_482, %dma_start3A_487] : memref<16x4x1024x256xf32, #tpu.memory_space<hbm>> -> memref<1x1x32x256xf32, #tpu.memory_space<hbm>>
    %dma_start3A_489 = tpu.memref_squeeze %dma_start3A_488 : memref<1x1x32x256xf32, #tpu.memory_space<hbm>> -> memref<32x256xf32, #tpu.memory_space<hbm>>
    %dma_start3A_490 = arith.constant 0 : i32
    %dma_start3A_491 = tpu.memref_slice %arg3[%dma_start3A_483, %select_n3A, %multiple_of3A_482, %dma_start3A_490] : memref<16x4x1024x256xf32, #tpu.memory_space<hbm>> -> memref<1x1x32x256xf32, #tpu.memory_space<hbm>>
    %dma_start3A_492 = tpu.memref_squeeze %dma_start3A_491 : memref<1x1x32x256xf32, #tpu.memory_space<hbm>> -> memref<32x256xf32, #tpu.memory_space<hbm>>
    %dma_start3A_493 = arith.constant 64 : i32
    %dma_start3A_494 = arith.constant 0 : i32
    %dma_start3A_495 = tpu.memref_slice %arg5[%dma_start3A_493, %dma_start3A_494] : memref<128x256xf32, #tpu.memory_space<vmem>> -> memref<32x256xf32, #tpu.memory_space<vmem>>
    tpu.enqueue_dma source(%dma_start3A_495 : memref<32x256xf32, #tpu.memory_space<vmem>>) target(%dma_start3A_492 : memref<32x256xf32, #tpu.memory_space<hbm>>) target_semaphore(%arg6 : memref<!tpu.dma_semaphore, #tpu.memory_space<semaphore_mem>>)
    %dma_start3A_496 = arith.constant 1 : i32
    %dma_start3A_497 = arith.constant 64 : i32
    %dma_start3A_498 = arith.constant 0 : i32
    %dma_start3A_499 = tpu.memref_slice %arg5[%dma_start3A_497, %dma_start3A_498] : memref<128x256xf32, #tpu.memory_space<vmem>> -> memref<32x256xf32, #tpu.memory_space<vmem>>
    %dma_start3A_500 = arith.constant 0 : i32
    %dma_start3A_501 = tpu.memref_slice %arg3[%dma_start3A_496, %select_n3A, %multiple_of3A_482, %dma_start3A_500] : memref<16x4x1024x256xf32, #tpu.memory_space<hbm>> -> memref<1x1x32x256xf32, #tpu.memory_space<hbm>>
    %dma_start3A_502 = tpu.memref_squeeze %dma_start3A_501 : memref<1x1x32x256xf32, #tpu.memory_space<hbm>> -> memref<32x256xf32, #tpu.memory_space<hbm>>
    %dma_start3A_503 = arith.constant 0 : i32
    %dma_start3A_504 = tpu.memref_slice %arg3[%dma_start3A_496, %select_n3A, %multiple_of3A_482, %dma_start3A_503] : memref<16x4x1024x256xf32, #tpu.memory_space<hbm>> -> memref<1x1x32x256xf32, #tpu.memory_space<hbm>>
    %dma_start3A_505 = tpu.memref_squeeze %dma_start3A_504 : memref<1x1x32x256xf32, #tpu.memory_space<hbm>> -> memref<32x256xf32, #tpu.memory_space<hbm>>
    %dma_start3A_506 = arith.constant 64 : i32
    %dma_start3A_507 = arith.constant 0 : i32
    %dma_start3A_508 = tpu.memref_slice %arg5[%dma_start3A_506, %dma_start3A_507] : memref<128x256xf32, #tpu.memory_space<vmem>> -> memref<32x256xf32, #tpu.memory_space<vmem>>
    tpu.enqueue_dma source(%dma_start3A_508 : memref<32x256xf32, #tpu.memory_space<vmem>>) target(%dma_start3A_505 : memref<32x256xf32, #tpu.memory_space<hbm>>) target_semaphore(%arg6 : memref<!tpu.dma_semaphore, #tpu.memory_space<semaphore_mem>>)
    %dma_start3A_509 = arith.constant 2 : i32
    %dma_start3A_510 = arith.constant 64 : i32
    %dma_start3A_511 = arith.constant 0 : i32
    %dma_start3A_512 = tpu.memref_slice %arg5[%dma_start3A_510, %dma_start3A_511] : memref<128x256xf32, #tpu.memory_space<vmem>> -> memref<32x256xf32, #tpu.memory_space<vmem>>
    %dma_start3A_513 = arith.constant 0 : i32
    %dma_start3A_514 = tpu.memref_slice %arg3[%dma_start3A_509, %select_n3A, %multiple_of3A_482, %dma_start3A_513] : memref<16x4x1024x256xf32, #tpu.memory_space<hbm>> -> memref<1x1x32x256xf32, #tpu.memory_space<hbm>>
    %dma_start3A_515 = tpu.memref_squeeze %dma_start3A_514 : memref<1x1x32x256xf32, #tpu.memory_space<hbm>> -> memref<32x256xf32, #tpu.memory_space<hbm>>
    %dma_start3A_516 = arith.constant 0 : i32
    %dma_start3A_517 = tpu.memref_slice %arg3[%dma_start3A_509, %select_n3A, %multiple_of3A_482, %dma_start3A_516] : memref<16x4x1024x256xf32, #tpu.memory_space<hbm>> -> memref<1x1x32x256xf32, #tpu.memory_space<hbm>>
    %dma_start3A_518 = tpu.memref_squeeze %dma_start3A_517 : memref<1x1x32x256xf32, #tpu.memory_space<hbm>> -> memref<32x256xf32, #tpu.memory_space<hbm>>
    %dma_start3A_519 = arith.constant 64 : i32
    %dma_start3A_520 = arith.constant 0 : i32
    %dma_start3A_521 = tpu.memref_slice %arg5[%dma_start3A_519, %dma_start3A_520] : memref<128x256xf32, #tpu.memory_space<vmem>> -> memref<32x256xf32, #tpu.memory_space<vmem>>
    tpu.enqueue_dma source(%dma_start3A_521 : memref<32x256xf32, #tpu.memory_space<vmem>>) target(%dma_start3A_518 : memref<32x256xf32, #tpu.memory_space<hbm>>) target_semaphore(%arg6 : memref<!tpu.dma_semaphore, #tpu.memory_space<semaphore_mem>>)
    %dma_start3A_522 = arith.constant 3 : i32
    %dma_start3A_523 = arith.constant 64 : i32
    %dma_start3A_524 = arith.constant 0 : i32
    %dma_start3A_525 = tpu.memref_slice %arg5[%dma_start3A_523, %dma_start3A_524] : memref<128x256xf32, #tpu.memory_space<vmem>> -> memref<32x256xf32, #tpu.memory_space<vmem>>
    %dma_start3A_526 = arith.constant 0 : i32
    %dma_start3A_527 = tpu.memref_slice %arg3[%dma_start3A_522, %select_n3A, %multiple_of3A_482, %dma_start3A_526] : memref<16x4x1024x256xf32, #tpu.memory_space<hbm>> -> memref<1x1x32x256xf32, #tpu.memory_space<hbm>>
    %dma_start3A_528 = tpu.memref_squeeze %dma_start3A_527 : memref<1x1x32x256xf32, #tpu.memory_space<hbm>> -> memref<32x256xf32, #tpu.memory_space<hbm>>
    %dma_start3A_529 = arith.constant 0 : i32
    %dma_start3A_530 = tpu.memref_slice %arg3[%dma_start3A_522, %select_n3A, %multiple_of3A_482, %dma_start3A_529] : memref<16x4x1024x256xf32, #tpu.memory_space<hbm>> -> memref<1x1x32x256xf32, #tpu.memory_space<hbm>>
    %dma_start3A_531 = tpu.memref_squeeze %dma_start3A_530 : memref<1x1x32x256xf32, #tpu.memory_space<hbm>> -> memref<32x256xf32, #tpu.memory_space<hbm>>
    %dma_start3A_532 = arith.constant 64 : i32
    %dma_start3A_533 = arith.constant 0 : i32
    %dma_start3A_534 = tpu.memref_slice %arg5[%dma_start3A_532, %dma_start3A_533] : memref<128x256xf32, #tpu.memory_space<vmem>> -> memref<32x256xf32, #tpu.memory_space<vmem>>
    tpu.enqueue_dma source(%dma_start3A_534 : memref<32x256xf32, #tpu.memory_space<vmem>>) target(%dma_start3A_531 : memref<32x256xf32, #tpu.memory_space<hbm>>) target_semaphore(%arg6 : memref<!tpu.dma_semaphore, #tpu.memory_space<semaphore_mem>>)
    %dma_start3A_535 = arith.constant 4 : i32
    %dma_start3A_536 = arith.constant 64 : i32
    %dma_start3A_537 = arith.constant 0 : i32
    %dma_start3A_538 = tpu.memref_slice %arg5[%dma_start3A_536, %dma_start3A_537] : memref<128x256xf32, #tpu.memory_space<vmem>> -> memref<32x256xf32, #tpu.memory_space<vmem>>
    %dma_start3A_539 = arith.constant 0 : i32
    %dma_start3A_540 = tpu.memref_slice %arg3[%dma_start3A_535, %select_n3A, %multiple_of3A_482, %dma_start3A_539] : memref<16x4x1024x256xf32, #tpu.memory_space<hbm>> -> memref<1x1x32x256xf32, #tpu.memory_space<hbm>>
    %dma_start3A_541 = tpu.memref_squeeze %dma_start3A_540 : memref<1x1x32x256xf32, #tpu.memory_space<hbm>> -> memref<32x256xf32, #tpu.memory_space<hbm>>
    %dma_start3A_542 = arith.constant 0 : i32
    %dma_start3A_543 = tpu.memref_slice %arg3[%dma_start3A_535, %select_n3A, %multiple_of3A_482, %dma_start3A_542] : memref<16x4x1024x256xf32, #tpu.memory_space<hbm>> -> memref<1x1x32x256xf32, #tpu.memory_space<hbm>>
    %dma_start3A_544 = tpu.memref_squeeze %dma_start3A_543 : memref<1x1x32x256xf32, #tpu.memory_space<hbm>> -> memref<32x256xf32, #tpu.memory_space<hbm>>
    %dma_start3A_545 = arith.constant 64 : i32
    %dma_start3A_546 = arith.constant 0 : i32
    %dma_start3A_547 = tpu.memref_slice %arg5[%dma_start3A_545, %dma_start3A_546] : memref<128x256xf32, #tpu.memory_space<vmem>> -> memref<32x256xf32, #tpu.memory_space<vmem>>
    tpu.enqueue_dma source(%dma_start3A_547 : memref<32x256xf32, #tpu.memory_space<vmem>>) target(%dma_start3A_544 : memref<32x256xf32, #tpu.memory_space<hbm>>) target_semaphore(%arg6 : memref<!tpu.dma_semaphore, #tpu.memory_space<semaphore_mem>>)
    %dma_start3A_548 = arith.constant 5 : i32
    %dma_start3A_549 = arith.constant 64 : i32
    %dma_start3A_550 = arith.constant 0 : i32
    %dma_start3A_551 = tpu.memref_slice %arg5[%dma_start3A_549, %dma_start3A_550] : memref<128x256xf32, #tpu.memory_space<vmem>> -> memref<32x256xf32, #tpu.memory_space<vmem>>
    %dma_start3A_552 = arith.constant 0 : i32
    %dma_start3A_553 = tpu.memref_slice %arg3[%dma_start3A_548, %select_n3A, %multiple_of3A_482, %dma_start3A_552] : memref<16x4x1024x256xf32, #tpu.memory_space<hbm>> -> memref<1x1x32x256xf32, #tpu.memory_space<hbm>>
    %dma_start3A_554 = tpu.memref_squeeze %dma_start3A_553 : memref<1x1x32x256xf32, #tpu.memory_space<hbm>> -> memref<32x256xf32, #tpu.memory_space<hbm>>
    %dma_start3A_555 = arith.constant 0 : i32
    %dma_start3A_556 = tpu.memref_slice %arg3[%dma_start3A_548, %select_n3A, %multiple_of3A_482, %dma_start3A_555] : memref<16x4x1024x256xf32, #tpu.memory_space<hbm>> -> memref<1x1x32x256xf32, #tpu.memory_space<hbm>>
    %dma_start3A_557 = tpu.memref_squeeze %dma_start3A_556 : memref<1x1x32x256xf32, #tpu.memory_space<hbm>> -> memref<32x256xf32, #tpu.memory_space<hbm>>
    %dma_start3A_558 = arith.constant 64 : i32
    %dma_start3A_559 = arith.constant 0 : i32
    %dma_start3A_560 = tpu.memref_slice %arg5[%dma_start3A_558, %dma_start3A_559] : memref<128x256xf32, #tpu.memory_space<vmem>> -> memref<32x256xf32, #tpu.memory_space<vmem>>
    tpu.enqueue_dma source(%dma_start3A_560 : memref<32x256xf32, #tpu.memory_space<vmem>>) target(%dma_start3A_557 : memref<32x256xf32, #tpu.memory_space<hbm>>) target_semaphore(%arg6 : memref<!tpu.dma_semaphore, #tpu.memory_space<semaphore_mem>>)
    %dma_start3A_561 = arith.constant 6 : i32
    %dma_start3A_562 = arith.constant 64 : i32
    %dma_start3A_563 = arith.constant 0 : i32
    %dma_start3A_564 = tpu.memref_slice %arg5[%dma_start3A_562, %dma_start3A_563] : memref<128x256xf32, #tpu.memory_space<vmem>> -> memref<32x256xf32, #tpu.memory_space<vmem>>
    %dma_start3A_565 = arith.constant 0 : i32
    %dma_start3A_566 = tpu.memref_slice %arg3[%dma_start3A_561, %select_n3A, %multiple_of3A_482, %dma_start3A_565] : memref<16x4x1024x256xf32, #tpu.memory_space<hbm>> -> memref<1x1x32x256xf32, #tpu.memory_space<hbm>>
    %dma_start3A_567 = tpu.memref_squeeze %dma_start3A_566 : memref<1x1x32x256xf32, #tpu.memory_space<hbm>> -> memref<32x256xf32, #tpu.memory_space<hbm>>
    %dma_start3A_568 = arith.constant 0 : i32
    %dma_start3A_569 = tpu.memref_slice %arg3[%dma_start3A_561, %select_n3A, %multiple_of3A_482, %dma_start3A_568] : memref<16x4x1024x256xf32, #tpu.memory_space<hbm>> -> memref<1x1x32x256xf32, #tpu.memory_space<hbm>>
    %dma_start3A_570 = tpu.memref_squeeze %dma_start3A_569 : memref<1x1x32x256xf32, #tpu.memory_space<hbm>> -> memref<32x256xf32, #tpu.memory_space<hbm>>
    %dma_start3A_571 = arith.constant 64 : i32
    %dma_start3A_572 = arith.constant 0 : i32
    %dma_start3A_573 = tpu.memref_slice %arg5[%dma_start3A_571, %dma_start3A_572] : memref<128x256xf32, #tpu.memory_space<vmem>> -> memref<32x256xf32, #tpu.memory_space<vmem>>
    tpu.enqueue_dma source(%dma_start3A_573 : memref<32x256xf32, #tpu.memory_space<vmem>>) target(%dma_start3A_570 : memref<32x256xf32, #tpu.memory_space<hbm>>) target_semaphore(%arg6 : memref<!tpu.dma_semaphore, #tpu.memory_space<semaphore_mem>>)
    %dma_start3A_574 = arith.constant 7 : i32
    %dma_start3A_575 = arith.constant 64 : i32
    %dma_start3A_576 = arith.constant 0 : i32
    %dma_start3A_577 = tpu.memref_slice %arg5[%dma_start3A_575, %dma_start3A_576] : memref<128x256xf32, #tpu.memory_space<vmem>> -> memref<32x256xf32, #tpu.memory_space<vmem>>
    %dma_start3A_578 = arith.constant 0 : i32
    %dma_start3A_579 = tpu.memref_slice %arg3[%dma_start3A_574, %select_n3A, %multiple_of3A_482, %dma_start3A_578] : memref<16x4x1024x256xf32, #tpu.memory_space<hbm>> -> memref<1x1x32x256xf32, #tpu.memory_space<hbm>>
    %dma_start3A_580 = tpu.memref_squeeze %dma_start3A_579 : memref<1x1x32x256xf32, #tpu.memory_space<hbm>> -> memref<32x256xf32, #tpu.memory_space<hbm>>
    %dma_start3A_581 = arith.constant 0 : i32
    %dma_start3A_582 = tpu.memref_slice %arg3[%dma_start3A_574, %select_n3A, %multiple_of3A_482, %dma_start3A_581] : memref<16x4x1024x256xf32, #tpu.memory_space<hbm>> -> memref<1x1x32x256xf32, #tpu.memory_space<hbm>>
    %dma_start3A_583 = tpu.memref_squeeze %dma_start3A_582 : memref<1x1x32x256xf32, #tpu.memory_space<hbm>> -> memref<32x256xf32, #tpu.memory_space<hbm>>
    %dma_start3A_584 = arith.constant 64 : i32
    %dma_start3A_585 = arith.constant 0 : i32
    %dma_start3A_586 = tpu.memref_slice %arg5[%dma_start3A_584, %dma_start3A_585] : memref<128x256xf32, #tpu.memory_space<vmem>> -> memref<32x256xf32, #tpu.memory_space<vmem>>
    tpu.enqueue_dma source(%dma_start3A_586 : memref<32x256xf32, #tpu.memory_space<vmem>>) target(%dma_start3A_583 : memref<32x256xf32, #tpu.memory_space<hbm>>) target_semaphore(%arg6 : memref<!tpu.dma_semaphore, #tpu.memory_space<semaphore_mem>>)
    %dma_start3A_587 = arith.constant 8 : i32
    %dma_start3A_588 = arith.constant 64 : i32
    %dma_start3A_589 = arith.constant 0 : i32
    %dma_start3A_590 = tpu.memref_slice %arg5[%dma_start3A_588, %dma_start3A_589] : memref<128x256xf32, #tpu.memory_space<vmem>> -> memref<32x256xf32, #tpu.memory_space<vmem>>
    %dma_start3A_591 = arith.constant 0 : i32
    %dma_start3A_592 = tpu.memref_slice %arg3[%dma_start3A_587, %select_n3A, %multiple_of3A_482, %dma_start3A_591] : memref<16x4x1024x256xf32, #tpu.memory_space<hbm>> -> memref<1x1x32x256xf32, #tpu.memory_space<hbm>>
    %dma_start3A_593 = tpu.memref_squeeze %dma_start3A_592 : memref<1x1x32x256xf32, #tpu.memory_space<hbm>> -> memref<32x256xf32, #tpu.memory_space<hbm>>
    %dma_start3A_594 = arith.constant 0 : i32
    %dma_start3A_595 = tpu.memref_slice %arg3[%dma_start3A_587, %select_n3A, %multiple_of3A_482, %dma_start3A_594] : memref<16x4x1024x256xf32, #tpu.memory_space<hbm>> -> memref<1x1x32x256xf32, #tpu.memory_space<hbm>>
    %dma_start3A_596 = tpu.memref_squeeze %dma_start3A_595 : memref<1x1x32x256xf32, #tpu.memory_space<hbm>> -> memref<32x256xf32, #tpu.memory_space<hbm>>
    %dma_start3A_597 = arith.constant 64 : i32
    %dma_start3A_598 = arith.constant 0 : i32
    %dma_start3A_599 = tpu.memref_slice %arg5[%dma_start3A_597, %dma_start3A_598] : memref<128x256xf32, #tpu.memory_space<vmem>> -> memref<32x256xf32, #tpu.memory_space<vmem>>
    tpu.enqueue_dma source(%dma_start3A_599 : memref<32x256xf32, #tpu.memory_space<vmem>>) target(%dma_start3A_596 : memref<32x256xf32, #tpu.memory_space<hbm>>) target_semaphore(%arg6 : memref<!tpu.dma_semaphore, #tpu.memory_space<semaphore_mem>>)
    %dma_start3A_600 = arith.constant 9 : i32
    %dma_start3A_601 = arith.constant 64 : i32
    %dma_start3A_602 = arith.constant 0 : i32
    %dma_start3A_603 = tpu.memref_slice %arg5[%dma_start3A_601, %dma_start3A_602] : memref<128x256xf32, #tpu.memory_space<vmem>> -> memref<32x256xf32, #tpu.memory_space<vmem>>
    %dma_start3A_604 = arith.constant 0 : i32
    %dma_start3A_605 = tpu.memref_slice %arg3[%dma_start3A_600, %select_n3A, %multiple_of3A_482, %dma_start3A_604] : memref<16x4x1024x256xf32, #tpu.memory_space<hbm>> -> memref<1x1x32x256xf32, #tpu.memory_space<hbm>>
    %dma_start3A_606 = tpu.memref_squeeze %dma_start3A_605 : memref<1x1x32x256xf32, #tpu.memory_space<hbm>> -> memref<32x256xf32, #tpu.memory_space<hbm>>
    %dma_start3A_607 = arith.constant 0 : i32
    %dma_start3A_608 = tpu.memref_slice %arg3[%dma_start3A_600, %select_n3A, %multiple_of3A_482, %dma_start3A_607] : memref<16x4x1024x256xf32, #tpu.memory_space<hbm>> -> memref<1x1x32x256xf32, #tpu.memory_space<hbm>>
    %dma_start3A_609 = tpu.memref_squeeze %dma_start3A_608 : memref<1x1x32x256xf32, #tpu.memory_space<hbm>> -> memref<32x256xf32, #tpu.memory_space<hbm>>
    %dma_start3A_610 = arith.constant 64 : i32
    %dma_start3A_611 = arith.constant 0 : i32
    %dma_start3A_612 = tpu.memref_slice %arg5[%dma_start3A_610, %dma_start3A_611] : memref<128x256xf32, #tpu.memory_space<vmem>> -> memref<32x256xf32, #tpu.memory_space<vmem>>
    tpu.enqueue_dma source(%dma_start3A_612 : memref<32x256xf32, #tpu.memory_space<vmem>>) target(%dma_start3A_609 : memref<32x256xf32, #tpu.memory_space<hbm>>) target_semaphore(%arg6 : memref<!tpu.dma_semaphore, #tpu.memory_space<semaphore_mem>>)
    %dma_start3A_613 = arith.constant 10 : i32
    %dma_start3A_614 = arith.constant 64 : i32
    %dma_start3A_615 = arith.constant 0 : i32
    %dma_start3A_616 = tpu.memref_slice %arg5[%dma_start3A_614, %dma_start3A_615] : memref<128x256xf32, #tpu.memory_space<vmem>> -> memref<32x256xf32, #tpu.memory_space<vmem>>
    %dma_start3A_617 = arith.constant 0 : i32
    %dma_start3A_618 = tpu.memref_slice %arg3[%dma_start3A_613, %select_n3A, %multiple_of3A_482, %dma_start3A_617] : memref<16x4x1024x256xf32, #tpu.memory_space<hbm>> -> memref<1x1x32x256xf32, #tpu.memory_space<hbm>>
    %dma_start3A_619 = tpu.memref_squeeze %dma_start3A_618 : memref<1x1x32x256xf32, #tpu.memory_space<hbm>> -> memref<32x256xf32, #tpu.memory_space<hbm>>
    %dma_start3A_620 = arith.constant 0 : i32
    %dma_start3A_621 = tpu.memref_slice %arg3[%dma_start3A_613, %select_n3A, %multiple_of3A_482, %dma_start3A_620] : memref<16x4x1024x256xf32, #tpu.memory_space<hbm>> -> memref<1x1x32x256xf32, #tpu.memory_space<hbm>>
    %dma_start3A_622 = tpu.memref_squeeze %dma_start3A_621 : memref<1x1x32x256xf32, #tpu.memory_space<hbm>> -> memref<32x256xf32, #tpu.memory_space<hbm>>
    %dma_start3A_623 = arith.constant 64 : i32
    %dma_start3A_624 = arith.constant 0 : i32
    %dma_start3A_625 = tpu.memref_slice %arg5[%dma_start3A_623, %dma_start3A_624] : memref<128x256xf32, #tpu.memory_space<vmem>> -> memref<32x256xf32, #tpu.memory_space<vmem>>
    tpu.enqueue_dma source(%dma_start3A_625 : memref<32x256xf32, #tpu.memory_space<vmem>>) target(%dma_start3A_622 : memref<32x256xf32, #tpu.memory_space<hbm>>) target_semaphore(%arg6 : memref<!tpu.dma_semaphore, #tpu.memory_space<semaphore_mem>>)
    %dma_start3A_626 = arith.constant 11 : i32
    %dma_start3A_627 = arith.constant 64 : i32
    %dma_start3A_628 = arith.constant 0 : i32
    %dma_start3A_629 = tpu.memref_slice %arg5[%dma_start3A_627, %dma_start3A_628] : memref<128x256xf32, #tpu.memory_space<vmem>> -> memref<32x256xf32, #tpu.memory_space<vmem>>
    %dma_start3A_630 = arith.constant 0 : i32
    %dma_start3A_631 = tpu.memref_slice %arg3[%dma_start3A_626, %select_n3A, %multiple_of3A_482, %dma_start3A_630] : memref<16x4x1024x256xf32, #tpu.memory_space<hbm>> -> memref<1x1x32x256xf32, #tpu.memory_space<hbm>>
    %dma_start3A_632 = tpu.memref_squeeze %dma_start3A_631 : memref<1x1x32x256xf32, #tpu.memory_space<hbm>> -> memref<32x256xf32, #tpu.memory_space<hbm>>
    %dma_start3A_633 = arith.constant 0 : i32
    %dma_start3A_634 = tpu.memref_slice %arg3[%dma_start3A_626, %select_n3A, %multiple_of3A_482, %dma_start3A_633] : memref<16x4x1024x256xf32, #tpu.memory_space<hbm>> -> memref<1x1x32x256xf32, #tpu.memory_space<hbm>>
    %dma_start3A_635 = tpu.memref_squeeze %dma_start3A_634 : memref<1x1x32x256xf32, #tpu.memory_space<hbm>> -> memref<32x256xf32, #tpu.memory_space<hbm>>
    %dma_start3A_636 = arith.constant 64 : i32
    %dma_start3A_637 = arith.constant 0 : i32
    %dma_start3A_638 = tpu.memref_slice %arg5[%dma_start3A_636, %dma_start3A_637] : memref<128x256xf32, #tpu.memory_space<vmem>> -> memref<32x256xf32, #tpu.memory_space<vmem>>
    tpu.enqueue_dma source(%dma_start3A_638 : memref<32x256xf32, #tpu.memory_space<vmem>>) target(%dma_start3A_635 : memref<32x256xf32, #tpu.memory_space<hbm>>) target_semaphore(%arg6 : memref<!tpu.dma_semaphore, #tpu.memory_space<semaphore_mem>>)
    %dma_start3A_639 = arith.constant 12 : i32
    %dma_start3A_640 = arith.constant 64 : i32
    %dma_start3A_641 = arith.constant 0 : i32
    %dma_start3A_642 = tpu.memref_slice %arg5[%dma_start3A_640, %dma_start3A_641] : memref<128x256xf32, #tpu.memory_space<vmem>> -> memref<32x256xf32, #tpu.memory_space<vmem>>
    %dma_start3A_643 = arith.constant 0 : i32
    %dma_start3A_644 = tpu.memref_slice %arg3[%dma_start3A_639, %select_n3A, %multiple_of3A_482, %dma_start3A_643] : memref<16x4x1024x256xf32, #tpu.memory_space<hbm>> -> memref<1x1x32x256xf32, #tpu.memory_space<hbm>>
    %dma_start3A_645 = tpu.memref_squeeze %dma_start3A_644 : memref<1x1x32x256xf32, #tpu.memory_space<hbm>> -> memref<32x256xf32, #tpu.memory_space<hbm>>
    %dma_start3A_646 = arith.constant 0 : i32
    %dma_start3A_647 = tpu.memref_slice %arg3[%dma_start3A_639, %select_n3A, %multiple_of3A_482, %dma_start3A_646] : memref<16x4x1024x256xf32, #tpu.memory_space<hbm>> -> memref<1x1x32x256xf32, #tpu.memory_space<hbm>>
    %dma_start3A_648 = tpu.memref_squeeze %dma_start3A_647 : memref<1x1x32x256xf32, #tpu.memory_space<hbm>> -> memref<32x256xf32, #tpu.memory_space<hbm>>
    %dma_start3A_649 = arith.constant 64 : i32
    %dma_start3A_650 = arith.constant 0 : i32
    %dma_start3A_651 = tpu.memref_slice %arg5[%dma_start3A_649, %dma_start3A_650] : memref<128x256xf32, #tpu.memory_space<vmem>> -> memref<32x256xf32, #tpu.memory_space<vmem>>
    tpu.enqueue_dma source(%dma_start3A_651 : memref<32x256xf32, #tpu.memory_space<vmem>>) target(%dma_start3A_648 : memref<32x256xf32, #tpu.memory_space<hbm>>) target_semaphore(%arg6 : memref<!tpu.dma_semaphore, #tpu.memory_space<semaphore_mem>>)
    %dma_start3A_652 = arith.constant 13 : i32
    %dma_start3A_653 = arith.constant 64 : i32
    %dma_start3A_654 = arith.constant 0 : i32
    %dma_start3A_655 = tpu.memref_slice %arg5[%dma_start3A_653, %dma_start3A_654] : memref<128x256xf32, #tpu.memory_space<vmem>> -> memref<32x256xf32, #tpu.memory_space<vmem>>
    %dma_start3A_656 = arith.constant 0 : i32
    %dma_start3A_657 = tpu.memref_slice %arg3[%dma_start3A_652, %select_n3A, %multiple_of3A_482, %dma_start3A_656] : memref<16x4x1024x256xf32, #tpu.memory_space<hbm>> -> memref<1x1x32x256xf32, #tpu.memory_space<hbm>>
    %dma_start3A_658 = tpu.memref_squeeze %dma_start3A_657 : memref<1x1x32x256xf32, #tpu.memory_space<hbm>> -> memref<32x256xf32, #tpu.memory_space<hbm>>
    %dma_start3A_659 = arith.constant 0 : i32
    %dma_start3A_660 = tpu.memref_slice %arg3[%dma_start3A_652, %select_n3A, %multiple_of3A_482, %dma_start3A_659] : memref<16x4x1024x256xf32, #tpu.memory_space<hbm>> -> memref<1x1x32x256xf32, #tpu.memory_space<hbm>>
    %dma_start3A_661 = tpu.memref_squeeze %dma_start3A_660 : memref<1x1x32x256xf32, #tpu.memory_space<hbm>> -> memref<32x256xf32, #tpu.memory_space<hbm>>
    %dma_start3A_662 = arith.constant 64 : i32
    %dma_start3A_663 = arith.constant 0 : i32
    %dma_start3A_664 = tpu.memref_slice %arg5[%dma_start3A_662, %dma_start3A_663] : memref<128x256xf32, #tpu.memory_space<vmem>> -> memref<32x256xf32, #tpu.memory_space<vmem>>
    tpu.enqueue_dma source(%dma_start3A_664 : memref<32x256xf32, #tpu.memory_space<vmem>>) target(%dma_start3A_661 : memref<32x256xf32, #tpu.memory_space<hbm>>) target_semaphore(%arg6 : memref<!tpu.dma_semaphore, #tpu.memory_space<semaphore_mem>>)
    %dma_start3A_665 = arith.constant 14 : i32
    %dma_start3A_666 = arith.constant 64 : i32
    %dma_start3A_667 = arith.constant 0 : i32
    %dma_start3A_668 = tpu.memref_slice %arg5[%dma_start3A_666, %dma_start3A_667] : memref<128x256xf32, #tpu.memory_space<vmem>> -> memref<32x256xf32, #tpu.memory_space<vmem>>
    %dma_start3A_669 = arith.constant 0 : i32
    %dma_start3A_670 = tpu.memref_slice %arg3[%dma_start3A_665, %select_n3A, %multiple_of3A_482, %dma_start3A_669] : memref<16x4x1024x256xf32, #tpu.memory_space<hbm>> -> memref<1x1x32x256xf32, #tpu.memory_space<hbm>>
    %dma_start3A_671 = tpu.memref_squeeze %dma_start3A_670 : memref<1x1x32x256xf32, #tpu.memory_space<hbm>> -> memref<32x256xf32, #tpu.memory_space<hbm>>
    %dma_start3A_672 = arith.constant 0 : i32
    %dma_start3A_673 = tpu.memref_slice %arg3[%dma_start3A_665, %select_n3A, %multiple_of3A_482, %dma_start3A_672] : memref<16x4x1024x256xf32, #tpu.memory_space<hbm>> -> memref<1x1x32x256xf32, #tpu.memory_space<hbm>>
    %dma_start3A_674 = tpu.memref_squeeze %dma_start3A_673 : memref<1x1x32x256xf32, #tpu.memory_space<hbm>> -> memref<32x256xf32, #tpu.memory_space<hbm>>
    %dma_start3A_675 = arith.constant 64 : i32
    %dma_start3A_676 = arith.constant 0 : i32
    %dma_start3A_677 = tpu.memref_slice %arg5[%dma_start3A_675, %dma_start3A_676] : memref<128x256xf32, #tpu.memory_space<vmem>> -> memref<32x256xf32, #tpu.memory_space<vmem>>
    tpu.enqueue_dma source(%dma_start3A_677 : memref<32x256xf32, #tpu.memory_space<vmem>>) target(%dma_start3A_674 : memref<32x256xf32, #tpu.memory_space<hbm>>) target_semaphore(%arg6 : memref<!tpu.dma_semaphore, #tpu.memory_space<semaphore_mem>>)
    %dma_start3A_678 = arith.constant 15 : i32
    %dma_start3A_679 = arith.constant 64 : i32
    %dma_start3A_680 = arith.constant 0 : i32
    %dma_start3A_681 = tpu.memref_slice %arg5[%dma_start3A_679, %dma_start3A_680] : memref<128x256xf32, #tpu.memory_space<vmem>> -> memref<32x256xf32, #tpu.memory_space<vmem>>
    %dma_start3A_682 = arith.constant 0 : i32
    %dma_start3A_683 = tpu.memref_slice %arg3[%dma_start3A_678, %select_n3A, %multiple_of3A_482, %dma_start3A_682] : memref<16x4x1024x256xf32, #tpu.memory_space<hbm>> -> memref<1x1x32x256xf32, #tpu.memory_space<hbm>>
    %dma_start3A_684 = tpu.memref_squeeze %dma_start3A_683 : memref<1x1x32x256xf32, #tpu.memory_space<hbm>> -> memref<32x256xf32, #tpu.memory_space<hbm>>
    %dma_start3A_685 = arith.constant 0 : i32
    %dma_start3A_686 = tpu.memref_slice %arg3[%dma_start3A_678, %select_n3A, %multiple_of3A_482, %dma_start3A_685] : memref<16x4x1024x256xf32, #tpu.memory_space<hbm>> -> memref<1x1x32x256xf32, #tpu.memory_space<hbm>>
    %dma_start3A_687 = tpu.memref_squeeze %dma_start3A_686 : memref<1x1x32x256xf32, #tpu.memory_space<hbm>> -> memref<32x256xf32, #tpu.memory_space<hbm>>
    %dma_start3A_688 = arith.constant 64 : i32
    %dma_start3A_689 = arith.constant 0 : i32
    %dma_start3A_690 = tpu.memref_slice %arg5[%dma_start3A_688, %dma_start3A_689] : memref<128x256xf32, #tpu.memory_space<vmem>> -> memref<32x256xf32, #tpu.memory_space<vmem>>
    tpu.enqueue_dma source(%dma_start3A_690 : memref<32x256xf32, #tpu.memory_space<vmem>>) target(%dma_start3A_687 : memref<32x256xf32, #tpu.memory_space<hbm>>) target_semaphore(%arg6 : memref<!tpu.dma_semaphore, #tpu.memory_space<semaphore_mem>>)
    %scan3A_691 = arith.constant 0 : i32
    %scan3A_692 = arith.constant 48 : i32
    %scan3A_693 = arith.constant 16 : i32
    %scan3A_694 = arith.addi %scan3A_692, %scan3A_693 : i32
    %scan3A_695 = arith.constant 1 : i32
    scf.for %scan3A_1739 = %scan3A_692 to %scan3A_694 step %scan3A_695  : i32 {
      %add3A_1740 = arith.addi %mul3A_32, %scan3A_1739 : i32
      %sub3A_1741 = arith.constant 1 : i32
      %sub3A_1742 = arith.subi %add3A_1740, %sub3A_1741 : i32
      %max3A_1743 = arith.constant 0 : i32
      %max3A_1744 = arith.maxsi %sub3A_1742, %max3A_1743 : i32
      %sub3A_1745 = arith.subi %max3A_1744, %multiple_of3A : i32
      %add3A_1746 = arith.addi %mul3A_32, %scan3A_1739 : i32
      %sub3A_1747 = arith.subi %add3A_1746, %multiple_of3A : i32
      %add3A_1748 = arith.addi %mul3A_32, %scan3A_1739 : i32
      %add3A_1749 = arith.constant 1 : i32
      %add3A_1750 = arith.addi %add3A_1748, %add3A_1749 : i32
      %min3A_1751 = arith.constant 511 : i32
      %min3A_1752 = arith.minsi %add3A_1750, %min3A_1751 : i32
      %sub3A_1753 = arith.subi %min3A_1752, %multiple_of3A : i32
      %get3A = arith.index_cast %sub3A_1745 : i32 to index
      %get3A_1754 = arith.constant 0 : index
      %get3A_1755 = tpu.vector_load %arg4[%get3A, %get3A_1754] {strides = array<i32>} : memref<80x256xf32, #tpu.memory_space<vmem>>, vector<1x16xf32>,
      %get3A_1756 = vector.shape_cast %get3A_1755 : vector<1x16xf32> to vector<16xf32>
      %get3A_1757 = arith.index_cast %sub3A_1747 : i32 to index
      %get3A_1758 = arith.constant 0 : index
      %get3A_1759 = tpu.vector_load %arg4[%get3A_1757, %get3A_1758] {strides = array<i32>} : memref<80x256xf32, #tpu.memory_space<vmem>>, vector<1x16xf32>,
      %get3A_1760 = vector.shape_cast %get3A_1759 : vector<1x16xf32> to vector<16xf32>
      %get3A_1761 = arith.index_cast %sub3A_1753 : i32 to index
      %get3A_1762 = arith.constant 0 : index
      %get3A_1763 = tpu.vector_load %arg4[%get3A_1761, %get3A_1762] {strides = array<i32>} : memref<80x256xf32, #tpu.memory_space<vmem>>, vector<1x16xf32>,
      %get3A_1764 = vector.shape_cast %get3A_1763 : vector<1x16xf32> to vector<16xf32>
      %mul3A_1765 = arith.mulf %broadcast_in_dim3A_37, %get3A_1756 : vector<16xf32>
      %mul3A_1766 = arith.mulf %broadcast_in_dim3A_39, %get3A_1760 : vector<16xf32>
      %add3A_1767 = arith.addf %mul3A_1765, %mul3A_1766 : vector<16xf32>
      %mul3A_1768 = arith.constant 2 : i32
      %mul3A_1769 = arith.muli %mul3A_1768, %scan3A_1739 : i32
      %swap3A = arith.index_cast %mul3A_1769 : i32 to index
      %swap3A_1770 = arith.constant 0 : index
      %swap3A_1771 = tpu.vector_load %arg5[%swap3A, %swap3A_1770] {strides = array<i32>} : memref<128x256xf32, #tpu.memory_space<vmem>>, vector<1x16xf32>,
      %swap3A_1772 = vector.shape_cast %swap3A_1771 : vector<1x16xf32> to vector<16xf32>
      %swap3A_1773 = vector.shape_cast %add3A_1767 : vector<16xf32> to vector<1x16xf32>
      tpu.vector_store %arg5[%swap3A, %swap3A_1770], %swap3A_1773 {strides = array<i32>} : memref<128x256xf32, #tpu.memory_space<vmem>>, vector<1x16xf32>,
      %mul3A_1774 = arith.mulf %broadcast_in_dim3A_39, %get3A_1760 : vector<16xf32>
      %mul3A_1775 = arith.mulf %broadcast_in_dim3A_37, %get3A_1764 : vector<16xf32>
      %add3A_1776 = arith.addf %mul3A_1774, %mul3A_1775 : vector<16xf32>
      %mul3A_1777 = arith.constant 2 : i32
      %mul3A_1778 = arith.muli %mul3A_1777, %scan3A_1739 : i32
      %add3A_1779 = arith.constant 1 : i32
      %add3A_1780 = arith.addi %mul3A_1778, %add3A_1779 : i32
      %swap3A_1781 = arith.index_cast %add3A_1780 : i32 to index
      %swap3A_1782 = arith.constant 0 : index
      %swap3A_1783 = tpu.vector_load %arg5[%swap3A_1781, %swap3A_1782] {strides = array<i32>} : memref<128x256xf32, #tpu.memory_space<vmem>>, vector<1x16xf32>,
      %swap3A_1784 = vector.shape_cast %swap3A_1783 : vector<1x16xf32> to vector<16xf32>
      %swap3A_1785 = vector.shape_cast %add3A_1776 : vector<16xf32> to vector<1x16xf32>
      tpu.vector_store %arg5[%swap3A_1781, %swap3A_1782], %swap3A_1785 {strides = array<i32>} : memref<128x256xf32, #tpu.memory_space<vmem>>, vector<1x16xf32>,
      %get3A_1786 = arith.index_cast %sub3A_1745 : i32 to index
      %get3A_1787 = arith.constant 16 : index
      %get3A_1788 = tpu.vector_load %arg4[%get3A_1786, %get3A_1787] {strides = array<i32>} : memref<80x256xf32, #tpu.memory_space<vmem>>, vector<1x16xf32>,
      %get3A_1789 = vector.shape_cast %get3A_1788 : vector<1x16xf32> to vector<16xf32>
      %get3A_1790 = arith.index_cast %sub3A_1747 : i32 to index
      %get3A_1791 = arith.constant 16 : index
      %get3A_1792 = tpu.vector_load %arg4[%get3A_1790, %get3A_1791] {strides = array<i32>} : memref<80x256xf32, #tpu.memory_space<vmem>>, vector<1x16xf32>,
      %get3A_1793 = vector.shape_cast %get3A_1792 : vector<1x16xf32> to vector<16xf32>
      %get3A_1794 = arith.index_cast %sub3A_1753 : i32 to index
      %get3A_1795 = arith.constant 16 : index
      %get3A_1796 = tpu.vector_load %arg4[%get3A_1794, %get3A_1795] {strides = array<i32>} : memref<80x256xf32, #tpu.memory_space<vmem>>, vector<1x16xf32>,
      %get3A_1797 = vector.shape_cast %get3A_1796 : vector<1x16xf32> to vector<16xf32>
      %mul3A_1798 = arith.mulf %broadcast_in_dim3A_37, %get3A_1789 : vector<16xf32>
      %mul3A_1799 = arith.mulf %broadcast_in_dim3A_39, %get3A_1793 : vector<16xf32>
      %add3A_1800 = arith.addf %mul3A_1798, %mul3A_1799 : vector<16xf32>
      %mul3A_1801 = arith.constant 2 : i32
      %mul3A_1802 = arith.muli %mul3A_1801, %scan3A_1739 : i32
      %swap3A_1803 = arith.index_cast %mul3A_1802 : i32 to index
      %swap3A_1804 = arith.constant 16 : index
      %swap3A_1805 = tpu.vector_load %arg5[%swap3A_1803, %swap3A_1804] {strides = array<i32>} : memref<128x256xf32, #tpu.memory_space<vmem>>, vector<1x16xf32>,
      %swap3A_1806 = vector.shape_cast %swap3A_1805 : vector<1x16xf32> to vector<16xf32>
      %swap3A_1807 = vector.shape_cast %add3A_1800 : vector<16xf32> to vector<1x16xf32>
      tpu.vector_store %arg5[%swap3A_1803, %swap3A_1804], %swap3A_1807 {strides = array<i32>} : memref<128x256xf32, #tpu.memory_space<vmem>>, vector<1x16xf32>,
      %mul3A_1808 = arith.mulf %broadcast_in_dim3A_39, %get3A_1793 : vector<16xf32>
      %mul3A_1809 = arith.mulf %broadcast_in_dim3A_37, %get3A_1797 : vector<16xf32>
      %add3A_1810 = arith.addf %mul3A_1808, %mul3A_1809 : vector<16xf32>
      %mul3A_1811 = arith.constant 2 : i32
      %mul3A_1812 = arith.muli %mul3A_1811, %scan3A_1739 : i32
      %add3A_1813 = arith.constant 1 : i32
      %add3A_1814 = arith.addi %mul3A_1812, %add3A_1813 : i32
      %swap3A_1815 = arith.index_cast %add3A_1814 : i32 to index
      %swap3A_1816 = arith.constant 16 : index
      %swap3A_1817 = tpu.vector_load %arg5[%swap3A_1815, %swap3A_1816] {strides = array<i32>} : memref<128x256xf32, #tpu.memory_space<vmem>>, vector<1x16xf32>,
      %swap3A_1818 = vector.shape_cast %swap3A_1817 : vector<1x16xf32> to vector<16xf32>
      %swap3A_1819 = vector.shape_cast %add3A_1810 : vector<16xf32> to vector<1x16xf32>
      tpu.vector_store %arg5[%swap3A_1815, %swap3A_1816], %swap3A_1819 {strides = array<i32>} : memref<128x256xf32, #tpu.memory_space<vmem>>, vector<1x16xf32>,
      %get3A_1820 = arith.index_cast %sub3A_1745 : i32 to index
      %get3A_1821 = arith.constant 32 : index
      %get3A_1822 = tpu.vector_load %arg4[%get3A_1820, %get3A_1821] {strides = array<i32>} : memref<80x256xf32, #tpu.memory_space<vmem>>, vector<1x16xf32>,
      %get3A_1823 = vector.shape_cast %get3A_1822 : vector<1x16xf32> to vector<16xf32>
      %get3A_1824 = arith.index_cast %sub3A_1747 : i32 to index
      %get3A_1825 = arith.constant 32 : index
      %get3A_1826 = tpu.vector_load %arg4[%get3A_1824, %get3A_1825] {strides = array<i32>} : memref<80x256xf32, #tpu.memory_space<vmem>>, vector<1x16xf32>,
      %get3A_1827 = vector.shape_cast %get3A_1826 : vector<1x16xf32> to vector<16xf32>
      %get3A_1828 = arith.index_cast %sub3A_1753 : i32 to index
      %get3A_1829 = arith.constant 32 : index
      %get3A_1830 = tpu.vector_load %arg4[%get3A_1828, %get3A_1829] {strides = array<i32>} : memref<80x256xf32, #tpu.memory_space<vmem>>, vector<1x16xf32>,
      %get3A_1831 = vector.shape_cast %get3A_1830 : vector<1x16xf32> to vector<16xf32>
      %mul3A_1832 = arith.mulf %broadcast_in_dim3A_37, %get3A_1823 : vector<16xf32>
      %mul3A_1833 = arith.mulf %broadcast_in_dim3A_39, %get3A_1827 : vector<16xf32>
      %add3A_1834 = arith.addf %mul3A_1832, %mul3A_1833 : vector<16xf32>
      %mul3A_1835 = arith.constant 2 : i32
      %mul3A_1836 = arith.muli %mul3A_1835, %scan3A_1739 : i32
      %swap3A_1837 = arith.index_cast %mul3A_1836 : i32 to index
      %swap3A_1838 = arith.constant 32 : index
      %swap3A_1839 = tpu.vector_load %arg5[%swap3A_1837, %swap3A_1838] {strides = array<i32>} : memref<128x256xf32, #tpu.memory_space<vmem>>, vector<1x16xf32>,
      %swap3A_1840 = vector.shape_cast %swap3A_1839 : vector<1x16xf32> to vector<16xf32>
      %swap3A_1841 = vector.shape_cast %add3A_1834 : vector<16xf32> to vector<1x16xf32>
      tpu.vector_store %arg5[%swap3A_1837, %swap3A_1838], %swap3A_1841 {strides = array<i32>} : memref<128x256xf32, #tpu.memory_space<vmem>>, vector<1x16xf32>,
      %mul3A_1842 = arith.mulf %broadcast_in_dim3A_39, %get3A_1827 : vector<16xf32>
      %mul3A_1843 = arith.mulf %broadcast_in_dim3A_37, %get3A_1831 : vector<16xf32>
      %add3A_1844 = arith.addf %mul3A_1842, %mul3A_1843 : vector<16xf32>
      %mul3A_1845 = arith.constant 2 : i32
      %mul3A_1846 = arith.muli %mul3A_1845, %scan3A_1739 : i32
      %add3A_1847 = arith.constant 1 : i32
      %add3A_1848 = arith.addi %mul3A_1846, %add3A_1847 : i32
      %swap3A_1849 = arith.index_cast %add3A_1848 : i32 to index
      %swap3A_1850 = arith.constant 32 : index
      %swap3A_1851 = tpu.vector_load %arg5[%swap3A_1849, %swap3A_1850] {strides = array<i32>} : memref<128x256xf32, #tpu.memory_space<vmem>>, vector<1x16xf32>,
      %swap3A_1852 = vector.shape_cast %swap3A_1851 : vector<1x16xf32> to vector<16xf32>
      %swap3A_1853 = vector.shape_cast %add3A_1844 : vector<16xf32> to vector<1x16xf32>
      tpu.vector_store %arg5[%swap3A_1849, %swap3A_1850], %swap3A_1853 {strides = array<i32>} : memref<128x256xf32, #tpu.memory_space<vmem>>, vector<1x16xf32>,
      %get3A_1854 = arith.index_cast %sub3A_1745 : i32 to index
      %get3A_1855 = arith.constant 48 : index
      %get3A_1856 = tpu.vector_load %arg4[%get3A_1854, %get3A_1855] {strides = array<i32>} : memref<80x256xf32, #tpu.memory_space<vmem>>, vector<1x16xf32>,
      %get3A_1857 = vector.shape_cast %get3A_1856 : vector<1x16xf32> to vector<16xf32>
      %get3A_1858 = arith.index_cast %sub3A_1747 : i32 to index
      %get3A_1859 = arith.constant 48 : index
      %get3A_1860 = tpu.vector_load %arg4[%get3A_1858, %get3A_1859] {strides = array<i32>} : memref<80x256xf32, #tpu.memory_space<vmem>>, vector<1x16xf32>,
      %get3A_1861 = vector.shape_cast %get3A_1860 : vector<1x16xf32> to vector<16xf32>
      %get3A_1862 = arith.index_cast %sub3A_1753 : i32 to index
      %get3A_1863 = arith.constant 48 : index
      %get3A_1864 = tpu.vector_load %arg4[%get3A_1862, %get3A_1863] {strides = array<i32>} : memref<80x256xf32, #tpu.memory_space<vmem>>, vector<1x16xf32>,
      %get3A_1865 = vector.shape_cast %get3A_1864 : vector<1x16xf32> to vector<16xf32>
      %mul3A_1866 = arith.mulf %broadcast_in_dim3A_37, %get3A_1857 : vector<16xf32>
      %mul3A_1867 = arith.mulf %broadcast_in_dim3A_39, %get3A_1861 : vector<16xf32>
      %add3A_1868 = arith.addf %mul3A_1866, %mul3A_1867 : vector<16xf32>
      %mul3A_1869 = arith.constant 2 : i32
      %mul3A_1870 = arith.muli %mul3A_1869, %scan3A_1739 : i32
      %swap3A_1871 = arith.index_cast %mul3A_1870 : i32 to index
      %swap3A_1872 = arith.constant 48 : index
      %swap3A_1873 = tpu.vector_load %arg5[%swap3A_1871, %swap3A_1872] {strides = array<i32>} : memref<128x256xf32, #tpu.memory_space<vmem>>, vector<1x16xf32>,
      %swap3A_1874 = vector.shape_cast %swap3A_1873 : vector<1x16xf32> to vector<16xf32>
      %swap3A_1875 = vector.shape_cast %add3A_1868 : vector<16xf32> to vector<1x16xf32>
      tpu.vector_store %arg5[%swap3A_1871, %swap3A_1872], %swap3A_1875 {strides = array<i32>} : memref<128x256xf32, #tpu.memory_space<vmem>>, vector<1x16xf32>,
      %mul3A_1876 = arith.mulf %broadcast_in_dim3A_39, %get3A_1861 : vector<16xf32>
      %mul3A_1877 = arith.mulf %broadcast_in_dim3A_37, %get3A_1865 : vector<16xf32>
      %add3A_1878 = arith.addf %mul3A_1876, %mul3A_1877 : vector<16xf32>
      %mul3A_1879 = arith.constant 2 : i32
      %mul3A_1880 = arith.muli %mul3A_1879, %scan3A_1739 : i32
      %add3A_1881 = arith.constant 1 : i32
      %add3A_1882 = arith.addi %mul3A_1880, %add3A_1881 : i32
      %swap3A_1883 = arith.index_cast %add3A_1882 : i32 to index
      %swap3A_1884 = arith.constant 48 : index
      %swap3A_1885 = tpu.vector_load %arg5[%swap3A_1883, %swap3A_1884] {strides = array<i32>} : memref<128x256xf32, #tpu.memory_space<vmem>>, vector<1x16xf32>,
      %swap3A_1886 = vector.shape_cast %swap3A_1885 : vector<1x16xf32> to vector<16xf32>
      %swap3A_1887 = vector.shape_cast %add3A_1878 : vector<16xf32> to vector<1x16xf32>
      tpu.vector_store %arg5[%swap3A_1883, %swap3A_1884], %swap3A_1887 {strides = array<i32>} : memref<128x256xf32, #tpu.memory_space<vmem>>, vector<1x16xf32>,
      %get3A_1888 = arith.index_cast %sub3A_1745 : i32 to index
      %get3A_1889 = arith.constant 64 : index
      %get3A_1890 = tpu.vector_load %arg4[%get3A_1888, %get3A_1889] {strides = array<i32>} : memref<80x256xf32, #tpu.memory_space<vmem>>, vector<1x16xf32>,
      %get3A_1891 = vector.shape_cast %get3A_1890 : vector<1x16xf32> to vector<16xf32>
      %get3A_1892 = arith.index_cast %sub3A_1747 : i32 to index
      %get3A_1893 = arith.constant 64 : index
      %get3A_1894 = tpu.vector_load %arg4[%get3A_1892, %get3A_1893] {strides = array<i32>} : memref<80x256xf32, #tpu.memory_space<vmem>>, vector<1x16xf32>,
      %get3A_1895 = vector.shape_cast %get3A_1894 : vector<1x16xf32> to vector<16xf32>
      %get3A_1896 = arith.index_cast %sub3A_1753 : i32 to index
      %get3A_1897 = arith.constant 64 : index
      %get3A_1898 = tpu.vector_load %arg4[%get3A_1896, %get3A_1897] {strides = array<i32>} : memref<80x256xf32, #tpu.memory_space<vmem>>, vector<1x16xf32>,
      %get3A_1899 = vector.shape_cast %get3A_1898 : vector<1x16xf32> to vector<16xf32>
      %mul3A_1900 = arith.mulf %broadcast_in_dim3A_37, %get3A_1891 : vector<16xf32>
      %mul3A_1901 = arith.mulf %broadcast_in_dim3A_39, %get3A_1895 : vector<16xf32>
      %add3A_1902 = arith.addf %mul3A_1900, %mul3A_1901 : vector<16xf32>
      %mul3A_1903 = arith.constant 2 : i32
      %mul3A_1904 = arith.muli %mul3A_1903, %scan3A_1739 : i32
      %swap3A_1905 = arith.index_cast %mul3A_1904 : i32 to index
      %swap3A_1906 = arith.constant 64 : index
      %swap3A_1907 = tpu.vector_load %arg5[%swap3A_1905, %swap3A_1906] {strides = array<i32>} : memref<128x256xf32, #tpu.memory_space<vmem>>, vector<1x16xf32>,
      %swap3A_1908 = vector.shape_cast %swap3A_1907 : vector<1x16xf32> to vector<16xf32>
      %swap3A_1909 = vector.shape_cast %add3A_1902 : vector<16xf32> to vector<1x16xf32>
      tpu.vector_store %arg5[%swap3A_1905, %swap3A_1906], %swap3A_1909 {strides = array<i32>} : memref<128x256xf32, #tpu.memory_space<vmem>>, vector<1x16xf32>,
      %mul3A_1910 = arith.mulf %broadcast_in_dim3A_39, %get3A_1895 : vector<16xf32>
      %mul3A_1911 = arith.mulf %broadcast_in_dim3A_37, %get3A_1899 : vector<16xf32>
      %add3A_1912 = arith.addf %mul3A_1910, %mul3A_1911 : vector<16xf32>
      %mul3A_1913 = arith.constant 2 : i32
      %mul3A_1914 = arith.muli %mul3A_1913, %scan3A_1739 : i32
      %add3A_1915 = arith.constant 1 : i32
      %add3A_1916 = arith.addi %mul3A_1914, %add3A_1915 : i32
      %swap3A_1917 = arith.index_cast %add3A_1916 : i32 to index
      %swap3A_1918 = arith.constant 64 : index
      %swap3A_1919 = tpu.vector_load %arg5[%swap3A_1917, %swap3A_1918] {strides = array<i32>} : memref<128x256xf32, #tpu.memory_space<vmem>>, vector<1x16xf32>,
      %swap3A_1920 = vector.shape_cast %swap3A_1919 : vector<1x16xf32> to vector<16xf32>
      %swap3A_1921 = vector.shape_cast %add3A_1912 : vector<16xf32> to vector<1x16xf32>
      tpu.vector_store %arg5[%swap3A_1917, %swap3A_1918], %swap3A_1921 {strides = array<i32>} : memref<128x256xf32, #tpu.memory_space<vmem>>, vector<1x16xf32>,
      %get3A_1922 = arith.index_cast %sub3A_1745 : i32 to index
      %get3A_1923 = arith.constant 80 : index
      %get3A_1924 = tpu.vector_load %arg4[%get3A_1922, %get3A_1923] {strides = array<i32>} : memref<80x256xf32, #tpu.memory_space<vmem>>, vector<1x16xf32>,
      %get3A_1925 = vector.shape_cast %get3A_1924 : vector<1x16xf32> to vector<16xf32>
      %get3A_1926 = arith.index_cast %sub3A_1747 : i32 to index
      %get3A_1927 = arith.constant 80 : index
      %get3A_1928 = tpu.vector_load %arg4[%get3A_1926, %get3A_1927] {strides = array<i32>} : memref<80x256xf32, #tpu.memory_space<vmem>>, vector<1x16xf32>,
      %get3A_1929 = vector.shape_cast %get3A_1928 : vector<1x16xf32> to vector<16xf32>
      %get3A_1930 = arith.index_cast %sub3A_1753 : i32 to index
      %get3A_1931 = arith.constant 80 : index
      %get3A_1932 = tpu.vector_load %arg4[%get3A_1930, %get3A_1931] {strides = array<i32>} : memref<80x256xf32, #tpu.memory_space<vmem>>, vector<1x16xf32>,
      %get3A_1933 = vector.shape_cast %get3A_1932 : vector<1x16xf32> to vector<16xf32>
      %mul3A_1934 = arith.mulf %broadcast_in_dim3A_37, %get3A_1925 : vector<16xf32>
      %mul3A_1935 = arith.mulf %broadcast_in_dim3A_39, %get3A_1929 : vector<16xf32>
      %add3A_1936 = arith.addf %mul3A_1934, %mul3A_1935 : vector<16xf32>
      %mul3A_1937 = arith.constant 2 : i32
      %mul3A_1938 = arith.muli %mul3A_1937, %scan3A_1739 : i32
      %swap3A_1939 = arith.index_cast %mul3A_1938 : i32 to index
      %swap3A_1940 = arith.constant 80 : index
      %swap3A_1941 = tpu.vector_load %arg5[%swap3A_1939, %swap3A_1940] {strides = array<i32>} : memref<128x256xf32, #tpu.memory_space<vmem>>, vector<1x16xf32>,
      %swap3A_1942 = vector.shape_cast %swap3A_1941 : vector<1x16xf32> to vector<16xf32>
      %swap3A_1943 = vector.shape_cast %add3A_1936 : vector<16xf32> to vector<1x16xf32>
      tpu.vector_store %arg5[%swap3A_1939, %swap3A_1940], %swap3A_1943 {strides = array<i32>} : memref<128x256xf32, #tpu.memory_space<vmem>>, vector<1x16xf32>,
      %mul3A_1944 = arith.mulf %broadcast_in_dim3A_39, %get3A_1929 : vector<16xf32>
      %mul3A_1945 = arith.mulf %broadcast_in_dim3A_37, %get3A_1933 : vector<16xf32>
      %add3A_1946 = arith.addf %mul3A_1944, %mul3A_1945 : vector<16xf32>
      %mul3A_1947 = arith.constant 2 : i32
      %mul3A_1948 = arith.muli %mul3A_1947, %scan3A_1739 : i32
      %add3A_1949 = arith.constant 1 : i32
      %add3A_1950 = arith.addi %mul3A_1948, %add3A_1949 : i32
      %swap3A_1951 = arith.index_cast %add3A_1950 : i32 to index
      %swap3A_1952 = arith.constant 80 : index
      %swap3A_1953 = tpu.vector_load %arg5[%swap3A_1951, %swap3A_1952] {strides = array<i32>} : memref<128x256xf32, #tpu.memory_space<vmem>>, vector<1x16xf32>,
      %swap3A_1954 = vector.shape_cast %swap3A_1953 : vector<1x16xf32> to vector<16xf32>
      %swap3A_1955 = vector.shape_cast %add3A_1946 : vector<16xf32> to vector<1x16xf32>
      tpu.vector_store %arg5[%swap3A_1951, %swap3A_1952], %swap3A_1955 {strides = array<i32>} : memref<128x256xf32, #tpu.memory_space<vmem>>, vector<1x16xf32>,
      %get3A_1956 = arith.index_cast %sub3A_1745 : i32 to index
      %get3A_1957 = arith.constant 96 : index
      %get3A_1958 = tpu.vector_load %arg4[%get3A_1956, %get3A_1957] {strides = array<i32>} : memref<80x256xf32, #tpu.memory_space<vmem>>, vector<1x16xf32>,
      %get3A_1959 = vector.shape_cast %get3A_1958 : vector<1x16xf32> to vector<16xf32>
      %get3A_1960 = arith.index_cast %sub3A_1747 : i32 to index
      %get3A_1961 = arith.constant 96 : index
      %get3A_1962 = tpu.vector_load %arg4[%get3A_1960, %get3A_1961] {strides = array<i32>} : memref<80x256xf32, #tpu.memory_space<vmem>>, vector<1x16xf32>,
      %get3A_1963 = vector.shape_cast %get3A_1962 : vector<1x16xf32> to vector<16xf32>
      %get3A_1964 = arith.index_cast %sub3A_1753 : i32 to index
      %get3A_1965 = arith.constant 96 : index
      %get3A_1966 = tpu.vector_load %arg4[%get3A_1964, %get3A_1965] {strides = array<i32>} : memref<80x256xf32, #tpu.memory_space<vmem>>, vector<1x16xf32>,
      %get3A_1967 = vector.shape_cast %get3A_1966 : vector<1x16xf32> to vector<16xf32>
      %mul3A_1968 = arith.mulf %broadcast_in_dim3A_37, %get3A_1959 : vector<16xf32>
      %mul3A_1969 = arith.mulf %broadcast_in_dim3A_39, %get3A_1963 : vector<16xf32>
      %add3A_1970 = arith.addf %mul3A_1968, %mul3A_1969 : vector<16xf32>
      %mul3A_1971 = arith.constant 2 : i32
      %mul3A_1972 = arith.muli %mul3A_1971, %scan3A_1739 : i32
      %swap3A_1973 = arith.index_cast %mul3A_1972 : i32 to index
      %swap3A_1974 = arith.constant 96 : index
      %swap3A_1975 = tpu.vector_load %arg5[%swap3A_1973, %swap3A_1974] {strides = array<i32>} : memref<128x256xf32, #tpu.memory_space<vmem>>, vector<1x16xf32>,
      %swap3A_1976 = vector.shape_cast %swap3A_1975 : vector<1x16xf32> to vector<16xf32>
      %swap3A_1977 = vector.shape_cast %add3A_1970 : vector<16xf32> to vector<1x16xf32>
      tpu.vector_store %arg5[%swap3A_1973, %swap3A_1974], %swap3A_1977 {strides = array<i32>} : memref<128x256xf32, #tpu.memory_space<vmem>>, vector<1x16xf32>,
      %mul3A_1978 = arith.mulf %broadcast_in_dim3A_39, %get3A_1963 : vector<16xf32>
      %mul3A_1979 = arith.mulf %broadcast_in_dim3A_37, %get3A_1967 : vector<16xf32>
      %add3A_1980 = arith.addf %mul3A_1978, %mul3A_1979 : vector<16xf32>
      %mul3A_1981 = arith.constant 2 : i32
      %mul3A_1982 = arith.muli %mul3A_1981, %scan3A_1739 : i32
      %add3A_1983 = arith.constant 1 : i32
      %add3A_1984 = arith.addi %mul3A_1982, %add3A_1983 : i32
      %swap3A_1985 = arith.index_cast %add3A_1984 : i32 to index
      %swap3A_1986 = arith.constant 96 : index
      %swap3A_1987 = tpu.vector_load %arg5[%swap3A_1985, %swap3A_1986] {strides = array<i32>} : memref<128x256xf32, #tpu.memory_space<vmem>>, vector<1x16xf32>,
      %swap3A_1988 = vector.shape_cast %swap3A_1987 : vector<1x16xf32> to vector<16xf32>
      %swap3A_1989 = vector.shape_cast %add3A_1980 : vector<16xf32> to vector<1x16xf32>
      tpu.vector_store %arg5[%swap3A_1985, %swap3A_1986], %swap3A_1989 {strides = array<i32>} : memref<128x256xf32, #tpu.memory_space<vmem>>, vector<1x16xf32>,
      %get3A_1990 = arith.index_cast %sub3A_1745 : i32 to index
      %get3A_1991 = arith.constant 112 : index
      %get3A_1992 = tpu.vector_load %arg4[%get3A_1990, %get3A_1991] {strides = array<i32>} : memref<80x256xf32, #tpu.memory_space<vmem>>, vector<1x16xf32>,
      %get3A_1993 = vector.shape_cast %get3A_1992 : vector<1x16xf32> to vector<16xf32>
      %get3A_1994 = arith.index_cast %sub3A_1747 : i32 to index
      %get3A_1995 = arith.constant 112 : index
      %get3A_1996 = tpu.vector_load %arg4[%get3A_1994, %get3A_1995] {strides = array<i32>} : memref<80x256xf32, #tpu.memory_space<vmem>>, vector<1x16xf32>,
      %get3A_1997 = vector.shape_cast %get3A_1996 : vector<1x16xf32> to vector<16xf32>
      %get3A_1998 = arith.index_cast %sub3A_1753 : i32 to index
      %get3A_1999 = arith.constant 112 : index
      %get3A_2000 = tpu.vector_load %arg4[%get3A_1998, %get3A_1999] {strides = array<i32>} : memref<80x256xf32, #tpu.memory_space<vmem>>, vector<1x16xf32>,
      %get3A_2001 = vector.shape_cast %get3A_2000 : vector<1x16xf32> to vector<16xf32>
      %mul3A_2002 = arith.mulf %broadcast_in_dim3A_37, %get3A_1993 : vector<16xf32>
      %mul3A_2003 = arith.mulf %broadcast_in_dim3A_39, %get3A_1997 : vector<16xf32>
      %add3A_2004 = arith.addf %mul3A_2002, %mul3A_2003 : vector<16xf32>
      %mul3A_2005 = arith.constant 2 : i32
      %mul3A_2006 = arith.muli %mul3A_2005, %scan3A_1739 : i32
      %swap3A_2007 = arith.index_cast %mul3A_2006 : i32 to index
      %swap3A_2008 = arith.constant 112 : index
      %swap3A_2009 = tpu.vector_load %arg5[%swap3A_2007, %swap3A_2008] {strides = array<i32>} : memref<128x256xf32, #tpu.memory_space<vmem>>, vector<1x16xf32>,
      %swap3A_2010 = vector.shape_cast %swap3A_2009 : vector<1x16xf32> to vector<16xf32>
      %swap3A_2011 = vector.shape_cast %add3A_2004 : vector<16xf32> to vector<1x16xf32>
      tpu.vector_store %arg5[%swap3A_2007, %swap3A_2008], %swap3A_2011 {strides = array<i32>} : memref<128x256xf32, #tpu.memory_space<vmem>>, vector<1x16xf32>,
      %mul3A_2012 = arith.mulf %broadcast_in_dim3A_39, %get3A_1997 : vector<16xf32>
      %mul3A_2013 = arith.mulf %broadcast_in_dim3A_37, %get3A_2001 : vector<16xf32>
      %add3A_2014 = arith.addf %mul3A_2012, %mul3A_2013 : vector<16xf32>
      %mul3A_2015 = arith.constant 2 : i32
      %mul3A_2016 = arith.muli %mul3A_2015, %scan3A_1739 : i32
      %add3A_2017 = arith.constant 1 : i32
      %add3A_2018 = arith.addi %mul3A_2016, %add3A_2017 : i32
      %swap3A_2019 = arith.index_cast %add3A_2018 : i32 to index
      %swap3A_2020 = arith.constant 112 : index
      %swap3A_2021 = tpu.vector_load %arg5[%swap3A_2019, %swap3A_2020] {strides = array<i32>} : memref<128x256xf32, #tpu.memory_space<vmem>>, vector<1x16xf32>,
      %swap3A_2022 = vector.shape_cast %swap3A_2021 : vector<1x16xf32> to vector<16xf32>
      %swap3A_2023 = vector.shape_cast %add3A_2014 : vector<16xf32> to vector<1x16xf32>
      tpu.vector_store %arg5[%swap3A_2019, %swap3A_2020], %swap3A_2023 {strides = array<i32>} : memref<128x256xf32, #tpu.memory_space<vmem>>, vector<1x16xf32>,
      %get3A_2024 = arith.index_cast %sub3A_1745 : i32 to index
      %get3A_2025 = arith.constant 128 : index
      %get3A_2026 = tpu.vector_load %arg4[%get3A_2024, %get3A_2025] {strides = array<i32>} : memref<80x256xf32, #tpu.memory_space<vmem>>, vector<1x16xf32>,
      %get3A_2027 = vector.shape_cast %get3A_2026 : vector<1x16xf32> to vector<16xf32>
      %get3A_2028 = arith.index_cast %sub3A_1747 : i32 to index
      %get3A_2029 = arith.constant 128 : index
      %get3A_2030 = tpu.vector_load %arg4[%get3A_2028, %get3A_2029] {strides = array<i32>} : memref<80x256xf32, #tpu.memory_space<vmem>>, vector<1x16xf32>,
      %get3A_2031 = vector.shape_cast %get3A_2030 : vector<1x16xf32> to vector<16xf32>
      %get3A_2032 = arith.index_cast %sub3A_1753 : i32 to index
      %get3A_2033 = arith.constant 128 : index
      %get3A_2034 = tpu.vector_load %arg4[%get3A_2032, %get3A_2033] {strides = array<i32>} : memref<80x256xf32, #tpu.memory_space<vmem>>, vector<1x16xf32>,
      %get3A_2035 = vector.shape_cast %get3A_2034 : vector<1x16xf32> to vector<16xf32>
      %mul3A_2036 = arith.mulf %broadcast_in_dim3A_37, %get3A_2027 : vector<16xf32>
      %mul3A_2037 = arith.mulf %broadcast_in_dim3A_39, %get3A_2031 : vector<16xf32>
      %add3A_2038 = arith.addf %mul3A_2036, %mul3A_2037 : vector<16xf32>
      %mul3A_2039 = arith.constant 2 : i32
      %mul3A_2040 = arith.muli %mul3A_2039, %scan3A_1739 : i32
      %swap3A_2041 = arith.index_cast %mul3A_2040 : i32 to index
      %swap3A_2042 = arith.constant 128 : index
      %swap3A_2043 = tpu.vector_load %arg5[%swap3A_2041, %swap3A_2042] {strides = array<i32>} : memref<128x256xf32, #tpu.memory_space<vmem>>, vector<1x16xf32>,
      %swap3A_2044 = vector.shape_cast %swap3A_2043 : vector<1x16xf32> to vector<16xf32>
      %swap3A_2045 = vector.shape_cast %add3A_2038 : vector<16xf32> to vector<1x16xf32>
      tpu.vector_store %arg5[%swap3A_2041, %swap3A_2042], %swap3A_2045 {strides = array<i32>} : memref<128x256xf32, #tpu.memory_space<vmem>>, vector<1x16xf32>,
      %mul3A_2046 = arith.mulf %broadcast_in_dim3A_39, %get3A_2031 : vector<16xf32>
      %mul3A_2047 = arith.mulf %broadcast_in_dim3A_37, %get3A_2035 : vector<16xf32>
      %add3A_2048 = arith.addf %mul3A_2046, %mul3A_2047 : vector<16xf32>
      %mul3A_2049 = arith.constant 2 : i32
      %mul3A_2050 = arith.muli %mul3A_2049, %scan3A_1739 : i32
      %add3A_2051 = arith.constant 1 : i32
      %add3A_2052 = arith.addi %mul3A_2050, %add3A_2051 : i32
      %swap3A_2053 = arith.index_cast %add3A_2052 : i32 to index
      %swap3A_2054 = arith.constant 128 : index
      %swap3A_2055 = tpu.vector_load %arg5[%swap3A_2053, %swap3A_2054] {strides = array<i32>} : memref<128x256xf32, #tpu.memory_space<vmem>>, vector<1x16xf32>,
      %swap3A_2056 = vector.shape_cast %swap3A_2055 : vector<1x16xf32> to vector<16xf32>
      %swap3A_2057 = vector.shape_cast %add3A_2048 : vector<16xf32> to vector<1x16xf32>
      tpu.vector_store %arg5[%swap3A_2053, %swap3A_2054], %swap3A_2057 {strides = array<i32>} : memref<128x256xf32, #tpu.memory_space<vmem>>, vector<1x16xf32>,
      %get3A_2058 = arith.index_cast %sub3A_1745 : i32 to index
      %get3A_2059 = arith.constant 144 : index
      %get3A_2060 = tpu.vector_load %arg4[%get3A_2058, %get3A_2059] {strides = array<i32>} : memref<80x256xf32, #tpu.memory_space<vmem>>, vector<1x16xf32>,
      %get3A_2061 = vector.shape_cast %get3A_2060 : vector<1x16xf32> to vector<16xf32>
      %get3A_2062 = arith.index_cast %sub3A_1747 : i32 to index
      %get3A_2063 = arith.constant 144 : index
      %get3A_2064 = tpu.vector_load %arg4[%get3A_2062, %get3A_2063] {strides = array<i32>} : memref<80x256xf32, #tpu.memory_space<vmem>>, vector<1x16xf32>,
      %get3A_2065 = vector.shape_cast %get3A_2064 : vector<1x16xf32> to vector<16xf32>
      %get3A_2066 = arith.index_cast %sub3A_1753 : i32 to index
      %get3A_2067 = arith.constant 144 : index
      %get3A_2068 = tpu.vector_load %arg4[%get3A_2066, %get3A_2067] {strides = array<i32>} : memref<80x256xf32, #tpu.memory_space<vmem>>, vector<1x16xf32>,
      %get3A_2069 = vector.shape_cast %get3A_2068 : vector<1x16xf32> to vector<16xf32>
      %mul3A_2070 = arith.mulf %broadcast_in_dim3A_37, %get3A_2061 : vector<16xf32>
      %mul3A_2071 = arith.mulf %broadcast_in_dim3A_39, %get3A_2065 : vector<16xf32>
      %add3A_2072 = arith.addf %mul3A_2070, %mul3A_2071 : vector<16xf32>
      %mul3A_2073 = arith.constant 2 : i32
      %mul3A_2074 = arith.muli %mul3A_2073, %scan3A_1739 : i32
      %swap3A_2075 = arith.index_cast %mul3A_2074 : i32 to index
      %swap3A_2076 = arith.constant 144 : index
      %swap3A_2077 = tpu.vector_load %arg5[%swap3A_2075, %swap3A_2076] {strides = array<i32>} : memref<128x256xf32, #tpu.memory_space<vmem>>, vector<1x16xf32>,
      %swap3A_2078 = vector.shape_cast %swap3A_2077 : vector<1x16xf32> to vector<16xf32>
      %swap3A_2079 = vector.shape_cast %add3A_2072 : vector<16xf32> to vector<1x16xf32>
      tpu.vector_store %arg5[%swap3A_2075, %swap3A_2076], %swap3A_2079 {strides = array<i32>} : memref<128x256xf32, #tpu.memory_space<vmem>>, vector<1x16xf32>,
      %mul3A_2080 = arith.mulf %broadcast_in_dim3A_39, %get3A_2065 : vector<16xf32>
      %mul3A_2081 = arith.mulf %broadcast_in_dim3A_37, %get3A_2069 : vector<16xf32>
      %add3A_2082 = arith.addf %mul3A_2080, %mul3A_2081 : vector<16xf32>
      %mul3A_2083 = arith.constant 2 : i32
      %mul3A_2084 = arith.muli %mul3A_2083, %scan3A_1739 : i32
      %add3A_2085 = arith.constant 1 : i32
      %add3A_2086 = arith.addi %mul3A_2084, %add3A_2085 : i32
      %swap3A_2087 = arith.index_cast %add3A_2086 : i32 to index
      %swap3A_2088 = arith.constant 144 : index
      %swap3A_2089 = tpu.vector_load %arg5[%swap3A_2087, %swap3A_2088] {strides = array<i32>} : memref<128x256xf32, #tpu.memory_space<vmem>>, vector<1x16xf32>,
      %swap3A_2090 = vector.shape_cast %swap3A_2089 : vector<1x16xf32> to vector<16xf32>
      %swap3A_2091 = vector.shape_cast %add3A_2082 : vector<16xf32> to vector<1x16xf32>
      tpu.vector_store %arg5[%swap3A_2087, %swap3A_2088], %swap3A_2091 {strides = array<i32>} : memref<128x256xf32, #tpu.memory_space<vmem>>, vector<1x16xf32>,
      %get3A_2092 = arith.index_cast %sub3A_1745 : i32 to index
      %get3A_2093 = arith.constant 160 : index
      %get3A_2094 = tpu.vector_load %arg4[%get3A_2092, %get3A_2093] {strides = array<i32>} : memref<80x256xf32, #tpu.memory_space<vmem>>, vector<1x16xf32>,
      %get3A_2095 = vector.shape_cast %get3A_2094 : vector<1x16xf32> to vector<16xf32>
      %get3A_2096 = arith.index_cast %sub3A_1747 : i32 to index
      %get3A_2097 = arith.constant 160 : index
      %get3A_2098 = tpu.vector_load %arg4[%get3A_2096, %get3A_2097] {strides = array<i32>} : memref<80x256xf32, #tpu.memory_space<vmem>>, vector<1x16xf32>,
      %get3A_2099 = vector.shape_cast %get3A_2098 : vector<1x16xf32> to vector<16xf32>
      %get3A_2100 = arith.index_cast %sub3A_1753 : i32 to index
      %get3A_2101 = arith.constant 160 : index
      %get3A_2102 = tpu.vector_load %arg4[%get3A_2100, %get3A_2101] {strides = array<i32>} : memref<80x256xf32, #tpu.memory_space<vmem>>, vector<1x16xf32>,
      %get3A_2103 = vector.shape_cast %get3A_2102 : vector<1x16xf32> to vector<16xf32>
      %mul3A_2104 = arith.mulf %broadcast_in_dim3A_37, %get3A_2095 : vector<16xf32>
      %mul3A_2105 = arith.mulf %broadcast_in_dim3A_39, %get3A_2099 : vector<16xf32>
      %add3A_2106 = arith.addf %mul3A_2104, %mul3A_2105 : vector<16xf32>
      %mul3A_2107 = arith.constant 2 : i32
      %mul3A_2108 = arith.muli %mul3A_2107, %scan3A_1739 : i32
      %swap3A_2109 = arith.index_cast %mul3A_2108 : i32 to index
      %swap3A_2110 = arith.constant 160 : index
      %swap3A_2111 = tpu.vector_load %arg5[%swap3A_2109, %swap3A_2110] {strides = array<i32>} : memref<128x256xf32, #tpu.memory_space<vmem>>, vector<1x16xf32>,
      %swap3A_2112 = vector.shape_cast %swap3A_2111 : vector<1x16xf32> to vector<16xf32>
      %swap3A_2113 = vector.shape_cast %add3A_2106 : vector<16xf32> to vector<1x16xf32>
      tpu.vector_store %arg5[%swap3A_2109, %swap3A_2110], %swap3A_2113 {strides = array<i32>} : memref<128x256xf32, #tpu.memory_space<vmem>>, vector<1x16xf32>,
      %mul3A_2114 = arith.mulf %broadcast_in_dim3A_39, %get3A_2099 : vector<16xf32>
      %mul3A_2115 = arith.mulf %broadcast_in_dim3A_37, %get3A_2103 : vector<16xf32>
      %add3A_2116 = arith.addf %mul3A_2114, %mul3A_2115 : vector<16xf32>
      %mul3A_2117 = arith.constant 2 : i32
      %mul3A_2118 = arith.muli %mul3A_2117, %scan3A_1739 : i32
      %add3A_2119 = arith.constant 1 : i32
      %add3A_2120 = arith.addi %mul3A_2118, %add3A_2119 : i32
      %swap3A_2121 = arith.index_cast %add3A_2120 : i32 to index
      %swap3A_2122 = arith.constant 160 : index
      %swap3A_2123 = tpu.vector_load %arg5[%swap3A_2121, %swap3A_2122] {strides = array<i32>} : memref<128x256xf32, #tpu.memory_space<vmem>>, vector<1x16xf32>,
      %swap3A_2124 = vector.shape_cast %swap3A_2123 : vector<1x16xf32> to vector<16xf32>
      %swap3A_2125 = vector.shape_cast %add3A_2116 : vector<16xf32> to vector<1x16xf32>
      tpu.vector_store %arg5[%swap3A_2121, %swap3A_2122], %swap3A_2125 {strides = array<i32>} : memref<128x256xf32, #tpu.memory_space<vmem>>, vector<1x16xf32>,
      %get3A_2126 = arith.index_cast %sub3A_1745 : i32 to index
      %get3A_2127 = arith.constant 176 : index
      %get3A_2128 = tpu.vector_load %arg4[%get3A_2126, %get3A_2127] {strides = array<i32>} : memref<80x256xf32, #tpu.memory_space<vmem>>, vector<1x16xf32>,
      %get3A_2129 = vector.shape_cast %get3A_2128 : vector<1x16xf32> to vector<16xf32>
      %get3A_2130 = arith.index_cast %sub3A_1747 : i32 to index
      %get3A_2131 = arith.constant 176 : index
      %get3A_2132 = tpu.vector_load %arg4[%get3A_2130, %get3A_2131] {strides = array<i32>} : memref<80x256xf32, #tpu.memory_space<vmem>>, vector<1x16xf32>,
      %get3A_2133 = vector.shape_cast %get3A_2132 : vector<1x16xf32> to vector<16xf32>
      %get3A_2134 = arith.index_cast %sub3A_1753 : i32 to index
      %get3A_2135 = arith.constant 176 : index
      %get3A_2136 = tpu.vector_load %arg4[%get3A_2134, %get3A_2135] {strides = array<i32>} : memref<80x256xf32, #tpu.memory_space<vmem>>, vector<1x16xf32>,
      %get3A_2137 = vector.shape_cast %get3A_2136 : vector<1x16xf32> to vector<16xf32>
      %mul3A_2138 = arith.mulf %broadcast_in_dim3A_37, %get3A_2129 : vector<16xf32>
      %mul3A_2139 = arith.mulf %broadcast_in_dim3A_39, %get3A_2133 : vector<16xf32>
      %add3A_2140 = arith.addf %mul3A_2138, %mul3A_2139 : vector<16xf32>
      %mul3A_2141 = arith.constant 2 : i32
      %mul3A_2142 = arith.muli %mul3A_2141, %scan3A_1739 : i32
      %swap3A_2143 = arith.index_cast %mul3A_2142 : i32 to index
      %swap3A_2144 = arith.constant 176 : index
      %swap3A_2145 = tpu.vector_load %arg5[%swap3A_2143, %swap3A_2144] {strides = array<i32>} : memref<128x256xf32, #tpu.memory_space<vmem>>, vector<1x16xf32>,
      %swap3A_2146 = vector.shape_cast %swap3A_2145 : vector<1x16xf32> to vector<16xf32>
      %swap3A_2147 = vector.shape_cast %add3A_2140 : vector<16xf32> to vector<1x16xf32>
      tpu.vector_store %arg5[%swap3A_2143, %swap3A_2144], %swap3A_2147 {strides = array<i32>} : memref<128x256xf32, #tpu.memory_space<vmem>>, vector<1x16xf32>,
      %mul3A_2148 = arith.mulf %broadcast_in_dim3A_39, %get3A_2133 : vector<16xf32>
      %mul3A_2149 = arith.mulf %broadcast_in_dim3A_37, %get3A_2137 : vector<16xf32>
      %add3A_2150 = arith.addf %mul3A_2148, %mul3A_2149 : vector<16xf32>
      %mul3A_2151 = arith.constant 2 : i32
      %mul3A_2152 = arith.muli %mul3A_2151, %scan3A_1739 : i32
      %add3A_2153 = arith.constant 1 : i32
      %add3A_2154 = arith.addi %mul3A_2152, %add3A_2153 : i32
      %swap3A_2155 = arith.index_cast %add3A_2154 : i32 to index
      %swap3A_2156 = arith.constant 176 : index
      %swap3A_2157 = tpu.vector_load %arg5[%swap3A_2155, %swap3A_2156] {strides = array<i32>} : memref<128x256xf32, #tpu.memory_space<vmem>>, vector<1x16xf32>,
      %swap3A_2158 = vector.shape_cast %swap3A_2157 : vector<1x16xf32> to vector<16xf32>
      %swap3A_2159 = vector.shape_cast %add3A_2150 : vector<16xf32> to vector<1x16xf32>
      tpu.vector_store %arg5[%swap3A_2155, %swap3A_2156], %swap3A_2159 {strides = array<i32>} : memref<128x256xf32, #tpu.memory_space<vmem>>, vector<1x16xf32>,
      %get3A_2160 = arith.index_cast %sub3A_1745 : i32 to index
      %get3A_2161 = arith.constant 192 : index
      %get3A_2162 = tpu.vector_load %arg4[%get3A_2160, %get3A_2161] {strides = array<i32>} : memref<80x256xf32, #tpu.memory_space<vmem>>, vector<1x16xf32>,
      %get3A_2163 = vector.shape_cast %get3A_2162 : vector<1x16xf32> to vector<16xf32>
      %get3A_2164 = arith.index_cast %sub3A_1747 : i32 to index
      %get3A_2165 = arith.constant 192 : index
      %get3A_2166 = tpu.vector_load %arg4[%get3A_2164, %get3A_2165] {strides = array<i32>} : memref<80x256xf32, #tpu.memory_space<vmem>>, vector<1x16xf32>,
      %get3A_2167 = vector.shape_cast %get3A_2166 : vector<1x16xf32> to vector<16xf32>
      %get3A_2168 = arith.index_cast %sub3A_1753 : i32 to index
      %get3A_2169 = arith.constant 192 : index
      %get3A_2170 = tpu.vector_load %arg4[%get3A_2168, %get3A_2169] {strides = array<i32>} : memref<80x256xf32, #tpu.memory_space<vmem>>, vector<1x16xf32>,
      %get3A_2171 = vector.shape_cast %get3A_2170 : vector<1x16xf32> to vector<16xf32>
      %mul3A_2172 = arith.mulf %broadcast_in_dim3A_37, %get3A_2163 : vector<16xf32>
      %mul3A_2173 = arith.mulf %broadcast_in_dim3A_39, %get3A_2167 : vector<16xf32>
      %add3A_2174 = arith.addf %mul3A_2172, %mul3A_2173 : vector<16xf32>
      %mul3A_2175 = arith.constant 2 : i32
      %mul3A_2176 = arith.muli %mul3A_2175, %scan3A_1739 : i32
      %swap3A_2177 = arith.index_cast %mul3A_2176 : i32 to index
      %swap3A_2178 = arith.constant 192 : index
      %swap3A_2179 = tpu.vector_load %arg5[%swap3A_2177, %swap3A_2178] {strides = array<i32>} : memref<128x256xf32, #tpu.memory_space<vmem>>, vector<1x16xf32>,
      %swap3A_2180 = vector.shape_cast %swap3A_2179 : vector<1x16xf32> to vector<16xf32>
      %swap3A_2181 = vector.shape_cast %add3A_2174 : vector<16xf32> to vector<1x16xf32>
      tpu.vector_store %arg5[%swap3A_2177, %swap3A_2178], %swap3A_2181 {strides = array<i32>} : memref<128x256xf32, #tpu.memory_space<vmem>>, vector<1x16xf32>,
      %mul3A_2182 = arith.mulf %broadcast_in_dim3A_39, %get3A_2167 : vector<16xf32>
      %mul3A_2183 = arith.mulf %broadcast_in_dim3A_37, %get3A_2171 : vector<16xf32>
      %add3A_2184 = arith.addf %mul3A_2182, %mul3A_2183 : vector<16xf32>
      %mul3A_2185 = arith.constant 2 : i32
      %mul3A_2186 = arith.muli %mul3A_2185, %scan3A_1739 : i32
      %add3A_2187 = arith.constant 1 : i32
      %add3A_2188 = arith.addi %mul3A_2186, %add3A_2187 : i32
      %swap3A_2189 = arith.index_cast %add3A_2188 : i32 to index
      %swap3A_2190 = arith.constant 192 : index
      %swap3A_2191 = tpu.vector_load %arg5[%swap3A_2189, %swap3A_2190] {strides = array<i32>} : memref<128x256xf32, #tpu.memory_space<vmem>>, vector<1x16xf32>,
      %swap3A_2192 = vector.shape_cast %swap3A_2191 : vector<1x16xf32> to vector<16xf32>
      %swap3A_2193 = vector.shape_cast %add3A_2184 : vector<16xf32> to vector<1x16xf32>
      tpu.vector_store %arg5[%swap3A_2189, %swap3A_2190], %swap3A_2193 {strides = array<i32>} : memref<128x256xf32, #tpu.memory_space<vmem>>, vector<1x16xf32>,
      %get3A_2194 = arith.index_cast %sub3A_1745 : i32 to index
      %get3A_2195 = arith.constant 208 : index
      %get3A_2196 = tpu.vector_load %arg4[%get3A_2194, %get3A_2195] {strides = array<i32>} : memref<80x256xf32, #tpu.memory_space<vmem>>, vector<1x16xf32>,
      %get3A_2197 = vector.shape_cast %get3A_2196 : vector<1x16xf32> to vector<16xf32>
      %get3A_2198 = arith.index_cast %sub3A_1747 : i32 to index
      %get3A_2199 = arith.constant 208 : index
      %get3A_2200 = tpu.vector_load %arg4[%get3A_2198, %get3A_2199] {strides = array<i32>} : memref<80x256xf32, #tpu.memory_space<vmem>>, vector<1x16xf32>,
      %get3A_2201 = vector.shape_cast %get3A_2200 : vector<1x16xf32> to vector<16xf32>
      %get3A_2202 = arith.index_cast %sub3A_1753 : i32 to index
      %get3A_2203 = arith.constant 208 : index
      %get3A_2204 = tpu.vector_load %arg4[%get3A_2202, %get3A_2203] {strides = array<i32>} : memref<80x256xf32, #tpu.memory_space<vmem>>, vector<1x16xf32>,
      %get3A_2205 = vector.shape_cast %get3A_2204 : vector<1x16xf32> to vector<16xf32>
      %mul3A_2206 = arith.mulf %broadcast_in_dim3A_37, %get3A_2197 : vector<16xf32>
      %mul3A_2207 = arith.mulf %broadcast_in_dim3A_39, %get3A_2201 : vector<16xf32>
      %add3A_2208 = arith.addf %mul3A_2206, %mul3A_2207 : vector<16xf32>
      %mul3A_2209 = arith.constant 2 : i32
      %mul3A_2210 = arith.muli %mul3A_2209, %scan3A_1739 : i32
      %swap3A_2211 = arith.index_cast %mul3A_2210 : i32 to index
      %swap3A_2212 = arith.constant 208 : index
      %swap3A_2213 = tpu.vector_load %arg5[%swap3A_2211, %swap3A_2212] {strides = array<i32>} : memref<128x256xf32, #tpu.memory_space<vmem>>, vector<1x16xf32>,
      %swap3A_2214 = vector.shape_cast %swap3A_2213 : vector<1x16xf32> to vector<16xf32>
      %swap3A_2215 = vector.shape_cast %add3A_2208 : vector<16xf32> to vector<1x16xf32>
      tpu.vector_store %arg5[%swap3A_2211, %swap3A_2212], %swap3A_2215 {strides = array<i32>} : memref<128x256xf32, #tpu.memory_space<vmem>>, vector<1x16xf32>,
      %mul3A_2216 = arith.mulf %broadcast_in_dim3A_39, %get3A_2201 : vector<16xf32>
      %mul3A_2217 = arith.mulf %broadcast_in_dim3A_37, %get3A_2205 : vector<16xf32>
      %add3A_2218 = arith.addf %mul3A_2216, %mul3A_2217 : vector<16xf32>
      %mul3A_2219 = arith.constant 2 : i32
      %mul3A_2220 = arith.muli %mul3A_2219, %scan3A_1739 : i32
      %add3A_2221 = arith.constant 1 : i32
      %add3A_2222 = arith.addi %mul3A_2220, %add3A_2221 : i32
      %swap3A_2223 = arith.index_cast %add3A_2222 : i32 to index
      %swap3A_2224 = arith.constant 208 : index
      %swap3A_2225 = tpu.vector_load %arg5[%swap3A_2223, %swap3A_2224] {strides = array<i32>} : memref<128x256xf32, #tpu.memory_space<vmem>>, vector<1x16xf32>,
      %swap3A_2226 = vector.shape_cast %swap3A_2225 : vector<1x16xf32> to vector<16xf32>
      %swap3A_2227 = vector.shape_cast %add3A_2218 : vector<16xf32> to vector<1x16xf32>
      tpu.vector_store %arg5[%swap3A_2223, %swap3A_2224], %swap3A_2227 {strides = array<i32>} : memref<128x256xf32, #tpu.memory_space<vmem>>, vector<1x16xf32>,
      %get3A_2228 = arith.index_cast %sub3A_1745 : i32 to index
      %get3A_2229 = arith.constant 224 : index
      %get3A_2230 = tpu.vector_load %arg4[%get3A_2228, %get3A_2229] {strides = array<i32>} : memref<80x256xf32, #tpu.memory_space<vmem>>, vector<1x16xf32>,
      %get3A_2231 = vector.shape_cast %get3A_2230 : vector<1x16xf32> to vector<16xf32>
      %get3A_2232 = arith.index_cast %sub3A_1747 : i32 to index
      %get3A_2233 = arith.constant 224 : index
      %get3A_2234 = tpu.vector_load %arg4[%get3A_2232, %get3A_2233] {strides = array<i32>} : memref<80x256xf32, #tpu.memory_space<vmem>>, vector<1x16xf32>,
      %get3A_2235 = vector.shape_cast %get3A_2234 : vector<1x16xf32> to vector<16xf32>
      %get3A_2236 = arith.index_cast %sub3A_1753 : i32 to index
      %get3A_2237 = arith.constant 224 : index
      %get3A_2238 = tpu.vector_load %arg4[%get3A_2236, %get3A_2237] {strides = array<i32>} : memref<80x256xf32, #tpu.memory_space<vmem>>, vector<1x16xf32>,
      %get3A_2239 = vector.shape_cast %get3A_2238 : vector<1x16xf32> to vector<16xf32>
      %mul3A_2240 = arith.mulf %broadcast_in_dim3A_37, %get3A_2231 : vector<16xf32>
      %mul3A_2241 = arith.mulf %broadcast_in_dim3A_39, %get3A_2235 : vector<16xf32>
      %add3A_2242 = arith.addf %mul3A_2240, %mul3A_2241 : vector<16xf32>
      %mul3A_2243 = arith.constant 2 : i32
      %mul3A_2244 = arith.muli %mul3A_2243, %scan3A_1739 : i32
      %swap3A_2245 = arith.index_cast %mul3A_2244 : i32 to index
      %swap3A_2246 = arith.constant 224 : index
      %swap3A_2247 = tpu.vector_load %arg5[%swap3A_2245, %swap3A_2246] {strides = array<i32>} : memref<128x256xf32, #tpu.memory_space<vmem>>, vector<1x16xf32>,
      %swap3A_2248 = vector.shape_cast %swap3A_2247 : vector<1x16xf32> to vector<16xf32>
      %swap3A_2249 = vector.shape_cast %add3A_2242 : vector<16xf32> to vector<1x16xf32>
      tpu.vector_store %arg5[%swap3A_2245, %swap3A_2246], %swap3A_2249 {strides = array<i32>} : memref<128x256xf32, #tpu.memory_space<vmem>>, vector<1x16xf32>,
      %mul3A_2250 = arith.mulf %broadcast_in_dim3A_39, %get3A_2235 : vector<16xf32>
      %mul3A_2251 = arith.mulf %broadcast_in_dim3A_37, %get3A_2239 : vector<16xf32>
      %add3A_2252 = arith.addf %mul3A_2250, %mul3A_2251 : vector<16xf32>
      %mul3A_2253 = arith.constant 2 : i32
      %mul3A_2254 = arith.muli %mul3A_2253, %scan3A_1739 : i32
      %add3A_2255 = arith.constant 1 : i32
      %add3A_2256 = arith.addi %mul3A_2254, %add3A_2255 : i32
      %swap3A_2257 = arith.index_cast %add3A_2256 : i32 to index
      %swap3A_2258 = arith.constant 224 : index
      %swap3A_2259 = tpu.vector_load %arg5[%swap3A_2257, %swap3A_2258] {strides = array<i32>} : memref<128x256xf32, #tpu.memory_space<vmem>>, vector<1x16xf32>,
      %swap3A_2260 = vector.shape_cast %swap3A_2259 : vector<1x16xf32> to vector<16xf32>
      %swap3A_2261 = vector.shape_cast %add3A_2252 : vector<16xf32> to vector<1x16xf32>
      tpu.vector_store %arg5[%swap3A_2257, %swap3A_2258], %swap3A_2261 {strides = array<i32>} : memref<128x256xf32, #tpu.memory_space<vmem>>, vector<1x16xf32>,
      %get3A_2262 = arith.index_cast %sub3A_1745 : i32 to index
      %get3A_2263 = arith.constant 240 : index
      %get3A_2264 = tpu.vector_load %arg4[%get3A_2262, %get3A_2263] {strides = array<i32>} : memref<80x256xf32, #tpu.memory_space<vmem>>, vector<1x16xf32>,
      %get3A_2265 = vector.shape_cast %get3A_2264 : vector<1x16xf32> to vector<16xf32>
      %get3A_2266 = arith.index_cast %sub3A_1747 : i32 to index
      %get3A_2267 = arith.constant 240 : index
      %get3A_2268 = tpu.vector_load %arg4[%get3A_2266, %get3A_2267] {strides = array<i32>} : memref<80x256xf32, #tpu.memory_space<vmem>>, vector<1x16xf32>,
      %get3A_2269 = vector.shape_cast %get3A_2268 : vector<1x16xf32> to vector<16xf32>
      %get3A_2270 = arith.index_cast %sub3A_1753 : i32 to index
      %get3A_2271 = arith.constant 240 : index
      %get3A_2272 = tpu.vector_load %arg4[%get3A_2270, %get3A_2271] {strides = array<i32>} : memref<80x256xf32, #tpu.memory_space<vmem>>, vector<1x16xf32>,
      %get3A_2273 = vector.shape_cast %get3A_2272 : vector<1x16xf32> to vector<16xf32>
      %mul3A_2274 = arith.mulf %broadcast_in_dim3A_37, %get3A_2265 : vector<16xf32>
      %mul3A_2275 = arith.mulf %broadcast_in_dim3A_39, %get3A_2269 : vector<16xf32>
      %add3A_2276 = arith.addf %mul3A_2274, %mul3A_2275 : vector<16xf32>
      %mul3A_2277 = arith.constant 2 : i32
      %mul3A_2278 = arith.muli %mul3A_2277, %scan3A_1739 : i32
      %swap3A_2279 = arith.index_cast %mul3A_2278 : i32 to index
      %swap3A_2280 = arith.constant 240 : index
      %swap3A_2281 = tpu.vector_load %arg5[%swap3A_2279, %swap3A_2280] {strides = array<i32>} : memref<128x256xf32, #tpu.memory_space<vmem>>, vector<1x16xf32>,
      %swap3A_2282 = vector.shape_cast %swap3A_2281 : vector<1x16xf32> to vector<16xf32>
      %swap3A_2283 = vector.shape_cast %add3A_2276 : vector<16xf32> to vector<1x16xf32>
      tpu.vector_store %arg5[%swap3A_2279, %swap3A_2280], %swap3A_2283 {strides = array<i32>} : memref<128x256xf32, #tpu.memory_space<vmem>>, vector<1x16xf32>,
      %mul3A_2284 = arith.mulf %broadcast_in_dim3A_39, %get3A_2269 : vector<16xf32>
      %mul3A_2285 = arith.mulf %broadcast_in_dim3A_37, %get3A_2273 : vector<16xf32>
      %add3A_2286 = arith.addf %mul3A_2284, %mul3A_2285 : vector<16xf32>
      %mul3A_2287 = arith.constant 2 : i32
      %mul3A_2288 = arith.muli %mul3A_2287, %scan3A_1739 : i32
      %add3A_2289 = arith.constant 1 : i32
      %add3A_2290 = arith.addi %mul3A_2288, %add3A_2289 : i32
      %swap3A_2291 = arith.index_cast %add3A_2290 : i32 to index
      %swap3A_2292 = arith.constant 240 : index
      %swap3A_2293 = tpu.vector_load %arg5[%swap3A_2291, %swap3A_2292] {strides = array<i32>} : memref<128x256xf32, #tpu.memory_space<vmem>>, vector<1x16xf32>,
      %swap3A_2294 = vector.shape_cast %swap3A_2293 : vector<1x16xf32> to vector<16xf32>
      %swap3A_2295 = vector.shape_cast %add3A_2286 : vector<16xf32> to vector<1x16xf32>
      tpu.vector_store %arg5[%swap3A_2291, %swap3A_2292], %swap3A_2295 {strides = array<i32>} : memref<128x256xf32, #tpu.memory_space<vmem>>, vector<1x16xf32>,
    }
    %scan3A_696 = arith.constant 16 : i32
    %add3A_697 = arith.constant 96 : i32
    %add3A_698 = arith.addi %mul3A_41, %add3A_697 : i32
    %multiple_of3A_699 = tpu.assume_multiple %add3A_698, 8 : i32
    %dma_start3A_700 = arith.constant 0 : i32
    %dma_start3A_701 = arith.constant 96 : i32
    %dma_start3A_702 = arith.constant 0 : i32
    %dma_start3A_703 = tpu.memref_slice %arg5[%dma_start3A_701, %dma_start3A_702] : memref<128x256xf32, #tpu.memory_space<vmem>> -> memref<32x256xf32, #tpu.memory_space<vmem>>
    %dma_start3A_704 = arith.constant 0 : i32
    %dma_start3A_705 = tpu.memref_slice %arg3[%dma_start3A_700, %select_n3A, %multiple_of3A_699, %dma_start3A_704] : memref<16x4x1024x256xf32, #tpu.memory_space<hbm>> -> memref<1x1x32x256xf32, #tpu.memory_space<hbm>>
    %dma_start3A_706 = tpu.memref_squeeze %dma_start3A_705 : memref<1x1x32x256xf32, #tpu.memory_space<hbm>> -> memref<32x256xf32, #tpu.memory_space<hbm>>
    %dma_start3A_707 = arith.constant 0 : i32
    %dma_start3A_708 = tpu.memref_slice %arg3[%dma_start3A_700, %select_n3A, %multiple_of3A_699, %dma_start3A_707] : memref<16x4x1024x256xf32, #tpu.memory_space<hbm>> -> memref<1x1x32x256xf32, #tpu.memory_space<hbm>>
    %dma_start3A_709 = tpu.memref_squeeze %dma_start3A_708 : memref<1x1x32x256xf32, #tpu.memory_space<hbm>> -> memref<32x256xf32, #tpu.memory_space<hbm>>
    %dma_start3A_710 = arith.constant 96 : i32
    %dma_start3A_711 = arith.constant 0 : i32
    %dma_start3A_712 = tpu.memref_slice %arg5[%dma_start3A_710, %dma_start3A_711] : memref<128x256xf32, #tpu.memory_space<vmem>> -> memref<32x256xf32, #tpu.memory_space<vmem>>
    tpu.enqueue_dma source(%dma_start3A_712 : memref<32x256xf32, #tpu.memory_space<vmem>>) target(%dma_start3A_709 : memref<32x256xf32, #tpu.memory_space<hbm>>) target_semaphore(%arg6 : memref<!tpu.dma_semaphore, #tpu.memory_space<semaphore_mem>>)
    %dma_start3A_713 = arith.constant 1 : i32
    %dma_start3A_714 = arith.constant 96 : i32
    %dma_start3A_715 = arith.constant 0 : i32
    %dma_start3A_716 = tpu.memref_slice %arg5[%dma_start3A_714, %dma_start3A_715] : memref<128x256xf32, #tpu.memory_space<vmem>> -> memref<32x256xf32, #tpu.memory_space<vmem>>
    %dma_start3A_717 = arith.constant 0 : i32
    %dma_start3A_718 = tpu.memref_slice %arg3[%dma_start3A_713, %select_n3A, %multiple_of3A_699, %dma_start3A_717] : memref<16x4x1024x256xf32, #tpu.memory_space<hbm>> -> memref<1x1x32x256xf32, #tpu.memory_space<hbm>>
    %dma_start3A_719 = tpu.memref_squeeze %dma_start3A_718 : memref<1x1x32x256xf32, #tpu.memory_space<hbm>> -> memref<32x256xf32, #tpu.memory_space<hbm>>
    %dma_start3A_720 = arith.constant 0 : i32
    %dma_start3A_721 = tpu.memref_slice %arg3[%dma_start3A_713, %select_n3A, %multiple_of3A_699, %dma_start3A_720] : memref<16x4x1024x256xf32, #tpu.memory_space<hbm>> -> memref<1x1x32x256xf32, #tpu.memory_space<hbm>>
    %dma_start3A_722 = tpu.memref_squeeze %dma_start3A_721 : memref<1x1x32x256xf32, #tpu.memory_space<hbm>> -> memref<32x256xf32, #tpu.memory_space<hbm>>
    %dma_start3A_723 = arith.constant 96 : i32
    %dma_start3A_724 = arith.constant 0 : i32
    %dma_start3A_725 = tpu.memref_slice %arg5[%dma_start3A_723, %dma_start3A_724] : memref<128x256xf32, #tpu.memory_space<vmem>> -> memref<32x256xf32, #tpu.memory_space<vmem>>
    tpu.enqueue_dma source(%dma_start3A_725 : memref<32x256xf32, #tpu.memory_space<vmem>>) target(%dma_start3A_722 : memref<32x256xf32, #tpu.memory_space<hbm>>) target_semaphore(%arg6 : memref<!tpu.dma_semaphore, #tpu.memory_space<semaphore_mem>>)
    %dma_start3A_726 = arith.constant 2 : i32
    %dma_start3A_727 = arith.constant 96 : i32
    %dma_start3A_728 = arith.constant 0 : i32
    %dma_start3A_729 = tpu.memref_slice %arg5[%dma_start3A_727, %dma_start3A_728] : memref<128x256xf32, #tpu.memory_space<vmem>> -> memref<32x256xf32, #tpu.memory_space<vmem>>
    %dma_start3A_730 = arith.constant 0 : i32
    %dma_start3A_731 = tpu.memref_slice %arg3[%dma_start3A_726, %select_n3A, %multiple_of3A_699, %dma_start3A_730] : memref<16x4x1024x256xf32, #tpu.memory_space<hbm>> -> memref<1x1x32x256xf32, #tpu.memory_space<hbm>>
    %dma_start3A_732 = tpu.memref_squeeze %dma_start3A_731 : memref<1x1x32x256xf32, #tpu.memory_space<hbm>> -> memref<32x256xf32, #tpu.memory_space<hbm>>
    %dma_start3A_733 = arith.constant 0 : i32
    %dma_start3A_734 = tpu.memref_slice %arg3[%dma_start3A_726, %select_n3A, %multiple_of3A_699, %dma_start3A_733] : memref<16x4x1024x256xf32, #tpu.memory_space<hbm>> -> memref<1x1x32x256xf32, #tpu.memory_space<hbm>>
    %dma_start3A_735 = tpu.memref_squeeze %dma_start3A_734 : memref<1x1x32x256xf32, #tpu.memory_space<hbm>> -> memref<32x256xf32, #tpu.memory_space<hbm>>
    %dma_start3A_736 = arith.constant 96 : i32
    %dma_start3A_737 = arith.constant 0 : i32
    %dma_start3A_738 = tpu.memref_slice %arg5[%dma_start3A_736, %dma_start3A_737] : memref<128x256xf32, #tpu.memory_space<vmem>> -> memref<32x256xf32, #tpu.memory_space<vmem>>
    tpu.enqueue_dma source(%dma_start3A_738 : memref<32x256xf32, #tpu.memory_space<vmem>>) target(%dma_start3A_735 : memref<32x256xf32, #tpu.memory_space<hbm>>) target_semaphore(%arg6 : memref<!tpu.dma_semaphore, #tpu.memory_space<semaphore_mem>>)
    %dma_start3A_739 = arith.constant 3 : i32
    %dma_start3A_740 = arith.constant 96 : i32
    %dma_start3A_741 = arith.constant 0 : i32
    %dma_start3A_742 = tpu.memref_slice %arg5[%dma_start3A_740, %dma_start3A_741] : memref<128x256xf32, #tpu.memory_space<vmem>> -> memref<32x256xf32, #tpu.memory_space<vmem>>
    %dma_start3A_743 = arith.constant 0 : i32
    %dma_start3A_744 = tpu.memref_slice %arg3[%dma_start3A_739, %select_n3A, %multiple_of3A_699, %dma_start3A_743] : memref<16x4x1024x256xf32, #tpu.memory_space<hbm>> -> memref<1x1x32x256xf32, #tpu.memory_space<hbm>>
    %dma_start3A_745 = tpu.memref_squeeze %dma_start3A_744 : memref<1x1x32x256xf32, #tpu.memory_space<hbm>> -> memref<32x256xf32, #tpu.memory_space<hbm>>
    %dma_start3A_746 = arith.constant 0 : i32
    %dma_start3A_747 = tpu.memref_slice %arg3[%dma_start3A_739, %select_n3A, %multiple_of3A_699, %dma_start3A_746] : memref<16x4x1024x256xf32, #tpu.memory_space<hbm>> -> memref<1x1x32x256xf32, #tpu.memory_space<hbm>>
    %dma_start3A_748 = tpu.memref_squeeze %dma_start3A_747 : memref<1x1x32x256xf32, #tpu.memory_space<hbm>> -> memref<32x256xf32, #tpu.memory_space<hbm>>
    %dma_start3A_749 = arith.constant 96 : i32
    %dma_start3A_750 = arith.constant 0 : i32
    %dma_start3A_751 = tpu.memref_slice %arg5[%dma_start3A_749, %dma_start3A_750] : memref<128x256xf32, #tpu.memory_space<vmem>> -> memref<32x256xf32, #tpu.memory_space<vmem>>
    tpu.enqueue_dma source(%dma_start3A_751 : memref<32x256xf32, #tpu.memory_space<vmem>>) target(%dma_start3A_748 : memref<32x256xf32, #tpu.memory_space<hbm>>) target_semaphore(%arg6 : memref<!tpu.dma_semaphore, #tpu.memory_space<semaphore_mem>>)
    %dma_start3A_752 = arith.constant 4 : i32
    %dma_start3A_753 = arith.constant 96 : i32
    %dma_start3A_754 = arith.constant 0 : i32
    %dma_start3A_755 = tpu.memref_slice %arg5[%dma_start3A_753, %dma_start3A_754] : memref<128x256xf32, #tpu.memory_space<vmem>> -> memref<32x256xf32, #tpu.memory_space<vmem>>
    %dma_start3A_756 = arith.constant 0 : i32
    %dma_start3A_757 = tpu.memref_slice %arg3[%dma_start3A_752, %select_n3A, %multiple_of3A_699, %dma_start3A_756] : memref<16x4x1024x256xf32, #tpu.memory_space<hbm>> -> memref<1x1x32x256xf32, #tpu.memory_space<hbm>>
    %dma_start3A_758 = tpu.memref_squeeze %dma_start3A_757 : memref<1x1x32x256xf32, #tpu.memory_space<hbm>> -> memref<32x256xf32, #tpu.memory_space<hbm>>
    %dma_start3A_759 = arith.constant 0 : i32
    %dma_start3A_760 = tpu.memref_slice %arg3[%dma_start3A_752, %select_n3A, %multiple_of3A_699, %dma_start3A_759] : memref<16x4x1024x256xf32, #tpu.memory_space<hbm>> -> memref<1x1x32x256xf32, #tpu.memory_space<hbm>>
    %dma_start3A_761 = tpu.memref_squeeze %dma_start3A_760 : memref<1x1x32x256xf32, #tpu.memory_space<hbm>> -> memref<32x256xf32, #tpu.memory_space<hbm>>
    %dma_start3A_762 = arith.constant 96 : i32
    %dma_start3A_763 = arith.constant 0 : i32
    %dma_start3A_764 = tpu.memref_slice %arg5[%dma_start3A_762, %dma_start3A_763] : memref<128x256xf32, #tpu.memory_space<vmem>> -> memref<32x256xf32, #tpu.memory_space<vmem>>
    tpu.enqueue_dma source(%dma_start3A_764 : memref<32x256xf32, #tpu.memory_space<vmem>>) target(%dma_start3A_761 : memref<32x256xf32, #tpu.memory_space<hbm>>) target_semaphore(%arg6 : memref<!tpu.dma_semaphore, #tpu.memory_space<semaphore_mem>>)
    %dma_start3A_765 = arith.constant 5 : i32
    %dma_start3A_766 = arith.constant 96 : i32
    %dma_start3A_767 = arith.constant 0 : i32
    %dma_start3A_768 = tpu.memref_slice %arg5[%dma_start3A_766, %dma_start3A_767] : memref<128x256xf32, #tpu.memory_space<vmem>> -> memref<32x256xf32, #tpu.memory_space<vmem>>
    %dma_start3A_769 = arith.constant 0 : i32
    %dma_start3A_770 = tpu.memref_slice %arg3[%dma_start3A_765, %select_n3A, %multiple_of3A_699, %dma_start3A_769] : memref<16x4x1024x256xf32, #tpu.memory_space<hbm>> -> memref<1x1x32x256xf32, #tpu.memory_space<hbm>>
    %dma_start3A_771 = tpu.memref_squeeze %dma_start3A_770 : memref<1x1x32x256xf32, #tpu.memory_space<hbm>> -> memref<32x256xf32, #tpu.memory_space<hbm>>
    %dma_start3A_772 = arith.constant 0 : i32
    %dma_start3A_773 = tpu.memref_slice %arg3[%dma_start3A_765, %select_n3A, %multiple_of3A_699, %dma_start3A_772] : memref<16x4x1024x256xf32, #tpu.memory_space<hbm>> -> memref<1x1x32x256xf32, #tpu.memory_space<hbm>>
    %dma_start3A_774 = tpu.memref_squeeze %dma_start3A_773 : memref<1x1x32x256xf32, #tpu.memory_space<hbm>> -> memref<32x256xf32, #tpu.memory_space<hbm>>
    %dma_start3A_775 = arith.constant 96 : i32
    %dma_start3A_776 = arith.constant 0 : i32
    %dma_start3A_777 = tpu.memref_slice %arg5[%dma_start3A_775, %dma_start3A_776] : memref<128x256xf32, #tpu.memory_space<vmem>> -> memref<32x256xf32, #tpu.memory_space<vmem>>
    tpu.enqueue_dma source(%dma_start3A_777 : memref<32x256xf32, #tpu.memory_space<vmem>>) target(%dma_start3A_774 : memref<32x256xf32, #tpu.memory_space<hbm>>) target_semaphore(%arg6 : memref<!tpu.dma_semaphore, #tpu.memory_space<semaphore_mem>>)
    %dma_start3A_778 = arith.constant 6 : i32
    %dma_start3A_779 = arith.constant 96 : i32
    %dma_start3A_780 = arith.constant 0 : i32
    %dma_start3A_781 = tpu.memref_slice %arg5[%dma_start3A_779, %dma_start3A_780] : memref<128x256xf32, #tpu.memory_space<vmem>> -> memref<32x256xf32, #tpu.memory_space<vmem>>
    %dma_start3A_782 = arith.constant 0 : i32
    %dma_start3A_783 = tpu.memref_slice %arg3[%dma_start3A_778, %select_n3A, %multiple_of3A_699, %dma_start3A_782] : memref<16x4x1024x256xf32, #tpu.memory_space<hbm>> -> memref<1x1x32x256xf32, #tpu.memory_space<hbm>>
    %dma_start3A_784 = tpu.memref_squeeze %dma_start3A_783 : memref<1x1x32x256xf32, #tpu.memory_space<hbm>> -> memref<32x256xf32, #tpu.memory_space<hbm>>
    %dma_start3A_785 = arith.constant 0 : i32
    %dma_start3A_786 = tpu.memref_slice %arg3[%dma_start3A_778, %select_n3A, %multiple_of3A_699, %dma_start3A_785] : memref<16x4x1024x256xf32, #tpu.memory_space<hbm>> -> memref<1x1x32x256xf32, #tpu.memory_space<hbm>>
    %dma_start3A_787 = tpu.memref_squeeze %dma_start3A_786 : memref<1x1x32x256xf32, #tpu.memory_space<hbm>> -> memref<32x256xf32, #tpu.memory_space<hbm>>
    %dma_start3A_788 = arith.constant 96 : i32
    %dma_start3A_789 = arith.constant 0 : i32
    %dma_start3A_790 = tpu.memref_slice %arg5[%dma_start3A_788, %dma_start3A_789] : memref<128x256xf32, #tpu.memory_space<vmem>> -> memref<32x256xf32, #tpu.memory_space<vmem>>
    tpu.enqueue_dma source(%dma_start3A_790 : memref<32x256xf32, #tpu.memory_space<vmem>>) target(%dma_start3A_787 : memref<32x256xf32, #tpu.memory_space<hbm>>) target_semaphore(%arg6 : memref<!tpu.dma_semaphore, #tpu.memory_space<semaphore_mem>>)
    %dma_start3A_791 = arith.constant 7 : i32
    %dma_start3A_792 = arith.constant 96 : i32
    %dma_start3A_793 = arith.constant 0 : i32
    %dma_start3A_794 = tpu.memref_slice %arg5[%dma_start3A_792, %dma_start3A_793] : memref<128x256xf32, #tpu.memory_space<vmem>> -> memref<32x256xf32, #tpu.memory_space<vmem>>
    %dma_start3A_795 = arith.constant 0 : i32
    %dma_start3A_796 = tpu.memref_slice %arg3[%dma_start3A_791, %select_n3A, %multiple_of3A_699, %dma_start3A_795] : memref<16x4x1024x256xf32, #tpu.memory_space<hbm>> -> memref<1x1x32x256xf32, #tpu.memory_space<hbm>>
    %dma_start3A_797 = tpu.memref_squeeze %dma_start3A_796 : memref<1x1x32x256xf32, #tpu.memory_space<hbm>> -> memref<32x256xf32, #tpu.memory_space<hbm>>
    %dma_start3A_798 = arith.constant 0 : i32
    %dma_start3A_799 = tpu.memref_slice %arg3[%dma_start3A_791, %select_n3A, %multiple_of3A_699, %dma_start3A_798] : memref<16x4x1024x256xf32, #tpu.memory_space<hbm>> -> memref<1x1x32x256xf32, #tpu.memory_space<hbm>>
    %dma_start3A_800 = tpu.memref_squeeze %dma_start3A_799 : memref<1x1x32x256xf32, #tpu.memory_space<hbm>> -> memref<32x256xf32, #tpu.memory_space<hbm>>
    %dma_start3A_801 = arith.constant 96 : i32
    %dma_start3A_802 = arith.constant 0 : i32
    %dma_start3A_803 = tpu.memref_slice %arg5[%dma_start3A_801, %dma_start3A_802] : memref<128x256xf32, #tpu.memory_space<vmem>> -> memref<32x256xf32, #tpu.memory_space<vmem>>
    tpu.enqueue_dma source(%dma_start3A_803 : memref<32x256xf32, #tpu.memory_space<vmem>>) target(%dma_start3A_800 : memref<32x256xf32, #tpu.memory_space<hbm>>) target_semaphore(%arg6 : memref<!tpu.dma_semaphore, #tpu.memory_space<semaphore_mem>>)
    %dma_start3A_804 = arith.constant 8 : i32
    %dma_start3A_805 = arith.constant 96 : i32
    %dma_start3A_806 = arith.constant 0 : i32
    %dma_start3A_807 = tpu.memref_slice %arg5[%dma_start3A_805, %dma_start3A_806] : memref<128x256xf32, #tpu.memory_space<vmem>> -> memref<32x256xf32, #tpu.memory_space<vmem>>
    %dma_start3A_808 = arith.constant 0 : i32
    %dma_start3A_809 = tpu.memref_slice %arg3[%dma_start3A_804, %select_n3A, %multiple_of3A_699, %dma_start3A_808] : memref<16x4x1024x256xf32, #tpu.memory_space<hbm>> -> memref<1x1x32x256xf32, #tpu.memory_space<hbm>>
    %dma_start3A_810 = tpu.memref_squeeze %dma_start3A_809 : memref<1x1x32x256xf32, #tpu.memory_space<hbm>> -> memref<32x256xf32, #tpu.memory_space<hbm>>
    %dma_start3A_811 = arith.constant 0 : i32
    %dma_start3A_812 = tpu.memref_slice %arg3[%dma_start3A_804, %select_n3A, %multiple_of3A_699, %dma_start3A_811] : memref<16x4x1024x256xf32, #tpu.memory_space<hbm>> -> memref<1x1x32x256xf32, #tpu.memory_space<hbm>>
    %dma_start3A_813 = tpu.memref_squeeze %dma_start3A_812 : memref<1x1x32x256xf32, #tpu.memory_space<hbm>> -> memref<32x256xf32, #tpu.memory_space<hbm>>
    %dma_start3A_814 = arith.constant 96 : i32
    %dma_start3A_815 = arith.constant 0 : i32
    %dma_start3A_816 = tpu.memref_slice %arg5[%dma_start3A_814, %dma_start3A_815] : memref<128x256xf32, #tpu.memory_space<vmem>> -> memref<32x256xf32, #tpu.memory_space<vmem>>
    tpu.enqueue_dma source(%dma_start3A_816 : memref<32x256xf32, #tpu.memory_space<vmem>>) target(%dma_start3A_813 : memref<32x256xf32, #tpu.memory_space<hbm>>) target_semaphore(%arg6 : memref<!tpu.dma_semaphore, #tpu.memory_space<semaphore_mem>>)
    %dma_start3A_817 = arith.constant 9 : i32
    %dma_start3A_818 = arith.constant 96 : i32
    %dma_start3A_819 = arith.constant 0 : i32
    %dma_start3A_820 = tpu.memref_slice %arg5[%dma_start3A_818, %dma_start3A_819] : memref<128x256xf32, #tpu.memory_space<vmem>> -> memref<32x256xf32, #tpu.memory_space<vmem>>
    %dma_start3A_821 = arith.constant 0 : i32
    %dma_start3A_822 = tpu.memref_slice %arg3[%dma_start3A_817, %select_n3A, %multiple_of3A_699, %dma_start3A_821] : memref<16x4x1024x256xf32, #tpu.memory_space<hbm>> -> memref<1x1x32x256xf32, #tpu.memory_space<hbm>>
    %dma_start3A_823 = tpu.memref_squeeze %dma_start3A_822 : memref<1x1x32x256xf32, #tpu.memory_space<hbm>> -> memref<32x256xf32, #tpu.memory_space<hbm>>
    %dma_start3A_824 = arith.constant 0 : i32
    %dma_start3A_825 = tpu.memref_slice %arg3[%dma_start3A_817, %select_n3A, %multiple_of3A_699, %dma_start3A_824] : memref<16x4x1024x256xf32, #tpu.memory_space<hbm>> -> memref<1x1x32x256xf32, #tpu.memory_space<hbm>>
    %dma_start3A_826 = tpu.memref_squeeze %dma_start3A_825 : memref<1x1x32x256xf32, #tpu.memory_space<hbm>> -> memref<32x256xf32, #tpu.memory_space<hbm>>
    %dma_start3A_827 = arith.constant 96 : i32
    %dma_start3A_828 = arith.constant 0 : i32
    %dma_start3A_829 = tpu.memref_slice %arg5[%dma_start3A_827, %dma_start3A_828] : memref<128x256xf32, #tpu.memory_space<vmem>> -> memref<32x256xf32, #tpu.memory_space<vmem>>
    tpu.enqueue_dma source(%dma_start3A_829 : memref<32x256xf32, #tpu.memory_space<vmem>>) target(%dma_start3A_826 : memref<32x256xf32, #tpu.memory_space<hbm>>) target_semaphore(%arg6 : memref<!tpu.dma_semaphore, #tpu.memory_space<semaphore_mem>>)
    %dma_start3A_830 = arith.constant 10 : i32
    %dma_start3A_831 = arith.constant 96 : i32
    %dma_start3A_832 = arith.constant 0 : i32
    %dma_start3A_833 = tpu.memref_slice %arg5[%dma_start3A_831, %dma_start3A_832] : memref<128x256xf32, #tpu.memory_space<vmem>> -> memref<32x256xf32, #tpu.memory_space<vmem>>
    %dma_start3A_834 = arith.constant 0 : i32
    %dma_start3A_835 = tpu.memref_slice %arg3[%dma_start3A_830, %select_n3A, %multiple_of3A_699, %dma_start3A_834] : memref<16x4x1024x256xf32, #tpu.memory_space<hbm>> -> memref<1x1x32x256xf32, #tpu.memory_space<hbm>>
    %dma_start3A_836 = tpu.memref_squeeze %dma_start3A_835 : memref<1x1x32x256xf32, #tpu.memory_space<hbm>> -> memref<32x256xf32, #tpu.memory_space<hbm>>
    %dma_start3A_837 = arith.constant 0 : i32
    %dma_start3A_838 = tpu.memref_slice %arg3[%dma_start3A_830, %select_n3A, %multiple_of3A_699, %dma_start3A_837] : memref<16x4x1024x256xf32, #tpu.memory_space<hbm>> -> memref<1x1x32x256xf32, #tpu.memory_space<hbm>>
    %dma_start3A_839 = tpu.memref_squeeze %dma_start3A_838 : memref<1x1x32x256xf32, #tpu.memory_space<hbm>> -> memref<32x256xf32, #tpu.memory_space<hbm>>
    %dma_start3A_840 = arith.constant 96 : i32
    %dma_start3A_841 = arith.constant 0 : i32
    %dma_start3A_842 = tpu.memref_slice %arg5[%dma_start3A_840, %dma_start3A_841] : memref<128x256xf32, #tpu.memory_space<vmem>> -> memref<32x256xf32, #tpu.memory_space<vmem>>
    tpu.enqueue_dma source(%dma_start3A_842 : memref<32x256xf32, #tpu.memory_space<vmem>>) target(%dma_start3A_839 : memref<32x256xf32, #tpu.memory_space<hbm>>) target_semaphore(%arg6 : memref<!tpu.dma_semaphore, #tpu.memory_space<semaphore_mem>>)
    %dma_start3A_843 = arith.constant 11 : i32
    %dma_start3A_844 = arith.constant 96 : i32
    %dma_start3A_845 = arith.constant 0 : i32
    %dma_start3A_846 = tpu.memref_slice %arg5[%dma_start3A_844, %dma_start3A_845] : memref<128x256xf32, #tpu.memory_space<vmem>> -> memref<32x256xf32, #tpu.memory_space<vmem>>
    %dma_start3A_847 = arith.constant 0 : i32
    %dma_start3A_848 = tpu.memref_slice %arg3[%dma_start3A_843, %select_n3A, %multiple_of3A_699, %dma_start3A_847] : memref<16x4x1024x256xf32, #tpu.memory_space<hbm>> -> memref<1x1x32x256xf32, #tpu.memory_space<hbm>>
    %dma_start3A_849 = tpu.memref_squeeze %dma_start3A_848 : memref<1x1x32x256xf32, #tpu.memory_space<hbm>> -> memref<32x256xf32, #tpu.memory_space<hbm>>
    %dma_start3A_850 = arith.constant 0 : i32
    %dma_start3A_851 = tpu.memref_slice %arg3[%dma_start3A_843, %select_n3A, %multiple_of3A_699, %dma_start3A_850] : memref<16x4x1024x256xf32, #tpu.memory_space<hbm>> -> memref<1x1x32x256xf32, #tpu.memory_space<hbm>>
    %dma_start3A_852 = tpu.memref_squeeze %dma_start3A_851 : memref<1x1x32x256xf32, #tpu.memory_space<hbm>> -> memref<32x256xf32, #tpu.memory_space<hbm>>
    %dma_start3A_853 = arith.constant 96 : i32
    %dma_start3A_854 = arith.constant 0 : i32
    %dma_start3A_855 = tpu.memref_slice %arg5[%dma_start3A_853, %dma_start3A_854] : memref<128x256xf32, #tpu.memory_space<vmem>> -> memref<32x256xf32, #tpu.memory_space<vmem>>
    tpu.enqueue_dma source(%dma_start3A_855 : memref<32x256xf32, #tpu.memory_space<vmem>>) target(%dma_start3A_852 : memref<32x256xf32, #tpu.memory_space<hbm>>) target_semaphore(%arg6 : memref<!tpu.dma_semaphore, #tpu.memory_space<semaphore_mem>>)
    %dma_start3A_856 = arith.constant 12 : i32
    %dma_start3A_857 = arith.constant 96 : i32
    %dma_start3A_858 = arith.constant 0 : i32
    %dma_start3A_859 = tpu.memref_slice %arg5[%dma_start3A_857, %dma_start3A_858] : memref<128x256xf32, #tpu.memory_space<vmem>> -> memref<32x256xf32, #tpu.memory_space<vmem>>
    %dma_start3A_860 = arith.constant 0 : i32
    %dma_start3A_861 = tpu.memref_slice %arg3[%dma_start3A_856, %select_n3A, %multiple_of3A_699, %dma_start3A_860] : memref<16x4x1024x256xf32, #tpu.memory_space<hbm>> -> memref<1x1x32x256xf32, #tpu.memory_space<hbm>>
    %dma_start3A_862 = tpu.memref_squeeze %dma_start3A_861 : memref<1x1x32x256xf32, #tpu.memory_space<hbm>> -> memref<32x256xf32, #tpu.memory_space<hbm>>
    %dma_start3A_863 = arith.constant 0 : i32
    %dma_start3A_864 = tpu.memref_slice %arg3[%dma_start3A_856, %select_n3A, %multiple_of3A_699, %dma_start3A_863] : memref<16x4x1024x256xf32, #tpu.memory_space<hbm>> -> memref<1x1x32x256xf32, #tpu.memory_space<hbm>>
    %dma_start3A_865 = tpu.memref_squeeze %dma_start3A_864 : memref<1x1x32x256xf32, #tpu.memory_space<hbm>> -> memref<32x256xf32, #tpu.memory_space<hbm>>
    %dma_start3A_866 = arith.constant 96 : i32
    %dma_start3A_867 = arith.constant 0 : i32
    %dma_start3A_868 = tpu.memref_slice %arg5[%dma_start3A_866, %dma_start3A_867] : memref<128x256xf32, #tpu.memory_space<vmem>> -> memref<32x256xf32, #tpu.memory_space<vmem>>
    tpu.enqueue_dma source(%dma_start3A_868 : memref<32x256xf32, #tpu.memory_space<vmem>>) target(%dma_start3A_865 : memref<32x256xf32, #tpu.memory_space<hbm>>) target_semaphore(%arg6 : memref<!tpu.dma_semaphore, #tpu.memory_space<semaphore_mem>>)
    %dma_start3A_869 = arith.constant 13 : i32
    %dma_start3A_870 = arith.constant 96 : i32
    %dma_start3A_871 = arith.constant 0 : i32
    %dma_start3A_872 = tpu.memref_slice %arg5[%dma_start3A_870, %dma_start3A_871] : memref<128x256xf32, #tpu.memory_space<vmem>> -> memref<32x256xf32, #tpu.memory_space<vmem>>
    %dma_start3A_873 = arith.constant 0 : i32
    %dma_start3A_874 = tpu.memref_slice %arg3[%dma_start3A_869, %select_n3A, %multiple_of3A_699, %dma_start3A_873] : memref<16x4x1024x256xf32, #tpu.memory_space<hbm>> -> memref<1x1x32x256xf32, #tpu.memory_space<hbm>>
    %dma_start3A_875 = tpu.memref_squeeze %dma_start3A_874 : memref<1x1x32x256xf32, #tpu.memory_space<hbm>> -> memref<32x256xf32, #tpu.memory_space<hbm>>
    %dma_start3A_876 = arith.constant 0 : i32
    %dma_start3A_877 = tpu.memref_slice %arg3[%dma_start3A_869, %select_n3A, %multiple_of3A_699, %dma_start3A_876] : memref<16x4x1024x256xf32, #tpu.memory_space<hbm>> -> memref<1x1x32x256xf32, #tpu.memory_space<hbm>>
    %dma_start3A_878 = tpu.memref_squeeze %dma_start3A_877 : memref<1x1x32x256xf32, #tpu.memory_space<hbm>> -> memref<32x256xf32, #tpu.memory_space<hbm>>
    %dma_start3A_879 = arith.constant 96 : i32
    %dma_start3A_880 = arith.constant 0 : i32
    %dma_start3A_881 = tpu.memref_slice %arg5[%dma_start3A_879, %dma_start3A_880] : memref<128x256xf32, #tpu.memory_space<vmem>> -> memref<32x256xf32, #tpu.memory_space<vmem>>
    tpu.enqueue_dma source(%dma_start3A_881 : memref<32x256xf32, #tpu.memory_space<vmem>>) target(%dma_start3A_878 : memref<32x256xf32, #tpu.memory_space<hbm>>) target_semaphore(%arg6 : memref<!tpu.dma_semaphore, #tpu.memory_space<semaphore_mem>>)
    %dma_start3A_882 = arith.constant 14 : i32
    %dma_start3A_883 = arith.constant 96 : i32
    %dma_start3A_884 = arith.constant 0 : i32
    %dma_start3A_885 = tpu.memref_slice %arg5[%dma_start3A_883, %dma_start3A_884] : memref<128x256xf32, #tpu.memory_space<vmem>> -> memref<32x256xf32, #tpu.memory_space<vmem>>
    %dma_start3A_886 = arith.constant 0 : i32
    %dma_start3A_887 = tpu.memref_slice %arg3[%dma_start3A_882, %select_n3A, %multiple_of3A_699, %dma_start3A_886] : memref<16x4x1024x256xf32, #tpu.memory_space<hbm>> -> memref<1x1x32x256xf32, #tpu.memory_space<hbm>>
    %dma_start3A_888 = tpu.memref_squeeze %dma_start3A_887 : memref<1x1x32x256xf32, #tpu.memory_space<hbm>> -> memref<32x256xf32, #tpu.memory_space<hbm>>
    %dma_start3A_889 = arith.constant 0 : i32
    %dma_start3A_890 = tpu.memref_slice %arg3[%dma_start3A_882, %select_n3A, %multiple_of3A_699, %dma_start3A_889] : memref<16x4x1024x256xf32, #tpu.memory_space<hbm>> -> memref<1x1x32x256xf32, #tpu.memory_space<hbm>>
    %dma_start3A_891 = tpu.memref_squeeze %dma_start3A_890 : memref<1x1x32x256xf32, #tpu.memory_space<hbm>> -> memref<32x256xf32, #tpu.memory_space<hbm>>
    %dma_start3A_892 = arith.constant 96 : i32
    %dma_start3A_893 = arith.constant 0 : i32
    %dma_start3A_894 = tpu.memref_slice %arg5[%dma_start3A_892, %dma_start3A_893] : memref<128x256xf32, #tpu.memory_space<vmem>> -> memref<32x256xf32, #tpu.memory_space<vmem>>
    tpu.enqueue_dma source(%dma_start3A_894 : memref<32x256xf32, #tpu.memory_space<vmem>>) target(%dma_start3A_891 : memref<32x256xf32, #tpu.memory_space<hbm>>) target_semaphore(%arg6 : memref<!tpu.dma_semaphore, #tpu.memory_space<semaphore_mem>>)
    %dma_start3A_895 = arith.constant 15 : i32
    %dma_start3A_896 = arith.constant 96 : i32
    %dma_start3A_897 = arith.constant 0 : i32
    %dma_start3A_898 = tpu.memref_slice %arg5[%dma_start3A_896, %dma_start3A_897] : memref<128x256xf32, #tpu.memory_space<vmem>> -> memref<32x256xf32, #tpu.memory_space<vmem>>
    %dma_start3A_899 = arith.constant 0 : i32
    %dma_start3A_900 = tpu.memref_slice %arg3[%dma_start3A_895, %select_n3A, %multiple_of3A_699, %dma_start3A_899] : memref<16x4x1024x256xf32, #tpu.memory_space<hbm>> -> memref<1x1x32x256xf32, #tpu.memory_space<hbm>>
    %dma_start3A_901 = tpu.memref_squeeze %dma_start3A_900 : memref<1x1x32x256xf32, #tpu.memory_space<hbm>> -> memref<32x256xf32, #tpu.memory_space<hbm>>
    %dma_start3A_902 = arith.constant 0 : i32
    %dma_start3A_903 = tpu.memref_slice %arg3[%dma_start3A_895, %select_n3A, %multiple_of3A_699, %dma_start3A_902] : memref<16x4x1024x256xf32, #tpu.memory_space<hbm>> -> memref<1x1x32x256xf32, #tpu.memory_space<hbm>>
    %dma_start3A_904 = tpu.memref_squeeze %dma_start3A_903 : memref<1x1x32x256xf32, #tpu.memory_space<hbm>> -> memref<32x256xf32, #tpu.memory_space<hbm>>
    %dma_start3A_905 = arith.constant 96 : i32
    %dma_start3A_906 = arith.constant 0 : i32
    %dma_start3A_907 = tpu.memref_slice %arg5[%dma_start3A_905, %dma_start3A_906] : memref<128x256xf32, #tpu.memory_space<vmem>> -> memref<32x256xf32, #tpu.memory_space<vmem>>
    tpu.enqueue_dma source(%dma_start3A_907 : memref<32x256xf32, #tpu.memory_space<vmem>>) target(%dma_start3A_904 : memref<32x256xf32, #tpu.memory_space<hbm>>) target_semaphore(%arg6 : memref<!tpu.dma_semaphore, #tpu.memory_space<semaphore_mem>>)
    %dma_wait3A = arith.constant 0 : i32
    %dma_wait3A_908 = arith.constant 0 : i32
    %dma_wait3A_909 = arith.constant 0 : i32
    %dma_wait3A_910 = tpu.memref_slice %arg5[%dma_wait3A_908, %dma_wait3A_909] : memref<128x256xf32, #tpu.memory_space<vmem>> -> memref<32x256xf32, #tpu.memory_space<vmem>>
    %dma_wait3A_911 = arith.constant 0 : i32
    %dma_wait3A_912 = tpu.memref_slice %arg3[%dma_wait3A, %select_n3A, %multiple_of3A_49, %dma_wait3A_911] : memref<16x4x1024x256xf32, #tpu.memory_space<hbm>> -> memref<1x1x32x256xf32, #tpu.memory_space<hbm>>
    %dma_wait3A_913 = tpu.memref_squeeze %dma_wait3A_912 : memref<1x1x32x256xf32, #tpu.memory_space<hbm>> -> memref<32x256xf32, #tpu.memory_space<hbm>>
    %dma_wait3A_914 = arith.constant 0 : i32
    %dma_wait3A_915 = tpu.memref_slice %arg3[%dma_wait3A, %select_n3A, %multiple_of3A_49, %dma_wait3A_914] : memref<16x4x1024x256xf32, #tpu.memory_space<hbm>> -> memref<1x1x32x256xf32, #tpu.memory_space<hbm>>
    %dma_wait3A_916 = tpu.memref_squeeze %dma_wait3A_915 : memref<1x1x32x256xf32, #tpu.memory_space<hbm>> -> memref<32x256xf32, #tpu.memory_space<hbm>>
    %dma_wait3A_917 = arith.constant 0 : i32
    %dma_wait3A_918 = arith.constant 0 : i32
    %dma_wait3A_919 = tpu.memref_slice %arg5[%dma_wait3A_917, %dma_wait3A_918] : memref<128x256xf32, #tpu.memory_space<vmem>> -> memref<32x256xf32, #tpu.memory_space<vmem>>
    tpu.wait_dma2 semaphore(%arg6 : memref<!tpu.dma_semaphore, #tpu.memory_space<semaphore_mem>>) src(%dma_wait3A_919 : memref<32x256xf32, #tpu.memory_space<vmem>>) dst(%dma_wait3A_916 : memref<32x256xf32, #tpu.memory_space<hbm>>)
    %dma_wait3A_920 = arith.constant 1 : i32
    %dma_wait3A_921 = arith.constant 0 : i32
    %dma_wait3A_922 = arith.constant 0 : i32
    %dma_wait3A_923 = tpu.memref_slice %arg5[%dma_wait3A_921, %dma_wait3A_922] : memref<128x256xf32, #tpu.memory_space<vmem>> -> memref<32x256xf32, #tpu.memory_space<vmem>>
    %dma_wait3A_924 = arith.constant 0 : i32
    %dma_wait3A_925 = tpu.memref_slice %arg3[%dma_wait3A_920, %select_n3A, %multiple_of3A_49, %dma_wait3A_924] : memref<16x4x1024x256xf32, #tpu.memory_space<hbm>> -> memref<1x1x32x256xf32, #tpu.memory_space<hbm>>
    %dma_wait3A_926 = tpu.memref_squeeze %dma_wait3A_925 : memref<1x1x32x256xf32, #tpu.memory_space<hbm>> -> memref<32x256xf32, #tpu.memory_space<hbm>>
    %dma_wait3A_927 = arith.constant 0 : i32
    %dma_wait3A_928 = tpu.memref_slice %arg3[%dma_wait3A_920, %select_n3A, %multiple_of3A_49, %dma_wait3A_927] : memref<16x4x1024x256xf32, #tpu.memory_space<hbm>> -> memref<1x1x32x256xf32, #tpu.memory_space<hbm>>
    %dma_wait3A_929 = tpu.memref_squeeze %dma_wait3A_928 : memref<1x1x32x256xf32, #tpu.memory_space<hbm>> -> memref<32x256xf32, #tpu.memory_space<hbm>>
    %dma_wait3A_930 = arith.constant 0 : i32
    %dma_wait3A_931 = arith.constant 0 : i32
    %dma_wait3A_932 = tpu.memref_slice %arg5[%dma_wait3A_930, %dma_wait3A_931] : memref<128x256xf32, #tpu.memory_space<vmem>> -> memref<32x256xf32, #tpu.memory_space<vmem>>
    tpu.wait_dma2 semaphore(%arg6 : memref<!tpu.dma_semaphore, #tpu.memory_space<semaphore_mem>>) src(%dma_wait3A_932 : memref<32x256xf32, #tpu.memory_space<vmem>>) dst(%dma_wait3A_929 : memref<32x256xf32, #tpu.memory_space<hbm>>)
    %dma_wait3A_933 = arith.constant 2 : i32
    %dma_wait3A_934 = arith.constant 0 : i32
    %dma_wait3A_935 = arith.constant 0 : i32
    %dma_wait3A_936 = tpu.memref_slice %arg5[%dma_wait3A_934, %dma_wait3A_935] : memref<128x256xf32, #tpu.memory_space<vmem>> -> memref<32x256xf32, #tpu.memory_space<vmem>>
    %dma_wait3A_937 = arith.constant 0 : i32
    %dma_wait3A_938 = tpu.memref_slice %arg3[%dma_wait3A_933, %select_n3A, %multiple_of3A_49, %dma_wait3A_937] : memref<16x4x1024x256xf32, #tpu.memory_space<hbm>> -> memref<1x1x32x256xf32, #tpu.memory_space<hbm>>
    %dma_wait3A_939 = tpu.memref_squeeze %dma_wait3A_938 : memref<1x1x32x256xf32, #tpu.memory_space<hbm>> -> memref<32x256xf32, #tpu.memory_space<hbm>>
    %dma_wait3A_940 = arith.constant 0 : i32
    %dma_wait3A_941 = tpu.memref_slice %arg3[%dma_wait3A_933, %select_n3A, %multiple_of3A_49, %dma_wait3A_940] : memref<16x4x1024x256xf32, #tpu.memory_space<hbm>> -> memref<1x1x32x256xf32, #tpu.memory_space<hbm>>
    %dma_wait3A_942 = tpu.memref_squeeze %dma_wait3A_941 : memref<1x1x32x256xf32, #tpu.memory_space<hbm>> -> memref<32x256xf32, #tpu.memory_space<hbm>>
    %dma_wait3A_943 = arith.constant 0 : i32
    %dma_wait3A_944 = arith.constant 0 : i32
    %dma_wait3A_945 = tpu.memref_slice %arg5[%dma_wait3A_943, %dma_wait3A_944] : memref<128x256xf32, #tpu.memory_space<vmem>> -> memref<32x256xf32, #tpu.memory_space<vmem>>
    tpu.wait_dma2 semaphore(%arg6 : memref<!tpu.dma_semaphore, #tpu.memory_space<semaphore_mem>>) src(%dma_wait3A_945 : memref<32x256xf32, #tpu.memory_space<vmem>>) dst(%dma_wait3A_942 : memref<32x256xf32, #tpu.memory_space<hbm>>)
    %dma_wait3A_946 = arith.constant 3 : i32
    %dma_wait3A_947 = arith.constant 0 : i32
    %dma_wait3A_948 = arith.constant 0 : i32
    %dma_wait3A_949 = tpu.memref_slice %arg5[%dma_wait3A_947, %dma_wait3A_948] : memref<128x256xf32, #tpu.memory_space<vmem>> -> memref<32x256xf32, #tpu.memory_space<vmem>>
    %dma_wait3A_950 = arith.constant 0 : i32
    %dma_wait3A_951 = tpu.memref_slice %arg3[%dma_wait3A_946, %select_n3A, %multiple_of3A_49, %dma_wait3A_950] : memref<16x4x1024x256xf32, #tpu.memory_space<hbm>> -> memref<1x1x32x256xf32, #tpu.memory_space<hbm>>
    %dma_wait3A_952 = tpu.memref_squeeze %dma_wait3A_951 : memref<1x1x32x256xf32, #tpu.memory_space<hbm>> -> memref<32x256xf32, #tpu.memory_space<hbm>>
    %dma_wait3A_953 = arith.constant 0 : i32
    %dma_wait3A_954 = tpu.memref_slice %arg3[%dma_wait3A_946, %select_n3A, %multiple_of3A_49, %dma_wait3A_953] : memref<16x4x1024x256xf32, #tpu.memory_space<hbm>> -> memref<1x1x32x256xf32, #tpu.memory_space<hbm>>
    %dma_wait3A_955 = tpu.memref_squeeze %dma_wait3A_954 : memref<1x1x32x256xf32, #tpu.memory_space<hbm>> -> memref<32x256xf32, #tpu.memory_space<hbm>>
    %dma_wait3A_956 = arith.constant 0 : i32
    %dma_wait3A_957 = arith.constant 0 : i32
    %dma_wait3A_958 = tpu.memref_slice %arg5[%dma_wait3A_956, %dma_wait3A_957] : memref<128x256xf32, #tpu.memory_space<vmem>> -> memref<32x256xf32, #tpu.memory_space<vmem>>
    tpu.wait_dma2 semaphore(%arg6 : memref<!tpu.dma_semaphore, #tpu.memory_space<semaphore_mem>>) src(%dma_wait3A_958 : memref<32x256xf32, #tpu.memory_space<vmem>>) dst(%dma_wait3A_955 : memref<32x256xf32, #tpu.memory_space<hbm>>)
    %dma_wait3A_959 = arith.constant 4 : i32
    %dma_wait3A_960 = arith.constant 0 : i32
    %dma_wait3A_961 = arith.constant 0 : i32
    %dma_wait3A_962 = tpu.memref_slice %arg5[%dma_wait3A_960, %dma_wait3A_961] : memref<128x256xf32, #tpu.memory_space<vmem>> -> memref<32x256xf32, #tpu.memory_space<vmem>>
    %dma_wait3A_963 = arith.constant 0 : i32
    %dma_wait3A_964 = tpu.memref_slice %arg3[%dma_wait3A_959, %select_n3A, %multiple_of3A_49, %dma_wait3A_963] : memref<16x4x1024x256xf32, #tpu.memory_space<hbm>> -> memref<1x1x32x256xf32, #tpu.memory_space<hbm>>
    %dma_wait3A_965 = tpu.memref_squeeze %dma_wait3A_964 : memref<1x1x32x256xf32, #tpu.memory_space<hbm>> -> memref<32x256xf32, #tpu.memory_space<hbm>>
    %dma_wait3A_966 = arith.constant 0 : i32
    %dma_wait3A_967 = tpu.memref_slice %arg3[%dma_wait3A_959, %select_n3A, %multiple_of3A_49, %dma_wait3A_966] : memref<16x4x1024x256xf32, #tpu.memory_space<hbm>> -> memref<1x1x32x256xf32, #tpu.memory_space<hbm>>
    %dma_wait3A_968 = tpu.memref_squeeze %dma_wait3A_967 : memref<1x1x32x256xf32, #tpu.memory_space<hbm>> -> memref<32x256xf32, #tpu.memory_space<hbm>>
    %dma_wait3A_969 = arith.constant 0 : i32
    %dma_wait3A_970 = arith.constant 0 : i32
    %dma_wait3A_971 = tpu.memref_slice %arg5[%dma_wait3A_969, %dma_wait3A_970] : memref<128x256xf32, #tpu.memory_space<vmem>> -> memref<32x256xf32, #tpu.memory_space<vmem>>
    tpu.wait_dma2 semaphore(%arg6 : memref<!tpu.dma_semaphore, #tpu.memory_space<semaphore_mem>>) src(%dma_wait3A_971 : memref<32x256xf32, #tpu.memory_space<vmem>>) dst(%dma_wait3A_968 : memref<32x256xf32, #tpu.memory_space<hbm>>)
    %dma_wait3A_972 = arith.constant 5 : i32
    %dma_wait3A_973 = arith.constant 0 : i32
    %dma_wait3A_974 = arith.constant 0 : i32
    %dma_wait3A_975 = tpu.memref_slice %arg5[%dma_wait3A_973, %dma_wait3A_974] : memref<128x256xf32, #tpu.memory_space<vmem>> -> memref<32x256xf32, #tpu.memory_space<vmem>>
    %dma_wait3A_976 = arith.constant 0 : i32
    %dma_wait3A_977 = tpu.memref_slice %arg3[%dma_wait3A_972, %select_n3A, %multiple_of3A_49, %dma_wait3A_976] : memref<16x4x1024x256xf32, #tpu.memory_space<hbm>> -> memref<1x1x32x256xf32, #tpu.memory_space<hbm>>
    %dma_wait3A_978 = tpu.memref_squeeze %dma_wait3A_977 : memref<1x1x32x256xf32, #tpu.memory_space<hbm>> -> memref<32x256xf32, #tpu.memory_space<hbm>>
    %dma_wait3A_979 = arith.constant 0 : i32
    %dma_wait3A_980 = tpu.memref_slice %arg3[%dma_wait3A_972, %select_n3A, %multiple_of3A_49, %dma_wait3A_979] : memref<16x4x1024x256xf32, #tpu.memory_space<hbm>> -> memref<1x1x32x256xf32, #tpu.memory_space<hbm>>
    %dma_wait3A_981 = tpu.memref_squeeze %dma_wait3A_980 : memref<1x1x32x256xf32, #tpu.memory_space<hbm>> -> memref<32x256xf32, #tpu.memory_space<hbm>>
    %dma_wait3A_982 = arith.constant 0 : i32
    %dma_wait3A_983 = arith.constant 0 : i32
    %dma_wait3A_984 = tpu.memref_slice %arg5[%dma_wait3A_982, %dma_wait3A_983] : memref<128x256xf32, #tpu.memory_space<vmem>> -> memref<32x256xf32, #tpu.memory_space<vmem>>
    tpu.wait_dma2 semaphore(%arg6 : memref<!tpu.dma_semaphore, #tpu.memory_space<semaphore_mem>>) src(%dma_wait3A_984 : memref<32x256xf32, #tpu.memory_space<vmem>>) dst(%dma_wait3A_981 : memref<32x256xf32, #tpu.memory_space<hbm>>)
    %dma_wait3A_985 = arith.constant 6 : i32
    %dma_wait3A_986 = arith.constant 0 : i32
    %dma_wait3A_987 = arith.constant 0 : i32
    %dma_wait3A_988 = tpu.memref_slice %arg5[%dma_wait3A_986, %dma_wait3A_987] : memref<128x256xf32, #tpu.memory_space<vmem>> -> memref<32x256xf32, #tpu.memory_space<vmem>>
    %dma_wait3A_989 = arith.constant 0 : i32
    %dma_wait3A_990 = tpu.memref_slice %arg3[%dma_wait3A_985, %select_n3A, %multiple_of3A_49, %dma_wait3A_989] : memref<16x4x1024x256xf32, #tpu.memory_space<hbm>> -> memref<1x1x32x256xf32, #tpu.memory_space<hbm>>
    %dma_wait3A_991 = tpu.memref_squeeze %dma_wait3A_990 : memref<1x1x32x256xf32, #tpu.memory_space<hbm>> -> memref<32x256xf32, #tpu.memory_space<hbm>>
    %dma_wait3A_992 = arith.constant 0 : i32
    %dma_wait3A_993 = tpu.memref_slice %arg3[%dma_wait3A_985, %select_n3A, %multiple_of3A_49, %dma_wait3A_992] : memref<16x4x1024x256xf32, #tpu.memory_space<hbm>> -> memref<1x1x32x256xf32, #tpu.memory_space<hbm>>
    %dma_wait3A_994 = tpu.memref_squeeze %dma_wait3A_993 : memref<1x1x32x256xf32, #tpu.memory_space<hbm>> -> memref<32x256xf32, #tpu.memory_space<hbm>>
    %dma_wait3A_995 = arith.constant 0 : i32
    %dma_wait3A_996 = arith.constant 0 : i32
    %dma_wait3A_997 = tpu.memref_slice %arg5[%dma_wait3A_995, %dma_wait3A_996] : memref<128x256xf32, #tpu.memory_space<vmem>> -> memref<32x256xf32, #tpu.memory_space<vmem>>
    tpu.wait_dma2 semaphore(%arg6 : memref<!tpu.dma_semaphore, #tpu.memory_space<semaphore_mem>>) src(%dma_wait3A_997 : memref<32x256xf32, #tpu.memory_space<vmem>>) dst(%dma_wait3A_994 : memref<32x256xf32, #tpu.memory_space<hbm>>)
    %dma_wait3A_998 = arith.constant 7 : i32
    %dma_wait3A_999 = arith.constant 0 : i32
    %dma_wait3A_1000 = arith.constant 0 : i32
    %dma_wait3A_1001 = tpu.memref_slice %arg5[%dma_wait3A_999, %dma_wait3A_1000] : memref<128x256xf32, #tpu.memory_space<vmem>> -> memref<32x256xf32, #tpu.memory_space<vmem>>
    %dma_wait3A_1002 = arith.constant 0 : i32
    %dma_wait3A_1003 = tpu.memref_slice %arg3[%dma_wait3A_998, %select_n3A, %multiple_of3A_49, %dma_wait3A_1002] : memref<16x4x1024x256xf32, #tpu.memory_space<hbm>> -> memref<1x1x32x256xf32, #tpu.memory_space<hbm>>
    %dma_wait3A_1004 = tpu.memref_squeeze %dma_wait3A_1003 : memref<1x1x32x256xf32, #tpu.memory_space<hbm>> -> memref<32x256xf32, #tpu.memory_space<hbm>>
    %dma_wait3A_1005 = arith.constant 0 : i32
    %dma_wait3A_1006 = tpu.memref_slice %arg3[%dma_wait3A_998, %select_n3A, %multiple_of3A_49, %dma_wait3A_1005] : memref<16x4x1024x256xf32, #tpu.memory_space<hbm>> -> memref<1x1x32x256xf32, #tpu.memory_space<hbm>>
    %dma_wait3A_1007 = tpu.memref_squeeze %dma_wait3A_1006 : memref<1x1x32x256xf32, #tpu.memory_space<hbm>> -> memref<32x256xf32, #tpu.memory_space<hbm>>
    %dma_wait3A_1008 = arith.constant 0 : i32
    %dma_wait3A_1009 = arith.constant 0 : i32
    %dma_wait3A_1010 = tpu.memref_slice %arg5[%dma_wait3A_1008, %dma_wait3A_1009] : memref<128x256xf32, #tpu.memory_space<vmem>> -> memref<32x256xf32, #tpu.memory_space<vmem>>
    tpu.wait_dma2 semaphore(%arg6 : memref<!tpu.dma_semaphore, #tpu.memory_space<semaphore_mem>>) src(%dma_wait3A_1010 : memref<32x256xf32, #tpu.memory_space<vmem>>) dst(%dma_wait3A_1007 : memref<32x256xf32, #tpu.memory_space<hbm>>)
    %dma_wait3A_1011 = arith.constant 8 : i32
    %dma_wait3A_1012 = arith.constant 0 : i32
    %dma_wait3A_1013 = arith.constant 0 : i32
    %dma_wait3A_1014 = tpu.memref_slice %arg5[%dma_wait3A_1012, %dma_wait3A_1013] : memref<128x256xf32, #tpu.memory_space<vmem>> -> memref<32x256xf32, #tpu.memory_space<vmem>>
    %dma_wait3A_1015 = arith.constant 0 : i32
    %dma_wait3A_1016 = tpu.memref_slice %arg3[%dma_wait3A_1011, %select_n3A, %multiple_of3A_49, %dma_wait3A_1015] : memref<16x4x1024x256xf32, #tpu.memory_space<hbm>> -> memref<1x1x32x256xf32, #tpu.memory_space<hbm>>
    %dma_wait3A_1017 = tpu.memref_squeeze %dma_wait3A_1016 : memref<1x1x32x256xf32, #tpu.memory_space<hbm>> -> memref<32x256xf32, #tpu.memory_space<hbm>>
    %dma_wait3A_1018 = arith.constant 0 : i32
    %dma_wait3A_1019 = tpu.memref_slice %arg3[%dma_wait3A_1011, %select_n3A, %multiple_of3A_49, %dma_wait3A_1018] : memref<16x4x1024x256xf32, #tpu.memory_space<hbm>> -> memref<1x1x32x256xf32, #tpu.memory_space<hbm>>
    %dma_wait3A_1020 = tpu.memref_squeeze %dma_wait3A_1019 : memref<1x1x32x256xf32, #tpu.memory_space<hbm>> -> memref<32x256xf32, #tpu.memory_space<hbm>>
    %dma_wait3A_1021 = arith.constant 0 : i32
    %dma_wait3A_1022 = arith.constant 0 : i32
    %dma_wait3A_1023 = tpu.memref_slice %arg5[%dma_wait3A_1021, %dma_wait3A_1022] : memref<128x256xf32, #tpu.memory_space<vmem>> -> memref<32x256xf32, #tpu.memory_space<vmem>>
    tpu.wait_dma2 semaphore(%arg6 : memref<!tpu.dma_semaphore, #tpu.memory_space<semaphore_mem>>) src(%dma_wait3A_1023 : memref<32x256xf32, #tpu.memory_space<vmem>>) dst(%dma_wait3A_1020 : memref<32x256xf32, #tpu.memory_space<hbm>>)
    %dma_wait3A_1024 = arith.constant 9 : i32
    %dma_wait3A_1025 = arith.constant 0 : i32
    %dma_wait3A_1026 = arith.constant 0 : i32
    %dma_wait3A_1027 = tpu.memref_slice %arg5[%dma_wait3A_1025, %dma_wait3A_1026] : memref<128x256xf32, #tpu.memory_space<vmem>> -> memref<32x256xf32, #tpu.memory_space<vmem>>
    %dma_wait3A_1028 = arith.constant 0 : i32
    %dma_wait3A_1029 = tpu.memref_slice %arg3[%dma_wait3A_1024, %select_n3A, %multiple_of3A_49, %dma_wait3A_1028] : memref<16x4x1024x256xf32, #tpu.memory_space<hbm>> -> memref<1x1x32x256xf32, #tpu.memory_space<hbm>>
    %dma_wait3A_1030 = tpu.memref_squeeze %dma_wait3A_1029 : memref<1x1x32x256xf32, #tpu.memory_space<hbm>> -> memref<32x256xf32, #tpu.memory_space<hbm>>
    %dma_wait3A_1031 = arith.constant 0 : i32
    %dma_wait3A_1032 = tpu.memref_slice %arg3[%dma_wait3A_1024, %select_n3A, %multiple_of3A_49, %dma_wait3A_1031] : memref<16x4x1024x256xf32, #tpu.memory_space<hbm>> -> memref<1x1x32x256xf32, #tpu.memory_space<hbm>>
    %dma_wait3A_1033 = tpu.memref_squeeze %dma_wait3A_1032 : memref<1x1x32x256xf32, #tpu.memory_space<hbm>> -> memref<32x256xf32, #tpu.memory_space<hbm>>
    %dma_wait3A_1034 = arith.constant 0 : i32
    %dma_wait3A_1035 = arith.constant 0 : i32
    %dma_wait3A_1036 = tpu.memref_slice %arg5[%dma_wait3A_1034, %dma_wait3A_1035] : memref<128x256xf32, #tpu.memory_space<vmem>> -> memref<32x256xf32, #tpu.memory_space<vmem>>
    tpu.wait_dma2 semaphore(%arg6 : memref<!tpu.dma_semaphore, #tpu.memory_space<semaphore_mem>>) src(%dma_wait3A_1036 : memref<32x256xf32, #tpu.memory_space<vmem>>) dst(%dma_wait3A_1033 : memref<32x256xf32, #tpu.memory_space<hbm>>)
    %dma_wait3A_1037 = arith.constant 10 : i32
    %dma_wait3A_1038 = arith.constant 0 : i32
    %dma_wait3A_1039 = arith.constant 0 : i32
    %dma_wait3A_1040 = tpu.memref_slice %arg5[%dma_wait3A_1038, %dma_wait3A_1039] : memref<128x256xf32, #tpu.memory_space<vmem>> -> memref<32x256xf32, #tpu.memory_space<vmem>>
    %dma_wait3A_1041 = arith.constant 0 : i32
    %dma_wait3A_1042 = tpu.memref_slice %arg3[%dma_wait3A_1037, %select_n3A, %multiple_of3A_49, %dma_wait3A_1041] : memref<16x4x1024x256xf32, #tpu.memory_space<hbm>> -> memref<1x1x32x256xf32, #tpu.memory_space<hbm>>
    %dma_wait3A_1043 = tpu.memref_squeeze %dma_wait3A_1042 : memref<1x1x32x256xf32, #tpu.memory_space<hbm>> -> memref<32x256xf32, #tpu.memory_space<hbm>>
    %dma_wait3A_1044 = arith.constant 0 : i32
    %dma_wait3A_1045 = tpu.memref_slice %arg3[%dma_wait3A_1037, %select_n3A, %multiple_of3A_49, %dma_wait3A_1044] : memref<16x4x1024x256xf32, #tpu.memory_space<hbm>> -> memref<1x1x32x256xf32, #tpu.memory_space<hbm>>
    %dma_wait3A_1046 = tpu.memref_squeeze %dma_wait3A_1045 : memref<1x1x32x256xf32, #tpu.memory_space<hbm>> -> memref<32x256xf32, #tpu.memory_space<hbm>>
    %dma_wait3A_1047 = arith.constant 0 : i32
    %dma_wait3A_1048 = arith.constant 0 : i32
    %dma_wait3A_1049 = tpu.memref_slice %arg5[%dma_wait3A_1047, %dma_wait3A_1048] : memref<128x256xf32, #tpu.memory_space<vmem>> -> memref<32x256xf32, #tpu.memory_space<vmem>>
    tpu.wait_dma2 semaphore(%arg6 : memref<!tpu.dma_semaphore, #tpu.memory_space<semaphore_mem>>) src(%dma_wait3A_1049 : memref<32x256xf32, #tpu.memory_space<vmem>>) dst(%dma_wait3A_1046 : memref<32x256xf32, #tpu.memory_space<hbm>>)
    %dma_wait3A_1050 = arith.constant 11 : i32
    %dma_wait3A_1051 = arith.constant 0 : i32
    %dma_wait3A_1052 = arith.constant 0 : i32
    %dma_wait3A_1053 = tpu.memref_slice %arg5[%dma_wait3A_1051, %dma_wait3A_1052] : memref<128x256xf32, #tpu.memory_space<vmem>> -> memref<32x256xf32, #tpu.memory_space<vmem>>
    %dma_wait3A_1054 = arith.constant 0 : i32
    %dma_wait3A_1055 = tpu.memref_slice %arg3[%dma_wait3A_1050, %select_n3A, %multiple_of3A_49, %dma_wait3A_1054] : memref<16x4x1024x256xf32, #tpu.memory_space<hbm>> -> memref<1x1x32x256xf32, #tpu.memory_space<hbm>>
    %dma_wait3A_1056 = tpu.memref_squeeze %dma_wait3A_1055 : memref<1x1x32x256xf32, #tpu.memory_space<hbm>> -> memref<32x256xf32, #tpu.memory_space<hbm>>
    %dma_wait3A_1057 = arith.constant 0 : i32
    %dma_wait3A_1058 = tpu.memref_slice %arg3[%dma_wait3A_1050, %select_n3A, %multiple_of3A_49, %dma_wait3A_1057] : memref<16x4x1024x256xf32, #tpu.memory_space<hbm>> -> memref<1x1x32x256xf32, #tpu.memory_space<hbm>>
    %dma_wait3A_1059 = tpu.memref_squeeze %dma_wait3A_1058 : memref<1x1x32x256xf32, #tpu.memory_space<hbm>> -> memref<32x256xf32, #tpu.memory_space<hbm>>
    %dma_wait3A_1060 = arith.constant 0 : i32
    %dma_wait3A_1061 = arith.constant 0 : i32
    %dma_wait3A_1062 = tpu.memref_slice %arg5[%dma_wait3A_1060, %dma_wait3A_1061] : memref<128x256xf32, #tpu.memory_space<vmem>> -> memref<32x256xf32, #tpu.memory_space<vmem>>
    tpu.wait_dma2 semaphore(%arg6 : memref<!tpu.dma_semaphore, #tpu.memory_space<semaphore_mem>>) src(%dma_wait3A_1062 : memref<32x256xf32, #tpu.memory_space<vmem>>) dst(%dma_wait3A_1059 : memref<32x256xf32, #tpu.memory_space<hbm>>)
    %dma_wait3A_1063 = arith.constant 12 : i32
    %dma_wait3A_1064 = arith.constant 0 : i32
    %dma_wait3A_1065 = arith.constant 0 : i32
    %dma_wait3A_1066 = tpu.memref_slice %arg5[%dma_wait3A_1064, %dma_wait3A_1065] : memref<128x256xf32, #tpu.memory_space<vmem>> -> memref<32x256xf32, #tpu.memory_space<vmem>>
    %dma_wait3A_1067 = arith.constant 0 : i32
    %dma_wait3A_1068 = tpu.memref_slice %arg3[%dma_wait3A_1063, %select_n3A, %multiple_of3A_49, %dma_wait3A_1067] : memref<16x4x1024x256xf32, #tpu.memory_space<hbm>> -> memref<1x1x32x256xf32, #tpu.memory_space<hbm>>
    %dma_wait3A_1069 = tpu.memref_squeeze %dma_wait3A_1068 : memref<1x1x32x256xf32, #tpu.memory_space<hbm>> -> memref<32x256xf32, #tpu.memory_space<hbm>>
    %dma_wait3A_1070 = arith.constant 0 : i32
    %dma_wait3A_1071 = tpu.memref_slice %arg3[%dma_wait3A_1063, %select_n3A, %multiple_of3A_49, %dma_wait3A_1070] : memref<16x4x1024x256xf32, #tpu.memory_space<hbm>> -> memref<1x1x32x256xf32, #tpu.memory_space<hbm>>
    %dma_wait3A_1072 = tpu.memref_squeeze %dma_wait3A_1071 : memref<1x1x32x256xf32, #tpu.memory_space<hbm>> -> memref<32x256xf32, #tpu.memory_space<hbm>>
    %dma_wait3A_1073 = arith.constant 0 : i32
    %dma_wait3A_1074 = arith.constant 0 : i32
    %dma_wait3A_1075 = tpu.memref_slice %arg5[%dma_wait3A_1073, %dma_wait3A_1074] : memref<128x256xf32, #tpu.memory_space<vmem>> -> memref<32x256xf32, #tpu.memory_space<vmem>>
    tpu.wait_dma2 semaphore(%arg6 : memref<!tpu.dma_semaphore, #tpu.memory_space<semaphore_mem>>) src(%dma_wait3A_1075 : memref<32x256xf32, #tpu.memory_space<vmem>>) dst(%dma_wait3A_1072 : memref<32x256xf32, #tpu.memory_space<hbm>>)
    %dma_wait3A_1076 = arith.constant 13 : i32
    %dma_wait3A_1077 = arith.constant 0 : i32
    %dma_wait3A_1078 = arith.constant 0 : i32
    %dma_wait3A_1079 = tpu.memref_slice %arg5[%dma_wait3A_1077, %dma_wait3A_1078] : memref<128x256xf32, #tpu.memory_space<vmem>> -> memref<32x256xf32, #tpu.memory_space<vmem>>
    %dma_wait3A_1080 = arith.constant 0 : i32
    %dma_wait3A_1081 = tpu.memref_slice %arg3[%dma_wait3A_1076, %select_n3A, %multiple_of3A_49, %dma_wait3A_1080] : memref<16x4x1024x256xf32, #tpu.memory_space<hbm>> -> memref<1x1x32x256xf32, #tpu.memory_space<hbm>>
    %dma_wait3A_1082 = tpu.memref_squeeze %dma_wait3A_1081 : memref<1x1x32x256xf32, #tpu.memory_space<hbm>> -> memref<32x256xf32, #tpu.memory_space<hbm>>
    %dma_wait3A_1083 = arith.constant 0 : i32
    %dma_wait3A_1084 = tpu.memref_slice %arg3[%dma_wait3A_1076, %select_n3A, %multiple_of3A_49, %dma_wait3A_1083] : memref<16x4x1024x256xf32, #tpu.memory_space<hbm>> -> memref<1x1x32x256xf32, #tpu.memory_space<hbm>>
    %dma_wait3A_1085 = tpu.memref_squeeze %dma_wait3A_1084 : memref<1x1x32x256xf32, #tpu.memory_space<hbm>> -> memref<32x256xf32, #tpu.memory_space<hbm>>
    %dma_wait3A_1086 = arith.constant 0 : i32
    %dma_wait3A_1087 = arith.constant 0 : i32
    %dma_wait3A_1088 = tpu.memref_slice %arg5[%dma_wait3A_1086, %dma_wait3A_1087] : memref<128x256xf32, #tpu.memory_space<vmem>> -> memref<32x256xf32, #tpu.memory_space<vmem>>
    tpu.wait_dma2 semaphore(%arg6 : memref<!tpu.dma_semaphore, #tpu.memory_space<semaphore_mem>>) src(%dma_wait3A_1088 : memref<32x256xf32, #tpu.memory_space<vmem>>) dst(%dma_wait3A_1085 : memref<32x256xf32, #tpu.memory_space<hbm>>)
    %dma_wait3A_1089 = arith.constant 14 : i32
    %dma_wait3A_1090 = arith.constant 0 : i32
    %dma_wait3A_1091 = arith.constant 0 : i32
    %dma_wait3A_1092 = tpu.memref_slice %arg5[%dma_wait3A_1090, %dma_wait3A_1091] : memref<128x256xf32, #tpu.memory_space<vmem>> -> memref<32x256xf32, #tpu.memory_space<vmem>>
    %dma_wait3A_1093 = arith.constant 0 : i32
    %dma_wait3A_1094 = tpu.memref_slice %arg3[%dma_wait3A_1089, %select_n3A, %multiple_of3A_49, %dma_wait3A_1093] : memref<16x4x1024x256xf32, #tpu.memory_space<hbm>> -> memref<1x1x32x256xf32, #tpu.memory_space<hbm>>
    %dma_wait3A_1095 = tpu.memref_squeeze %dma_wait3A_1094 : memref<1x1x32x256xf32, #tpu.memory_space<hbm>> -> memref<32x256xf32, #tpu.memory_space<hbm>>
    %dma_wait3A_1096 = arith.constant 0 : i32
    %dma_wait3A_1097 = tpu.memref_slice %arg3[%dma_wait3A_1089, %select_n3A, %multiple_of3A_49, %dma_wait3A_1096] : memref<16x4x1024x256xf32, #tpu.memory_space<hbm>> -> memref<1x1x32x256xf32, #tpu.memory_space<hbm>>
    %dma_wait3A_1098 = tpu.memref_squeeze %dma_wait3A_1097 : memref<1x1x32x256xf32, #tpu.memory_space<hbm>> -> memref<32x256xf32, #tpu.memory_space<hbm>>
    %dma_wait3A_1099 = arith.constant 0 : i32
    %dma_wait3A_1100 = arith.constant 0 : i32
    %dma_wait3A_1101 = tpu.memref_slice %arg5[%dma_wait3A_1099, %dma_wait3A_1100] : memref<128x256xf32, #tpu.memory_space<vmem>> -> memref<32x256xf32, #tpu.memory_space<vmem>>
    tpu.wait_dma2 semaphore(%arg6 : memref<!tpu.dma_semaphore, #tpu.memory_space<semaphore_mem>>) src(%dma_wait3A_1101 : memref<32x256xf32, #tpu.memory_space<vmem>>) dst(%dma_wait3A_1098 : memref<32x256xf32, #tpu.memory_space<hbm>>)
    %dma_wait3A_1102 = arith.constant 15 : i32
    %dma_wait3A_1103 = arith.constant 0 : i32
    %dma_wait3A_1104 = arith.constant 0 : i32
    %dma_wait3A_1105 = tpu.memref_slice %arg5[%dma_wait3A_1103, %dma_wait3A_1104] : memref<128x256xf32, #tpu.memory_space<vmem>> -> memref<32x256xf32, #tpu.memory_space<vmem>>
    %dma_wait3A_1106 = arith.constant 0 : i32
    %dma_wait3A_1107 = tpu.memref_slice %arg3[%dma_wait3A_1102, %select_n3A, %multiple_of3A_49, %dma_wait3A_1106] : memref<16x4x1024x256xf32, #tpu.memory_space<hbm>> -> memref<1x1x32x256xf32, #tpu.memory_space<hbm>>
    %dma_wait3A_1108 = tpu.memref_squeeze %dma_wait3A_1107 : memref<1x1x32x256xf32, #tpu.memory_space<hbm>> -> memref<32x256xf32, #tpu.memory_space<hbm>>
    %dma_wait3A_1109 = arith.constant 0 : i32
    %dma_wait3A_1110 = tpu.memref_slice %arg3[%dma_wait3A_1102, %select_n3A, %multiple_of3A_49, %dma_wait3A_1109] : memref<16x4x1024x256xf32, #tpu.memory_space<hbm>> -> memref<1x1x32x256xf32, #tpu.memory_space<hbm>>
    %dma_wait3A_1111 = tpu.memref_squeeze %dma_wait3A_1110 : memref<1x1x32x256xf32, #tpu.memory_space<hbm>> -> memref<32x256xf32, #tpu.memory_space<hbm>>
    %dma_wait3A_1112 = arith.constant 0 : i32
    %dma_wait3A_1113 = arith.constant 0 : i32
    %dma_wait3A_1114 = tpu.memref_slice %arg5[%dma_wait3A_1112, %dma_wait3A_1113] : memref<128x256xf32, #tpu.memory_space<vmem>> -> memref<32x256xf32, #tpu.memory_space<vmem>>
    tpu.wait_dma2 semaphore(%arg6 : memref<!tpu.dma_semaphore, #tpu.memory_space<semaphore_mem>>) src(%dma_wait3A_1114 : memref<32x256xf32, #tpu.memory_space<vmem>>) dst(%dma_wait3A_1111 : memref<32x256xf32, #tpu.memory_space<hbm>>)
    %dma_wait3A_1115 = arith.constant 0 : i32
    %dma_wait3A_1116 = arith.constant 32 : i32
    %dma_wait3A_1117 = arith.constant 0 : i32
    %dma_wait3A_1118 = tpu.memref_slice %arg5[%dma_wait3A_1116, %dma_wait3A_1117] : memref<128x256xf32, #tpu.memory_space<vmem>> -> memref<32x256xf32, #tpu.memory_space<vmem>>
    %dma_wait3A_1119 = arith.constant 0 : i32
    %dma_wait3A_1120 = tpu.memref_slice %arg3[%dma_wait3A_1115, %select_n3A, %multiple_of3A_265, %dma_wait3A_1119] : memref<16x4x1024x256xf32, #tpu.memory_space<hbm>> -> memref<1x1x32x256xf32, #tpu.memory_space<hbm>>
    %dma_wait3A_1121 = tpu.memref_squeeze %dma_wait3A_1120 : memref<1x1x32x256xf32, #tpu.memory_space<hbm>> -> memref<32x256xf32, #tpu.memory_space<hbm>>
    %dma_wait3A_1122 = arith.constant 0 : i32
    %dma_wait3A_1123 = tpu.memref_slice %arg3[%dma_wait3A_1115, %select_n3A, %multiple_of3A_265, %dma_wait3A_1122] : memref<16x4x1024x256xf32, #tpu.memory_space<hbm>> -> memref<1x1x32x256xf32, #tpu.memory_space<hbm>>
    %dma_wait3A_1124 = tpu.memref_squeeze %dma_wait3A_1123 : memref<1x1x32x256xf32, #tpu.memory_space<hbm>> -> memref<32x256xf32, #tpu.memory_space<hbm>>
    %dma_wait3A_1125 = arith.constant 32 : i32
    %dma_wait3A_1126 = arith.constant 0 : i32
    %dma_wait3A_1127 = tpu.memref_slice %arg5[%dma_wait3A_1125, %dma_wait3A_1126] : memref<128x256xf32, #tpu.memory_space<vmem>> -> memref<32x256xf32, #tpu.memory_space<vmem>>
    tpu.wait_dma2 semaphore(%arg6 : memref<!tpu.dma_semaphore, #tpu.memory_space<semaphore_mem>>) src(%dma_wait3A_1127 : memref<32x256xf32, #tpu.memory_space<vmem>>) dst(%dma_wait3A_1124 : memref<32x256xf32, #tpu.memory_space<hbm>>)
    %dma_wait3A_1128 = arith.constant 1 : i32
    %dma_wait3A_1129 = arith.constant 32 : i32
    %dma_wait3A_1130 = arith.constant 0 : i32
    %dma_wait3A_1131 = tpu.memref_slice %arg5[%dma_wait3A_1129, %dma_wait3A_1130] : memref<128x256xf32, #tpu.memory_space<vmem>> -> memref<32x256xf32, #tpu.memory_space<vmem>>
    %dma_wait3A_1132 = arith.constant 0 : i32
    %dma_wait3A_1133 = tpu.memref_slice %arg3[%dma_wait3A_1128, %select_n3A, %multiple_of3A_265, %dma_wait3A_1132] : memref<16x4x1024x256xf32, #tpu.memory_space<hbm>> -> memref<1x1x32x256xf32, #tpu.memory_space<hbm>>
    %dma_wait3A_1134 = tpu.memref_squeeze %dma_wait3A_1133 : memref<1x1x32x256xf32, #tpu.memory_space<hbm>> -> memref<32x256xf32, #tpu.memory_space<hbm>>
    %dma_wait3A_1135 = arith.constant 0 : i32
    %dma_wait3A_1136 = tpu.memref_slice %arg3[%dma_wait3A_1128, %select_n3A, %multiple_of3A_265, %dma_wait3A_1135] : memref<16x4x1024x256xf32, #tpu.memory_space<hbm>> -> memref<1x1x32x256xf32, #tpu.memory_space<hbm>>
    %dma_wait3A_1137 = tpu.memref_squeeze %dma_wait3A_1136 : memref<1x1x32x256xf32, #tpu.memory_space<hbm>> -> memref<32x256xf32, #tpu.memory_space<hbm>>
    %dma_wait3A_1138 = arith.constant 32 : i32
    %dma_wait3A_1139 = arith.constant 0 : i32
    %dma_wait3A_1140 = tpu.memref_slice %arg5[%dma_wait3A_1138, %dma_wait3A_1139] : memref<128x256xf32, #tpu.memory_space<vmem>> -> memref<32x256xf32, #tpu.memory_space<vmem>>
    tpu.wait_dma2 semaphore(%arg6 : memref<!tpu.dma_semaphore, #tpu.memory_space<semaphore_mem>>) src(%dma_wait3A_1140 : memref<32x256xf32, #tpu.memory_space<vmem>>) dst(%dma_wait3A_1137 : memref<32x256xf32, #tpu.memory_space<hbm>>)
    %dma_wait3A_1141 = arith.constant 2 : i32
    %dma_wait3A_1142 = arith.constant 32 : i32
    %dma_wait3A_1143 = arith.constant 0 : i32
    %dma_wait3A_1144 = tpu.memref_slice %arg5[%dma_wait3A_1142, %dma_wait3A_1143] : memref<128x256xf32, #tpu.memory_space<vmem>> -> memref<32x256xf32, #tpu.memory_space<vmem>>
    %dma_wait3A_1145 = arith.constant 0 : i32
    %dma_wait3A_1146 = tpu.memref_slice %arg3[%dma_wait3A_1141, %select_n3A, %multiple_of3A_265, %dma_wait3A_1145] : memref<16x4x1024x256xf32, #tpu.memory_space<hbm>> -> memref<1x1x32x256xf32, #tpu.memory_space<hbm>>
    %dma_wait3A_1147 = tpu.memref_squeeze %dma_wait3A_1146 : memref<1x1x32x256xf32, #tpu.memory_space<hbm>> -> memref<32x256xf32, #tpu.memory_space<hbm>>
    %dma_wait3A_1148 = arith.constant 0 : i32
    %dma_wait3A_1149 = tpu.memref_slice %arg3[%dma_wait3A_1141, %select_n3A, %multiple_of3A_265, %dma_wait3A_1148] : memref<16x4x1024x256xf32, #tpu.memory_space<hbm>> -> memref<1x1x32x256xf32, #tpu.memory_space<hbm>>
    %dma_wait3A_1150 = tpu.memref_squeeze %dma_wait3A_1149 : memref<1x1x32x256xf32, #tpu.memory_space<hbm>> -> memref<32x256xf32, #tpu.memory_space<hbm>>
    %dma_wait3A_1151 = arith.constant 32 : i32
    %dma_wait3A_1152 = arith.constant 0 : i32
    %dma_wait3A_1153 = tpu.memref_slice %arg5[%dma_wait3A_1151, %dma_wait3A_1152] : memref<128x256xf32, #tpu.memory_space<vmem>> -> memref<32x256xf32, #tpu.memory_space<vmem>>
    tpu.wait_dma2 semaphore(%arg6 : memref<!tpu.dma_semaphore, #tpu.memory_space<semaphore_mem>>) src(%dma_wait3A_1153 : memref<32x256xf32, #tpu.memory_space<vmem>>) dst(%dma_wait3A_1150 : memref<32x256xf32, #tpu.memory_space<hbm>>)
    %dma_wait3A_1154 = arith.constant 3 : i32
    %dma_wait3A_1155 = arith.constant 32 : i32
    %dma_wait3A_1156 = arith.constant 0 : i32
    %dma_wait3A_1157 = tpu.memref_slice %arg5[%dma_wait3A_1155, %dma_wait3A_1156] : memref<128x256xf32, #tpu.memory_space<vmem>> -> memref<32x256xf32, #tpu.memory_space<vmem>>
    %dma_wait3A_1158 = arith.constant 0 : i32
    %dma_wait3A_1159 = tpu.memref_slice %arg3[%dma_wait3A_1154, %select_n3A, %multiple_of3A_265, %dma_wait3A_1158] : memref<16x4x1024x256xf32, #tpu.memory_space<hbm>> -> memref<1x1x32x256xf32, #tpu.memory_space<hbm>>
    %dma_wait3A_1160 = tpu.memref_squeeze %dma_wait3A_1159 : memref<1x1x32x256xf32, #tpu.memory_space<hbm>> -> memref<32x256xf32, #tpu.memory_space<hbm>>
    %dma_wait3A_1161 = arith.constant 0 : i32
    %dma_wait3A_1162 = tpu.memref_slice %arg3[%dma_wait3A_1154, %select_n3A, %multiple_of3A_265, %dma_wait3A_1161] : memref<16x4x1024x256xf32, #tpu.memory_space<hbm>> -> memref<1x1x32x256xf32, #tpu.memory_space<hbm>>
    %dma_wait3A_1163 = tpu.memref_squeeze %dma_wait3A_1162 : memref<1x1x32x256xf32, #tpu.memory_space<hbm>> -> memref<32x256xf32, #tpu.memory_space<hbm>>
    %dma_wait3A_1164 = arith.constant 32 : i32
    %dma_wait3A_1165 = arith.constant 0 : i32
    %dma_wait3A_1166 = tpu.memref_slice %arg5[%dma_wait3A_1164, %dma_wait3A_1165] : memref<128x256xf32, #tpu.memory_space<vmem>> -> memref<32x256xf32, #tpu.memory_space<vmem>>
    tpu.wait_dma2 semaphore(%arg6 : memref<!tpu.dma_semaphore, #tpu.memory_space<semaphore_mem>>) src(%dma_wait3A_1166 : memref<32x256xf32, #tpu.memory_space<vmem>>) dst(%dma_wait3A_1163 : memref<32x256xf32, #tpu.memory_space<hbm>>)
    %dma_wait3A_1167 = arith.constant 4 : i32
    %dma_wait3A_1168 = arith.constant 32 : i32
    %dma_wait3A_1169 = arith.constant 0 : i32
    %dma_wait3A_1170 = tpu.memref_slice %arg5[%dma_wait3A_1168, %dma_wait3A_1169] : memref<128x256xf32, #tpu.memory_space<vmem>> -> memref<32x256xf32, #tpu.memory_space<vmem>>
    %dma_wait3A_1171 = arith.constant 0 : i32
    %dma_wait3A_1172 = tpu.memref_slice %arg3[%dma_wait3A_1167, %select_n3A, %multiple_of3A_265, %dma_wait3A_1171] : memref<16x4x1024x256xf32, #tpu.memory_space<hbm>> -> memref<1x1x32x256xf32, #tpu.memory_space<hbm>>
    %dma_wait3A_1173 = tpu.memref_squeeze %dma_wait3A_1172 : memref<1x1x32x256xf32, #tpu.memory_space<hbm>> -> memref<32x256xf32, #tpu.memory_space<hbm>>
    %dma_wait3A_1174 = arith.constant 0 : i32
    %dma_wait3A_1175 = tpu.memref_slice %arg3[%dma_wait3A_1167, %select_n3A, %multiple_of3A_265, %dma_wait3A_1174] : memref<16x4x1024x256xf32, #tpu.memory_space<hbm>> -> memref<1x1x32x256xf32, #tpu.memory_space<hbm>>
    %dma_wait3A_1176 = tpu.memref_squeeze %dma_wait3A_1175 : memref<1x1x32x256xf32, #tpu.memory_space<hbm>> -> memref<32x256xf32, #tpu.memory_space<hbm>>
    %dma_wait3A_1177 = arith.constant 32 : i32
    %dma_wait3A_1178 = arith.constant 0 : i32
    %dma_wait3A_1179 = tpu.memref_slice %arg5[%dma_wait3A_1177, %dma_wait3A_1178] : memref<128x256xf32, #tpu.memory_space<vmem>> -> memref<32x256xf32, #tpu.memory_space<vmem>>
    tpu.wait_dma2 semaphore(%arg6 : memref<!tpu.dma_semaphore, #tpu.memory_space<semaphore_mem>>) src(%dma_wait3A_1179 : memref<32x256xf32, #tpu.memory_space<vmem>>) dst(%dma_wait3A_1176 : memref<32x256xf32, #tpu.memory_space<hbm>>)
    %dma_wait3A_1180 = arith.constant 5 : i32
    %dma_wait3A_1181 = arith.constant 32 : i32
    %dma_wait3A_1182 = arith.constant 0 : i32
    %dma_wait3A_1183 = tpu.memref_slice %arg5[%dma_wait3A_1181, %dma_wait3A_1182] : memref<128x256xf32, #tpu.memory_space<vmem>> -> memref<32x256xf32, #tpu.memory_space<vmem>>
    %dma_wait3A_1184 = arith.constant 0 : i32
    %dma_wait3A_1185 = tpu.memref_slice %arg3[%dma_wait3A_1180, %select_n3A, %multiple_of3A_265, %dma_wait3A_1184] : memref<16x4x1024x256xf32, #tpu.memory_space<hbm>> -> memref<1x1x32x256xf32, #tpu.memory_space<hbm>>
    %dma_wait3A_1186 = tpu.memref_squeeze %dma_wait3A_1185 : memref<1x1x32x256xf32, #tpu.memory_space<hbm>> -> memref<32x256xf32, #tpu.memory_space<hbm>>
    %dma_wait3A_1187 = arith.constant 0 : i32
    %dma_wait3A_1188 = tpu.memref_slice %arg3[%dma_wait3A_1180, %select_n3A, %multiple_of3A_265, %dma_wait3A_1187] : memref<16x4x1024x256xf32, #tpu.memory_space<hbm>> -> memref<1x1x32x256xf32, #tpu.memory_space<hbm>>
    %dma_wait3A_1189 = tpu.memref_squeeze %dma_wait3A_1188 : memref<1x1x32x256xf32, #tpu.memory_space<hbm>> -> memref<32x256xf32, #tpu.memory_space<hbm>>
    %dma_wait3A_1190 = arith.constant 32 : i32
    %dma_wait3A_1191 = arith.constant 0 : i32
    %dma_wait3A_1192 = tpu.memref_slice %arg5[%dma_wait3A_1190, %dma_wait3A_1191] : memref<128x256xf32, #tpu.memory_space<vmem>> -> memref<32x256xf32, #tpu.memory_space<vmem>>
    tpu.wait_dma2 semaphore(%arg6 : memref<!tpu.dma_semaphore, #tpu.memory_space<semaphore_mem>>) src(%dma_wait3A_1192 : memref<32x256xf32, #tpu.memory_space<vmem>>) dst(%dma_wait3A_1189 : memref<32x256xf32, #tpu.memory_space<hbm>>)
    %dma_wait3A_1193 = arith.constant 6 : i32
    %dma_wait3A_1194 = arith.constant 32 : i32
    %dma_wait3A_1195 = arith.constant 0 : i32
    %dma_wait3A_1196 = tpu.memref_slice %arg5[%dma_wait3A_1194, %dma_wait3A_1195] : memref<128x256xf32, #tpu.memory_space<vmem>> -> memref<32x256xf32, #tpu.memory_space<vmem>>
    %dma_wait3A_1197 = arith.constant 0 : i32
    %dma_wait3A_1198 = tpu.memref_slice %arg3[%dma_wait3A_1193, %select_n3A, %multiple_of3A_265, %dma_wait3A_1197] : memref<16x4x1024x256xf32, #tpu.memory_space<hbm>> -> memref<1x1x32x256xf32, #tpu.memory_space<hbm>>
    %dma_wait3A_1199 = tpu.memref_squeeze %dma_wait3A_1198 : memref<1x1x32x256xf32, #tpu.memory_space<hbm>> -> memref<32x256xf32, #tpu.memory_space<hbm>>
    %dma_wait3A_1200 = arith.constant 0 : i32
    %dma_wait3A_1201 = tpu.memref_slice %arg3[%dma_wait3A_1193, %select_n3A, %multiple_of3A_265, %dma_wait3A_1200] : memref<16x4x1024x256xf32, #tpu.memory_space<hbm>> -> memref<1x1x32x256xf32, #tpu.memory_space<hbm>>
    %dma_wait3A_1202 = tpu.memref_squeeze %dma_wait3A_1201 : memref<1x1x32x256xf32, #tpu.memory_space<hbm>> -> memref<32x256xf32, #tpu.memory_space<hbm>>
    %dma_wait3A_1203 = arith.constant 32 : i32
    %dma_wait3A_1204 = arith.constant 0 : i32
    %dma_wait3A_1205 = tpu.memref_slice %arg5[%dma_wait3A_1203, %dma_wait3A_1204] : memref<128x256xf32, #tpu.memory_space<vmem>> -> memref<32x256xf32, #tpu.memory_space<vmem>>
    tpu.wait_dma2 semaphore(%arg6 : memref<!tpu.dma_semaphore, #tpu.memory_space<semaphore_mem>>) src(%dma_wait3A_1205 : memref<32x256xf32, #tpu.memory_space<vmem>>) dst(%dma_wait3A_1202 : memref<32x256xf32, #tpu.memory_space<hbm>>)
    %dma_wait3A_1206 = arith.constant 7 : i32
    %dma_wait3A_1207 = arith.constant 32 : i32
    %dma_wait3A_1208 = arith.constant 0 : i32
    %dma_wait3A_1209 = tpu.memref_slice %arg5[%dma_wait3A_1207, %dma_wait3A_1208] : memref<128x256xf32, #tpu.memory_space<vmem>> -> memref<32x256xf32, #tpu.memory_space<vmem>>
    %dma_wait3A_1210 = arith.constant 0 : i32
    %dma_wait3A_1211 = tpu.memref_slice %arg3[%dma_wait3A_1206, %select_n3A, %multiple_of3A_265, %dma_wait3A_1210] : memref<16x4x1024x256xf32, #tpu.memory_space<hbm>> -> memref<1x1x32x256xf32, #tpu.memory_space<hbm>>
    %dma_wait3A_1212 = tpu.memref_squeeze %dma_wait3A_1211 : memref<1x1x32x256xf32, #tpu.memory_space<hbm>> -> memref<32x256xf32, #tpu.memory_space<hbm>>
    %dma_wait3A_1213 = arith.constant 0 : i32
    %dma_wait3A_1214 = tpu.memref_slice %arg3[%dma_wait3A_1206, %select_n3A, %multiple_of3A_265, %dma_wait3A_1213] : memref<16x4x1024x256xf32, #tpu.memory_space<hbm>> -> memref<1x1x32x256xf32, #tpu.memory_space<hbm>>
    %dma_wait3A_1215 = tpu.memref_squeeze %dma_wait3A_1214 : memref<1x1x32x256xf32, #tpu.memory_space<hbm>> -> memref<32x256xf32, #tpu.memory_space<hbm>>
    %dma_wait3A_1216 = arith.constant 32 : i32
    %dma_wait3A_1217 = arith.constant 0 : i32
    %dma_wait3A_1218 = tpu.memref_slice %arg5[%dma_wait3A_1216, %dma_wait3A_1217] : memref<128x256xf32, #tpu.memory_space<vmem>> -> memref<32x256xf32, #tpu.memory_space<vmem>>
    tpu.wait_dma2 semaphore(%arg6 : memref<!tpu.dma_semaphore, #tpu.memory_space<semaphore_mem>>) src(%dma_wait3A_1218 : memref<32x256xf32, #tpu.memory_space<vmem>>) dst(%dma_wait3A_1215 : memref<32x256xf32, #tpu.memory_space<hbm>>)
    %dma_wait3A_1219 = arith.constant 8 : i32
    %dma_wait3A_1220 = arith.constant 32 : i32
    %dma_wait3A_1221 = arith.constant 0 : i32
    %dma_wait3A_1222 = tpu.memref_slice %arg5[%dma_wait3A_1220, %dma_wait3A_1221] : memref<128x256xf32, #tpu.memory_space<vmem>> -> memref<32x256xf32, #tpu.memory_space<vmem>>
    %dma_wait3A_1223 = arith.constant 0 : i32
    %dma_wait3A_1224 = tpu.memref_slice %arg3[%dma_wait3A_1219, %select_n3A, %multiple_of3A_265, %dma_wait3A_1223] : memref<16x4x1024x256xf32, #tpu.memory_space<hbm>> -> memref<1x1x32x256xf32, #tpu.memory_space<hbm>>
    %dma_wait3A_1225 = tpu.memref_squeeze %dma_wait3A_1224 : memref<1x1x32x256xf32, #tpu.memory_space<hbm>> -> memref<32x256xf32, #tpu.memory_space<hbm>>
    %dma_wait3A_1226 = arith.constant 0 : i32
    %dma_wait3A_1227 = tpu.memref_slice %arg3[%dma_wait3A_1219, %select_n3A, %multiple_of3A_265, %dma_wait3A_1226] : memref<16x4x1024x256xf32, #tpu.memory_space<hbm>> -> memref<1x1x32x256xf32, #tpu.memory_space<hbm>>
    %dma_wait3A_1228 = tpu.memref_squeeze %dma_wait3A_1227 : memref<1x1x32x256xf32, #tpu.memory_space<hbm>> -> memref<32x256xf32, #tpu.memory_space<hbm>>
    %dma_wait3A_1229 = arith.constant 32 : i32
    %dma_wait3A_1230 = arith.constant 0 : i32
    %dma_wait3A_1231 = tpu.memref_slice %arg5[%dma_wait3A_1229, %dma_wait3A_1230] : memref<128x256xf32, #tpu.memory_space<vmem>> -> memref<32x256xf32, #tpu.memory_space<vmem>>
    tpu.wait_dma2 semaphore(%arg6 : memref<!tpu.dma_semaphore, #tpu.memory_space<semaphore_mem>>) src(%dma_wait3A_1231 : memref<32x256xf32, #tpu.memory_space<vmem>>) dst(%dma_wait3A_1228 : memref<32x256xf32, #tpu.memory_space<hbm>>)
    %dma_wait3A_1232 = arith.constant 9 : i32
    %dma_wait3A_1233 = arith.constant 32 : i32
    %dma_wait3A_1234 = arith.constant 0 : i32
    %dma_wait3A_1235 = tpu.memref_slice %arg5[%dma_wait3A_1233, %dma_wait3A_1234] : memref<128x256xf32, #tpu.memory_space<vmem>> -> memref<32x256xf32, #tpu.memory_space<vmem>>
    %dma_wait3A_1236 = arith.constant 0 : i32
    %dma_wait3A_1237 = tpu.memref_slice %arg3[%dma_wait3A_1232, %select_n3A, %multiple_of3A_265, %dma_wait3A_1236] : memref<16x4x1024x256xf32, #tpu.memory_space<hbm>> -> memref<1x1x32x256xf32, #tpu.memory_space<hbm>>
    %dma_wait3A_1238 = tpu.memref_squeeze %dma_wait3A_1237 : memref<1x1x32x256xf32, #tpu.memory_space<hbm>> -> memref<32x256xf32, #tpu.memory_space<hbm>>
    %dma_wait3A_1239 = arith.constant 0 : i32
    %dma_wait3A_1240 = tpu.memref_slice %arg3[%dma_wait3A_1232, %select_n3A, %multiple_of3A_265, %dma_wait3A_1239] : memref<16x4x1024x256xf32, #tpu.memory_space<hbm>> -> memref<1x1x32x256xf32, #tpu.memory_space<hbm>>
    %dma_wait3A_1241 = tpu.memref_squeeze %dma_wait3A_1240 : memref<1x1x32x256xf32, #tpu.memory_space<hbm>> -> memref<32x256xf32, #tpu.memory_space<hbm>>
    %dma_wait3A_1242 = arith.constant 32 : i32
    %dma_wait3A_1243 = arith.constant 0 : i32
    %dma_wait3A_1244 = tpu.memref_slice %arg5[%dma_wait3A_1242, %dma_wait3A_1243] : memref<128x256xf32, #tpu.memory_space<vmem>> -> memref<32x256xf32, #tpu.memory_space<vmem>>
    tpu.wait_dma2 semaphore(%arg6 : memref<!tpu.dma_semaphore, #tpu.memory_space<semaphore_mem>>) src(%dma_wait3A_1244 : memref<32x256xf32, #tpu.memory_space<vmem>>) dst(%dma_wait3A_1241 : memref<32x256xf32, #tpu.memory_space<hbm>>)
    %dma_wait3A_1245 = arith.constant 10 : i32
    %dma_wait3A_1246 = arith.constant 32 : i32
    %dma_wait3A_1247 = arith.constant 0 : i32
    %dma_wait3A_1248 = tpu.memref_slice %arg5[%dma_wait3A_1246, %dma_wait3A_1247] : memref<128x256xf32, #tpu.memory_space<vmem>> -> memref<32x256xf32, #tpu.memory_space<vmem>>
    %dma_wait3A_1249 = arith.constant 0 : i32
    %dma_wait3A_1250 = tpu.memref_slice %arg3[%dma_wait3A_1245, %select_n3A, %multiple_of3A_265, %dma_wait3A_1249] : memref<16x4x1024x256xf32, #tpu.memory_space<hbm>> -> memref<1x1x32x256xf32, #tpu.memory_space<hbm>>
    %dma_wait3A_1251 = tpu.memref_squeeze %dma_wait3A_1250 : memref<1x1x32x256xf32, #tpu.memory_space<hbm>> -> memref<32x256xf32, #tpu.memory_space<hbm>>
    %dma_wait3A_1252 = arith.constant 0 : i32
    %dma_wait3A_1253 = tpu.memref_slice %arg3[%dma_wait3A_1245, %select_n3A, %multiple_of3A_265, %dma_wait3A_1252] : memref<16x4x1024x256xf32, #tpu.memory_space<hbm>> -> memref<1x1x32x256xf32, #tpu.memory_space<hbm>>
    %dma_wait3A_1254 = tpu.memref_squeeze %dma_wait3A_1253 : memref<1x1x32x256xf32, #tpu.memory_space<hbm>> -> memref<32x256xf32, #tpu.memory_space<hbm>>
    %dma_wait3A_1255 = arith.constant 32 : i32
    %dma_wait3A_1256 = arith.constant 0 : i32
    %dma_wait3A_1257 = tpu.memref_slice %arg5[%dma_wait3A_1255, %dma_wait3A_1256] : memref<128x256xf32, #tpu.memory_space<vmem>> -> memref<32x256xf32, #tpu.memory_space<vmem>>
    tpu.wait_dma2 semaphore(%arg6 : memref<!tpu.dma_semaphore, #tpu.memory_space<semaphore_mem>>) src(%dma_wait3A_1257 : memref<32x256xf32, #tpu.memory_space<vmem>>) dst(%dma_wait3A_1254 : memref<32x256xf32, #tpu.memory_space<hbm>>)
    %dma_wait3A_1258 = arith.constant 11 : i32
    %dma_wait3A_1259 = arith.constant 32 : i32
    %dma_wait3A_1260 = arith.constant 0 : i32
    %dma_wait3A_1261 = tpu.memref_slice %arg5[%dma_wait3A_1259, %dma_wait3A_1260] : memref<128x256xf32, #tpu.memory_space<vmem>> -> memref<32x256xf32, #tpu.memory_space<vmem>>
    %dma_wait3A_1262 = arith.constant 0 : i32
    %dma_wait3A_1263 = tpu.memref_slice %arg3[%dma_wait3A_1258, %select_n3A, %multiple_of3A_265, %dma_wait3A_1262] : memref<16x4x1024x256xf32, #tpu.memory_space<hbm>> -> memref<1x1x32x256xf32, #tpu.memory_space<hbm>>
    %dma_wait3A_1264 = tpu.memref_squeeze %dma_wait3A_1263 : memref<1x1x32x256xf32, #tpu.memory_space<hbm>> -> memref<32x256xf32, #tpu.memory_space<hbm>>
    %dma_wait3A_1265 = arith.constant 0 : i32
    %dma_wait3A_1266 = tpu.memref_slice %arg3[%dma_wait3A_1258, %select_n3A, %multiple_of3A_265, %dma_wait3A_1265] : memref<16x4x1024x256xf32, #tpu.memory_space<hbm>> -> memref<1x1x32x256xf32, #tpu.memory_space<hbm>>
    %dma_wait3A_1267 = tpu.memref_squeeze %dma_wait3A_1266 : memref<1x1x32x256xf32, #tpu.memory_space<hbm>> -> memref<32x256xf32, #tpu.memory_space<hbm>>
    %dma_wait3A_1268 = arith.constant 32 : i32
    %dma_wait3A_1269 = arith.constant 0 : i32
    %dma_wait3A_1270 = tpu.memref_slice %arg5[%dma_wait3A_1268, %dma_wait3A_1269] : memref<128x256xf32, #tpu.memory_space<vmem>> -> memref<32x256xf32, #tpu.memory_space<vmem>>
    tpu.wait_dma2 semaphore(%arg6 : memref<!tpu.dma_semaphore, #tpu.memory_space<semaphore_mem>>) src(%dma_wait3A_1270 : memref<32x256xf32, #tpu.memory_space<vmem>>) dst(%dma_wait3A_1267 : memref<32x256xf32, #tpu.memory_space<hbm>>)
    %dma_wait3A_1271 = arith.constant 12 : i32
    %dma_wait3A_1272 = arith.constant 32 : i32
    %dma_wait3A_1273 = arith.constant 0 : i32
    %dma_wait3A_1274 = tpu.memref_slice %arg5[%dma_wait3A_1272, %dma_wait3A_1273] : memref<128x256xf32, #tpu.memory_space<vmem>> -> memref<32x256xf32, #tpu.memory_space<vmem>>
    %dma_wait3A_1275 = arith.constant 0 : i32
    %dma_wait3A_1276 = tpu.memref_slice %arg3[%dma_wait3A_1271, %select_n3A, %multiple_of3A_265, %dma_wait3A_1275] : memref<16x4x1024x256xf32, #tpu.memory_space<hbm>> -> memref<1x1x32x256xf32, #tpu.memory_space<hbm>>
    %dma_wait3A_1277 = tpu.memref_squeeze %dma_wait3A_1276 : memref<1x1x32x256xf32, #tpu.memory_space<hbm>> -> memref<32x256xf32, #tpu.memory_space<hbm>>
    %dma_wait3A_1278 = arith.constant 0 : i32
    %dma_wait3A_1279 = tpu.memref_slice %arg3[%dma_wait3A_1271, %select_n3A, %multiple_of3A_265, %dma_wait3A_1278] : memref<16x4x1024x256xf32, #tpu.memory_space<hbm>> -> memref<1x1x32x256xf32, #tpu.memory_space<hbm>>
    %dma_wait3A_1280 = tpu.memref_squeeze %dma_wait3A_1279 : memref<1x1x32x256xf32, #tpu.memory_space<hbm>> -> memref<32x256xf32, #tpu.memory_space<hbm>>
    %dma_wait3A_1281 = arith.constant 32 : i32
    %dma_wait3A_1282 = arith.constant 0 : i32
    %dma_wait3A_1283 = tpu.memref_slice %arg5[%dma_wait3A_1281, %dma_wait3A_1282] : memref<128x256xf32, #tpu.memory_space<vmem>> -> memref<32x256xf32, #tpu.memory_space<vmem>>
    tpu.wait_dma2 semaphore(%arg6 : memref<!tpu.dma_semaphore, #tpu.memory_space<semaphore_mem>>) src(%dma_wait3A_1283 : memref<32x256xf32, #tpu.memory_space<vmem>>) dst(%dma_wait3A_1280 : memref<32x256xf32, #tpu.memory_space<hbm>>)
    %dma_wait3A_1284 = arith.constant 13 : i32
    %dma_wait3A_1285 = arith.constant 32 : i32
    %dma_wait3A_1286 = arith.constant 0 : i32
    %dma_wait3A_1287 = tpu.memref_slice %arg5[%dma_wait3A_1285, %dma_wait3A_1286] : memref<128x256xf32, #tpu.memory_space<vmem>> -> memref<32x256xf32, #tpu.memory_space<vmem>>
    %dma_wait3A_1288 = arith.constant 0 : i32
    %dma_wait3A_1289 = tpu.memref_slice %arg3[%dma_wait3A_1284, %select_n3A, %multiple_of3A_265, %dma_wait3A_1288] : memref<16x4x1024x256xf32, #tpu.memory_space<hbm>> -> memref<1x1x32x256xf32, #tpu.memory_space<hbm>>
    %dma_wait3A_1290 = tpu.memref_squeeze %dma_wait3A_1289 : memref<1x1x32x256xf32, #tpu.memory_space<hbm>> -> memref<32x256xf32, #tpu.memory_space<hbm>>
    %dma_wait3A_1291 = arith.constant 0 : i32
    %dma_wait3A_1292 = tpu.memref_slice %arg3[%dma_wait3A_1284, %select_n3A, %multiple_of3A_265, %dma_wait3A_1291] : memref<16x4x1024x256xf32, #tpu.memory_space<hbm>> -> memref<1x1x32x256xf32, #tpu.memory_space<hbm>>
    %dma_wait3A_1293 = tpu.memref_squeeze %dma_wait3A_1292 : memref<1x1x32x256xf32, #tpu.memory_space<hbm>> -> memref<32x256xf32, #tpu.memory_space<hbm>>
    %dma_wait3A_1294 = arith.constant 32 : i32
    %dma_wait3A_1295 = arith.constant 0 : i32
    %dma_wait3A_1296 = tpu.memref_slice %arg5[%dma_wait3A_1294, %dma_wait3A_1295] : memref<128x256xf32, #tpu.memory_space<vmem>> -> memref<32x256xf32, #tpu.memory_space<vmem>>
    tpu.wait_dma2 semaphore(%arg6 : memref<!tpu.dma_semaphore, #tpu.memory_space<semaphore_mem>>) src(%dma_wait3A_1296 : memref<32x256xf32, #tpu.memory_space<vmem>>) dst(%dma_wait3A_1293 : memref<32x256xf32, #tpu.memory_space<hbm>>)
    %dma_wait3A_1297 = arith.constant 14 : i32
    %dma_wait3A_1298 = arith.constant 32 : i32
    %dma_wait3A_1299 = arith.constant 0 : i32
    %dma_wait3A_1300 = tpu.memref_slice %arg5[%dma_wait3A_1298, %dma_wait3A_1299] : memref<128x256xf32, #tpu.memory_space<vmem>> -> memref<32x256xf32, #tpu.memory_space<vmem>>
    %dma_wait3A_1301 = arith.constant 0 : i32
    %dma_wait3A_1302 = tpu.memref_slice %arg3[%dma_wait3A_1297, %select_n3A, %multiple_of3A_265, %dma_wait3A_1301] : memref<16x4x1024x256xf32, #tpu.memory_space<hbm>> -> memref<1x1x32x256xf32, #tpu.memory_space<hbm>>
    %dma_wait3A_1303 = tpu.memref_squeeze %dma_wait3A_1302 : memref<1x1x32x256xf32, #tpu.memory_space<hbm>> -> memref<32x256xf32, #tpu.memory_space<hbm>>
    %dma_wait3A_1304 = arith.constant 0 : i32
    %dma_wait3A_1305 = tpu.memref_slice %arg3[%dma_wait3A_1297, %select_n3A, %multiple_of3A_265, %dma_wait3A_1304] : memref<16x4x1024x256xf32, #tpu.memory_space<hbm>> -> memref<1x1x32x256xf32, #tpu.memory_space<hbm>>
    %dma_wait3A_1306 = tpu.memref_squeeze %dma_wait3A_1305 : memref<1x1x32x256xf32, #tpu.memory_space<hbm>> -> memref<32x256xf32, #tpu.memory_space<hbm>>
    %dma_wait3A_1307 = arith.constant 32 : i32
    %dma_wait3A_1308 = arith.constant 0 : i32
    %dma_wait3A_1309 = tpu.memref_slice %arg5[%dma_wait3A_1307, %dma_wait3A_1308] : memref<128x256xf32, #tpu.memory_space<vmem>> -> memref<32x256xf32, #tpu.memory_space<vmem>>
    tpu.wait_dma2 semaphore(%arg6 : memref<!tpu.dma_semaphore, #tpu.memory_space<semaphore_mem>>) src(%dma_wait3A_1309 : memref<32x256xf32, #tpu.memory_space<vmem>>) dst(%dma_wait3A_1306 : memref<32x256xf32, #tpu.memory_space<hbm>>)
    %dma_wait3A_1310 = arith.constant 15 : i32
    %dma_wait3A_1311 = arith.constant 32 : i32
    %dma_wait3A_1312 = arith.constant 0 : i32
    %dma_wait3A_1313 = tpu.memref_slice %arg5[%dma_wait3A_1311, %dma_wait3A_1312] : memref<128x256xf32, #tpu.memory_space<vmem>> -> memref<32x256xf32, #tpu.memory_space<vmem>>
    %dma_wait3A_1314 = arith.constant 0 : i32
    %dma_wait3A_1315 = tpu.memref_slice %arg3[%dma_wait3A_1310, %select_n3A, %multiple_of3A_265, %dma_wait3A_1314] : memref<16x4x1024x256xf32, #tpu.memory_space<hbm>> -> memref<1x1x32x256xf32, #tpu.memory_space<hbm>>
    %dma_wait3A_1316 = tpu.memref_squeeze %dma_wait3A_1315 : memref<1x1x32x256xf32, #tpu.memory_space<hbm>> -> memref<32x256xf32, #tpu.memory_space<hbm>>
    %dma_wait3A_1317 = arith.constant 0 : i32
    %dma_wait3A_1318 = tpu.memref_slice %arg3[%dma_wait3A_1310, %select_n3A, %multiple_of3A_265, %dma_wait3A_1317] : memref<16x4x1024x256xf32, #tpu.memory_space<hbm>> -> memref<1x1x32x256xf32, #tpu.memory_space<hbm>>
    %dma_wait3A_1319 = tpu.memref_squeeze %dma_wait3A_1318 : memref<1x1x32x256xf32, #tpu.memory_space<hbm>> -> memref<32x256xf32, #tpu.memory_space<hbm>>
    %dma_wait3A_1320 = arith.constant 32 : i32
    %dma_wait3A_1321 = arith.constant 0 : i32
    %dma_wait3A_1322 = tpu.memref_slice %arg5[%dma_wait3A_1320, %dma_wait3A_1321] : memref<128x256xf32, #tpu.memory_space<vmem>> -> memref<32x256xf32, #tpu.memory_space<vmem>>
    tpu.wait_dma2 semaphore(%arg6 : memref<!tpu.dma_semaphore, #tpu.memory_space<semaphore_mem>>) src(%dma_wait3A_1322 : memref<32x256xf32, #tpu.memory_space<vmem>>) dst(%dma_wait3A_1319 : memref<32x256xf32, #tpu.memory_space<hbm>>)
    %dma_wait3A_1323 = arith.constant 0 : i32
    %dma_wait3A_1324 = arith.constant 64 : i32
    %dma_wait3A_1325 = arith.constant 0 : i32
    %dma_wait3A_1326 = tpu.memref_slice %arg5[%dma_wait3A_1324, %dma_wait3A_1325] : memref<128x256xf32, #tpu.memory_space<vmem>> -> memref<32x256xf32, #tpu.memory_space<vmem>>
    %dma_wait3A_1327 = arith.constant 0 : i32
    %dma_wait3A_1328 = tpu.memref_slice %arg3[%dma_wait3A_1323, %select_n3A, %multiple_of3A_482, %dma_wait3A_1327] : memref<16x4x1024x256xf32, #tpu.memory_space<hbm>> -> memref<1x1x32x256xf32, #tpu.memory_space<hbm>>
    %dma_wait3A_1329 = tpu.memref_squeeze %dma_wait3A_1328 : memref<1x1x32x256xf32, #tpu.memory_space<hbm>> -> memref<32x256xf32, #tpu.memory_space<hbm>>
    %dma_wait3A_1330 = arith.constant 0 : i32
    %dma_wait3A_1331 = tpu.memref_slice %arg3[%dma_wait3A_1323, %select_n3A, %multiple_of3A_482, %dma_wait3A_1330] : memref<16x4x1024x256xf32, #tpu.memory_space<hbm>> -> memref<1x1x32x256xf32, #tpu.memory_space<hbm>>
    %dma_wait3A_1332 = tpu.memref_squeeze %dma_wait3A_1331 : memref<1x1x32x256xf32, #tpu.memory_space<hbm>> -> memref<32x256xf32, #tpu.memory_space<hbm>>
    %dma_wait3A_1333 = arith.constant 64 : i32
    %dma_wait3A_1334 = arith.constant 0 : i32
    %dma_wait3A_1335 = tpu.memref_slice %arg5[%dma_wait3A_1333, %dma_wait3A_1334] : memref<128x256xf32, #tpu.memory_space<vmem>> -> memref<32x256xf32, #tpu.memory_space<vmem>>
    tpu.wait_dma2 semaphore(%arg6 : memref<!tpu.dma_semaphore, #tpu.memory_space<semaphore_mem>>) src(%dma_wait3A_1335 : memref<32x256xf32, #tpu.memory_space<vmem>>) dst(%dma_wait3A_1332 : memref<32x256xf32, #tpu.memory_space<hbm>>)
    %dma_wait3A_1336 = arith.constant 1 : i32
    %dma_wait3A_1337 = arith.constant 64 : i32
    %dma_wait3A_1338 = arith.constant 0 : i32
    %dma_wait3A_1339 = tpu.memref_slice %arg5[%dma_wait3A_1337, %dma_wait3A_1338] : memref<128x256xf32, #tpu.memory_space<vmem>> -> memref<32x256xf32, #tpu.memory_space<vmem>>
    %dma_wait3A_1340 = arith.constant 0 : i32
    %dma_wait3A_1341 = tpu.memref_slice %arg3[%dma_wait3A_1336, %select_n3A, %multiple_of3A_482, %dma_wait3A_1340] : memref<16x4x1024x256xf32, #tpu.memory_space<hbm>> -> memref<1x1x32x256xf32, #tpu.memory_space<hbm>>
    %dma_wait3A_1342 = tpu.memref_squeeze %dma_wait3A_1341 : memref<1x1x32x256xf32, #tpu.memory_space<hbm>> -> memref<32x256xf32, #tpu.memory_space<hbm>>
    %dma_wait3A_1343 = arith.constant 0 : i32
    %dma_wait3A_1344 = tpu.memref_slice %arg3[%dma_wait3A_1336, %select_n3A, %multiple_of3A_482, %dma_wait3A_1343] : memref<16x4x1024x256xf32, #tpu.memory_space<hbm>> -> memref<1x1x32x256xf32, #tpu.memory_space<hbm>>
    %dma_wait3A_1345 = tpu.memref_squeeze %dma_wait3A_1344 : memref<1x1x32x256xf32, #tpu.memory_space<hbm>> -> memref<32x256xf32, #tpu.memory_space<hbm>>
    %dma_wait3A_1346 = arith.constant 64 : i32
    %dma_wait3A_1347 = arith.constant 0 : i32
    %dma_wait3A_1348 = tpu.memref_slice %arg5[%dma_wait3A_1346, %dma_wait3A_1347] : memref<128x256xf32, #tpu.memory_space<vmem>> -> memref<32x256xf32, #tpu.memory_space<vmem>>
    tpu.wait_dma2 semaphore(%arg6 : memref<!tpu.dma_semaphore, #tpu.memory_space<semaphore_mem>>) src(%dma_wait3A_1348 : memref<32x256xf32, #tpu.memory_space<vmem>>) dst(%dma_wait3A_1345 : memref<32x256xf32, #tpu.memory_space<hbm>>)
    %dma_wait3A_1349 = arith.constant 2 : i32
    %dma_wait3A_1350 = arith.constant 64 : i32
    %dma_wait3A_1351 = arith.constant 0 : i32
    %dma_wait3A_1352 = tpu.memref_slice %arg5[%dma_wait3A_1350, %dma_wait3A_1351] : memref<128x256xf32, #tpu.memory_space<vmem>> -> memref<32x256xf32, #tpu.memory_space<vmem>>
    %dma_wait3A_1353 = arith.constant 0 : i32
    %dma_wait3A_1354 = tpu.memref_slice %arg3[%dma_wait3A_1349, %select_n3A, %multiple_of3A_482, %dma_wait3A_1353] : memref<16x4x1024x256xf32, #tpu.memory_space<hbm>> -> memref<1x1x32x256xf32, #tpu.memory_space<hbm>>
    %dma_wait3A_1355 = tpu.memref_squeeze %dma_wait3A_1354 : memref<1x1x32x256xf32, #tpu.memory_space<hbm>> -> memref<32x256xf32, #tpu.memory_space<hbm>>
    %dma_wait3A_1356 = arith.constant 0 : i32
    %dma_wait3A_1357 = tpu.memref_slice %arg3[%dma_wait3A_1349, %select_n3A, %multiple_of3A_482, %dma_wait3A_1356] : memref<16x4x1024x256xf32, #tpu.memory_space<hbm>> -> memref<1x1x32x256xf32, #tpu.memory_space<hbm>>
    %dma_wait3A_1358 = tpu.memref_squeeze %dma_wait3A_1357 : memref<1x1x32x256xf32, #tpu.memory_space<hbm>> -> memref<32x256xf32, #tpu.memory_space<hbm>>
    %dma_wait3A_1359 = arith.constant 64 : i32
    %dma_wait3A_1360 = arith.constant 0 : i32
    %dma_wait3A_1361 = tpu.memref_slice %arg5[%dma_wait3A_1359, %dma_wait3A_1360] : memref<128x256xf32, #tpu.memory_space<vmem>> -> memref<32x256xf32, #tpu.memory_space<vmem>>
    tpu.wait_dma2 semaphore(%arg6 : memref<!tpu.dma_semaphore, #tpu.memory_space<semaphore_mem>>) src(%dma_wait3A_1361 : memref<32x256xf32, #tpu.memory_space<vmem>>) dst(%dma_wait3A_1358 : memref<32x256xf32, #tpu.memory_space<hbm>>)
    %dma_wait3A_1362 = arith.constant 3 : i32
    %dma_wait3A_1363 = arith.constant 64 : i32
    %dma_wait3A_1364 = arith.constant 0 : i32
    %dma_wait3A_1365 = tpu.memref_slice %arg5[%dma_wait3A_1363, %dma_wait3A_1364] : memref<128x256xf32, #tpu.memory_space<vmem>> -> memref<32x256xf32, #tpu.memory_space<vmem>>
    %dma_wait3A_1366 = arith.constant 0 : i32
    %dma_wait3A_1367 = tpu.memref_slice %arg3[%dma_wait3A_1362, %select_n3A, %multiple_of3A_482, %dma_wait3A_1366] : memref<16x4x1024x256xf32, #tpu.memory_space<hbm>> -> memref<1x1x32x256xf32, #tpu.memory_space<hbm>>
    %dma_wait3A_1368 = tpu.memref_squeeze %dma_wait3A_1367 : memref<1x1x32x256xf32, #tpu.memory_space<hbm>> -> memref<32x256xf32, #tpu.memory_space<hbm>>
    %dma_wait3A_1369 = arith.constant 0 : i32
    %dma_wait3A_1370 = tpu.memref_slice %arg3[%dma_wait3A_1362, %select_n3A, %multiple_of3A_482, %dma_wait3A_1369] : memref<16x4x1024x256xf32, #tpu.memory_space<hbm>> -> memref<1x1x32x256xf32, #tpu.memory_space<hbm>>
    %dma_wait3A_1371 = tpu.memref_squeeze %dma_wait3A_1370 : memref<1x1x32x256xf32, #tpu.memory_space<hbm>> -> memref<32x256xf32, #tpu.memory_space<hbm>>
    %dma_wait3A_1372 = arith.constant 64 : i32
    %dma_wait3A_1373 = arith.constant 0 : i32
    %dma_wait3A_1374 = tpu.memref_slice %arg5[%dma_wait3A_1372, %dma_wait3A_1373] : memref<128x256xf32, #tpu.memory_space<vmem>> -> memref<32x256xf32, #tpu.memory_space<vmem>>
    tpu.wait_dma2 semaphore(%arg6 : memref<!tpu.dma_semaphore, #tpu.memory_space<semaphore_mem>>) src(%dma_wait3A_1374 : memref<32x256xf32, #tpu.memory_space<vmem>>) dst(%dma_wait3A_1371 : memref<32x256xf32, #tpu.memory_space<hbm>>)
    %dma_wait3A_1375 = arith.constant 4 : i32
    %dma_wait3A_1376 = arith.constant 64 : i32
    %dma_wait3A_1377 = arith.constant 0 : i32
    %dma_wait3A_1378 = tpu.memref_slice %arg5[%dma_wait3A_1376, %dma_wait3A_1377] : memref<128x256xf32, #tpu.memory_space<vmem>> -> memref<32x256xf32, #tpu.memory_space<vmem>>
    %dma_wait3A_1379 = arith.constant 0 : i32
    %dma_wait3A_1380 = tpu.memref_slice %arg3[%dma_wait3A_1375, %select_n3A, %multiple_of3A_482, %dma_wait3A_1379] : memref<16x4x1024x256xf32, #tpu.memory_space<hbm>> -> memref<1x1x32x256xf32, #tpu.memory_space<hbm>>
    %dma_wait3A_1381 = tpu.memref_squeeze %dma_wait3A_1380 : memref<1x1x32x256xf32, #tpu.memory_space<hbm>> -> memref<32x256xf32, #tpu.memory_space<hbm>>
    %dma_wait3A_1382 = arith.constant 0 : i32
    %dma_wait3A_1383 = tpu.memref_slice %arg3[%dma_wait3A_1375, %select_n3A, %multiple_of3A_482, %dma_wait3A_1382] : memref<16x4x1024x256xf32, #tpu.memory_space<hbm>> -> memref<1x1x32x256xf32, #tpu.memory_space<hbm>>
    %dma_wait3A_1384 = tpu.memref_squeeze %dma_wait3A_1383 : memref<1x1x32x256xf32, #tpu.memory_space<hbm>> -> memref<32x256xf32, #tpu.memory_space<hbm>>
    %dma_wait3A_1385 = arith.constant 64 : i32
    %dma_wait3A_1386 = arith.constant 0 : i32
    %dma_wait3A_1387 = tpu.memref_slice %arg5[%dma_wait3A_1385, %dma_wait3A_1386] : memref<128x256xf32, #tpu.memory_space<vmem>> -> memref<32x256xf32, #tpu.memory_space<vmem>>
    tpu.wait_dma2 semaphore(%arg6 : memref<!tpu.dma_semaphore, #tpu.memory_space<semaphore_mem>>) src(%dma_wait3A_1387 : memref<32x256xf32, #tpu.memory_space<vmem>>) dst(%dma_wait3A_1384 : memref<32x256xf32, #tpu.memory_space<hbm>>)
    %dma_wait3A_1388 = arith.constant 5 : i32
    %dma_wait3A_1389 = arith.constant 64 : i32
    %dma_wait3A_1390 = arith.constant 0 : i32
    %dma_wait3A_1391 = tpu.memref_slice %arg5[%dma_wait3A_1389, %dma_wait3A_1390] : memref<128x256xf32, #tpu.memory_space<vmem>> -> memref<32x256xf32, #tpu.memory_space<vmem>>
    %dma_wait3A_1392 = arith.constant 0 : i32
    %dma_wait3A_1393 = tpu.memref_slice %arg3[%dma_wait3A_1388, %select_n3A, %multiple_of3A_482, %dma_wait3A_1392] : memref<16x4x1024x256xf32, #tpu.memory_space<hbm>> -> memref<1x1x32x256xf32, #tpu.memory_space<hbm>>
    %dma_wait3A_1394 = tpu.memref_squeeze %dma_wait3A_1393 : memref<1x1x32x256xf32, #tpu.memory_space<hbm>> -> memref<32x256xf32, #tpu.memory_space<hbm>>
    %dma_wait3A_1395 = arith.constant 0 : i32
    %dma_wait3A_1396 = tpu.memref_slice %arg3[%dma_wait3A_1388, %select_n3A, %multiple_of3A_482, %dma_wait3A_1395] : memref<16x4x1024x256xf32, #tpu.memory_space<hbm>> -> memref<1x1x32x256xf32, #tpu.memory_space<hbm>>
    %dma_wait3A_1397 = tpu.memref_squeeze %dma_wait3A_1396 : memref<1x1x32x256xf32, #tpu.memory_space<hbm>> -> memref<32x256xf32, #tpu.memory_space<hbm>>
    %dma_wait3A_1398 = arith.constant 64 : i32
    %dma_wait3A_1399 = arith.constant 0 : i32
    %dma_wait3A_1400 = tpu.memref_slice %arg5[%dma_wait3A_1398, %dma_wait3A_1399] : memref<128x256xf32, #tpu.memory_space<vmem>> -> memref<32x256xf32, #tpu.memory_space<vmem>>
    tpu.wait_dma2 semaphore(%arg6 : memref<!tpu.dma_semaphore, #tpu.memory_space<semaphore_mem>>) src(%dma_wait3A_1400 : memref<32x256xf32, #tpu.memory_space<vmem>>) dst(%dma_wait3A_1397 : memref<32x256xf32, #tpu.memory_space<hbm>>)
    %dma_wait3A_1401 = arith.constant 6 : i32
    %dma_wait3A_1402 = arith.constant 64 : i32
    %dma_wait3A_1403 = arith.constant 0 : i32
    %dma_wait3A_1404 = tpu.memref_slice %arg5[%dma_wait3A_1402, %dma_wait3A_1403] : memref<128x256xf32, #tpu.memory_space<vmem>> -> memref<32x256xf32, #tpu.memory_space<vmem>>
    %dma_wait3A_1405 = arith.constant 0 : i32
    %dma_wait3A_1406 = tpu.memref_slice %arg3[%dma_wait3A_1401, %select_n3A, %multiple_of3A_482, %dma_wait3A_1405] : memref<16x4x1024x256xf32, #tpu.memory_space<hbm>> -> memref<1x1x32x256xf32, #tpu.memory_space<hbm>>
    %dma_wait3A_1407 = tpu.memref_squeeze %dma_wait3A_1406 : memref<1x1x32x256xf32, #tpu.memory_space<hbm>> -> memref<32x256xf32, #tpu.memory_space<hbm>>
    %dma_wait3A_1408 = arith.constant 0 : i32
    %dma_wait3A_1409 = tpu.memref_slice %arg3[%dma_wait3A_1401, %select_n3A, %multiple_of3A_482, %dma_wait3A_1408] : memref<16x4x1024x256xf32, #tpu.memory_space<hbm>> -> memref<1x1x32x256xf32, #tpu.memory_space<hbm>>
    %dma_wait3A_1410 = tpu.memref_squeeze %dma_wait3A_1409 : memref<1x1x32x256xf32, #tpu.memory_space<hbm>> -> memref<32x256xf32, #tpu.memory_space<hbm>>
    %dma_wait3A_1411 = arith.constant 64 : i32
    %dma_wait3A_1412 = arith.constant 0 : i32
    %dma_wait3A_1413 = tpu.memref_slice %arg5[%dma_wait3A_1411, %dma_wait3A_1412] : memref<128x256xf32, #tpu.memory_space<vmem>> -> memref<32x256xf32, #tpu.memory_space<vmem>>
    tpu.wait_dma2 semaphore(%arg6 : memref<!tpu.dma_semaphore, #tpu.memory_space<semaphore_mem>>) src(%dma_wait3A_1413 : memref<32x256xf32, #tpu.memory_space<vmem>>) dst(%dma_wait3A_1410 : memref<32x256xf32, #tpu.memory_space<hbm>>)
    %dma_wait3A_1414 = arith.constant 7 : i32
    %dma_wait3A_1415 = arith.constant 64 : i32
    %dma_wait3A_1416 = arith.constant 0 : i32
    %dma_wait3A_1417 = tpu.memref_slice %arg5[%dma_wait3A_1415, %dma_wait3A_1416] : memref<128x256xf32, #tpu.memory_space<vmem>> -> memref<32x256xf32, #tpu.memory_space<vmem>>
    %dma_wait3A_1418 = arith.constant 0 : i32
    %dma_wait3A_1419 = tpu.memref_slice %arg3[%dma_wait3A_1414, %select_n3A, %multiple_of3A_482, %dma_wait3A_1418] : memref<16x4x1024x256xf32, #tpu.memory_space<hbm>> -> memref<1x1x32x256xf32, #tpu.memory_space<hbm>>
    %dma_wait3A_1420 = tpu.memref_squeeze %dma_wait3A_1419 : memref<1x1x32x256xf32, #tpu.memory_space<hbm>> -> memref<32x256xf32, #tpu.memory_space<hbm>>
    %dma_wait3A_1421 = arith.constant 0 : i32
    %dma_wait3A_1422 = tpu.memref_slice %arg3[%dma_wait3A_1414, %select_n3A, %multiple_of3A_482, %dma_wait3A_1421] : memref<16x4x1024x256xf32, #tpu.memory_space<hbm>> -> memref<1x1x32x256xf32, #tpu.memory_space<hbm>>
    %dma_wait3A_1423 = tpu.memref_squeeze %dma_wait3A_1422 : memref<1x1x32x256xf32, #tpu.memory_space<hbm>> -> memref<32x256xf32, #tpu.memory_space<hbm>>
    %dma_wait3A_1424 = arith.constant 64 : i32
    %dma_wait3A_1425 = arith.constant 0 : i32
    %dma_wait3A_1426 = tpu.memref_slice %arg5[%dma_wait3A_1424, %dma_wait3A_1425] : memref<128x256xf32, #tpu.memory_space<vmem>> -> memref<32x256xf32, #tpu.memory_space<vmem>>
    tpu.wait_dma2 semaphore(%arg6 : memref<!tpu.dma_semaphore, #tpu.memory_space<semaphore_mem>>) src(%dma_wait3A_1426 : memref<32x256xf32, #tpu.memory_space<vmem>>) dst(%dma_wait3A_1423 : memref<32x256xf32, #tpu.memory_space<hbm>>)
    %dma_wait3A_1427 = arith.constant 8 : i32
    %dma_wait3A_1428 = arith.constant 64 : i32
    %dma_wait3A_1429 = arith.constant 0 : i32
    %dma_wait3A_1430 = tpu.memref_slice %arg5[%dma_wait3A_1428, %dma_wait3A_1429] : memref<128x256xf32, #tpu.memory_space<vmem>> -> memref<32x256xf32, #tpu.memory_space<vmem>>
    %dma_wait3A_1431 = arith.constant 0 : i32
    %dma_wait3A_1432 = tpu.memref_slice %arg3[%dma_wait3A_1427, %select_n3A, %multiple_of3A_482, %dma_wait3A_1431] : memref<16x4x1024x256xf32, #tpu.memory_space<hbm>> -> memref<1x1x32x256xf32, #tpu.memory_space<hbm>>
    %dma_wait3A_1433 = tpu.memref_squeeze %dma_wait3A_1432 : memref<1x1x32x256xf32, #tpu.memory_space<hbm>> -> memref<32x256xf32, #tpu.memory_space<hbm>>
    %dma_wait3A_1434 = arith.constant 0 : i32
    %dma_wait3A_1435 = tpu.memref_slice %arg3[%dma_wait3A_1427, %select_n3A, %multiple_of3A_482, %dma_wait3A_1434] : memref<16x4x1024x256xf32, #tpu.memory_space<hbm>> -> memref<1x1x32x256xf32, #tpu.memory_space<hbm>>
    %dma_wait3A_1436 = tpu.memref_squeeze %dma_wait3A_1435 : memref<1x1x32x256xf32, #tpu.memory_space<hbm>> -> memref<32x256xf32, #tpu.memory_space<hbm>>
    %dma_wait3A_1437 = arith.constant 64 : i32
    %dma_wait3A_1438 = arith.constant 0 : i32
    %dma_wait3A_1439 = tpu.memref_slice %arg5[%dma_wait3A_1437, %dma_wait3A_1438] : memref<128x256xf32, #tpu.memory_space<vmem>> -> memref<32x256xf32, #tpu.memory_space<vmem>>
    tpu.wait_dma2 semaphore(%arg6 : memref<!tpu.dma_semaphore, #tpu.memory_space<semaphore_mem>>) src(%dma_wait3A_1439 : memref<32x256xf32, #tpu.memory_space<vmem>>) dst(%dma_wait3A_1436 : memref<32x256xf32, #tpu.memory_space<hbm>>)
    %dma_wait3A_1440 = arith.constant 9 : i32
    %dma_wait3A_1441 = arith.constant 64 : i32
    %dma_wait3A_1442 = arith.constant 0 : i32
    %dma_wait3A_1443 = tpu.memref_slice %arg5[%dma_wait3A_1441, %dma_wait3A_1442] : memref<128x256xf32, #tpu.memory_space<vmem>> -> memref<32x256xf32, #tpu.memory_space<vmem>>
    %dma_wait3A_1444 = arith.constant 0 : i32
    %dma_wait3A_1445 = tpu.memref_slice %arg3[%dma_wait3A_1440, %select_n3A, %multiple_of3A_482, %dma_wait3A_1444] : memref<16x4x1024x256xf32, #tpu.memory_space<hbm>> -> memref<1x1x32x256xf32, #tpu.memory_space<hbm>>
    %dma_wait3A_1446 = tpu.memref_squeeze %dma_wait3A_1445 : memref<1x1x32x256xf32, #tpu.memory_space<hbm>> -> memref<32x256xf32, #tpu.memory_space<hbm>>
    %dma_wait3A_1447 = arith.constant 0 : i32
    %dma_wait3A_1448 = tpu.memref_slice %arg3[%dma_wait3A_1440, %select_n3A, %multiple_of3A_482, %dma_wait3A_1447] : memref<16x4x1024x256xf32, #tpu.memory_space<hbm>> -> memref<1x1x32x256xf32, #tpu.memory_space<hbm>>
    %dma_wait3A_1449 = tpu.memref_squeeze %dma_wait3A_1448 : memref<1x1x32x256xf32, #tpu.memory_space<hbm>> -> memref<32x256xf32, #tpu.memory_space<hbm>>
    %dma_wait3A_1450 = arith.constant 64 : i32
    %dma_wait3A_1451 = arith.constant 0 : i32
    %dma_wait3A_1452 = tpu.memref_slice %arg5[%dma_wait3A_1450, %dma_wait3A_1451] : memref<128x256xf32, #tpu.memory_space<vmem>> -> memref<32x256xf32, #tpu.memory_space<vmem>>
    tpu.wait_dma2 semaphore(%arg6 : memref<!tpu.dma_semaphore, #tpu.memory_space<semaphore_mem>>) src(%dma_wait3A_1452 : memref<32x256xf32, #tpu.memory_space<vmem>>) dst(%dma_wait3A_1449 : memref<32x256xf32, #tpu.memory_space<hbm>>)
    %dma_wait3A_1453 = arith.constant 10 : i32
    %dma_wait3A_1454 = arith.constant 64 : i32
    %dma_wait3A_1455 = arith.constant 0 : i32
    %dma_wait3A_1456 = tpu.memref_slice %arg5[%dma_wait3A_1454, %dma_wait3A_1455] : memref<128x256xf32, #tpu.memory_space<vmem>> -> memref<32x256xf32, #tpu.memory_space<vmem>>
    %dma_wait3A_1457 = arith.constant 0 : i32
    %dma_wait3A_1458 = tpu.memref_slice %arg3[%dma_wait3A_1453, %select_n3A, %multiple_of3A_482, %dma_wait3A_1457] : memref<16x4x1024x256xf32, #tpu.memory_space<hbm>> -> memref<1x1x32x256xf32, #tpu.memory_space<hbm>>
    %dma_wait3A_1459 = tpu.memref_squeeze %dma_wait3A_1458 : memref<1x1x32x256xf32, #tpu.memory_space<hbm>> -> memref<32x256xf32, #tpu.memory_space<hbm>>
    %dma_wait3A_1460 = arith.constant 0 : i32
    %dma_wait3A_1461 = tpu.memref_slice %arg3[%dma_wait3A_1453, %select_n3A, %multiple_of3A_482, %dma_wait3A_1460] : memref<16x4x1024x256xf32, #tpu.memory_space<hbm>> -> memref<1x1x32x256xf32, #tpu.memory_space<hbm>>
    %dma_wait3A_1462 = tpu.memref_squeeze %dma_wait3A_1461 : memref<1x1x32x256xf32, #tpu.memory_space<hbm>> -> memref<32x256xf32, #tpu.memory_space<hbm>>
    %dma_wait3A_1463 = arith.constant 64 : i32
    %dma_wait3A_1464 = arith.constant 0 : i32
    %dma_wait3A_1465 = tpu.memref_slice %arg5[%dma_wait3A_1463, %dma_wait3A_1464] : memref<128x256xf32, #tpu.memory_space<vmem>> -> memref<32x256xf32, #tpu.memory_space<vmem>>
    tpu.wait_dma2 semaphore(%arg6 : memref<!tpu.dma_semaphore, #tpu.memory_space<semaphore_mem>>) src(%dma_wait3A_1465 : memref<32x256xf32, #tpu.memory_space<vmem>>) dst(%dma_wait3A_1462 : memref<32x256xf32, #tpu.memory_space<hbm>>)
    %dma_wait3A_1466 = arith.constant 11 : i32
    %dma_wait3A_1467 = arith.constant 64 : i32
    %dma_wait3A_1468 = arith.constant 0 : i32
    %dma_wait3A_1469 = tpu.memref_slice %arg5[%dma_wait3A_1467, %dma_wait3A_1468] : memref<128x256xf32, #tpu.memory_space<vmem>> -> memref<32x256xf32, #tpu.memory_space<vmem>>
    %dma_wait3A_1470 = arith.constant 0 : i32
    %dma_wait3A_1471 = tpu.memref_slice %arg3[%dma_wait3A_1466, %select_n3A, %multiple_of3A_482, %dma_wait3A_1470] : memref<16x4x1024x256xf32, #tpu.memory_space<hbm>> -> memref<1x1x32x256xf32, #tpu.memory_space<hbm>>
    %dma_wait3A_1472 = tpu.memref_squeeze %dma_wait3A_1471 : memref<1x1x32x256xf32, #tpu.memory_space<hbm>> -> memref<32x256xf32, #tpu.memory_space<hbm>>
    %dma_wait3A_1473 = arith.constant 0 : i32
    %dma_wait3A_1474 = tpu.memref_slice %arg3[%dma_wait3A_1466, %select_n3A, %multiple_of3A_482, %dma_wait3A_1473] : memref<16x4x1024x256xf32, #tpu.memory_space<hbm>> -> memref<1x1x32x256xf32, #tpu.memory_space<hbm>>
    %dma_wait3A_1475 = tpu.memref_squeeze %dma_wait3A_1474 : memref<1x1x32x256xf32, #tpu.memory_space<hbm>> -> memref<32x256xf32, #tpu.memory_space<hbm>>
    %dma_wait3A_1476 = arith.constant 64 : i32
    %dma_wait3A_1477 = arith.constant 0 : i32
    %dma_wait3A_1478 = tpu.memref_slice %arg5[%dma_wait3A_1476, %dma_wait3A_1477] : memref<128x256xf32, #tpu.memory_space<vmem>> -> memref<32x256xf32, #tpu.memory_space<vmem>>
    tpu.wait_dma2 semaphore(%arg6 : memref<!tpu.dma_semaphore, #tpu.memory_space<semaphore_mem>>) src(%dma_wait3A_1478 : memref<32x256xf32, #tpu.memory_space<vmem>>) dst(%dma_wait3A_1475 : memref<32x256xf32, #tpu.memory_space<hbm>>)
    %dma_wait3A_1479 = arith.constant 12 : i32
    %dma_wait3A_1480 = arith.constant 64 : i32
    %dma_wait3A_1481 = arith.constant 0 : i32
    %dma_wait3A_1482 = tpu.memref_slice %arg5[%dma_wait3A_1480, %dma_wait3A_1481] : memref<128x256xf32, #tpu.memory_space<vmem>> -> memref<32x256xf32, #tpu.memory_space<vmem>>
    %dma_wait3A_1483 = arith.constant 0 : i32
    %dma_wait3A_1484 = tpu.memref_slice %arg3[%dma_wait3A_1479, %select_n3A, %multiple_of3A_482, %dma_wait3A_1483] : memref<16x4x1024x256xf32, #tpu.memory_space<hbm>> -> memref<1x1x32x256xf32, #tpu.memory_space<hbm>>
    %dma_wait3A_1485 = tpu.memref_squeeze %dma_wait3A_1484 : memref<1x1x32x256xf32, #tpu.memory_space<hbm>> -> memref<32x256xf32, #tpu.memory_space<hbm>>
    %dma_wait3A_1486 = arith.constant 0 : i32
    %dma_wait3A_1487 = tpu.memref_slice %arg3[%dma_wait3A_1479, %select_n3A, %multiple_of3A_482, %dma_wait3A_1486] : memref<16x4x1024x256xf32, #tpu.memory_space<hbm>> -> memref<1x1x32x256xf32, #tpu.memory_space<hbm>>
    %dma_wait3A_1488 = tpu.memref_squeeze %dma_wait3A_1487 : memref<1x1x32x256xf32, #tpu.memory_space<hbm>> -> memref<32x256xf32, #tpu.memory_space<hbm>>
    %dma_wait3A_1489 = arith.constant 64 : i32
    %dma_wait3A_1490 = arith.constant 0 : i32
    %dma_wait3A_1491 = tpu.memref_slice %arg5[%dma_wait3A_1489, %dma_wait3A_1490] : memref<128x256xf32, #tpu.memory_space<vmem>> -> memref<32x256xf32, #tpu.memory_space<vmem>>
    tpu.wait_dma2 semaphore(%arg6 : memref<!tpu.dma_semaphore, #tpu.memory_space<semaphore_mem>>) src(%dma_wait3A_1491 : memref<32x256xf32, #tpu.memory_space<vmem>>) dst(%dma_wait3A_1488 : memref<32x256xf32, #tpu.memory_space<hbm>>)
    %dma_wait3A_1492 = arith.constant 13 : i32
    %dma_wait3A_1493 = arith.constant 64 : i32
    %dma_wait3A_1494 = arith.constant 0 : i32
    %dma_wait3A_1495 = tpu.memref_slice %arg5[%dma_wait3A_1493, %dma_wait3A_1494] : memref<128x256xf32, #tpu.memory_space<vmem>> -> memref<32x256xf32, #tpu.memory_space<vmem>>
    %dma_wait3A_1496 = arith.constant 0 : i32
    %dma_wait3A_1497 = tpu.memref_slice %arg3[%dma_wait3A_1492, %select_n3A, %multiple_of3A_482, %dma_wait3A_1496] : memref<16x4x1024x256xf32, #tpu.memory_space<hbm>> -> memref<1x1x32x256xf32, #tpu.memory_space<hbm>>
    %dma_wait3A_1498 = tpu.memref_squeeze %dma_wait3A_1497 : memref<1x1x32x256xf32, #tpu.memory_space<hbm>> -> memref<32x256xf32, #tpu.memory_space<hbm>>
    %dma_wait3A_1499 = arith.constant 0 : i32
    %dma_wait3A_1500 = tpu.memref_slice %arg3[%dma_wait3A_1492, %select_n3A, %multiple_of3A_482, %dma_wait3A_1499] : memref<16x4x1024x256xf32, #tpu.memory_space<hbm>> -> memref<1x1x32x256xf32, #tpu.memory_space<hbm>>
    %dma_wait3A_1501 = tpu.memref_squeeze %dma_wait3A_1500 : memref<1x1x32x256xf32, #tpu.memory_space<hbm>> -> memref<32x256xf32, #tpu.memory_space<hbm>>
    %dma_wait3A_1502 = arith.constant 64 : i32
    %dma_wait3A_1503 = arith.constant 0 : i32
    %dma_wait3A_1504 = tpu.memref_slice %arg5[%dma_wait3A_1502, %dma_wait3A_1503] : memref<128x256xf32, #tpu.memory_space<vmem>> -> memref<32x256xf32, #tpu.memory_space<vmem>>
    tpu.wait_dma2 semaphore(%arg6 : memref<!tpu.dma_semaphore, #tpu.memory_space<semaphore_mem>>) src(%dma_wait3A_1504 : memref<32x256xf32, #tpu.memory_space<vmem>>) dst(%dma_wait3A_1501 : memref<32x256xf32, #tpu.memory_space<hbm>>)
    %dma_wait3A_1505 = arith.constant 14 : i32
    %dma_wait3A_1506 = arith.constant 64 : i32
    %dma_wait3A_1507 = arith.constant 0 : i32
    %dma_wait3A_1508 = tpu.memref_slice %arg5[%dma_wait3A_1506, %dma_wait3A_1507] : memref<128x256xf32, #tpu.memory_space<vmem>> -> memref<32x256xf32, #tpu.memory_space<vmem>>
    %dma_wait3A_1509 = arith.constant 0 : i32
    %dma_wait3A_1510 = tpu.memref_slice %arg3[%dma_wait3A_1505, %select_n3A, %multiple_of3A_482, %dma_wait3A_1509] : memref<16x4x1024x256xf32, #tpu.memory_space<hbm>> -> memref<1x1x32x256xf32, #tpu.memory_space<hbm>>
    %dma_wait3A_1511 = tpu.memref_squeeze %dma_wait3A_1510 : memref<1x1x32x256xf32, #tpu.memory_space<hbm>> -> memref<32x256xf32, #tpu.memory_space<hbm>>
    %dma_wait3A_1512 = arith.constant 0 : i32
    %dma_wait3A_1513 = tpu.memref_slice %arg3[%dma_wait3A_1505, %select_n3A, %multiple_of3A_482, %dma_wait3A_1512] : memref<16x4x1024x256xf32, #tpu.memory_space<hbm>> -> memref<1x1x32x256xf32, #tpu.memory_space<hbm>>
    %dma_wait3A_1514 = tpu.memref_squeeze %dma_wait3A_1513 : memref<1x1x32x256xf32, #tpu.memory_space<hbm>> -> memref<32x256xf32, #tpu.memory_space<hbm>>
    %dma_wait3A_1515 = arith.constant 64 : i32
    %dma_wait3A_1516 = arith.constant 0 : i32
    %dma_wait3A_1517 = tpu.memref_slice %arg5[%dma_wait3A_1515, %dma_wait3A_1516] : memref<128x256xf32, #tpu.memory_space<vmem>> -> memref<32x256xf32, #tpu.memory_space<vmem>>
    tpu.wait_dma2 semaphore(%arg6 : memref<!tpu.dma_semaphore, #tpu.memory_space<semaphore_mem>>) src(%dma_wait3A_1517 : memref<32x256xf32, #tpu.memory_space<vmem>>) dst(%dma_wait3A_1514 : memref<32x256xf32, #tpu.memory_space<hbm>>)
    %dma_wait3A_1518 = arith.constant 15 : i32
    %dma_wait3A_1519 = arith.constant 64 : i32
    %dma_wait3A_1520 = arith.constant 0 : i32
    %dma_wait3A_1521 = tpu.memref_slice %arg5[%dma_wait3A_1519, %dma_wait3A_1520] : memref<128x256xf32, #tpu.memory_space<vmem>> -> memref<32x256xf32, #tpu.memory_space<vmem>>
    %dma_wait3A_1522 = arith.constant 0 : i32
    %dma_wait3A_1523 = tpu.memref_slice %arg3[%dma_wait3A_1518, %select_n3A, %multiple_of3A_482, %dma_wait3A_1522] : memref<16x4x1024x256xf32, #tpu.memory_space<hbm>> -> memref<1x1x32x256xf32, #tpu.memory_space<hbm>>
    %dma_wait3A_1524 = tpu.memref_squeeze %dma_wait3A_1523 : memref<1x1x32x256xf32, #tpu.memory_space<hbm>> -> memref<32x256xf32, #tpu.memory_space<hbm>>
    %dma_wait3A_1525 = arith.constant 0 : i32
    %dma_wait3A_1526 = tpu.memref_slice %arg3[%dma_wait3A_1518, %select_n3A, %multiple_of3A_482, %dma_wait3A_1525] : memref<16x4x1024x256xf32, #tpu.memory_space<hbm>> -> memref<1x1x32x256xf32, #tpu.memory_space<hbm>>
    %dma_wait3A_1527 = tpu.memref_squeeze %dma_wait3A_1526 : memref<1x1x32x256xf32, #tpu.memory_space<hbm>> -> memref<32x256xf32, #tpu.memory_space<hbm>>
    %dma_wait3A_1528 = arith.constant 64 : i32
    %dma_wait3A_1529 = arith.constant 0 : i32
    %dma_wait3A_1530 = tpu.memref_slice %arg5[%dma_wait3A_1528, %dma_wait3A_1529] : memref<128x256xf32, #tpu.memory_space<vmem>> -> memref<32x256xf32, #tpu.memory_space<vmem>>
    tpu.wait_dma2 semaphore(%arg6 : memref<!tpu.dma_semaphore, #tpu.memory_space<semaphore_mem>>) src(%dma_wait3A_1530 : memref<32x256xf32, #tpu.memory_space<vmem>>) dst(%dma_wait3A_1527 : memref<32x256xf32, #tpu.memory_space<hbm>>)
    %dma_wait3A_1531 = arith.constant 0 : i32
    %dma_wait3A_1532 = arith.constant 96 : i32
    %dma_wait3A_1533 = arith.constant 0 : i32
    %dma_wait3A_1534 = tpu.memref_slice %arg5[%dma_wait3A_1532, %dma_wait3A_1533] : memref<128x256xf32, #tpu.memory_space<vmem>> -> memref<32x256xf32, #tpu.memory_space<vmem>>
    %dma_wait3A_1535 = arith.constant 0 : i32
    %dma_wait3A_1536 = tpu.memref_slice %arg3[%dma_wait3A_1531, %select_n3A, %multiple_of3A_699, %dma_wait3A_1535] : memref<16x4x1024x256xf32, #tpu.memory_space<hbm>> -> memref<1x1x32x256xf32, #tpu.memory_space<hbm>>
    %dma_wait3A_1537 = tpu.memref_squeeze %dma_wait3A_1536 : memref<1x1x32x256xf32, #tpu.memory_space<hbm>> -> memref<32x256xf32, #tpu.memory_space<hbm>>
    %dma_wait3A_1538 = arith.constant 0 : i32
    %dma_wait3A_1539 = tpu.memref_slice %arg3[%dma_wait3A_1531, %select_n3A, %multiple_of3A_699, %dma_wait3A_1538] : memref<16x4x1024x256xf32, #tpu.memory_space<hbm>> -> memref<1x1x32x256xf32, #tpu.memory_space<hbm>>
    %dma_wait3A_1540 = tpu.memref_squeeze %dma_wait3A_1539 : memref<1x1x32x256xf32, #tpu.memory_space<hbm>> -> memref<32x256xf32, #tpu.memory_space<hbm>>
    %dma_wait3A_1541 = arith.constant 96 : i32
    %dma_wait3A_1542 = arith.constant 0 : i32
    %dma_wait3A_1543 = tpu.memref_slice %arg5[%dma_wait3A_1541, %dma_wait3A_1542] : memref<128x256xf32, #tpu.memory_space<vmem>> -> memref<32x256xf32, #tpu.memory_space<vmem>>
    tpu.wait_dma2 semaphore(%arg6 : memref<!tpu.dma_semaphore, #tpu.memory_space<semaphore_mem>>) src(%dma_wait3A_1543 : memref<32x256xf32, #tpu.memory_space<vmem>>) dst(%dma_wait3A_1540 : memref<32x256xf32, #tpu.memory_space<hbm>>)
    %dma_wait3A_1544 = arith.constant 1 : i32
    %dma_wait3A_1545 = arith.constant 96 : i32
    %dma_wait3A_1546 = arith.constant 0 : i32
    %dma_wait3A_1547 = tpu.memref_slice %arg5[%dma_wait3A_1545, %dma_wait3A_1546] : memref<128x256xf32, #tpu.memory_space<vmem>> -> memref<32x256xf32, #tpu.memory_space<vmem>>
    %dma_wait3A_1548 = arith.constant 0 : i32
    %dma_wait3A_1549 = tpu.memref_slice %arg3[%dma_wait3A_1544, %select_n3A, %multiple_of3A_699, %dma_wait3A_1548] : memref<16x4x1024x256xf32, #tpu.memory_space<hbm>> -> memref<1x1x32x256xf32, #tpu.memory_space<hbm>>
    %dma_wait3A_1550 = tpu.memref_squeeze %dma_wait3A_1549 : memref<1x1x32x256xf32, #tpu.memory_space<hbm>> -> memref<32x256xf32, #tpu.memory_space<hbm>>
    %dma_wait3A_1551 = arith.constant 0 : i32
    %dma_wait3A_1552 = tpu.memref_slice %arg3[%dma_wait3A_1544, %select_n3A, %multiple_of3A_699, %dma_wait3A_1551] : memref<16x4x1024x256xf32, #tpu.memory_space<hbm>> -> memref<1x1x32x256xf32, #tpu.memory_space<hbm>>
    %dma_wait3A_1553 = tpu.memref_squeeze %dma_wait3A_1552 : memref<1x1x32x256xf32, #tpu.memory_space<hbm>> -> memref<32x256xf32, #tpu.memory_space<hbm>>
    %dma_wait3A_1554 = arith.constant 96 : i32
    %dma_wait3A_1555 = arith.constant 0 : i32
    %dma_wait3A_1556 = tpu.memref_slice %arg5[%dma_wait3A_1554, %dma_wait3A_1555] : memref<128x256xf32, #tpu.memory_space<vmem>> -> memref<32x256xf32, #tpu.memory_space<vmem>>
    tpu.wait_dma2 semaphore(%arg6 : memref<!tpu.dma_semaphore, #tpu.memory_space<semaphore_mem>>) src(%dma_wait3A_1556 : memref<32x256xf32, #tpu.memory_space<vmem>>) dst(%dma_wait3A_1553 : memref<32x256xf32, #tpu.memory_space<hbm>>)
    %dma_wait3A_1557 = arith.constant 2 : i32
    %dma_wait3A_1558 = arith.constant 96 : i32
    %dma_wait3A_1559 = arith.constant 0 : i32
    %dma_wait3A_1560 = tpu.memref_slice %arg5[%dma_wait3A_1558, %dma_wait3A_1559] : memref<128x256xf32, #tpu.memory_space<vmem>> -> memref<32x256xf32, #tpu.memory_space<vmem>>
    %dma_wait3A_1561 = arith.constant 0 : i32
    %dma_wait3A_1562 = tpu.memref_slice %arg3[%dma_wait3A_1557, %select_n3A, %multiple_of3A_699, %dma_wait3A_1561] : memref<16x4x1024x256xf32, #tpu.memory_space<hbm>> -> memref<1x1x32x256xf32, #tpu.memory_space<hbm>>
    %dma_wait3A_1563 = tpu.memref_squeeze %dma_wait3A_1562 : memref<1x1x32x256xf32, #tpu.memory_space<hbm>> -> memref<32x256xf32, #tpu.memory_space<hbm>>
    %dma_wait3A_1564 = arith.constant 0 : i32
    %dma_wait3A_1565 = tpu.memref_slice %arg3[%dma_wait3A_1557, %select_n3A, %multiple_of3A_699, %dma_wait3A_1564] : memref<16x4x1024x256xf32, #tpu.memory_space<hbm>> -> memref<1x1x32x256xf32, #tpu.memory_space<hbm>>
    %dma_wait3A_1566 = tpu.memref_squeeze %dma_wait3A_1565 : memref<1x1x32x256xf32, #tpu.memory_space<hbm>> -> memref<32x256xf32, #tpu.memory_space<hbm>>
    %dma_wait3A_1567 = arith.constant 96 : i32
    %dma_wait3A_1568 = arith.constant 0 : i32
    %dma_wait3A_1569 = tpu.memref_slice %arg5[%dma_wait3A_1567, %dma_wait3A_1568] : memref<128x256xf32, #tpu.memory_space<vmem>> -> memref<32x256xf32, #tpu.memory_space<vmem>>
    tpu.wait_dma2 semaphore(%arg6 : memref<!tpu.dma_semaphore, #tpu.memory_space<semaphore_mem>>) src(%dma_wait3A_1569 : memref<32x256xf32, #tpu.memory_space<vmem>>) dst(%dma_wait3A_1566 : memref<32x256xf32, #tpu.memory_space<hbm>>)
    %dma_wait3A_1570 = arith.constant 3 : i32
    %dma_wait3A_1571 = arith.constant 96 : i32
    %dma_wait3A_1572 = arith.constant 0 : i32
    %dma_wait3A_1573 = tpu.memref_slice %arg5[%dma_wait3A_1571, %dma_wait3A_1572] : memref<128x256xf32, #tpu.memory_space<vmem>> -> memref<32x256xf32, #tpu.memory_space<vmem>>
    %dma_wait3A_1574 = arith.constant 0 : i32
    %dma_wait3A_1575 = tpu.memref_slice %arg3[%dma_wait3A_1570, %select_n3A, %multiple_of3A_699, %dma_wait3A_1574] : memref<16x4x1024x256xf32, #tpu.memory_space<hbm>> -> memref<1x1x32x256xf32, #tpu.memory_space<hbm>>
    %dma_wait3A_1576 = tpu.memref_squeeze %dma_wait3A_1575 : memref<1x1x32x256xf32, #tpu.memory_space<hbm>> -> memref<32x256xf32, #tpu.memory_space<hbm>>
    %dma_wait3A_1577 = arith.constant 0 : i32
    %dma_wait3A_1578 = tpu.memref_slice %arg3[%dma_wait3A_1570, %select_n3A, %multiple_of3A_699, %dma_wait3A_1577] : memref<16x4x1024x256xf32, #tpu.memory_space<hbm>> -> memref<1x1x32x256xf32, #tpu.memory_space<hbm>>
    %dma_wait3A_1579 = tpu.memref_squeeze %dma_wait3A_1578 : memref<1x1x32x256xf32, #tpu.memory_space<hbm>> -> memref<32x256xf32, #tpu.memory_space<hbm>>
    %dma_wait3A_1580 = arith.constant 96 : i32
    %dma_wait3A_1581 = arith.constant 0 : i32
    %dma_wait3A_1582 = tpu.memref_slice %arg5[%dma_wait3A_1580, %dma_wait3A_1581] : memref<128x256xf32, #tpu.memory_space<vmem>> -> memref<32x256xf32, #tpu.memory_space<vmem>>
    tpu.wait_dma2 semaphore(%arg6 : memref<!tpu.dma_semaphore, #tpu.memory_space<semaphore_mem>>) src(%dma_wait3A_1582 : memref<32x256xf32, #tpu.memory_space<vmem>>) dst(%dma_wait3A_1579 : memref<32x256xf32, #tpu.memory_space<hbm>>)
    %dma_wait3A_1583 = arith.constant 4 : i32
    %dma_wait3A_1584 = arith.constant 96 : i32
    %dma_wait3A_1585 = arith.constant 0 : i32
    %dma_wait3A_1586 = tpu.memref_slice %arg5[%dma_wait3A_1584, %dma_wait3A_1585] : memref<128x256xf32, #tpu.memory_space<vmem>> -> memref<32x256xf32, #tpu.memory_space<vmem>>
    %dma_wait3A_1587 = arith.constant 0 : i32
    %dma_wait3A_1588 = tpu.memref_slice %arg3[%dma_wait3A_1583, %select_n3A, %multiple_of3A_699, %dma_wait3A_1587] : memref<16x4x1024x256xf32, #tpu.memory_space<hbm>> -> memref<1x1x32x256xf32, #tpu.memory_space<hbm>>
    %dma_wait3A_1589 = tpu.memref_squeeze %dma_wait3A_1588 : memref<1x1x32x256xf32, #tpu.memory_space<hbm>> -> memref<32x256xf32, #tpu.memory_space<hbm>>
    %dma_wait3A_1590 = arith.constant 0 : i32
    %dma_wait3A_1591 = tpu.memref_slice %arg3[%dma_wait3A_1583, %select_n3A, %multiple_of3A_699, %dma_wait3A_1590] : memref<16x4x1024x256xf32, #tpu.memory_space<hbm>> -> memref<1x1x32x256xf32, #tpu.memory_space<hbm>>
    %dma_wait3A_1592 = tpu.memref_squeeze %dma_wait3A_1591 : memref<1x1x32x256xf32, #tpu.memory_space<hbm>> -> memref<32x256xf32, #tpu.memory_space<hbm>>
    %dma_wait3A_1593 = arith.constant 96 : i32
    %dma_wait3A_1594 = arith.constant 0 : i32
    %dma_wait3A_1595 = tpu.memref_slice %arg5[%dma_wait3A_1593, %dma_wait3A_1594] : memref<128x256xf32, #tpu.memory_space<vmem>> -> memref<32x256xf32, #tpu.memory_space<vmem>>
    tpu.wait_dma2 semaphore(%arg6 : memref<!tpu.dma_semaphore, #tpu.memory_space<semaphore_mem>>) src(%dma_wait3A_1595 : memref<32x256xf32, #tpu.memory_space<vmem>>) dst(%dma_wait3A_1592 : memref<32x256xf32, #tpu.memory_space<hbm>>)
    %dma_wait3A_1596 = arith.constant 5 : i32
    %dma_wait3A_1597 = arith.constant 96 : i32
    %dma_wait3A_1598 = arith.constant 0 : i32
    %dma_wait3A_1599 = tpu.memref_slice %arg5[%dma_wait3A_1597, %dma_wait3A_1598] : memref<128x256xf32, #tpu.memory_space<vmem>> -> memref<32x256xf32, #tpu.memory_space<vmem>>
    %dma_wait3A_1600 = arith.constant 0 : i32
    %dma_wait3A_1601 = tpu.memref_slice %arg3[%dma_wait3A_1596, %select_n3A, %multiple_of3A_699, %dma_wait3A_1600] : memref<16x4x1024x256xf32, #tpu.memory_space<hbm>> -> memref<1x1x32x256xf32, #tpu.memory_space<hbm>>
    %dma_wait3A_1602 = tpu.memref_squeeze %dma_wait3A_1601 : memref<1x1x32x256xf32, #tpu.memory_space<hbm>> -> memref<32x256xf32, #tpu.memory_space<hbm>>
    %dma_wait3A_1603 = arith.constant 0 : i32
    %dma_wait3A_1604 = tpu.memref_slice %arg3[%dma_wait3A_1596, %select_n3A, %multiple_of3A_699, %dma_wait3A_1603] : memref<16x4x1024x256xf32, #tpu.memory_space<hbm>> -> memref<1x1x32x256xf32, #tpu.memory_space<hbm>>
    %dma_wait3A_1605 = tpu.memref_squeeze %dma_wait3A_1604 : memref<1x1x32x256xf32, #tpu.memory_space<hbm>> -> memref<32x256xf32, #tpu.memory_space<hbm>>
    %dma_wait3A_1606 = arith.constant 96 : i32
    %dma_wait3A_1607 = arith.constant 0 : i32
    %dma_wait3A_1608 = tpu.memref_slice %arg5[%dma_wait3A_1606, %dma_wait3A_1607] : memref<128x256xf32, #tpu.memory_space<vmem>> -> memref<32x256xf32, #tpu.memory_space<vmem>>
    tpu.wait_dma2 semaphore(%arg6 : memref<!tpu.dma_semaphore, #tpu.memory_space<semaphore_mem>>) src(%dma_wait3A_1608 : memref<32x256xf32, #tpu.memory_space<vmem>>) dst(%dma_wait3A_1605 : memref<32x256xf32, #tpu.memory_space<hbm>>)
    %dma_wait3A_1609 = arith.constant 6 : i32
    %dma_wait3A_1610 = arith.constant 96 : i32
    %dma_wait3A_1611 = arith.constant 0 : i32
    %dma_wait3A_1612 = tpu.memref_slice %arg5[%dma_wait3A_1610, %dma_wait3A_1611] : memref<128x256xf32, #tpu.memory_space<vmem>> -> memref<32x256xf32, #tpu.memory_space<vmem>>
    %dma_wait3A_1613 = arith.constant 0 : i32
    %dma_wait3A_1614 = tpu.memref_slice %arg3[%dma_wait3A_1609, %select_n3A, %multiple_of3A_699, %dma_wait3A_1613] : memref<16x4x1024x256xf32, #tpu.memory_space<hbm>> -> memref<1x1x32x256xf32, #tpu.memory_space<hbm>>
    %dma_wait3A_1615 = tpu.memref_squeeze %dma_wait3A_1614 : memref<1x1x32x256xf32, #tpu.memory_space<hbm>> -> memref<32x256xf32, #tpu.memory_space<hbm>>
    %dma_wait3A_1616 = arith.constant 0 : i32
    %dma_wait3A_1617 = tpu.memref_slice %arg3[%dma_wait3A_1609, %select_n3A, %multiple_of3A_699, %dma_wait3A_1616] : memref<16x4x1024x256xf32, #tpu.memory_space<hbm>> -> memref<1x1x32x256xf32, #tpu.memory_space<hbm>>
    %dma_wait3A_1618 = tpu.memref_squeeze %dma_wait3A_1617 : memref<1x1x32x256xf32, #tpu.memory_space<hbm>> -> memref<32x256xf32, #tpu.memory_space<hbm>>
    %dma_wait3A_1619 = arith.constant 96 : i32
    %dma_wait3A_1620 = arith.constant 0 : i32
    %dma_wait3A_1621 = tpu.memref_slice %arg5[%dma_wait3A_1619, %dma_wait3A_1620] : memref<128x256xf32, #tpu.memory_space<vmem>> -> memref<32x256xf32, #tpu.memory_space<vmem>>
    tpu.wait_dma2 semaphore(%arg6 : memref<!tpu.dma_semaphore, #tpu.memory_space<semaphore_mem>>) src(%dma_wait3A_1621 : memref<32x256xf32, #tpu.memory_space<vmem>>) dst(%dma_wait3A_1618 : memref<32x256xf32, #tpu.memory_space<hbm>>)
    %dma_wait3A_1622 = arith.constant 7 : i32
    %dma_wait3A_1623 = arith.constant 96 : i32
    %dma_wait3A_1624 = arith.constant 0 : i32
    %dma_wait3A_1625 = tpu.memref_slice %arg5[%dma_wait3A_1623, %dma_wait3A_1624] : memref<128x256xf32, #tpu.memory_space<vmem>> -> memref<32x256xf32, #tpu.memory_space<vmem>>
    %dma_wait3A_1626 = arith.constant 0 : i32
    %dma_wait3A_1627 = tpu.memref_slice %arg3[%dma_wait3A_1622, %select_n3A, %multiple_of3A_699, %dma_wait3A_1626] : memref<16x4x1024x256xf32, #tpu.memory_space<hbm>> -> memref<1x1x32x256xf32, #tpu.memory_space<hbm>>
    %dma_wait3A_1628 = tpu.memref_squeeze %dma_wait3A_1627 : memref<1x1x32x256xf32, #tpu.memory_space<hbm>> -> memref<32x256xf32, #tpu.memory_space<hbm>>
    %dma_wait3A_1629 = arith.constant 0 : i32
    %dma_wait3A_1630 = tpu.memref_slice %arg3[%dma_wait3A_1622, %select_n3A, %multiple_of3A_699, %dma_wait3A_1629] : memref<16x4x1024x256xf32, #tpu.memory_space<hbm>> -> memref<1x1x32x256xf32, #tpu.memory_space<hbm>>
    %dma_wait3A_1631 = tpu.memref_squeeze %dma_wait3A_1630 : memref<1x1x32x256xf32, #tpu.memory_space<hbm>> -> memref<32x256xf32, #tpu.memory_space<hbm>>
    %dma_wait3A_1632 = arith.constant 96 : i32
    %dma_wait3A_1633 = arith.constant 0 : i32
    %dma_wait3A_1634 = tpu.memref_slice %arg5[%dma_wait3A_1632, %dma_wait3A_1633] : memref<128x256xf32, #tpu.memory_space<vmem>> -> memref<32x256xf32, #tpu.memory_space<vmem>>
    tpu.wait_dma2 semaphore(%arg6 : memref<!tpu.dma_semaphore, #tpu.memory_space<semaphore_mem>>) src(%dma_wait3A_1634 : memref<32x256xf32, #tpu.memory_space<vmem>>) dst(%dma_wait3A_1631 : memref<32x256xf32, #tpu.memory_space<hbm>>)
    %dma_wait3A_1635 = arith.constant 8 : i32
    %dma_wait3A_1636 = arith.constant 96 : i32
    %dma_wait3A_1637 = arith.constant 0 : i32
    %dma_wait3A_1638 = tpu.memref_slice %arg5[%dma_wait3A_1636, %dma_wait3A_1637] : memref<128x256xf32, #tpu.memory_space<vmem>> -> memref<32x256xf32, #tpu.memory_space<vmem>>
    %dma_wait3A_1639 = arith.constant 0 : i32
    %dma_wait3A_1640 = tpu.memref_slice %arg3[%dma_wait3A_1635, %select_n3A, %multiple_of3A_699, %dma_wait3A_1639] : memref<16x4x1024x256xf32, #tpu.memory_space<hbm>> -> memref<1x1x32x256xf32, #tpu.memory_space<hbm>>
    %dma_wait3A_1641 = tpu.memref_squeeze %dma_wait3A_1640 : memref<1x1x32x256xf32, #tpu.memory_space<hbm>> -> memref<32x256xf32, #tpu.memory_space<hbm>>
    %dma_wait3A_1642 = arith.constant 0 : i32
    %dma_wait3A_1643 = tpu.memref_slice %arg3[%dma_wait3A_1635, %select_n3A, %multiple_of3A_699, %dma_wait3A_1642] : memref<16x4x1024x256xf32, #tpu.memory_space<hbm>> -> memref<1x1x32x256xf32, #tpu.memory_space<hbm>>
    %dma_wait3A_1644 = tpu.memref_squeeze %dma_wait3A_1643 : memref<1x1x32x256xf32, #tpu.memory_space<hbm>> -> memref<32x256xf32, #tpu.memory_space<hbm>>
    %dma_wait3A_1645 = arith.constant 96 : i32
    %dma_wait3A_1646 = arith.constant 0 : i32
    %dma_wait3A_1647 = tpu.memref_slice %arg5[%dma_wait3A_1645, %dma_wait3A_1646] : memref<128x256xf32, #tpu.memory_space<vmem>> -> memref<32x256xf32, #tpu.memory_space<vmem>>
    tpu.wait_dma2 semaphore(%arg6 : memref<!tpu.dma_semaphore, #tpu.memory_space<semaphore_mem>>) src(%dma_wait3A_1647 : memref<32x256xf32, #tpu.memory_space<vmem>>) dst(%dma_wait3A_1644 : memref<32x256xf32, #tpu.memory_space<hbm>>)
    %dma_wait3A_1648 = arith.constant 9 : i32
    %dma_wait3A_1649 = arith.constant 96 : i32
    %dma_wait3A_1650 = arith.constant 0 : i32
    %dma_wait3A_1651 = tpu.memref_slice %arg5[%dma_wait3A_1649, %dma_wait3A_1650] : memref<128x256xf32, #tpu.memory_space<vmem>> -> memref<32x256xf32, #tpu.memory_space<vmem>>
    %dma_wait3A_1652 = arith.constant 0 : i32
    %dma_wait3A_1653 = tpu.memref_slice %arg3[%dma_wait3A_1648, %select_n3A, %multiple_of3A_699, %dma_wait3A_1652] : memref<16x4x1024x256xf32, #tpu.memory_space<hbm>> -> memref<1x1x32x256xf32, #tpu.memory_space<hbm>>
    %dma_wait3A_1654 = tpu.memref_squeeze %dma_wait3A_1653 : memref<1x1x32x256xf32, #tpu.memory_space<hbm>> -> memref<32x256xf32, #tpu.memory_space<hbm>>
    %dma_wait3A_1655 = arith.constant 0 : i32
    %dma_wait3A_1656 = tpu.memref_slice %arg3[%dma_wait3A_1648, %select_n3A, %multiple_of3A_699, %dma_wait3A_1655] : memref<16x4x1024x256xf32, #tpu.memory_space<hbm>> -> memref<1x1x32x256xf32, #tpu.memory_space<hbm>>
    %dma_wait3A_1657 = tpu.memref_squeeze %dma_wait3A_1656 : memref<1x1x32x256xf32, #tpu.memory_space<hbm>> -> memref<32x256xf32, #tpu.memory_space<hbm>>
    %dma_wait3A_1658 = arith.constant 96 : i32
    %dma_wait3A_1659 = arith.constant 0 : i32
    %dma_wait3A_1660 = tpu.memref_slice %arg5[%dma_wait3A_1658, %dma_wait3A_1659] : memref<128x256xf32, #tpu.memory_space<vmem>> -> memref<32x256xf32, #tpu.memory_space<vmem>>
    tpu.wait_dma2 semaphore(%arg6 : memref<!tpu.dma_semaphore, #tpu.memory_space<semaphore_mem>>) src(%dma_wait3A_1660 : memref<32x256xf32, #tpu.memory_space<vmem>>) dst(%dma_wait3A_1657 : memref<32x256xf32, #tpu.memory_space<hbm>>)
    %dma_wait3A_1661 = arith.constant 10 : i32
    %dma_wait3A_1662 = arith.constant 96 : i32
    %dma_wait3A_1663 = arith.constant 0 : i32
    %dma_wait3A_1664 = tpu.memref_slice %arg5[%dma_wait3A_1662, %dma_wait3A_1663] : memref<128x256xf32, #tpu.memory_space<vmem>> -> memref<32x256xf32, #tpu.memory_space<vmem>>
    %dma_wait3A_1665 = arith.constant 0 : i32
    %dma_wait3A_1666 = tpu.memref_slice %arg3[%dma_wait3A_1661, %select_n3A, %multiple_of3A_699, %dma_wait3A_1665] : memref<16x4x1024x256xf32, #tpu.memory_space<hbm>> -> memref<1x1x32x256xf32, #tpu.memory_space<hbm>>
    %dma_wait3A_1667 = tpu.memref_squeeze %dma_wait3A_1666 : memref<1x1x32x256xf32, #tpu.memory_space<hbm>> -> memref<32x256xf32, #tpu.memory_space<hbm>>
    %dma_wait3A_1668 = arith.constant 0 : i32
    %dma_wait3A_1669 = tpu.memref_slice %arg3[%dma_wait3A_1661, %select_n3A, %multiple_of3A_699, %dma_wait3A_1668] : memref<16x4x1024x256xf32, #tpu.memory_space<hbm>> -> memref<1x1x32x256xf32, #tpu.memory_space<hbm>>
    %dma_wait3A_1670 = tpu.memref_squeeze %dma_wait3A_1669 : memref<1x1x32x256xf32, #tpu.memory_space<hbm>> -> memref<32x256xf32, #tpu.memory_space<hbm>>
    %dma_wait3A_1671 = arith.constant 96 : i32
    %dma_wait3A_1672 = arith.constant 0 : i32
    %dma_wait3A_1673 = tpu.memref_slice %arg5[%dma_wait3A_1671, %dma_wait3A_1672] : memref<128x256xf32, #tpu.memory_space<vmem>> -> memref<32x256xf32, #tpu.memory_space<vmem>>
    tpu.wait_dma2 semaphore(%arg6 : memref<!tpu.dma_semaphore, #tpu.memory_space<semaphore_mem>>) src(%dma_wait3A_1673 : memref<32x256xf32, #tpu.memory_space<vmem>>) dst(%dma_wait3A_1670 : memref<32x256xf32, #tpu.memory_space<hbm>>)
    %dma_wait3A_1674 = arith.constant 11 : i32
    %dma_wait3A_1675 = arith.constant 96 : i32
    %dma_wait3A_1676 = arith.constant 0 : i32
    %dma_wait3A_1677 = tpu.memref_slice %arg5[%dma_wait3A_1675, %dma_wait3A_1676] : memref<128x256xf32, #tpu.memory_space<vmem>> -> memref<32x256xf32, #tpu.memory_space<vmem>>
    %dma_wait3A_1678 = arith.constant 0 : i32
    %dma_wait3A_1679 = tpu.memref_slice %arg3[%dma_wait3A_1674, %select_n3A, %multiple_of3A_699, %dma_wait3A_1678] : memref<16x4x1024x256xf32, #tpu.memory_space<hbm>> -> memref<1x1x32x256xf32, #tpu.memory_space<hbm>>
    %dma_wait3A_1680 = tpu.memref_squeeze %dma_wait3A_1679 : memref<1x1x32x256xf32, #tpu.memory_space<hbm>> -> memref<32x256xf32, #tpu.memory_space<hbm>>
    %dma_wait3A_1681 = arith.constant 0 : i32
    %dma_wait3A_1682 = tpu.memref_slice %arg3[%dma_wait3A_1674, %select_n3A, %multiple_of3A_699, %dma_wait3A_1681] : memref<16x4x1024x256xf32, #tpu.memory_space<hbm>> -> memref<1x1x32x256xf32, #tpu.memory_space<hbm>>
    %dma_wait3A_1683 = tpu.memref_squeeze %dma_wait3A_1682 : memref<1x1x32x256xf32, #tpu.memory_space<hbm>> -> memref<32x256xf32, #tpu.memory_space<hbm>>
    %dma_wait3A_1684 = arith.constant 96 : i32
    %dma_wait3A_1685 = arith.constant 0 : i32
    %dma_wait3A_1686 = tpu.memref_slice %arg5[%dma_wait3A_1684, %dma_wait3A_1685] : memref<128x256xf32, #tpu.memory_space<vmem>> -> memref<32x256xf32, #tpu.memory_space<vmem>>
    tpu.wait_dma2 semaphore(%arg6 : memref<!tpu.dma_semaphore, #tpu.memory_space<semaphore_mem>>) src(%dma_wait3A_1686 : memref<32x256xf32, #tpu.memory_space<vmem>>) dst(%dma_wait3A_1683 : memref<32x256xf32, #tpu.memory_space<hbm>>)
    %dma_wait3A_1687 = arith.constant 12 : i32
    %dma_wait3A_1688 = arith.constant 96 : i32
    %dma_wait3A_1689 = arith.constant 0 : i32
    %dma_wait3A_1690 = tpu.memref_slice %arg5[%dma_wait3A_1688, %dma_wait3A_1689] : memref<128x256xf32, #tpu.memory_space<vmem>> -> memref<32x256xf32, #tpu.memory_space<vmem>>
    %dma_wait3A_1691 = arith.constant 0 : i32
    %dma_wait3A_1692 = tpu.memref_slice %arg3[%dma_wait3A_1687, %select_n3A, %multiple_of3A_699, %dma_wait3A_1691] : memref<16x4x1024x256xf32, #tpu.memory_space<hbm>> -> memref<1x1x32x256xf32, #tpu.memory_space<hbm>>
    %dma_wait3A_1693 = tpu.memref_squeeze %dma_wait3A_1692 : memref<1x1x32x256xf32, #tpu.memory_space<hbm>> -> memref<32x256xf32, #tpu.memory_space<hbm>>
    %dma_wait3A_1694 = arith.constant 0 : i32
    %dma_wait3A_1695 = tpu.memref_slice %arg3[%dma_wait3A_1687, %select_n3A, %multiple_of3A_699, %dma_wait3A_1694] : memref<16x4x1024x256xf32, #tpu.memory_space<hbm>> -> memref<1x1x32x256xf32, #tpu.memory_space<hbm>>
    %dma_wait3A_1696 = tpu.memref_squeeze %dma_wait3A_1695 : memref<1x1x32x256xf32, #tpu.memory_space<hbm>> -> memref<32x256xf32, #tpu.memory_space<hbm>>
    %dma_wait3A_1697 = arith.constant 96 : i32
    %dma_wait3A_1698 = arith.constant 0 : i32
    %dma_wait3A_1699 = tpu.memref_slice %arg5[%dma_wait3A_1697, %dma_wait3A_1698] : memref<128x256xf32, #tpu.memory_space<vmem>> -> memref<32x256xf32, #tpu.memory_space<vmem>>
    tpu.wait_dma2 semaphore(%arg6 : memref<!tpu.dma_semaphore, #tpu.memory_space<semaphore_mem>>) src(%dma_wait3A_1699 : memref<32x256xf32, #tpu.memory_space<vmem>>) dst(%dma_wait3A_1696 : memref<32x256xf32, #tpu.memory_space<hbm>>)
    %dma_wait3A_1700 = arith.constant 13 : i32
    %dma_wait3A_1701 = arith.constant 96 : i32
    %dma_wait3A_1702 = arith.constant 0 : i32
    %dma_wait3A_1703 = tpu.memref_slice %arg5[%dma_wait3A_1701, %dma_wait3A_1702] : memref<128x256xf32, #tpu.memory_space<vmem>> -> memref<32x256xf32, #tpu.memory_space<vmem>>
    %dma_wait3A_1704 = arith.constant 0 : i32
    %dma_wait3A_1705 = tpu.memref_slice %arg3[%dma_wait3A_1700, %select_n3A, %multiple_of3A_699, %dma_wait3A_1704] : memref<16x4x1024x256xf32, #tpu.memory_space<hbm>> -> memref<1x1x32x256xf32, #tpu.memory_space<hbm>>
    %dma_wait3A_1706 = tpu.memref_squeeze %dma_wait3A_1705 : memref<1x1x32x256xf32, #tpu.memory_space<hbm>> -> memref<32x256xf32, #tpu.memory_space<hbm>>
    %dma_wait3A_1707 = arith.constant 0 : i32
    %dma_wait3A_1708 = tpu.memref_slice %arg3[%dma_wait3A_1700, %select_n3A, %multiple_of3A_699, %dma_wait3A_1707] : memref<16x4x1024x256xf32, #tpu.memory_space<hbm>> -> memref<1x1x32x256xf32, #tpu.memory_space<hbm>>
    %dma_wait3A_1709 = tpu.memref_squeeze %dma_wait3A_1708 : memref<1x1x32x256xf32, #tpu.memory_space<hbm>> -> memref<32x256xf32, #tpu.memory_space<hbm>>
    %dma_wait3A_1710 = arith.constant 96 : i32
    %dma_wait3A_1711 = arith.constant 0 : i32
    %dma_wait3A_1712 = tpu.memref_slice %arg5[%dma_wait3A_1710, %dma_wait3A_1711] : memref<128x256xf32, #tpu.memory_space<vmem>> -> memref<32x256xf32, #tpu.memory_space<vmem>>
    tpu.wait_dma2 semaphore(%arg6 : memref<!tpu.dma_semaphore, #tpu.memory_space<semaphore_mem>>) src(%dma_wait3A_1712 : memref<32x256xf32, #tpu.memory_space<vmem>>) dst(%dma_wait3A_1709 : memref<32x256xf32, #tpu.memory_space<hbm>>)
    %dma_wait3A_1713 = arith.constant 14 : i32
    %dma_wait3A_1714 = arith.constant 96 : i32
    %dma_wait3A_1715 = arith.constant 0 : i32
    %dma_wait3A_1716 = tpu.memref_slice %arg5[%dma_wait3A_1714, %dma_wait3A_1715] : memref<128x256xf32, #tpu.memory_space<vmem>> -> memref<32x256xf32, #tpu.memory_space<vmem>>
    %dma_wait3A_1717 = arith.constant 0 : i32
    %dma_wait3A_1718 = tpu.memref_slice %arg3[%dma_wait3A_1713, %select_n3A, %multiple_of3A_699, %dma_wait3A_1717] : memref<16x4x1024x256xf32, #tpu.memory_space<hbm>> -> memref<1x1x32x256xf32, #tpu.memory_space<hbm>>
    %dma_wait3A_1719 = tpu.memref_squeeze %dma_wait3A_1718 : memref<1x1x32x256xf32, #tpu.memory_space<hbm>> -> memref<32x256xf32, #tpu.memory_space<hbm>>
    %dma_wait3A_1720 = arith.constant 0 : i32
    %dma_wait3A_1721 = tpu.memref_slice %arg3[%dma_wait3A_1713, %select_n3A, %multiple_of3A_699, %dma_wait3A_1720] : memref<16x4x1024x256xf32, #tpu.memory_space<hbm>> -> memref<1x1x32x256xf32, #tpu.memory_space<hbm>>
    %dma_wait3A_1722 = tpu.memref_squeeze %dma_wait3A_1721 : memref<1x1x32x256xf32, #tpu.memory_space<hbm>> -> memref<32x256xf32, #tpu.memory_space<hbm>>
    %dma_wait3A_1723 = arith.constant 96 : i32
    %dma_wait3A_1724 = arith.constant 0 : i32
    %dma_wait3A_1725 = tpu.memref_slice %arg5[%dma_wait3A_1723, %dma_wait3A_1724] : memref<128x256xf32, #tpu.memory_space<vmem>> -> memref<32x256xf32, #tpu.memory_space<vmem>>
    tpu.wait_dma2 semaphore(%arg6 : memref<!tpu.dma_semaphore, #tpu.memory_space<semaphore_mem>>) src(%dma_wait3A_1725 : memref<32x256xf32, #tpu.memory_space<vmem>>) dst(%dma_wait3A_1722 : memref<32x256xf32, #tpu.memory_space<hbm>>)
    %dma_wait3A_1726 = arith.constant 15 : i32
    %dma_wait3A_1727 = arith.constant 96 : i32
    %dma_wait3A_1728 = arith.constant 0 : i32
    %dma_wait3A_1729 = tpu.memref_slice %arg5[%dma_wait3A_1727, %dma_wait3A_1728] : memref<128x256xf32, #tpu.memory_space<vmem>> -> memref<32x256xf32, #tpu.memory_space<vmem>>
    %dma_wait3A_1730 = arith.constant 0 : i32
    %dma_wait3A_1731 = tpu.memref_slice %arg3[%dma_wait3A_1726, %select_n3A, %multiple_of3A_699, %dma_wait3A_1730] : memref<16x4x1024x256xf32, #tpu.memory_space<hbm>> -> memref<1x1x32x256xf32, #tpu.memory_space<hbm>>
    %dma_wait3A_1732 = tpu.memref_squeeze %dma_wait3A_1731 : memref<1x1x32x256xf32, #tpu.memory_space<hbm>> -> memref<32x256xf32, #tpu.memory_space<hbm>>
    %dma_wait3A_1733 = arith.constant 0 : i32
    %dma_wait3A_1734 = tpu.memref_slice %arg3[%dma_wait3A_1726, %select_n3A, %multiple_of3A_699, %dma_wait3A_1733] : memref<16x4x1024x256xf32, #tpu.memory_space<hbm>> -> memref<1x1x32x256xf32, #tpu.memory_space<hbm>>
    %dma_wait3A_1735 = tpu.memref_squeeze %dma_wait3A_1734 : memref<1x1x32x256xf32, #tpu.memory_space<hbm>> -> memref<32x256xf32, #tpu.memory_space<hbm>>
    %dma_wait3A_1736 = arith.constant 96 : i32
    %dma_wait3A_1737 = arith.constant 0 : i32
    %dma_wait3A_1738 = tpu.memref_slice %arg5[%dma_wait3A_1736, %dma_wait3A_1737] : memref<128x256xf32, #tpu.memory_space<vmem>> -> memref<32x256xf32, #tpu.memory_space<vmem>>
    tpu.wait_dma2 semaphore(%arg6 : memref<!tpu.dma_semaphore, #tpu.memory_space<semaphore_mem>>) src(%dma_wait3A_1738 : memref<32x256xf32, #tpu.memory_space<vmem>>) dst(%dma_wait3A_1735 : memref<32x256xf32, #tpu.memory_space<hbm>>)
    return
  }
}

</mosaic_0001>

<sc_bundles>
// kernel: kernel.3.cloned.1.call-start
scs
__scs_entry_jumppad:
0x0: {  	(pc) =	sbr.rel $0x88, $3  }
0x1: {  	(tag) =	ssettag $0x0;
	lr =	simm.s32 $0x1  }
0x2: {  	[smem:$0x3FA0] =	sst lr;
	_ =	strace $0xD0000000  }
0x3: {  	_ = 	snop  }
0x4: {  	_ = 	snop  }
0x5: {  	_ = 	snop  }
0x6: {  	_ = 	snop  }
0x7: {  	_ = 	snop  }
__scs_overlays_trampoline_lowered:
0x8: {  	[smem:$0x3FAF] =	sst s0  }
0x9: {  	[smem:$0x3FB0] =	sst s1  }
0xa: {  	[smem:$0x3FB1] =	sst s2  }
0xb: {  	[smem:$0x3FB2] =	sst s3  }
0xc: {  	[smem:$0x3FB3] =	sst s4  }
0xd: {  	[smem:$0x3FB4] =	sst s5  }
0xe: {  	[smem:$0x3FB5] =	sst s6  }
0xf: {  	[smem:$0x3FB6] =	sst s7  }
0x10: {  	[smem:$0x3FB7] =	sst s8  }
0x11: {  	[smem:$0x3FB8] =	sst s9;
	s0 =	simm.s32 @!p0 $0x0  }
0x12: {  	s1 =	sld [smem:$0x3F9E];
	s0 =	simm.s32 @p0 $0x1  }
0x13: {  	[smem:$0x3FB9] =	sst s0;
	s0 =	simm.s32 @!p1 $0x0  }
0x14: {  	s2 =	sld [smem:$0x3F9D];
	s0 =	simm.s32 @p1 $0x1  }
0x15: {  	[smem:$0x3FBA] =	sst s0;
	s0 =	simm.s32 @!p2 $0x0  }
0x16: {  	s3 =	sld [smem:$0x3FDB];
	s0 =	simm.s32 @p2 $0x1  }
0x17: {  	s4 =	simm.s32 $0x1BF5;
	[smem:$0x3FBC] =	sst s0  }
0x18: {  	s0 =	sld [smem:$0x3F9F];
	_ =	swait.ge [sflag:s4], $0x0  }
0x19: {  	s7 =	sld [smem:$0x3FA0]  }
0x1a: {  	s8 =	sadd.s32 $0xFFFFE003, lr  }
0x1b: {  	s9 =	sadd.s32 $0xFFFFFEF7, lr;
	s5 =	simm.s32 $0xFFFFFFFF;
	p2 =	slt.u32 s8, $0xFFFFF086  }
0x1c: {  	p1 =	slt.u32 s9, $0xF7A;
	s5 =	simm.s32 @!p2 $0x0  }
0x1d: {  	s5 =	simm.s32 @p1 $0x1;
	p0 =	seq.s32 s7, s2  }
0x1e: {  	s7 =	smul.u32 @!p0 $0xF7A, s2;
	p2 =	seq.s32 @!p0 s5, $0x0  }
0x1f: {  	s9 =	smul.u32 $0xF7A, s1;
	s8 =	simm.s32 @!p0 $0x1BF5;
	p2 =	por !p2, p0  }
0x20: {  	[sflag:s8] =	ssyncset.s32 @!p0 $0xFFFFF086;
	s6 =	sadd.s32 @!p0 s3, s7;
	s7 =	simm.s32 @!p0 $0x108  }
0x21: {  	s3 =	sadd.s32 s3, s9;
	s6 =	sadd.s32 @!p0 $0x88, s6;
	s7 =	simm.s32 @p2 $0x1082  }
0x22: {  	[simem:s7], [sflag:s8] =	dma.local @!p0 [hbm:s6], $0xF7A  }
0x23: {  	s9 =	sor.u32 $0xD0000000, s2;
	s6 =	simm.s32 $0x108;
	_ =	swait.ge @!p0 [sflag:s8], $0x0  }
0x24: {  	s3 =	sadd.s32 $0x88, s3;
	s6 =	simm.s32 @!p1 $0x1082;
	[sflag:s4] =	ssyncset.s32 $0xFFFFF086  }
0x25: {  	[simem:s6], [sflag:s4] =	dma.local [hbm:s3], $0xF7A  }
0x26: {  	[smem:$0x3FA0] =	sst s1;
	(tag) =	ssettag s2;
	_ =	strace s9  }
0x27: {  	s1 =	sld [smem:$0x3FB0]  }
0x28: {  	s2 =	sld [smem:$0x3FB1]  }
0x29: {  	s4 =	sld [smem:$0x3FB3]  }
0x2a: {  	p0 =	seq.s32 s5, $0x0;
	s5 =	sld [smem:$0x3FB4]  }
0x2b: {  	s6 =	sld [smem:$0x3FB5]  }
0x2c: {  	s7 =	sld [smem:$0x3FB6]  }
0x2d: {  	s3 =	simm.s32 $0x108;
	s8 =	sld [smem:$0x3FB7]  }
0x2e: {  	s3 =	simm.s32 @!p0 $0x1082;
	s9 =	sld [smem:$0x3FB8]  }
0x2f: {  	lr =	sadd.s32 s0, s3;
	s0 =	sld [smem:$0x3FAF]  }
0x30: {  	s3 =	sld [smem:$0x3FB2]  }
0x31: {  	[smem:$0x3FBB] =	sst s10  }
0x32: {  	s10 =	sld [smem:$0x3FB9];
	_ =	sdelay $0x3  }
0x33: {  	p0 =	seq.s32 s10, $0x1;
	s10 =	sld [smem:$0x3FBB];
	_ =	sdelay $0x3  }
0x34: {  	[smem:$0x3FBB] =	sst s10  }
0x35: {  	s10 =	sld [smem:$0x3FBA];
	_ =	sdelay $0x3  }
0x36: {  	p1 =	seq.s32 s10, $0x1;
	s10 =	sld [smem:$0x3FBB];
	_ =	sdelay $0x3  }
0x37: {  	[smem:$0x3FBB] =	sst s10  }
0x38: {  	s10 =	sld [smem:$0x3FBC]  }
0x39: {  	_ = 	snop;
	(pc) =	sbr.ind lr, $3  }
0x3a: {  	_ = 	snop  }
0x3b: {  	_ = 	snop  }
0x3c: {  	p2 =	seq.s32 s10, $0x1;
	s10 =	sld [smem:$0x3FBB]  }
0x3d: {  	_ =	shalt  }
0x3e: {  	_ =	shalt  }
0x3f: {  	_ =	shalt  }
0x40: {  	_ =	shalt  }
0x41: {  	_ =	shalt  }
0x42: {  	_ =	shalt  }
0x43: {  	_ =	shalt  }
0x44: {  	_ =	shalt  }
0x45: {  	_ =	shalt  }
0x46: {  	_ =	shalt  }
0x47: {  	_ =	shalt  }
0x48: {  	_ =	shalt  }
0x49: {  	_ =	shalt  }
0x4a: {  	_ =	shalt  }
0x4b: {  	_ =	shalt  }
0x4c: {  	_ =	shalt  }
0x4d: {  	_ =	shalt  }
0x4e: {  	_ =	shalt  }
0x4f: {  	_ =	shalt  }
0x50: {  	_ =	shalt  }
0x51: {  	_ =	shalt  }
0x52: {  	_ =	shalt  }
0x53: {  	_ =	shalt  }
0x54: {  	_ =	shalt  }
0x55: {  	_ =	shalt  }
0x56: {  	_ =	shalt  }
0x57: {  	_ =	shalt  }
0x58: {  	_ =	shalt  }
0x59: {  	_ =	shalt  }
0x5a: {  	_ =	shalt  }
0x5b: {  	_ =	shalt  }
0x5c: {  	_ =	shalt  }
0x5d: {  	_ =	shalt  }
0x5e: {  	_ =	shalt  }
0x5f: {  	_ =	shalt  }
0x60: {  	_ =	shalt  }
0x61: {  	_ =	shalt  }
0x62: {  	_ =	shalt  }
0x63: {  	_ =	shalt  }
0x64: {  	_ =	shalt  }
0x65: {  	_ =	shalt  }
0x66: {  	_ =	shalt  }
0x67: {  	_ =	shalt  }
0x68: {  	_ =	shalt  }
0x69: {  	_ =	shalt  }
0x6a: {  	_ =	shalt  }
0x6b: {  	_ =	shalt  }
0x6c: {  	_ =	shalt  }
0x6d: {  	_ =	shalt  }
0x6e: {  	_ =	shalt  }
0x6f: {  	_ =	shalt  }
0x70: {  	_ =	shalt  }
0x71: {  	_ =	shalt  }
0x72: {  	_ =	shalt  }
0x73: {  	_ =	shalt  }
0x74: {  	_ =	shalt  }
0x75: {  	_ =	shalt  }
0x76: {  	_ =	shalt  }
0x77: {  	_ =	shalt  }
0x78: {  	_ =	shalt  }
0x79: {  	_ =	shalt  }
0x7a: {  	_ =	shalt  }
0x7b: {  	_ =	shalt  }
0x7c: {  	_ =	shalt  }
0x7d: {  	_ =	shalt  }
0x7e: {  	_ =	shalt  }
0x7f: {  	_ =	shalt  }
0x80: {  	_ =	shalt  }
0x81: {  	_ =	shalt  }
0x82: {  	_ =	shalt  }
0x83: {  	_ =	shalt  }
0x84: {  	_ =	shalt  }
0x85: {  	_ =	shalt  }
0x86: {  	_ =	shalt  }
0x87: {  	_ =	shalt  }
.Lfunc_end0:
.L_simem_size_0:
called_computation_lowered:
.L_overlay_start_0:
0x88: {  	s2 =	sld [smem:$0x3FD9]  }
0x89: {  	s3 =	sld [smem:$0x3FFE];
	_ =	sdelay $0x1  }
0x8a: {  	s1 =	srdreg.scid  }
0x8b: {  	s0 =	sand.u32 $0x1, s1  }
0x8c: {  	s18 =	sshll.u32 s0, $0xA;
	s2 =	sadd.s32 s3, s2  }
0x8d: {  	s2 =	sadd.s32 s2, s18  }
0x8e: {  	[smem:$0x3FC7] =	sst s2  }
0x8f: {  	_ = 	snop  }
0x90: {  	s2 =	sld [smem:$0x3FC9]  }
0x91: {  	s19 =	sld [smem:$0x3FD0];
	(tm) =	ssettm $0x1  }
0x92: {  	s4 =	sld [smem:$0x3FFB];
	_ =	sdelay $0x3  }
0x93: {  	_ =	strace s4  }
0x94: {  	s4 =	sld [smem:$0x3FFC];
	_ =	sdelay $0x3  }
0x95: {  	_ =	strace s4  }
0x96: {  	s4 =	sld [smem:$0x3FFD];
	_ =	sdelay $0x3  }
0x97: {  	_ =	strace s4  }
0x98: {  	_ =	strace $0x8FFFFFFF  }
0x99: {  	s20 =	sld [smem:$0x3FDB];
	_ =	sdelay $0x1  }
0x9a: {  	s5 =	simm.s32 $_scs_section_size  }
0x9b: {  	s6 =	simm.s32 $_size__tile_overlayer_lowered;
	s7 =	simm.s32 $_tile_overlayer_lowered  }
0x9c: {  	s23 =	simm.s32 $0x1BFF;
	s22 =	sshll.u32 s7, $0x1;
	s4 =	sadd.s32 s5, s20  }
0x9d: {  	s8 =	simm.s32 $0x0;
	s21 =	sshll.u32 s6, $0x1;
	s6 =	sadd.s32 s22, s4  }
0x9e: {  	[timem:s8], [sflag:s23] =	dma.local [hbm:s6], s21  }
0x9f: {  	_ =	swait.ge [sflag:s23], s21  }
0xa0: {  	s5 =	ssub.s32 $0x0, s21;
	[sflag:s23] =	ssyncset.done $0x0  }
0xa1: {  	[sflag:s23] =	ssyncadd.s32 s5;
	_ =	sdelay $0x1  }
0xa2: {  	s24 =	simm.s32 $0x1B8B  }
0xa3: {  	_ =	swait.ge [sflag:s24], $0x1  }
0xa4: {  	[sflag:s24] =	ssyncset.done $0x0  }
0xa5: {  	s25 =	simm.s32 $0x1B8E;
	[sflag:s24] =	ssyncadd.s32 $0xFFFFFFFF  }
0xa6: {  	s26 =	simm.s32 $execute0_lowered;
	[smem:$0x3FD2] =	sst s25  }
0xa7: {  	s5 =	sshll.u32 s26, $0x1;
	_ =	strace $0x80000046;
	[dreg:$0x1] =	wrdreg $0xFFFFFFFF  }
0xa8: {  	s28 =	simm.s32 $_size_execute0_lowered;
	s4 =	sadd.s32 s4, s5;
	[dreg:$0x0] =	wrdreg $0x0  }
0xa9: {  	s5 =	sshll.u32 s28, $0x1;
	[dreg:$0x2] =	wrdreg s4  }
0xaa: {  	[dreg:$0x3] =	wrdreg s5  }
0xab: {  	[dreg:$0x4] =	wrdreg $0xC0  }
0xac: {  	_ =	task [dreg:s8], $0x5FFFF  }
0xad: {  	[dreg:$0x1] =	wrdreg $0xFFFFFFFF  }
0xae: {  	[dreg:$0x0] =	wrdreg $0x60  }
0xaf: {  	[dreg:$0x2] =	wrdreg s2  }
0xb0: {  	[dreg:$0x3] =	wrdreg s19  }
0xb1: {  	[dreg:$0x4] =	wrdreg $0x9  }
0xb2: {  	_ =	task.clear_ibuf [dreg:s8], $0x5FFFF;
	_ =	strace $0x90000046  }
0xb3: {  	s29 =	simm.s32 $0x9;
	_ =	strace $0x80000048  }
0xb4: {  	_ =	swait.ge [sflag:s29], $0x1  }
0xb5: {  	[sflag:s29] =	ssyncadd.s32 $0xFFFFFFFF  }
0xb6: {  	_ =	strace $0x90000048  }
0xb7: {  	_ =	sfence  }
0xb8: {  	s30 =	sld [smem:$0x0];
	_ =	sdelay $0x2  }
0xb9: {  	s31 =	sshll.u32 s1, $0xD;
	s1 =	sshrl.u32 s1, $0x2  }
0xba: {  	s3 =	sand.u32 $0x4000, s31;
	s1 =	sadd.s32 s1, s30  }
0xbb: {  	s0 =	sor.u32 s3, s0;
	s1 =	sshll.u32 s1, $0x11  }
0xbc: {  	s0 =	sor.u32 s1, s0  }
0xbd: {  	s0 =	sadd.s32 $0x8F2B, s0  }
0xbe: {  	[sflag:s0] =	ssyncadd.remote.s32 $0x1  }
0xbf: {  	_ =	sfence.sel $0xFFFF  }
0xc0: {  	[dreg:$0x0] =	wrdreg $0xFFFFFFFF;
	(pc) =	sbr.abs _section_cstart, $3  }
0xc1: {  	[dreg:$0x1] =	wrdreg $0xFFFFFFFF  }
0xc2: {  	_ =	task.clear_ibuf [dreg:s8], $0x2FFFF;
	_ =	strace $0x9FFFFFFF  }
0xc3: {  	(tm) =	ssettm $0x7FFFFFFF  }
tec
execute0_lowered:
.L_overlay_start_1:
0x0: {  	(tag) =	ssettag $0x1  }
0x1: {  	s21 =	stileid.u32  }
0x2: {  	s0 =	srdreg.scid;
	s1 =	sshll.u32 s21, $0x1  }
0x3: {  	s3 =	rddreg [dreg:$0x0];
	s9 =	sand.u32 $0x1, s0;
	s29 =	sand.u32 $0x6, s1  }
0x4: {  	s4 =	sshrl.u32 s21, $0x2;
	s5 =	ssub.s32 $0x2, s9;
	s2 =	sor.u32 s9, s29  }
0x5: {  	s6 =	sshll.u32 s4, $0x11;
	s4 =	sshll.u32 s4, $0xF;
	s0 =	sshll.u32 s2, $0x6  }
0x6: {  	s8 =	sshrl.u32 s5, $0x1;
	s2 =	sshll.u32 s2, $0xC;
	s0 =	smax.u32 s0, $0x8  }
0x7: {  	s11 =	ssub.s32 s5, s8;
	s19 =	sor.u32 s4, s2;
	s0 =	smin.u32 s0, $0x1B8  }
0x8: {  	s20 =	sor.u32 $0x400, s19;
	s1 =	sadd.s32 $0xFFFFFFF8, s0;
	s0 =	rddreg [dreg:$0x1]  }
0x9: {  	s7 =	sshll.u32 s1, $0x8;
	s2 =	sadd.s32 $0x20000, s0;
	s22 =	sadd.s32 s0, s20  }
0xa: {  	s4 =	sadd.s32 $0x60000, s0;
	[dreg:$0x4] =	wrdreg s22;
	s31 =	sadd.s32 s20, s2  }
0xb: {  	s8 =	sadd.s32 $0xA0000, s0;
	s24 =	sadd.s32 s20, s4;
	[dreg:$0x5] =	wrdreg s31  }
0xc: {  	s10 =	sadd.s32 $0xC0000, s0;
	s26 =	sadd.s32 s20, s8;
	[dreg:$0x7] =	wrdreg s24  }
0xd: {  	s12 =	sadd.s32 $0xE0000, s0;
	s28 =	sadd.s32 s20, s10;
	[dreg:$0x9] =	wrdreg s26  }
0xe: {  	s6 =	sadd.s32 s6, s7;
	s29 =	sadd.s32 s20, s12;
	[dreg:$0xa] =	wrdreg s28  }
0xf: {  	s7 =	sadd.s32 $0x80000, s0;
	s22 =	sadd.s32 s0, s19;
	[dreg:$0xb] =	wrdreg s29  }
0x10: {  	s13 =	sadd.s32 $0x100000, s0;
	s25 =	sadd.s32 s20, s7;
	[smem:$0x7E1] =	sst s22  }
0x11: {  	s15 =	sadd.s32 $0x140000, s0;
	s31 =	sadd.s32 s20, s13;
	[dreg:$0x8] =	wrdreg s25  }
0x12: {  	s17 =	sadd.s32 $0x180000, s0;
	s24 =	sadd.s32 s20, s15;
	[dreg:$0xc] =	wrdreg s31  }
0x13: {  	s18 =	sadd.s32 $0x1A0000, s0;
	s26 =	sadd.s32 s20, s17;
	[dreg:$0xe] =	wrdreg s24  }
0x14: {  	s5 =	sadd.s32 $0x1C0000, s0;
	s28 =	sadd.s32 s20, s18;
	[dreg:$0x10] =	wrdreg s26  }
0x15: {  	s14 =	sadd.s32 $0x120000, s0;
	s29 =	sadd.s32 s20, s5;
	[dreg:$0x11] =	wrdreg s28  }
0x16: {  	s6 =	sshrl.u32 s6, $0x3;
	s22 =	sadd.s32 s19, s13;
	[dreg:$0x12] =	wrdreg s29  }
0x17: {  	s16 =	sadd.s32 $0x160000, s0;
	s3 =	sadd.s32 s3, s6;
	[smem:$0x7E9] =	sst s22  }
0x18: {  	s25 =	sadd.s32 s20, s16;
	[dreg:$0x3] =	wrdreg s3;
	s3 =	sadd.s32 $0x40000, s0  }
0x19: {  	s6 =	sadd.s32 $0x1E0000, s0;
	[dreg:$0xf] =	wrdreg s25;
	s23 =	sadd.s32 s20, s3  }
0x1a: {  	[dreg:$0x6] =	wrdreg s23;
	s23 =	sadd.s32 s20, s14;
	s20 =	sadd.s32 s20, s6  }
0x1b: {  	[dreg:$0x13] =	wrdreg s20;
	s20 =	sor.u32 $0x800, s19  }
0x1c: {  	[dreg:$0xd] =	wrdreg s23;
	s31 =	sadd.s32 s0, s20  }
0x1d: {  	s23 =	sadd.s32 s20, s2;
	[dreg:$0x14] =	wrdreg s31  }
0x1e: {  	s24 =	sadd.s32 s20, s3;
	[dreg:$0x15] =	wrdreg s23  }
0x1f: {  	s25 =	sadd.s32 s20, s4;
	[dreg:$0x16] =	wrdreg s24  }
0x20: {  	s26 =	sadd.s32 s20, s7;
	[dreg:$0x17] =	wrdreg s25  }
0x21: {  	s28 =	sadd.s32 s20, s8;
	[dreg:$0x18] =	wrdreg s26  }
0x22: {  	s29 =	sadd.s32 s20, s10;
	[dreg:$0x19] =	wrdreg s28  }
0x23: {  	[dreg:$0x1a] =	wrdreg s29;
	s31 =	sadd.s32 s20, s12  }
0x24: {  	s23 =	sadd.s32 s20, s13;
	[dreg:$0x1b] =	wrdreg s31  }
0x25: {  	s24 =	sadd.s32 s20, s14;
	[dreg:$0x1c] =	wrdreg s23  }
0x26: {  	s25 =	sadd.s32 s20, s15;
	[dreg:$0x1d] =	wrdreg s24  }
0x27: {  	s26 =	sadd.s32 s20, s16;
	[dreg:$0x1e] =	wrdreg s25  }
0x28: {  	s28 =	sadd.s32 s20, s17;
	[dreg:$0x1f] =	wrdreg s26  }
0x29: {  	s29 =	sadd.s32 s20, s18;
	[smem:$0x7DD] =	sst s28  }
0x2a: {  	[smem:$0x7DE] =	sst s29;
	s31 =	sadd.s32 s20, s5  }
0x2b: {  	s20 =	sadd.s32 s20, s6;
	[smem:$0x7DF] =	sst s31  }
0x2c: {  	s23 =	sadd.s32 s19, s2;
	[smem:$0x7E0] =	sst s20  }
0x2d: {  	s24 =	sadd.s32 s19, s3;
	[smem:$0x7E2] =	sst s23  }
0x2e: {  	s25 =	sadd.s32 s19, s4;
	[smem:$0x7E3] =	sst s24  }
0x2f: {  	s26 =	sadd.s32 s19, s7;
	[smem:$0x7E4] =	sst s25  }
0x30: {  	s28 =	sadd.s32 s19, s8;
	[smem:$0x7E5] =	sst s26  }
0x31: {  	s29 =	sadd.s32 s19, s10;
	[smem:$0x7E6] =	sst s28  }
0x32: {  	[smem:$0x7E7] =	sst s29;
	s31 =	sadd.s32 s19, s12  }
0x33: {  	s23 =	sadd.s32 s19, s14;
	[smem:$0x7E8] =	sst s31  }
0x34: {  	s24 =	sadd.s32 s19, s15;
	[smem:$0x7EA] =	sst s23  }
0x35: {  	s25 =	sadd.s32 s19, s16;
	[smem:$0x7EB] =	sst s24  }
0x36: {  	s26 =	sadd.s32 s19, s17;
	[smem:$0x7EC] =	sst s25  }
0x37: {  	s28 =	sadd.s32 s19, s18;
	[smem:$0x7ED] =	sst s26  }
0x38: {  	s29 =	sadd.s32 s19, s5;
	[smem:$0x7EE] =	sst s28  }
0x39: {  	[smem:$0x7EF] =	sst s29;
	s31 =	sadd.s32 s19, s6;
	s19 =	sor.u32 $0xC00, s19  }
0x3a: {  	[smem:$0x7F0] =	sst s31;
	s0 =	sadd.s32 s0, s19  }
0x3b: {  	s2 =	sadd.s32 s19, s2;
	[smem:$0x7F1] =	sst s0  }
0x3c: {  	s11 =	smax.u32 s11, $0x1;
	s3 =	sadd.s32 s19, s3;
	[smem:$0x7F2] =	sst s2  }
0x3d: {  	s22 =	sand.u32 $0x3, s21;
	s4 =	sadd.s32 s19, s4;
	[smem:$0x7F3] =	sst s3  }
0x3e: {  	s21 =	simm.s32 $0x0;
	s7 =	sadd.s32 s19, s7;
	[smem:$0x7F4] =	sst s4  }
0x3f: {  	s23 =	sshll.u32 s22, $0x7;
	s8 =	sadd.s32 s19, s8;
	[smem:$0x7F5] =	sst s7  }
0x40: {  	s24 =	sshll.u32 s9, $0x6;
	s10 =	sadd.s32 s19, s10;
	[smem:$0x7F6] =	sst s8  }
0x41: {  	s25 =	sshll.u32 s22, $0xF;
	s12 =	sadd.s32 s19, s12;
	[smem:$0x7F7] =	sst s10  }
0x42: {  	s26 =	sshll.u32 s9, $0xE;
	s13 =	sadd.s32 s19, s13;
	[smem:$0x7F8] =	sst s12  }
0x43: {  	s14 =	sadd.s32 s19, s14;
	s15 =	sadd.s32 s19, s15;
	[smem:$0x7F9] =	sst s13  }
0x44: {  	s16 =	sadd.s32 s19, s16;
	s20 =	sadd.s32 s19, s17;
	[smem:$0x7FA] =	sst s14  }
0x45: {  	s5 =	sadd.s32 s19, s5;
	s6 =	sadd.s32 s19, s6;
	[smem:$0x7FB] =	sst s15  }
0x46: {  	s31 =	sshll.u32 s9, $0xD;
	s17 =	simm.s32 $0x7000;
	[smem:$0x7FC] =	sst s16  }
0x47: {  	[smem:$0x7FD] =	sst s20;
	s4 =	sadd.s32 s19, s18;
	s7 =	sor.u32 s24, s23  }
0x48: {  	s8 =	simm.s32 $0x0;
	s12 =	sor.u32 s26, s25;
	s10 =	sshll.u32 s22, $0xE  }
0x49: {  	s15 =	simm.s32 $0x2;
	s16 =	simm.s32 $0x5000;
	s18 =	simm.s32 $0x9000  }
0x4a: {  	s19 =	simm.s32 $0xB000;
	s20 =	simm.s32 $0x1;
	s28 =	smax.u32 s7, $0x8  }
0x4b: {  	[smem:$0x7FF] =	sst s8;
	s10 =	sor.u32 s31, s10;
	s29 =	smin.u32 s28, $0x1B8  }
0x4c: {  	s30 =	sor.u32 $0x30, s7;
	_ =	strace $0x80000047;
	s13 =	sshll.u32 s29, $0x8  }
0x4d: {  	s14 =	sor.u32 $0x1780, s10;
	s9 =	ssub.s32 s12, s13;
	s12 =	sor.u32 $0x80, s10  }
.LBB2_1:
0x4e: {  	s0 =	rddreg [dreg:$0x3];
	p0 =	sgt.s32 s7, $0x1  }
0x4f: {  	s13 =	smov.u32 s7;
	s23 =	sadd.s32 $0x0, s9;
	s24 =	sadd.s32 $0x0, s12  }
0x50: {  	[tilespmem:s8], [sflag:$0x2] =	stream.linear.gather [hbm4b:s0+s8], $0x5000, $0x38;
	[tilespmem:$0xD000] =	vst v63  }
0x51: {  	s26 =	sand.u32 $0x380, s8;
	s13 =	simm.s32 @!p0 $0x1;
	s25 =	sadd.s32 $0x900, s23  }
0x52: {  	s23 =	sadd.s32 $0x800, s23;
	s24 =	sand.u32 $0x380, s24;
	_ =	swait.ge [sflag:s15], $0x5000  }
0x53: {  	s13 =	sadd.s32 $0xFFFFFFFF, s13;
	s25 =	sand.u32 $0xFFFFF800, s25;
	s23 =	sand.u32 $0xFFFFF800, s23  }
0x54: {  	[sflag:s15] =	ssyncset.done $0x0;
	s22 =	ssub.s32 s13, s1;
	s13 =	sshll.u32 s13, $0x7  }
0x55: {  	s25 =	sor.u32 s24, s25;
	[sflag:s15] =	ssyncadd.s32 $0xFFFFB000;
	s22 =	sshll.u32 s22, $0x8  }
0x56: {  	s24 =	sor.u32 s26, s23;
	s13 =	sand.u32 $0x380, s13;
	s22 =	sand.u32 $0xFFFFF800, s22;
	v0 =	vld [tilespmem:s25+$0x0]  }
0x57: {  	v1 =	vld [tilespmem:s24+$0x0];
	s23 =	sor.u32 s13, s22  }
0x58: {  	v2 =	vld [tilespmem:s23+$0x0];
	_ =	sdelay $0x3  }
0x59: {  	v0 =	vmul.f32 $2.500000000e-01, v0;
	v1 =	vmul.f32 $7.500000000e-01, v1  }
0x5a: {  	v2 =	vmul.f32 $2.500000000e-01, v2  }
0x5b: {  	s31 =	sand.u32 $0x300, s8;
	s26 =	sand.u32 $0x1800, s8;
	v0 =	vadd.f32 v0, v1  }
0x5c: {  	s22 =	sor.u32 s31, s26;
	v1 =	vadd.f32 v1, v2  }
0x5d: {  	[tilespmem:s22+$0x5080] =	vst v0  }
0x5e: {  	[tilespmem:s22+$0x5000] =	vst v1  }
0x5f: {  	v0 =	vld [tilespmem:s23+$0x10]  }
0x60: {  	v1 =	vld [tilespmem:s24+$0x10]  }
0x61: {  	v2 =	vld [tilespmem:s25+$0x10];
	_ =	sdelay $0x3  }
0x62: {  	v0 =	vmul.f32 $2.500000000e-01, v0;
	v1 =	vmul.f32 $7.500000000e-01, v1  }
0x63: {  	v2 =	vmul.f32 $2.500000000e-01, v2  }
0x64: {  	v0 =	vadd.f32 v1, v0  }
0x65: {  	v1 =	vadd.f32 v2, v1  }
0x66: {  	[tilespmem:s22+$0x5010] =	vst v0  }
0x67: {  	[tilespmem:s22+$0x5090] =	vst v1  }
0x68: {  	v0 =	vld [tilespmem:s25+$0x20]  }
0x69: {  	v1 =	vld [tilespmem:s24+$0x20]  }
0x6a: {  	v2 =	vld [tilespmem:s23+$0x20];
	_ =	sdelay $0x3  }
0x6b: {  	v1 =	vmul.f32 $7.500000000e-01, v1;
	v0 =	vmul.f32 $2.500000000e-01, v0  }
0x6c: {  	v2 =	vmul.f32 $2.500000000e-01, v2  }
0x6d: {  	v0 =	vadd.f32 v0, v1  }
0x6e: {  	v1 =	vadd.f32 v1, v2  }
0x6f: {  	[tilespmem:s22+$0x50A0] =	vst v0  }
0x70: {  	[tilespmem:s22+$0x5020] =	vst v1  }
0x71: {  	v0 =	vld [tilespmem:s24+$0x30]  }
0x72: {  	v1 =	vld [tilespmem:s25+$0x30]  }
0x73: {  	v2 =	vld [tilespmem:s23+$0x30];
	_ =	sdelay $0x3  }
0x74: {  	v0 =	vmul.f32 $7.500000000e-01, v0;
	v1 =	vmul.f32 $2.500000000e-01, v1  }
0x75: {  	v2 =	vmul.f32 $2.500000000e-01, v2  }
0x76: {  	v1 =	vadd.f32 v1, v0  }
0x77: {  	v0 =	vadd.f32 v0, v2  }
0x78: {  	[tilespmem:s22+$0x50B0] =	vst v1  }
0x79: {  	[tilespmem:s22+$0x5030] =	vst v0  }
0x7a: {  	v0 =	vld [tilespmem:s23+$0x40]  }
0x7b: {  	v1 =	vld [tilespmem:s24+$0x40]  }
0x7c: {  	v2 =	vld [tilespmem:s25+$0x40];
	_ =	sdelay $0x3  }
0x7d: {  	v0 =	vmul.f32 $2.500000000e-01, v0;
	v1 =	vmul.f32 $7.500000000e-01, v1  }
0x7e: {  	v2 =	vmul.f32 $2.500000000e-01, v2  }
0x7f: {  	v0 =	vadd.f32 v1, v0  }
0x80: {  	v1 =	vadd.f32 v2, v1  }
0x81: {  	[tilespmem:s22+$0x5040] =	vst v0  }
0x82: {  	[tilespmem:s22+$0x50C0] =	vst v1  }
0x83: {  	v0 =	vld [tilespmem:s24+$0x50]  }
0x84: {  	v1 =	vld [tilespmem:s23+$0x50]  }
0x85: {  	v2 =	vld [tilespmem:s25+$0x50];
	_ =	sdelay $0x3  }
0x86: {  	v1 =	vmul.f32 $2.500000000e-01, v1;
	v0 =	vmul.f32 $7.500000000e-01, v0  }
0x87: {  	v2 =	vmul.f32 $2.500000000e-01, v2  }
0x88: {  	v1 =	vadd.f32 v0, v1  }
0x89: {  	v0 =	vadd.f32 v2, v0  }
0x8a: {  	[tilespmem:s22+$0x5050] =	vst v1  }
0x8b: {  	[tilespmem:s22+$0x50D0] =	vst v0  }
0x8c: {  	v0 =	vld [tilespmem:s24+$0x60]  }
0x8d: {  	v1 =	vld [tilespmem:s23+$0x60]  }
0x8e: {  	v2 =	vld [tilespmem:s25+$0x60];
	_ =	sdelay $0x3  }
0x8f: {  	v1 =	vmul.f32 $2.500000000e-01, v1;
	v0 =	vmul.f32 $7.500000000e-01, v0  }
0x90: {  	v2 =	vmul.f32 $2.500000000e-01, v2  }
0x91: {  	v1 =	vadd.f32 v0, v1  }
0x92: {  	v0 =	vadd.f32 v2, v0  }
0x93: {  	[tilespmem:s22+$0x5060] =	vst v1  }
0x94: {  	[tilespmem:s22+$0x50E0] =	vst v0  }
0x95: {  	v0 =	vld [tilespmem:s23+$0x70]  }
0x96: {  	v1 =	vld [tilespmem:s24+$0x70]  }
0x97: {  	v2 =	vld [tilespmem:s25+$0x70];
	_ =	sdelay $0x3  }
0x98: {  	v0 =	vmul.f32 $2.500000000e-01, v0;
	v1 =	vmul.f32 $7.500000000e-01, v1  }
0x99: {  	v2 =	vmul.f32 $2.500000000e-01, v2  }
0x9a: {  	v0 =	vadd.f32 v1, v0  }
0x9b: {  	v1 =	vadd.f32 v2, v1  }
0x9c: {  	[tilespmem:s22+$0x5070] =	vst v0  }
0x9d: {  	[tilespmem:s22+$0x50F0] =	vst v1  }
0x9e: {  	v0 =	vld [tilespmem:s23+$0x400]  }
0x9f: {  	v1 =	vld [tilespmem:s24+$0x400]  }
0xa0: {  	v2 =	vld [tilespmem:s25+$0x400];
	_ =	sdelay $0x3  }
0xa1: {  	v0 =	vmul.f32 $2.500000000e-01, v0;
	v1 =	vmul.f32 $7.500000000e-01, v1  }
0xa2: {  	v2 =	vmul.f32 $2.500000000e-01, v2  }
0xa3: {  	v0 =	vadd.f32 v1, v0  }
0xa4: {  	v1 =	vadd.f32 v2, v1  }
0xa5: {  	[tilespmem:s22+$0x5400] =	vst v0  }
0xa6: {  	[tilespmem:s22+$0x5480] =	vst v1  }
0xa7: {  	v0 =	vld [tilespmem:s23+$0x410]  }
0xa8: {  	v1 =	vld [tilespmem:s24+$0x410]  }
0xa9: {  	v2 =	vld [tilespmem:s25+$0x410];
	_ =	sdelay $0x3  }
0xaa: {  	v0 =	vmul.f32 $2.500000000e-01, v0;
	v1 =	vmul.f32 $7.500000000e-01, v1  }
0xab: {  	v2 =	vmul.f32 $2.500000000e-01, v2  }
0xac: {  	v0 =	vadd.f32 v1, v0  }
0xad: {  	v1 =	vadd.f32 v2, v1  }
0xae: {  	[tilespmem:s22+$0x5410] =	vst v0  }
0xaf: {  	[tilespmem:s22+$0x5490] =	vst v1  }
0xb0: {  	v0 =	vld [tilespmem:s23+$0x420]  }
0xb1: {  	v1 =	vld [tilespmem:s24+$0x420]  }
0xb2: {  	v2 =	vld [tilespmem:s25+$0x420];
	_ =	sdelay $0x3  }
0xb3: {  	v0 =	vmul.f32 $2.500000000e-01, v0;
	v1 =	vmul.f32 $7.500000000e-01, v1  }
0xb4: {  	v2 =	vmul.f32 $2.500000000e-01, v2  }
0xb5: {  	v0 =	vadd.f32 v1, v0  }
0xb6: {  	v1 =	vadd.f32 v2, v1  }
0xb7: {  	[tilespmem:s22+$0x5420] =	vst v0  }
0xb8: {  	[tilespmem:s22+$0x54A0] =	vst v1  }
0xb9: {  	v0 =	vld [tilespmem:s23+$0x430]  }
0xba: {  	v1 =	vld [tilespmem:s24+$0x430]  }
0xbb: {  	v2 =	vld [tilespmem:s25+$0x430];
	_ =	sdelay $0x3  }
0xbc: {  	v0 =	vmul.f32 $2.500000000e-01, v0;
	v1 =	vmul.f32 $7.500000000e-01, v1  }
0xbd: {  	v2 =	vmul.f32 $2.500000000e-01, v2  }
0xbe: {  	v0 =	vadd.f32 v1, v0  }
0xbf: {  	v1 =	vadd.f32 v2, v1  }
0xc0: {  	[tilespmem:s22+$0x5430] =	vst v0  }
0xc1: {  	[tilespmem:s22+$0x54B0] =	vst v1  }
0xc2: {  	v0 =	vld [tilespmem:s23+$0x440]  }
0xc3: {  	v1 =	vld [tilespmem:s24+$0x440]  }
0xc4: {  	v2 =	vld [tilespmem:s25+$0x440];
	_ =	sdelay $0x3  }
0xc5: {  	v0 =	vmul.f32 $2.500000000e-01, v0;
	v3 =	vmul.f32 $7.500000000e-01, v1  }
0xc6: {  	v2 =	vmul.f32 $2.500000000e-01, v2  }
0xc7: {  	s28 =	simm.s32 $0x0;
	v1 =	vadd.f32 v3, v0  }
0xc8: {  	s29 =	smov.u32 s7;
	s13 =	simm.s32 $0x100;
	s26 =	simm.s32 $0x0;
	v0 =	vadd.f32 v2, v3  }
.LBB2_2:
0xc9: {  	[tilespmem:s22+$0x5440] =	vst v1;
	s26 =	sadd.s32 $0x200, s26;
	s28 =	sadd.s32 $0x80, s28;
	s29 =	sadd.s32 $0x1, s29  }
0xca: {  	p0 =	sne.s32 s13, $0xF00;
	s31 =	smov.u32 s13;
	s13 =	sadd.s32 $0x100, s13;
	[tilespmem:s22+$0x54C0] =	vst v0  }
0xcb: {  	v0 =	vld [tilespmem:s23+$0x450]  }
0xcc: {  	v1 =	vld [tilespmem:s24+$0x450]  }
0xcd: {  	v2 =	vld [tilespmem:s25+$0x450];
	_ =	sdelay $0x3  }
0xce: {  	v0 =	vmul.f32 $2.500000000e-01, v0;
	v1 =	vmul.f32 $7.500000000e-01, v1  }
0xcf: {  	v2 =	vmul.f32 $2.500000000e-01, v2  }
0xd0: {  	v0 =	vadd.f32 v1, v0  }
0xd1: {  	v1 =	vadd.f32 v2, v1  }
0xd2: {  	[tilespmem:s22+$0x5450] =	vst v0  }
0xd3: {  	[tilespmem:s22+$0x54D0] =	vst v1  }
0xd4: {  	v0 =	vld [tilespmem:s23+$0x460]  }
0xd5: {  	v1 =	vld [tilespmem:s25+$0x460]  }
0xd6: {  	v2 =	vld [tilespmem:s24+$0x460];
	_ =	sdelay $0x2  }
0xd7: {  	v0 =	vmul.f32 $2.500000000e-01, v0  }
0xd8: {  	v1 =	vmul.f32 $2.500000000e-01, v1  }
0xd9: {  	v2 =	vmul.f32 $7.500000000e-01, v2;
	_ =	sdelay $0x1  }
0xda: {  	v0 =	vadd.f32 v2, v0;
	v1 =	vadd.f32 v1, v2;
	_ =	sdelay $0x1  }
0xdb: {  	[tilespmem:s22+$0x5460] =	vst v0  }
0xdc: {  	[tilespmem:s22+$0x54E0] =	vst v1  }
0xdd: {  	v0 =	vld [tilespmem:s25+$0x470]  }
0xde: {  	v1 =	vld [tilespmem:s24+$0x470]  }
0xdf: {  	v2 =	vld [tilespmem:s23+$0x470];
	_ =	sdelay $0x1  }
0xe0: {  	p1 =	sgt.s32 s29, $0x1;
	s23 =	smov.u32 s29  }
0xe1: {  	s23 =	simm.s32 @!p1 $0x1  }
0xe2: {  	s23 =	sadd.s32 $0xFFFFFFFF, s23;
	v0 =	vmul.f32 $2.500000000e-01, v0;
	v1 =	vmul.f32 $7.500000000e-01, v1  }
0xe3: {  	s25 =	sadd.s32 s28, s12;
	s24 =	ssub.s32 s23, s1;
	s23 =	sshll.u32 s23, $0x7;
	v2 =	vmul.f32 $2.500000000e-01, v2  }
0xe4: {  	s0 =	sadd.s32 s31, s9;
	s2 =	sand.u32 $0x380, s28;
	s24 =	sshll.u32 s24, $0x8;
	v0 =	vadd.f32 v0, v1  }
0xe5: {  	s3 =	sadd.s32 $0x800, s0;
	s23 =	sand.u32 $0x380, s23;
	s24 =	sand.u32 $0xFFFFF800, s24;
	v1 =	vadd.f32 v1, v2  }
0xe6: {  	s0 =	sadd.s32 $0x900, s0;
	s3 =	sand.u32 $0xFFFFF800, s3;
	s23 =	sor.u32 s23, s24;
	[tilespmem:s22+$0x54F0] =	vst v0  }
0xe7: {  	s0 =	sand.u32 $0xFFFFF800, s0;
	s24 =	sor.u32 s2, s3;
	s2 =	sand.u32 $0x380, s25;
	[tilespmem:s22+$0x5470] =	vst v1  }
0xe8: {  	s25 =	sor.u32 s2, s0;
	v0 =	vld [tilespmem:s23+$0x0]  }
0xe9: {  	v1 =	vld [tilespmem:s25+$0x0]  }
0xea: {  	v2 =	vld [tilespmem:s24+$0x0];
	_ =	sdelay $0x3  }
0xeb: {  	v1 =	vmul.f32 $2.500000000e-01, v1  }
0xec: {  	v0 =	vmul.f32 $2.500000000e-01, v0;
	v2 =	vmul.f32 $7.500000000e-01, v2;
	_ =	sdelay $0x1  }
0xed: {  	s0 =	sand.u32 $0x1800, s26;
	s2 =	sand.u32 $0x300, s31;
	v0 =	vadd.f32 v2, v0;
	v1 =	vadd.f32 v1, v2  }
0xee: {  	s22 =	sor.u32 s2, s0  }
0xef: {  	[tilespmem:s22+$0x5080] =	vst v1  }
0xf0: {  	[tilespmem:s22+$0x5000] =	vst v0  }
0xf1: {  	v0 =	vld [tilespmem:s23+$0x10];
	_ =	sdelay $0x1  }
0xf2: {  	v1 =	vld [tilespmem:s25+$0x10]  }
0xf3: {  	v2 =	vld [tilespmem:s24+$0x10];
	_ =	sdelay $0x3  }
0xf4: {  	v1 =	vmul.f32 $2.500000000e-01, v1  }
0xf5: {  	v0 =	vmul.f32 $2.500000000e-01, v0;
	v2 =	vmul.f32 $7.500000000e-01, v2;
	_ =	sdelay $0x1  }
0xf6: {  	v0 =	vadd.f32 v2, v0;
	v1 =	vadd.f32 v1, v2;
	_ =	sdelay $0x1  }
0xf7: {  	[tilespmem:s22+$0x5010] =	vst v0  }
0xf8: {  	[tilespmem:s22+$0x5090] =	vst v1  }
0xf9: {  	v0 =	vld [tilespmem:s25+$0x20]  }
0xfa: {  	v1 =	vld [tilespmem:s24+$0x20]  }
0xfb: {  	v2 =	vld [tilespmem:s23+$0x20];
	_ =	sdelay $0x3  }
0xfc: {  	v0 =	vmul.f32 $2.500000000e-01, v0;
	v1 =	vmul.f32 $7.500000000e-01, v1  }
0xfd: {  	v2 =	vmul.f32 $2.500000000e-01, v2  }
0xfe: {  	v0 =	vadd.f32 v0, v1  }
0xff: {  	v1 =	vadd.f32 v1, v2  }
0x100: {  	[tilespmem:s22+$0x50A0] =	vst v0  }
0x101: {  	[tilespmem:s22+$0x5020] =	vst v1  }
0x102: {  	v0 =	vld [tilespmem:s23+$0x30]  }
0x103: {  	v1 =	vld [tilespmem:s24+$0x30]  }
0x104: {  	v2 =	vld [tilespmem:s25+$0x30];
	_ =	sdelay $0x2  }
0x105: {  	v0 =	vmul.f32 $2.500000000e-01, v0;
	_ =	sdelay $0x1  }
0x106: {  	v1 =	vmul.f32 $7.500000000e-01, v1;
	v2 =	vmul.f32 $2.500000000e-01, v2;
	_ =	sdelay $0x1  }
0x107: {  	v0 =	vadd.f32 v1, v0;
	v1 =	vadd.f32 v2, v1;
	_ =	sdelay $0x1  }
0x108: {  	[tilespmem:s22+$0x50B0] =	vst v1  }
0x109: {  	[tilespmem:s22+$0x5030] =	vst v0  }
0x10a: {  	v0 =	vld [tilespmem:s23+$0x40]  }
0x10b: {  	v1 =	vld [tilespmem:s24+$0x40]  }
0x10c: {  	v2 =	vld [tilespmem:s25+$0x40];
	_ =	sdelay $0x3  }
0x10d: {  	v0 =	vmul.f32 $2.500000000e-01, v0;
	v1 =	vmul.f32 $7.500000000e-01, v1  }
0x10e: {  	v2 =	vmul.f32 $2.500000000e-01, v2  }
0x10f: {  	v0 =	vadd.f32 v1, v0  }
0x110: {  	v1 =	vadd.f32 v2, v1  }
0x111: {  	[tilespmem:s22+$0x5040] =	vst v0  }
0x112: {  	[tilespmem:s22+$0x50C0] =	vst v1  }
0x113: {  	v0 =	vld [tilespmem:s24+$0x50]  }
0x114: {  	v1 =	vld [tilespmem:s23+$0x50]  }
0x115: {  	v2 =	vld [tilespmem:s25+$0x50];
	_ =	sdelay $0x3  }
0x116: {  	v0 =	vmul.f32 $7.500000000e-01, v0;
	v1 =	vmul.f32 $2.500000000e-01, v1  }
0x117: {  	v2 =	vmul.f32 $2.500000000e-01, v2  }
0x118: {  	v1 =	vadd.f32 v0, v1  }
0x119: {  	v0 =	vadd.f32 v2, v0  }
0x11a: {  	[tilespmem:s22+$0x5050] =	vst v1  }
0x11b: {  	[tilespmem:s22+$0x50D0] =	vst v0  }
0x11c: {  	v0 =	vld [tilespmem:s24+$0x60]  }
0x11d: {  	v1 =	vld [tilespmem:s23+$0x60]  }
0x11e: {  	v2 =	vld [tilespmem:s25+$0x60];
	_ =	sdelay $0x3  }
0x11f: {  	v0 =	vmul.f32 $7.500000000e-01, v0;
	v1 =	vmul.f32 $2.500000000e-01, v1  }
0x120: {  	v2 =	vmul.f32 $2.500000000e-01, v2  }
0x121: {  	v1 =	vadd.f32 v0, v1  }
0x122: {  	v0 =	vadd.f32 v2, v0  }
0x123: {  	[tilespmem:s22+$0x5060] =	vst v1  }
0x124: {  	[tilespmem:s22+$0x50E0] =	vst v0  }
0x125: {  	v0 =	vld [tilespmem:s23+$0x70]  }
0x126: {  	v1 =	vld [tilespmem:s24+$0x70]  }
0x127: {  	v2 =	vld [tilespmem:s25+$0x70];
	_ =	sdelay $0x3  }
0x128: {  	v0 =	vmul.f32 $2.500000000e-01, v0;
	v1 =	vmul.f32 $7.500000000e-01, v1  }
0x129: {  	v2 =	vmul.f32 $2.500000000e-01, v2  }
0x12a: {  	v0 =	vadd.f32 v1, v0  }
0x12b: {  	v1 =	vadd.f32 v2, v1  }
0x12c: {  	[tilespmem:s22+$0x5070] =	vst v0  }
0x12d: {  	[tilespmem:s22+$0x50F0] =	vst v1  }
0x12e: {  	v0 =	vld [tilespmem:s23+$0x400]  }
0x12f: {  	v1 =	vld [tilespmem:s24+$0x400]  }
0x130: {  	v2 =	vld [tilespmem:s25+$0x400];
	_ =	sdelay $0x2  }
0x131: {  	v0 =	vmul.f32 $2.500000000e-01, v0  }
0x132: {  	v1 =	vmul.f32 $7.500000000e-01, v1  }
0x133: {  	v2 =	vmul.f32 $2.500000000e-01, v2  }
0x134: {  	v0 =	vadd.f32 v1, v0  }
0x135: {  	v1 =	vadd.f32 v2, v1  }
0x136: {  	[tilespmem:s22+$0x5400] =	vst v0  }
0x137: {  	[tilespmem:s22+$0x5480] =	vst v1  }
0x138: {  	v0 =	vld [tilespmem:s23+$0x410]  }
0x139: {  	v1 =	vld [tilespmem:s24+$0x410]  }
0x13a: {  	v2 =	vld [tilespmem:s25+$0x410];
	_ =	sdelay $0x3  }
0x13b: {  	v0 =	vmul.f32 $2.500000000e-01, v0;
	v1 =	vmul.f32 $7.500000000e-01, v1  }
0x13c: {  	v2 =	vmul.f32 $2.500000000e-01, v2  }
0x13d: {  	v0 =	vadd.f32 v1, v0  }
0x13e: {  	v1 =	vadd.f32 v2, v1  }
0x13f: {  	[tilespmem:s22+$0x5410] =	vst v0  }
0x140: {  	[tilespmem:s22+$0x5490] =	vst v1  }
0x141: {  	v0 =	vld [tilespmem:s23+$0x420]  }
0x142: {  	v1 =	vld [tilespmem:s24+$0x420]  }
0x143: {  	v2 =	vld [tilespmem:s25+$0x420];
	_ =	sdelay $0x2  }
0x144: {  	v0 =	vmul.f32 $2.500000000e-01, v0  }
0x145: {  	v1 =	vmul.f32 $7.500000000e-01, v1  }
0x146: {  	v2 =	vmul.f32 $2.500000000e-01, v2  }
0x147: {  	v0 =	vadd.f32 v1, v0  }
0x148: {  	v1 =	vadd.f32 v2, v1  }
0x149: {  	[tilespmem:s22+$0x5420] =	vst v0  }
0x14a: {  	[tilespmem:s22+$0x54A0] =	vst v1  }
0x14b: {  	v0 =	vld [tilespmem:s23+$0x430]  }
0x14c: {  	v1 =	vld [tilespmem:s24+$0x430]  }
0x14d: {  	v2 =	vld [tilespmem:s25+$0x430];
	_ =	sdelay $0x3  }
0x14e: {  	v0 =	vmul.f32 $2.500000000e-01, v0;
	v1 =	vmul.f32 $7.500000000e-01, v1  }
0x14f: {  	v2 =	vmul.f32 $2.500000000e-01, v2  }
0x150: {  	v0 =	vadd.f32 v1, v0  }
0x151: {  	v1 =	vadd.f32 v2, v1  }
0x152: {  	[tilespmem:s22+$0x5430] =	vst v0  }
0x153: {  	[tilespmem:s22+$0x54B0] =	vst v1  }
0x154: {  	v0 =	vld [tilespmem:s23+$0x440]  }
0x155: {  	v1 =	vld [tilespmem:s24+$0x440]  }
0x156: {  	v2 =	vld [tilespmem:s25+$0x440];
	_ =	sdelay $0x2  }
.Ltmp0:
0x157: {  	v0 =	vmul.f32 $2.500000000e-01, v0;
	(pc) =	sbr.rel @p0 .LBB2_2-.Ltmp0, $4  }
0x158: {  	v3 =	vmul.f32 $7.500000000e-01, v1  }
0x159: {  	v2 =	vmul.f32 $2.500000000e-01, v2  }
0x15a: {  	v1 =	vadd.f32 v3, v0  }
0x15b: {  	v0 =	vadd.f32 v2, v3  }
0x15c: {  	[tilespmem:s22+$0x5440] =	vst v1  }
0x15d: {  	[tilespmem:s22+$0x54C0] =	vst v0  }
0x15e: {  	v0 =	vld [tilespmem:s23+$0x450]  }
0x15f: {  	v1 =	vld [tilespmem:s24+$0x450]  }
0x160: {  	v2 =	vld [tilespmem:s25+$0x450];
	_ =	sdelay $0x3  }
0x161: {  	v0 =	vmul.f32 $2.500000000e-01, v0;
	v1 =	vmul.f32 $7.500000000e-01, v1  }
0x162: {  	v2 =	vmul.f32 $2.500000000e-01, v2  }
0x163: {  	v0 =	vadd.f32 v1, v0  }
0x164: {  	v1 =	vadd.f32 v2, v1  }
0x165: {  	[tilespmem:s22+$0x5450] =	vst v0  }
0x166: {  	[tilespmem:s22+$0x54D0] =	vst v1  }
0x167: {  	v0 =	vld [tilespmem:s23+$0x460]  }
0x168: {  	v1 =	vld [tilespmem:s24+$0x460]  }
0x169: {  	v62 =	vld [tilespmem:s25+$0x460];
	_ =	sdelay $0x3  }
0x16a: {  	v0 =	vmul.f32 $2.500000000e-01, v0;
	v1 =	vmul.f32 $7.500000000e-01, v1  }
0x16b: {  	v2 =	vmul.f32 $2.500000000e-01, v62  }
0x16c: {  	v0 =	vadd.f32 v1, v0  }
0x16d: {  	v1 =	vadd.f32 v2, v1  }
0x16e: {  	[tilespmem:s22+$0x5460] =	vst v0  }
0x16f: {  	[tilespmem:s22+$0x54E0] =	vst v1  }
0x170: {  	v0 =	vld [tilespmem:s25+$0x470]  }
0x171: {  	v1 =	vld [tilespmem:s24+$0x470]  }
0x172: {  	v63 =	vld [tilespmem:s23+$0x470];
	_ =	sdelay $0x3  }
0x173: {  	v1 =	vmul.f32 $7.500000000e-01, v1;
	v0 =	vmul.f32 $2.500000000e-01, v0  }
0x174: {  	v2 =	vmul.f32 $2.500000000e-01, v63  }
0x175: {  	v0 =	vadd.f32 v0, v1  }
0x176: {  	s0 =	sld [smem:$0x7E1];
	v1 =	vadd.f32 v1, v2  }
0x177: {  	[tilespmem:s22+$0x54F0] =	vst v0  }
0x178: {  	s26 =	sld [smem:$0x7E2];
	[tilespmem:s22+$0x5470] =	vst v1  }
0x179: {  	[hbm4b:s0+s8] =	stream.linear.scatter [tilespmem:s16], [sflag:$0x1], $0x2000, $0x38;
	[tilespmem:$0xD000] =	vst v63  }
0x17a: {  	s28 =	sld [smem:$0x7E3]  }
0x17b: {  	[hbm4b:s26+s8] =	stream.linear.scatter [tilespmem:s16], [sflag:$0x1], $0x2000, $0x38;
	[tilespmem:$0xD000] =	vst v63  }
0x17c: {  	s29 =	sld [smem:$0x7E4]  }
0x17d: {  	[hbm4b:s28+s8] =	stream.linear.scatter [tilespmem:s16], [sflag:$0x1], $0x2000, $0x38;
	[tilespmem:$0xD000] =	vst v63  }
0x17e: {  	s31 =	sld [smem:$0x7E5]  }
0x17f: {  	[hbm4b:s29+s8] =	stream.linear.scatter [tilespmem:s16], [sflag:$0x1], $0x2000, $0x38;
	[tilespmem:$0xD000] =	vst v63  }
0x180: {  	s2 =	sld [smem:$0x7E6]  }
0x181: {  	[hbm4b:s31+s8] =	stream.linear.scatter [tilespmem:s16], [sflag:$0x1], $0x2000, $0x38;
	[tilespmem:$0xD000] =	vst v63  }
0x182: {  	s3 =	sld [smem:$0x7E7]  }
0x183: {  	[hbm4b:s2+s8] =	stream.linear.scatter [tilespmem:s16], [sflag:$0x1], $0x2000, $0x38;
	[tilespmem:$0xD000] =	vst v63  }
0x184: {  	s13 =	sld [smem:$0x7E8]  }
0x185: {  	[hbm4b:s3+s8] =	stream.linear.scatter [tilespmem:s16], [sflag:$0x1], $0x2000, $0x38;
	[tilespmem:$0xD000] =	vst v63  }
0x186: {  	s22 =	sld [smem:$0x7E9]  }
0x187: {  	[hbm4b:s13+s8] =	stream.linear.scatter [tilespmem:s16], [sflag:$0x1], $0x2000, $0x38;
	[tilespmem:$0xD000] =	vst v63  }
0x188: {  	s23 =	sld [smem:$0x7EA]  }
0x189: {  	[hbm4b:s22+s8] =	stream.linear.scatter [tilespmem:s16], [sflag:$0x1], $0x2000, $0x38;
	[tilespmem:$0xD000] =	vst v63  }
0x18a: {  	s24 =	sld [smem:$0x7EB]  }
0x18b: {  	[hbm4b:s23+s8] =	stream.linear.scatter [tilespmem:s16], [sflag:$0x1], $0x2000, $0x38;
	[tilespmem:$0xD000] =	vst v63  }
0x18c: {  	s25 =	sld [smem:$0x7EC]  }
0x18d: {  	[hbm4b:s24+s8] =	stream.linear.scatter [tilespmem:s16], [sflag:$0x1], $0x2000, $0x38;
	[tilespmem:$0xD000] =	vst v63  }
0x18e: {  	s26 =	sld [smem:$0x7ED]  }
0x18f: {  	[hbm4b:s25+s8] =	stream.linear.scatter [tilespmem:s16], [sflag:$0x1], $0x2000, $0x38;
	[tilespmem:$0xD000] =	vst v63  }
0x190: {  	s28 =	sld [smem:$0x7EE]  }
0x191: {  	[hbm4b:s26+s8] =	stream.linear.scatter [tilespmem:s16], [sflag:$0x1], $0x2000, $0x38;
	[tilespmem:$0xD000] =	vst v63  }
0x192: {  	s29 =	sld [smem:$0x7EF]  }
0x193: {  	[hbm4b:s28+s8] =	stream.linear.scatter [tilespmem:s16], [sflag:$0x1], $0x2000, $0x38;
	[tilespmem:$0xD000] =	vst v63  }
0x194: {  	s31 =	sld [smem:$0x7F0]  }
0x195: {  	[hbm4b:s29+s8] =	stream.linear.scatter [tilespmem:s16], [sflag:$0x1], $0x2000, $0x38;
	[tilespmem:$0xD000] =	vst v63  }
0x196: {  	s13 =	simm.s32 $0x1000;
	s22 =	simm.s32 $0x2000;
	s23 =	simm.s32 $0x880  }
0x197: {  	[hbm4b:s31+s8] =	stream.linear.scatter [tilespmem:s16], [sflag:$0x1], $0x2000, $0x38;
	[tilespmem:$0xD000] =	vst v63  }
.LBB2_4:
0x198: {  	s0 =	sadd.s32 s13, s9;
	s2 =	sadd.s32 s23, s10;
	s25 =	sadd.s32 $0xFFFFFF80, s23  }
0x199: {  	s3 =	sadd.s32 $0x700, s0;
	s24 =	sadd.s32 $0xFFFFFF00, s2;
	s28 =	sadd.s32 $0x800, s0  }
0x19a: {  	s25 =	sand.u32 $0x380, s25;
	s3 =	sand.u32 $0xFFFFF800, s3;
	s24 =	sand.u32 $0x380, s24  }
0x19b: {  	s0 =	sadd.s32 $0x900, s0;
	s24 =	sor.u32 s24, s3;
	s3 =	sand.u32 $0xFFFFF800, s28  }
0x19c: {  	s2 =	sand.u32 $0x380, s2;
	s0 =	sand.u32 $0xFFFFF800, s0;
	v0 =	vld [tilespmem:s24+$0x0];
	s25 =	sor.u32 s25, s3  }
0x19d: {  	s26 =	sor.u32 s2, s0;
	v1 =	vld [tilespmem:s25+$0x0]  }
0x19e: {  	v2 =	vld [tilespmem:s26+$0x0];
	_ =	sdelay $0x3  }
0x19f: {  	v0 =	vmul.f32 $2.500000000e-01, v0;
	v1 =	vmul.f32 $7.500000000e-01, v1  }
0x1a0: {  	v2 =	vmul.f32 $2.500000000e-01, v2  }
0x1a1: {  	s29 =	sand.u32 $0x3800, s22;
	s31 =	sand.u32 $0x300, s13;
	v0 =	vadd.f32 v1, v0  }
0x1a2: {  	s28 =	sor.u32 s31, s29;
	v1 =	vadd.f32 v2, v1  }
0x1a3: {  	[tilespmem:s28+$0x5000] =	vst v0  }
0x1a4: {  	[tilespmem:s28+$0x5080] =	vst v1  }
0x1a5: {  	v0 =	vld [tilespmem:s24+$0x10]  }
0x1a6: {  	v1 =	vld [tilespmem:s25+$0x10]  }
0x1a7: {  	v49 =	vld [tilespmem:s26+$0x10];
	_ =	sdelay $0x3  }
0x1a8: {  	v0 =	vmul.f32 $2.500000000e-01, v0;
	v1 =	vmul.f32 $7.500000000e-01, v1  }
0x1a9: {  	v2 =	vmul.f32 $2.500000000e-01, v49  }
0x1aa: {  	v0 =	vadd.f32 v1, v0  }
0x1ab: {  	v1 =	vadd.f32 v2, v1  }
0x1ac: {  	[tilespmem:s28+$0x5010] =	vst v0  }
0x1ad: {  	[tilespmem:s28+$0x5090] =	vst v1  }
0x1ae: {  	v0 =	vld [tilespmem:s24+$0x20]  }
0x1af: {  	v1 =	vld [tilespmem:s25+$0x20]  }
0x1b0: {  	v50 =	vld [tilespmem:s26+$0x20];
	_ =	sdelay $0x3  }
0x1b1: {  	v0 =	vmul.f32 $2.500000000e-01, v0;
	v1 =	vmul.f32 $7.500000000e-01, v1  }
0x1b2: {  	v2 =	vmul.f32 $2.500000000e-01, v50  }
0x1b3: {  	v0 =	vadd.f32 v1, v0  }
0x1b4: {  	v1 =	vadd.f32 v2, v1  }
0x1b5: {  	[tilespmem:s28+$0x5020] =	vst v0  }
0x1b6: {  	[tilespmem:s28+$0x50A0] =	vst v1  }
0x1b7: {  	v0 =	vld [tilespmem:s24+$0x30]  }
0x1b8: {  	v1 =	vld [tilespmem:s25+$0x30]  }
0x1b9: {  	v51 =	vld [tilespmem:s26+$0x30];
	_ =	sdelay $0x3  }
0x1ba: {  	v0 =	vmul.f32 $2.500000000e-01, v0;
	v1 =	vmul.f32 $7.500000000e-01, v1  }
0x1bb: {  	v2 =	vmul.f32 $2.500000000e-01, v51  }
0x1bc: {  	v0 =	vadd.f32 v1, v0  }
0x1bd: {  	v1 =	vadd.f32 v2, v1  }
0x1be: {  	[tilespmem:s28+$0x5030] =	vst v0  }
0x1bf: {  	[tilespmem:s28+$0x50B0] =	vst v1  }
0x1c0: {  	v0 =	vld [tilespmem:s24+$0x40]  }
0x1c1: {  	v1 =	vld [tilespmem:s25+$0x40]  }
0x1c2: {  	v52 =	vld [tilespmem:s26+$0x40];
	_ =	sdelay $0x3  }
0x1c3: {  	v0 =	vmul.f32 $2.500000000e-01, v0;
	v1 =	vmul.f32 $7.500000000e-01, v1  }
0x1c4: {  	v2 =	vmul.f32 $2.500000000e-01, v52  }
0x1c5: {  	v0 =	vadd.f32 v1, v0  }
0x1c6: {  	v1 =	vadd.f32 v2, v1  }
0x1c7: {  	[tilespmem:s28+$0x5040] =	vst v0  }
0x1c8: {  	[tilespmem:s28+$0x50C0] =	vst v1  }
0x1c9: {  	v0 =	vld [tilespmem:s24+$0x50]  }
0x1ca: {  	v1 =	vld [tilespmem:s25+$0x50]  }
0x1cb: {  	v53 =	vld [tilespmem:s26+$0x50];
	_ =	sdelay $0x3  }
0x1cc: {  	v0 =	vmul.f32 $2.500000000e-01, v0;
	v1 =	vmul.f32 $7.500000000e-01, v1  }
0x1cd: {  	v2 =	vmul.f32 $2.500000000e-01, v53  }
0x1ce: {  	v0 =	vadd.f32 v1, v0  }
0x1cf: {  	v1 =	vadd.f32 v2, v1  }
0x1d0: {  	[tilespmem:s28+$0x5050] =	vst v0  }
0x1d1: {  	[tilespmem:s28+$0x50D0] =	vst v1  }
0x1d2: {  	v0 =	vld [tilespmem:s24+$0x60]  }
0x1d3: {  	v1 =	vld [tilespmem:s25+$0x60]  }
0x1d4: {  	v54 =	vld [tilespmem:s26+$0x60];
	_ =	sdelay $0x3  }
0x1d5: {  	v0 =	vmul.f32 $2.500000000e-01, v0;
	v1 =	vmul.f32 $7.500000000e-01, v1  }
0x1d6: {  	v2 =	vmul.f32 $2.500000000e-01, v54  }
0x1d7: {  	v0 =	vadd.f32 v1, v0  }
0x1d8: {  	v1 =	vadd.f32 v2, v1  }
0x1d9: {  	[tilespmem:s28+$0x5060] =	vst v0  }
0x1da: {  	[tilespmem:s28+$0x50E0] =	vst v1  }
0x1db: {  	v0 =	vld [tilespmem:s24+$0x70]  }
0x1dc: {  	v1 =	vld [tilespmem:s25+$0x70]  }
0x1dd: {  	v55 =	vld [tilespmem:s26+$0x70];
	_ =	sdelay $0x3  }
0x1de: {  	v0 =	vmul.f32 $2.500000000e-01, v0;
	v1 =	vmul.f32 $7.500000000e-01, v1  }
0x1df: {  	v2 =	vmul.f32 $2.500000000e-01, v55  }
0x1e0: {  	v0 =	vadd.f32 v1, v0  }
0x1e1: {  	v1 =	vadd.f32 v2, v1  }
0x1e2: {  	[tilespmem:s28+$0x5070] =	vst v0  }
0x1e3: {  	[tilespmem:s28+$0x50F0] =	vst v1  }
0x1e4: {  	v0 =	vld [tilespmem:s24+$0x400]  }
0x1e5: {  	v1 =	vld [tilespmem:s25+$0x400]  }
0x1e6: {  	v56 =	vld [tilespmem:s26+$0x400];
	_ =	sdelay $0x3  }
0x1e7: {  	v0 =	vmul.f32 $2.500000000e-01, v0;
	v1 =	vmul.f32 $7.500000000e-01, v1  }
0x1e8: {  	v2 =	vmul.f32 $2.500000000e-01, v56  }
0x1e9: {  	v0 =	vadd.f32 v1, v0  }
0x1ea: {  	v1 =	vadd.f32 v2, v1  }
0x1eb: {  	[tilespmem:s28+$0x5400] =	vst v0  }
0x1ec: {  	[tilespmem:s28+$0x5480] =	vst v1  }
0x1ed: {  	v0 =	vld [tilespmem:s24+$0x410]  }
0x1ee: {  	v1 =	vld [tilespmem:s25+$0x410]  }
0x1ef: {  	v57 =	vld [tilespmem:s26+$0x410];
	_ =	sdelay $0x3  }
0x1f0: {  	v0 =	vmul.f32 $2.500000000e-01, v0;
	v1 =	vmul.f32 $7.500000000e-01, v1  }
0x1f1: {  	v2 =	vmul.f32 $2.500000000e-01, v57  }
0x1f2: {  	v0 =	vadd.f32 v1, v0  }
0x1f3: {  	v1 =	vadd.f32 v2, v1  }
0x1f4: {  	[tilespmem:s28+$0x5410] =	vst v0  }
0x1f5: {  	[tilespmem:s28+$0x5490] =	vst v1  }
0x1f6: {  	v0 =	vld [tilespmem:s24+$0x420]  }
0x1f7: {  	v1 =	vld [tilespmem:s25+$0x420]  }
0x1f8: {  	v58 =	vld [tilespmem:s26+$0x420];
	_ =	sdelay $0x3  }
0x1f9: {  	v0 =	vmul.f32 $2.500000000e-01, v0;
	v1 =	vmul.f32 $7.500000000e-01, v1  }
0x1fa: {  	v2 =	vmul.f32 $2.500000000e-01, v58  }
0x1fb: {  	v0 =	vadd.f32 v1, v0  }
0x1fc: {  	v1 =	vadd.f32 v2, v1  }
0x1fd: {  	[tilespmem:s28+$0x5420] =	vst v0  }
0x1fe: {  	[tilespmem:s28+$0x54A0] =	vst v1  }
0x1ff: {  	v0 =	vld [tilespmem:s24+$0x430]  }
0x200: {  	v1 =	vld [tilespmem:s25+$0x430]  }
0x201: {  	v59 =	vld [tilespmem:s26+$0x430];
	_ =	sdelay $0x3  }
0x202: {  	v0 =	vmul.f32 $2.500000000e-01, v0;
	v1 =	vmul.f32 $7.500000000e-01, v1  }
0x203: {  	v2 =	vmul.f32 $2.500000000e-01, v59  }
0x204: {  	v0 =	vadd.f32 v1, v0  }
0x205: {  	v1 =	vadd.f32 v2, v1  }
0x206: {  	[tilespmem:s28+$0x5430] =	vst v0  }
0x207: {  	[tilespmem:s28+$0x54B0] =	vst v1  }
0x208: {  	v0 =	vld [tilespmem:s24+$0x440]  }
0x209: {  	v1 =	vld [tilespmem:s25+$0x440]  }
0x20a: {  	v60 =	vld [tilespmem:s26+$0x440];
	_ =	sdelay $0x3  }
0x20b: {  	v0 =	vmul.f32 $2.500000000e-01, v0;
	v1 =	vmul.f32 $7.500000000e-01, v1  }
0x20c: {  	v2 =	vmul.f32 $2.500000000e-01, v60  }
0x20d: {  	v0 =	vadd.f32 v1, v0  }
0x20e: {  	v1 =	vadd.f32 v2, v1  }
0x20f: {  	[tilespmem:s28+$0x5440] =	vst v0  }
0x210: {  	[tilespmem:s28+$0x54C0] =	vst v1  }
0x211: {  	v0 =	vld [tilespmem:s24+$0x450]  }
0x212: {  	v1 =	vld [tilespmem:s25+$0x450]  }
0x213: {  	v61 =	vld [tilespmem:s26+$0x450];
	_ =	sdelay $0x3  }
0x214: {  	v0 =	vmul.f32 $2.500000000e-01, v0;
	v1 =	vmul.f32 $7.500000000e-01, v1  }
0x215: {  	v2 =	vmul.f32 $2.500000000e-01, v61  }
0x216: {  	v0 =	vadd.f32 v1, v0  }
0x217: {  	v1 =	vadd.f32 v2, v1  }
0x218: {  	[tilespmem:s28+$0x5450] =	vst v0  }
0x219: {  	[tilespmem:s28+$0x54D0] =	vst v1  }
0x21a: {  	v0 =	vld [tilespmem:s24+$0x460]  }
0x21b: {  	v1 =	vld [tilespmem:s25+$0x460]  }
0x21c: {  	v62 =	vld [tilespmem:s26+$0x460];
	_ =	sdelay $0x3  }
0x21d: {  	v0 =	vmul.f32 $2.500000000e-01, v0;
	v1 =	vmul.f32 $7.500000000e-01, v1  }
0x21e: {  	v2 =	vmul.f32 $2.500000000e-01, v62  }
0x21f: {  	v0 =	vadd.f32 v1, v0  }
0x220: {  	v1 =	vadd.f32 v2, v1  }
0x221: {  	[tilespmem:s28+$0x5460] =	vst v0  }
0x222: {  	[tilespmem:s28+$0x54E0] =	vst v1  }
0x223: {  	v0 =	vld [tilespmem:s24+$0x470]  }
0x224: {  	v1 =	vld [tilespmem:s25+$0x470]  }
0x225: {  	v63 =	vld [tilespmem:s26+$0x470];
	_ =	sdelay $0x3  }
0x226: {  	p0 =	sne.s32 s13, $0x1F00;
	v0 =	vmul.f32 $2.500000000e-01, v0;
	v1 =	vmul.f32 $7.500000000e-01, v1  }
.Ltmp1:
0x227: {  	v2 =	vmul.f32 $2.500000000e-01, v63;
	(pc) =	sbr.rel @p0 .LBB2_4-.Ltmp1, $4  }
0x228: {  	v0 =	vadd.f32 v1, v0  }
0x229: {  	v1 =	vadd.f32 v2, v1  }
0x22a: {  	[tilespmem:s28+$0x5470] =	vst v0  }
0x22b: {  	s22 =	sadd.s32 $0x200, s22;
	s23 =	sadd.s32 $0x80, s23;
	s13 =	sadd.s32 $0x100, s13;
	[tilespmem:s28+$0x54F0] =	vst v1  }
0x22c: {  	s0 =	rddreg [dreg:$0x4]  }
0x22d: {  	s26 =	rddreg [dreg:$0x5]  }
0x22e: {  	[hbm4b:s0+s8] =	stream.linear.scatter [tilespmem:s17], [sflag:$0x1], $0x2000, $0x38;
	[tilespmem:$0xD000] =	vst v63  }
0x22f: {  	s28 =	rddreg [dreg:$0x6]  }
0x230: {  	[hbm4b:s26+s8] =	stream.linear.scatter [tilespmem:s17], [sflag:$0x1], $0x2000, $0x38;
	[tilespmem:$0xD000] =	vst v63  }
0x231: {  	s29 =	rddreg [dreg:$0x7]  }
0x232: {  	[hbm4b:s28+s8] =	stream.linear.scatter [tilespmem:s17], [sflag:$0x1], $0x2000, $0x38;
	[tilespmem:$0xD000] =	vst v63  }
0x233: {  	s31 =	rddreg [dreg:$0x8]  }
0x234: {  	[hbm4b:s29+s8] =	stream.linear.scatter [tilespmem:s17], [sflag:$0x1], $0x2000, $0x38;
	[tilespmem:$0xD000] =	vst v63  }
0x235: {  	s2 =	rddreg [dreg:$0x9]  }
0x236: {  	[hbm4b:s31+s8] =	stream.linear.scatter [tilespmem:s17], [sflag:$0x1], $0x2000, $0x38;
	[tilespmem:$0xD000] =	vst v63  }
0x237: {  	s3 =	rddreg [dreg:$0xa]  }
0x238: {  	[hbm4b:s2+s8] =	stream.linear.scatter [tilespmem:s17], [sflag:$0x1], $0x2000, $0x38;
	[tilespmem:$0xD000] =	vst v63  }
0x239: {  	s13 =	rddreg [dreg:$0xb]  }
0x23a: {  	[hbm4b:s3+s8] =	stream.linear.scatter [tilespmem:s17], [sflag:$0x1], $0x2000, $0x38;
	[tilespmem:$0xD000] =	vst v63  }
0x23b: {  	s22 =	rddreg [dreg:$0xc]  }
0x23c: {  	[hbm4b:s13+s8] =	stream.linear.scatter [tilespmem:s17], [sflag:$0x1], $0x2000, $0x38;
	[tilespmem:$0xD000] =	vst v63  }
0x23d: {  	s23 =	rddreg [dreg:$0xd]  }
0x23e: {  	[hbm4b:s22+s8] =	stream.linear.scatter [tilespmem:s17], [sflag:$0x1], $0x2000, $0x38;
	[tilespmem:$0xD000] =	vst v63  }
0x23f: {  	s24 =	rddreg [dreg:$0xe]  }
0x240: {  	[hbm4b:s23+s8] =	stream.linear.scatter [tilespmem:s17], [sflag:$0x1], $0x2000, $0x38;
	[tilespmem:$0xD000] =	vst v63  }
0x241: {  	s25 =	rddreg [dreg:$0xf]  }
0x242: {  	[hbm4b:s24+s8] =	stream.linear.scatter [tilespmem:s17], [sflag:$0x1], $0x2000, $0x38;
	[tilespmem:$0xD000] =	vst v63  }
0x243: {  	s26 =	rddreg [dreg:$0x10]  }
0x244: {  	[hbm4b:s25+s8] =	stream.linear.scatter [tilespmem:s17], [sflag:$0x1], $0x2000, $0x38;
	[tilespmem:$0xD000] =	vst v63  }
0x245: {  	s28 =	rddreg [dreg:$0x11]  }
0x246: {  	[hbm4b:s26+s8] =	stream.linear.scatter [tilespmem:s17], [sflag:$0x1], $0x2000, $0x38;
	[tilespmem:$0xD000] =	vst v63  }
0x247: {  	s29 =	rddreg [dreg:$0x12]  }
0x248: {  	[hbm4b:s28+s8] =	stream.linear.scatter [tilespmem:s17], [sflag:$0x1], $0x2000, $0x38;
	[tilespmem:$0xD000] =	vst v63  }
0x249: {  	s31 =	rddreg [dreg:$0x13]  }
0x24a: {  	[hbm4b:s29+s8] =	stream.linear.scatter [tilespmem:s17], [sflag:$0x1], $0x2000, $0x38;
	[tilespmem:$0xD000] =	vst v63  }
0x24b: {  	s13 =	simm.s32 $0x2000;
	s22 =	simm.s32 $0x4000;
	s23 =	simm.s32 $0x1080  }
0x24c: {  	[hbm4b:s31+s8] =	stream.linear.scatter [tilespmem:s17], [sflag:$0x1], $0x2000, $0x38;
	[tilespmem:$0xD000] =	vst v63  }
.LBB2_6:
0x24d: {  	s0 =	sadd.s32 s13, s9;
	s2 =	sadd.s32 s23, s10;
	s25 =	sadd.s32 $0xFFFFFF80, s23  }
0x24e: {  	s3 =	sadd.s32 $0x700, s0;
	s24 =	sadd.s32 $0xFFFFFF00, s2;
	s28 =	sadd.s32 $0x800, s0  }
0x24f: {  	s25 =	sand.u32 $0x380, s25;
	s3 =	sand.u32 $0xFFFFF800, s3;
	s24 =	sand.u32 $0x380, s24  }
0x250: {  	s0 =	sadd.s32 $0x900, s0;
	s24 =	sor.u32 s24, s3;
	s3 =	sand.u32 $0xFFFFF800, s28  }
0x251: {  	s2 =	sand.u32 $0x380, s2;
	s0 =	sand.u32 $0xFFFFF800, s0;
	v0 =	vld [tilespmem:s24+$0x0];
	s25 =	sor.u32 s25, s3  }
0x252: {  	s26 =	sor.u32 s2, s0;
	v1 =	vld [tilespmem:s25+$0x0]  }
0x253: {  	v2 =	vld [tilespmem:s26+$0x0];
	_ =	sdelay $0x3  }
0x254: {  	v0 =	vmul.f32 $2.500000000e-01, v0;
	v1 =	vmul.f32 $7.500000000e-01, v1  }
0x255: {  	v2 =	vmul.f32 $2.500000000e-01, v2  }
0x256: {  	s29 =	sand.u32 $0x7800, s22;
	s31 =	sand.u32 $0x300, s13;
	v0 =	vadd.f32 v1, v0  }
0x257: {  	s28 =	sor.u32 s31, s29;
	v1 =	vadd.f32 v2, v1  }
0x258: {  	[tilespmem:s28+$0x5000] =	vst v0  }
0x259: {  	[tilespmem:s28+$0x5080] =	vst v1  }
0x25a: {  	v0 =	vld [tilespmem:s24+$0x10]  }
0x25b: {  	v1 =	vld [tilespmem:s25+$0x10]  }
0x25c: {  	v49 =	vld [tilespmem:s26+$0x10];
	_ =	sdelay $0x3  }
0x25d: {  	v0 =	vmul.f32 $2.500000000e-01, v0;
	v1 =	vmul.f32 $7.500000000e-01, v1  }
0x25e: {  	v2 =	vmul.f32 $2.500000000e-01, v49  }
0x25f: {  	v0 =	vadd.f32 v1, v0  }
0x260: {  	v1 =	vadd.f32 v2, v1  }
0x261: {  	[tilespmem:s28+$0x5010] =	vst v0  }
0x262: {  	[tilespmem:s28+$0x5090] =	vst v1  }
0x263: {  	v0 =	vld [tilespmem:s24+$0x20]  }
0x264: {  	v1 =	vld [tilespmem:s25+$0x20]  }
0x265: {  	v50 =	vld [tilespmem:s26+$0x20];
	_ =	sdelay $0x3  }
0x266: {  	v0 =	vmul.f32 $2.500000000e-01, v0;
	v1 =	vmul.f32 $7.500000000e-01, v1  }
0x267: {  	v2 =	vmul.f32 $2.500000000e-01, v50  }
0x268: {  	v0 =	vadd.f32 v1, v0  }
0x269: {  	v1 =	vadd.f32 v2, v1  }
0x26a: {  	[tilespmem:s28+$0x5020] =	vst v0  }
0x26b: {  	[tilespmem:s28+$0x50A0] =	vst v1  }
0x26c: {  	v0 =	vld [tilespmem:s24+$0x30]  }
0x26d: {  	v1 =	vld [tilespmem:s25+$0x30]  }
0x26e: {  	v51 =	vld [tilespmem:s26+$0x30];
	_ =	sdelay $0x3  }
0x26f: {  	v0 =	vmul.f32 $2.500000000e-01, v0;
	v1 =	vmul.f32 $7.500000000e-01, v1  }
0x270: {  	v2 =	vmul.f32 $2.500000000e-01, v51  }
0x271: {  	v0 =	vadd.f32 v1, v0  }
0x272: {  	v1 =	vadd.f32 v2, v1  }
0x273: {  	[tilespmem:s28+$0x5030] =	vst v0  }
0x274: {  	[tilespmem:s28+$0x50B0] =	vst v1  }
0x275: {  	v0 =	vld [tilespmem:s24+$0x40]  }
0x276: {  	v1 =	vld [tilespmem:s25+$0x40]  }
0x277: {  	v52 =	vld [tilespmem:s26+$0x40];
	_ =	sdelay $0x3  }
0x278: {  	v0 =	vmul.f32 $2.500000000e-01, v0;
	v1 =	vmul.f32 $7.500000000e-01, v1  }
0x279: {  	v2 =	vmul.f32 $2.500000000e-01, v52  }
0x27a: {  	v0 =	vadd.f32 v1, v0  }
0x27b: {  	v1 =	vadd.f32 v2, v1  }
0x27c: {  	[tilespmem:s28+$0x5040] =	vst v0  }
0x27d: {  	[tilespmem:s28+$0x50C0] =	vst v1  }
0x27e: {  	v0 =	vld [tilespmem:s24+$0x50]  }
0x27f: {  	v1 =	vld [tilespmem:s25+$0x50]  }
0x280: {  	v53 =	vld [tilespmem:s26+$0x50];
	_ =	sdelay $0x3  }
0x281: {  	v0 =	vmul.f32 $2.500000000e-01, v0;
	v1 =	vmul.f32 $7.500000000e-01, v1  }
0x282: {  	v2 =	vmul.f32 $2.500000000e-01, v53  }
0x283: {  	v0 =	vadd.f32 v1, v0  }
0x284: {  	v1 =	vadd.f32 v2, v1  }
0x285: {  	[tilespmem:s28+$0x5050] =	vst v0  }
0x286: {  	[tilespmem:s28+$0x50D0] =	vst v1  }
0x287: {  	v0 =	vld [tilespmem:s24+$0x60]  }
0x288: {  	v1 =	vld [tilespmem:s25+$0x60]  }
0x289: {  	v54 =	vld [tilespmem:s26+$0x60];
	_ =	sdelay $0x3  }
0x28a: {  	v0 =	vmul.f32 $2.500000000e-01, v0;
	v1 =	vmul.f32 $7.500000000e-01, v1  }
0x28b: {  	v2 =	vmul.f32 $2.500000000e-01, v54  }
0x28c: {  	v0 =	vadd.f32 v1, v0  }
0x28d: {  	v1 =	vadd.f32 v2, v1  }
0x28e: {  	[tilespmem:s28+$0x5060] =	vst v0  }
0x28f: {  	[tilespmem:s28+$0x50E0] =	vst v1  }
0x290: {  	v0 =	vld [tilespmem:s24+$0x70]  }
0x291: {  	v1 =	vld [tilespmem:s25+$0x70]  }
0x292: {  	v55 =	vld [tilespmem:s26+$0x70];
	_ =	sdelay $0x3  }
0x293: {  	v0 =	vmul.f32 $2.500000000e-01, v0;
	v1 =	vmul.f32 $7.500000000e-01, v1  }
0x294: {  	v2 =	vmul.f32 $2.500000000e-01, v55  }
0x295: {  	v0 =	vadd.f32 v1, v0  }
0x296: {  	v1 =	vadd.f32 v2, v1  }
0x297: {  	[tilespmem:s28+$0x5070] =	vst v0  }
0x298: {  	[tilespmem:s28+$0x50F0] =	vst v1  }
0x299: {  	v0 =	vld [tilespmem:s24+$0x400]  }
0x29a: {  	v1 =	vld [tilespmem:s25+$0x400]  }
0x29b: {  	v56 =	vld [tilespmem:s26+$0x400];
	_ =	sdelay $0x3  }
0x29c: {  	v0 =	vmul.f32 $2.500000000e-01, v0;
	v1 =	vmul.f32 $7.500000000e-01, v1  }
0x29d: {  	v2 =	vmul.f32 $2.500000000e-01, v56  }
0x29e: {  	v0 =	vadd.f32 v1, v0  }
0x29f: {  	v1 =	vadd.f32 v2, v1  }
0x2a0: {  	[tilespmem:s28+$0x5400] =	vst v0  }
0x2a1: {  	[tilespmem:s28+$0x5480] =	vst v1  }
0x2a2: {  	v0 =	vld [tilespmem:s24+$0x410]  }
0x2a3: {  	v1 =	vld [tilespmem:s25+$0x410]  }
0x2a4: {  	v57 =	vld [tilespmem:s26+$0x410];
	_ =	sdelay $0x3  }
0x2a5: {  	v0 =	vmul.f32 $2.500000000e-01, v0;
	v1 =	vmul.f32 $7.500000000e-01, v1  }
0x2a6: {  	v2 =	vmul.f32 $2.500000000e-01, v57  }
0x2a7: {  	v0 =	vadd.f32 v1, v0  }
0x2a8: {  	v1 =	vadd.f32 v2, v1  }
0x2a9: {  	[tilespmem:s28+$0x5410] =	vst v0  }
0x2aa: {  	[tilespmem:s28+$0x5490] =	vst v1  }
0x2ab: {  	v0 =	vld [tilespmem:s24+$0x420]  }
0x2ac: {  	v1 =	vld [tilespmem:s25+$0x420]  }
0x2ad: {  	v58 =	vld [tilespmem:s26+$0x420];
	_ =	sdelay $0x3  }
0x2ae: {  	v0 =	vmul.f32 $2.500000000e-01, v0;
	v1 =	vmul.f32 $7.500000000e-01, v1  }
0x2af: {  	v2 =	vmul.f32 $2.500000000e-01, v58  }
0x2b0: {  	v0 =	vadd.f32 v1, v0  }
0x2b1: {  	v1 =	vadd.f32 v2, v1  }
0x2b2: {  	[tilespmem:s28+$0x5420] =	vst v0  }
0x2b3: {  	[tilespmem:s28+$0x54A0] =	vst v1  }
0x2b4: {  	v0 =	vld [tilespmem:s24+$0x430]  }
0x2b5: {  	v1 =	vld [tilespmem:s25+$0x430]  }
0x2b6: {  	v59 =	vld [tilespmem:s26+$0x430];
	_ =	sdelay $0x3  }
0x2b7: {  	v0 =	vmul.f32 $2.500000000e-01, v0;
	v1 =	vmul.f32 $7.500000000e-01, v1  }
0x2b8: {  	v2 =	vmul.f32 $2.500000000e-01, v59  }
0x2b9: {  	v0 =	vadd.f32 v1, v0  }
0x2ba: {  	v1 =	vadd.f32 v2, v1  }
0x2bb: {  	[tilespmem:s28+$0x5430] =	vst v0  }
0x2bc: {  	[tilespmem:s28+$0x54B0] =	vst v1  }
0x2bd: {  	v0 =	vld [tilespmem:s24+$0x440]  }
0x2be: {  	v1 =	vld [tilespmem:s25+$0x440]  }
0x2bf: {  	v60 =	vld [tilespmem:s26+$0x440];
	_ =	sdelay $0x3  }
0x2c0: {  	v0 =	vmul.f32 $2.500000000e-01, v0;
	v1 =	vmul.f32 $7.500000000e-01, v1  }
0x2c1: {  	v2 =	vmul.f32 $2.500000000e-01, v60  }
0x2c2: {  	v0 =	vadd.f32 v1, v0  }
0x2c3: {  	v1 =	vadd.f32 v2, v1  }
0x2c4: {  	[tilespmem:s28+$0x5440] =	vst v0  }
0x2c5: {  	[tilespmem:s28+$0x54C0] =	vst v1  }
0x2c6: {  	v0 =	vld [tilespmem:s24+$0x450]  }
0x2c7: {  	v1 =	vld [tilespmem:s25+$0x450]  }
0x2c8: {  	v61 =	vld [tilespmem:s26+$0x450];
	_ =	sdelay $0x3  }
0x2c9: {  	v0 =	vmul.f32 $2.500000000e-01, v0;
	v1 =	vmul.f32 $7.500000000e-01, v1  }
0x2ca: {  	v2 =	vmul.f32 $2.500000000e-01, v61  }
0x2cb: {  	v0 =	vadd.f32 v1, v0  }
0x2cc: {  	v1 =	vadd.f32 v2, v1  }
0x2cd: {  	[tilespmem:s28+$0x5450] =	vst v0  }
0x2ce: {  	[tilespmem:s28+$0x54D0] =	vst v1  }
0x2cf: {  	v0 =	vld [tilespmem:s24+$0x460]  }
0x2d0: {  	v1 =	vld [tilespmem:s25+$0x460]  }
0x2d1: {  	v62 =	vld [tilespmem:s26+$0x460];
	_ =	sdelay $0x3  }
0x2d2: {  	v0 =	vmul.f32 $2.500000000e-01, v0;
	v1 =	vmul.f32 $7.500000000e-01, v1  }
0x2d3: {  	v2 =	vmul.f32 $2.500000000e-01, v62  }
0x2d4: {  	v0 =	vadd.f32 v1, v0  }
0x2d5: {  	v1 =	vadd.f32 v2, v1  }
0x2d6: {  	[tilespmem:s28+$0x5460] =	vst v0  }
0x2d7: {  	[tilespmem:s28+$0x54E0] =	vst v1  }
0x2d8: {  	v0 =	vld [tilespmem:s24+$0x470]  }
0x2d9: {  	v1 =	vld [tilespmem:s25+$0x470]  }
0x2da: {  	v63 =	vld [tilespmem:s26+$0x470];
	_ =	sdelay $0x3  }
0x2db: {  	p0 =	sne.s32 s13, $0x2F00;
	v0 =	vmul.f32 $2.500000000e-01, v0;
	v1 =	vmul.f32 $7.500000000e-01, v1  }
.Ltmp2:
0x2dc: {  	v2 =	vmul.f32 $2.500000000e-01, v63;
	(pc) =	sbr.rel @p0 .LBB2_6-.Ltmp2, $4  }
0x2dd: {  	v0 =	vadd.f32 v1, v0  }
0x2de: {  	v1 =	vadd.f32 v2, v1  }
0x2df: {  	[tilespmem:s28+$0x5470] =	vst v0  }
0x2e0: {  	s22 =	sadd.s32 $0x200, s22;
	s23 =	sadd.s32 $0x80, s23;
	s13 =	sadd.s32 $0x100, s13;
	[tilespmem:s28+$0x54F0] =	vst v1  }
0x2e1: {  	s0 =	rddreg [dreg:$0x14]  }
0x2e2: {  	s13 =	rddreg [dreg:$0x15]  }
0x2e3: {  	s22 =	rddreg [dreg:$0x16]  }
0x2e4: {  	s23 =	rddreg [dreg:$0x17]  }
0x2e5: {  	[hbm4b:s0+s8] =	stream.linear.scatter [tilespmem:s18], [sflag:$0x1], $0x2000, $0x38;
	[tilespmem:$0xD000] =	vst v63  }
0x2e6: {  	s24 =	rddreg [dreg:$0x18]  }
0x2e7: {  	[hbm4b:s13+s8] =	stream.linear.scatter [tilespmem:s18], [sflag:$0x1], $0x2000, $0x38;
	[tilespmem:$0xD000] =	vst v63  }
0x2e8: {  	s25 =	rddreg [dreg:$0x19]  }
0x2e9: {  	[hbm4b:s22+s8] =	stream.linear.scatter [tilespmem:s18], [sflag:$0x1], $0x2000, $0x38;
	[tilespmem:$0xD000] =	vst v63  }
0x2ea: {  	s26 =	rddreg [dreg:$0x1a]  }
0x2eb: {  	[hbm4b:s23+s8] =	stream.linear.scatter [tilespmem:s18], [sflag:$0x1], $0x2000, $0x38;
	[tilespmem:$0xD000] =	vst v63  }
0x2ec: {  	s31 =	rddreg [dreg:$0x1b]  }
0x2ed: {  	[hbm4b:s24+s8] =	stream.linear.scatter [tilespmem:s18], [sflag:$0x1], $0x2000, $0x38;
	[tilespmem:$0xD000] =	vst v63  }
0x2ee: {  	s2 =	rddreg [dreg:$0x1c]  }
0x2ef: {  	[hbm4b:s25+s8] =	stream.linear.scatter [tilespmem:s18], [sflag:$0x1], $0x2000, $0x38;
	[tilespmem:$0xD000] =	vst v63  }
0x2f0: {  	s3 =	rddreg [dreg:$0x1d]  }
0x2f1: {  	[hbm4b:s26+s8] =	stream.linear.scatter [tilespmem:s18], [sflag:$0x1], $0x2000, $0x38;
	[tilespmem:$0xD000] =	vst v63  }
0x2f2: {  	s13 =	rddreg [dreg:$0x1e]  }
0x2f3: {  	[hbm4b:s31+s8] =	stream.linear.scatter [tilespmem:s18], [sflag:$0x1], $0x2000, $0x38;
	[tilespmem:$0xD000] =	vst v63  }
0x2f4: {  	s22 =	rddreg [dreg:$0x1f]  }
0x2f5: {  	[hbm4b:s2+s8] =	stream.linear.scatter [tilespmem:s18], [sflag:$0x1], $0x2000, $0x38;
	[tilespmem:$0xD000] =	vst v63  }
0x2f6: {  	s23 =	sld [smem:$0x7DD]  }
0x2f7: {  	[hbm4b:s3+s8] =	stream.linear.scatter [tilespmem:s18], [sflag:$0x1], $0x2000, $0x38;
	[tilespmem:$0xD000] =	vst v63  }
0x2f8: {  	p0 =	slt.s32 s30, $0x1FE;
	s0 =	smov.u32 s30;
	s24 =	sld [smem:$0x7DE]  }
0x2f9: {  	[hbm4b:s13+s8] =	stream.linear.scatter [tilespmem:s18], [sflag:$0x1], $0x2000, $0x38;
	[tilespmem:$0xD000] =	vst v63  }
0x2fa: {  	s0 =	simm.s32 @!p0 $0x1FE;
	s25 =	sld [smem:$0x7DF];
	s13 =	sadd.s32 $0x1800, s14  }
0x2fb: {  	s0 =	sadd.s32 $0x1, s0;
	s26 =	sld [smem:$0x7E0];
	s13 =	sadd.s32 $0xFFFFE800, s13  }
0x2fc: {  	[hbm4b:s22+s8] =	stream.linear.scatter [tilespmem:s18], [sflag:$0x1], $0x2000, $0x38;
	[tilespmem:$0xD000] =	vst v63  }
0x2fd: {  	s3 =	sadd.s32 $0x3000, s9;
	s22 =	simm.s32 $0x1800;
	s13 =	sand.u32 $0x380, s13  }
0x2fe: {  	[hbm4b:s23+s8] =	stream.linear.scatter [tilespmem:s18], [sflag:$0x1], $0x2000, $0x38;
	[tilespmem:$0xD000] =	vst v63  }
0x2ff: {  	s2 =	sand.u32 $0x380, s22;
	s23 =	sadd.s32 $0x700, s3;
	s3 =	sadd.s32 $0x800, s3  }
0x300: {  	[hbm4b:s24+s8] =	stream.linear.scatter [tilespmem:s18], [sflag:$0x1], $0x2000, $0x38;
	[tilespmem:$0xD000] =	vst v63  }
0x301: {  	s23 =	sand.u32 $0xFFFFF800, s23;
	s3 =	sand.u32 $0xFFFFF800, s3;
	s24 =	ssub.s32 s0, s1  }
0x302: {  	[hbm4b:s25+s8] =	stream.linear.scatter [tilespmem:s18], [sflag:$0x1], $0x2000, $0x38;
	[tilespmem:$0xD000] =	vst v63  }
0x303: {  	s0 =	sshll.u32 s0, $0x7;
	s25 =	sshll.u32 s24, $0x8;
	s24 =	sor.u32 s13, s23  }
0x304: {  	[hbm4b:s26+s8] =	stream.linear.scatter [tilespmem:s18], [sflag:$0x1], $0x2000, $0x38;
	[tilespmem:$0xD000] =	vst v63  }
0x305: {  	s0 =	sand.u32 $0x380, s0;
	s31 =	sand.u32 $0xFFFFF800, s25;
	s25 =	sor.u32 s2, s3;
	v0 =	vld [tilespmem:s24+$0x0]  }
0x306: {  	s26 =	sor.u32 s0, s31;
	v1 =	vld [tilespmem:s25+$0x0]  }
0x307: {  	v2 =	vld [tilespmem:s26+$0x0];
	_ =	sdelay $0x3  }
0x308: {  	v0 =	vmul.f32 $2.500000000e-01, v0;
	v1 =	vmul.f32 $7.500000000e-01, v1  }
0x309: {  	s28 =	simm.s32 $0x6000;
	s23 =	simm.s32 $0x3000;
	v2 =	vmul.f32 $2.500000000e-01, v2  }
0x30a: {  	s31 =	sand.u32 $0x7800, s28;
	s0 =	sand.u32 $0x300, s23;
	v0 =	vadd.f32 v1, v0  }
0x30b: {  	s23 =	sor.u32 s0, s31;
	v1 =	vadd.f32 v2, v1  }
0x30c: {  	[tilespmem:s23+$0x5000] =	vst v0  }
0x30d: {  	[tilespmem:s23+$0x5080] =	vst v1  }
0x30e: {  	v0 =	vld [tilespmem:s25+$0x10]  }
0x30f: {  	v1 =	vld [tilespmem:s24+$0x10]  }
0x310: {  	v2 =	vld [tilespmem:s26+$0x10];
	_ =	sdelay $0x3  }
0x311: {  	v1 =	vmul.f32 $2.500000000e-01, v1;
	v0 =	vmul.f32 $7.500000000e-01, v0  }
0x312: {  	v2 =	vmul.f32 $2.500000000e-01, v2  }
0x313: {  	v1 =	vadd.f32 v0, v1  }
0x314: {  	v0 =	vadd.f32 v2, v0  }
0x315: {  	[tilespmem:s23+$0x5010] =	vst v1  }
0x316: {  	[tilespmem:s23+$0x5090] =	vst v0  }
0x317: {  	v0 =	vld [tilespmem:s24+$0x20]  }
0x318: {  	v1 =	vld [tilespmem:s25+$0x20]  }
0x319: {  	v2 =	vld [tilespmem:s26+$0x20];
	_ =	sdelay $0x3  }
0x31a: {  	v0 =	vmul.f32 $2.500000000e-01, v0;
	v1 =	vmul.f32 $7.500000000e-01, v1  }
0x31b: {  	v2 =	vmul.f32 $2.500000000e-01, v2  }
0x31c: {  	v0 =	vadd.f32 v1, v0  }
0x31d: {  	v1 =	vadd.f32 v2, v1  }
0x31e: {  	[tilespmem:s23+$0x5020] =	vst v0  }
0x31f: {  	[tilespmem:s23+$0x50A0] =	vst v1  }
0x320: {  	v0 =	vld [tilespmem:s25+$0x30]  }
0x321: {  	v1 =	vld [tilespmem:s26+$0x30]  }
0x322: {  	v2 =	vld [tilespmem:s24+$0x30];
	_ =	sdelay $0x3  }
0x323: {  	v0 =	vmul.f32 $7.500000000e-01, v0;
	v1 =	vmul.f32 $2.500000000e-01, v1  }
0x324: {  	v2 =	vmul.f32 $2.500000000e-01, v2  }
0x325: {  	v1 =	vadd.f32 v1, v0  }
0x326: {  	v0 =	vadd.f32 v0, v2  }
0x327: {  	[tilespmem:s23+$0x50B0] =	vst v1  }
0x328: {  	[tilespmem:s23+$0x5030] =	vst v0  }
0x329: {  	v0 =	vld [tilespmem:s25+$0x40]  }
0x32a: {  	v1 =	vld [tilespmem:s26+$0x40]  }
0x32b: {  	v2 =	vld [tilespmem:s24+$0x40];
	_ =	sdelay $0x3  }
0x32c: {  	v0 =	vmul.f32 $7.500000000e-01, v0;
	v1 =	vmul.f32 $2.500000000e-01, v1  }
0x32d: {  	v2 =	vmul.f32 $2.500000000e-01, v2  }
0x32e: {  	v1 =	vadd.f32 v1, v0  }
0x32f: {  	v0 =	vadd.f32 v0, v2  }
0x330: {  	[tilespmem:s23+$0x50C0] =	vst v1  }
0x331: {  	[tilespmem:s23+$0x5040] =	vst v0  }
0x332: {  	v0 =	vld [tilespmem:s25+$0x50]  }
0x333: {  	v1 =	vld [tilespmem:s24+$0x50]  }
0x334: {  	v2 =	vld [tilespmem:s26+$0x50];
	_ =	sdelay $0x3  }
0x335: {  	v1 =	vmul.f32 $2.500000000e-01, v1;
	v0 =	vmul.f32 $7.500000000e-01, v0  }
0x336: {  	v2 =	vmul.f32 $2.500000000e-01, v2  }
0x337: {  	v1 =	vadd.f32 v0, v1  }
0x338: {  	v0 =	vadd.f32 v2, v0  }
0x339: {  	[tilespmem:s23+$0x5050] =	vst v1  }
0x33a: {  	[tilespmem:s23+$0x50D0] =	vst v0  }
0x33b: {  	v0 =	vld [tilespmem:s25+$0x60]  }
0x33c: {  	v1 =	vld [tilespmem:s24+$0x60]  }
0x33d: {  	v2 =	vld [tilespmem:s26+$0x60];
	_ =	sdelay $0x3  }
0x33e: {  	v1 =	vmul.f32 $2.500000000e-01, v1;
	v0 =	vmul.f32 $7.500000000e-01, v0  }
0x33f: {  	v2 =	vmul.f32 $2.500000000e-01, v2  }
0x340: {  	v1 =	vadd.f32 v0, v1  }
0x341: {  	v0 =	vadd.f32 v2, v0  }
0x342: {  	[tilespmem:s23+$0x5060] =	vst v1  }
0x343: {  	[tilespmem:s23+$0x50E0] =	vst v0  }
0x344: {  	v0 =	vld [tilespmem:s25+$0x70]  }
0x345: {  	v1 =	vld [tilespmem:s24+$0x70]  }
0x346: {  	v2 =	vld [tilespmem:s26+$0x70];
	_ =	sdelay $0x3  }
0x347: {  	v1 =	vmul.f32 $2.500000000e-01, v1;
	v0 =	vmul.f32 $7.500000000e-01, v0  }
0x348: {  	v2 =	vmul.f32 $2.500000000e-01, v2  }
0x349: {  	v1 =	vadd.f32 v0, v1  }
0x34a: {  	v0 =	vadd.f32 v2, v0  }
0x34b: {  	[tilespmem:s23+$0x5070] =	vst v1  }
0x34c: {  	[tilespmem:s23+$0x50F0] =	vst v0  }
0x34d: {  	v0 =	vld [tilespmem:s25+$0x400]  }
0x34e: {  	v1 =	vld [tilespmem:s24+$0x400]  }
0x34f: {  	v2 =	vld [tilespmem:s26+$0x400];
	_ =	sdelay $0x3  }
0x350: {  	v1 =	vmul.f32 $2.500000000e-01, v1;
	v0 =	vmul.f32 $7.500000000e-01, v0  }
0x351: {  	v2 =	vmul.f32 $2.500000000e-01, v2  }
0x352: {  	v1 =	vadd.f32 v0, v1  }
0x353: {  	v0 =	vadd.f32 v2, v0  }
0x354: {  	[tilespmem:s23+$0x5400] =	vst v1  }
0x355: {  	[tilespmem:s23+$0x5480] =	vst v0  }
0x356: {  	v0 =	vld [tilespmem:s24+$0x410]  }
0x357: {  	v1 =	vld [tilespmem:s25+$0x410]  }
0x358: {  	v2 =	vld [tilespmem:s26+$0x410];
	_ =	sdelay $0x3  }
0x359: {  	v0 =	vmul.f32 $2.500000000e-01, v0;
	v1 =	vmul.f32 $7.500000000e-01, v1  }
0x35a: {  	v2 =	vmul.f32 $2.500000000e-01, v2  }
0x35b: {  	v0 =	vadd.f32 v1, v0  }
0x35c: {  	v1 =	vadd.f32 v2, v1  }
0x35d: {  	[tilespmem:s23+$0x5410] =	vst v0  }
0x35e: {  	[tilespmem:s23+$0x5490] =	vst v1  }
0x35f: {  	v0 =	vld [tilespmem:s25+$0x420]  }
0x360: {  	v1 =	vld [tilespmem:s26+$0x420]  }
0x361: {  	v2 =	vld [tilespmem:s24+$0x420];
	_ =	sdelay $0x3  }
0x362: {  	v0 =	vmul.f32 $7.500000000e-01, v0;
	v1 =	vmul.f32 $2.500000000e-01, v1  }
0x363: {  	v2 =	vmul.f32 $2.500000000e-01, v2  }
0x364: {  	v1 =	vadd.f32 v1, v0  }
0x365: {  	v0 =	vadd.f32 v0, v2  }
0x366: {  	[tilespmem:s23+$0x54A0] =	vst v1  }
0x367: {  	[tilespmem:s23+$0x5420] =	vst v0  }
0x368: {  	v0 =	vld [tilespmem:s25+$0x430]  }
0x369: {  	v1 =	vld [tilespmem:s26+$0x430]  }
0x36a: {  	v2 =	vld [tilespmem:s24+$0x430];
	_ =	sdelay $0x3  }
0x36b: {  	v0 =	vmul.f32 $7.500000000e-01, v0;
	v1 =	vmul.f32 $2.500000000e-01, v1  }
0x36c: {  	v2 =	vmul.f32 $2.500000000e-01, v2  }
0x36d: {  	v1 =	vadd.f32 v1, v0  }
0x36e: {  	v0 =	vadd.f32 v0, v2  }
0x36f: {  	[tilespmem:s23+$0x54B0] =	vst v1  }
0x370: {  	[tilespmem:s23+$0x5430] =	vst v0  }
0x371: {  	v0 =	vld [tilespmem:s24+$0x440]  }
0x372: {  	v1 =	vld [tilespmem:s25+$0x440]  }
0x373: {  	s29 =	simm.s32 $0x3100;
	s13 =	smov.u32 s30;
	v2 =	vld [tilespmem:s26+$0x440]  }
.LBB2_8:
0x374: {  	_ = 	snop  }
0x375: {  	s28 =	sadd.s32 $0x200, s28;
	s22 =	sadd.s32 $0x80, s22;
	s13 =	sadd.s32 $0x1, s13  }
0x376: {  	p0 =	sne.s32 s29, $0x3F00;
	s31 =	smov.u32 s29;
	s29 =	sadd.s32 $0x100, s29  }
0x377: {  	v0 =	vmul.f32 $2.500000000e-01, v0;
	v1 =	vmul.f32 $7.500000000e-01, v1  }
0x378: {  	v2 =	vmul.f32 $2.500000000e-01, v2  }
0x379: {  	v0 =	vadd.f32 v1, v0  }
0x37a: {  	v1 =	vadd.f32 v2, v1  }
0x37b: {  	[tilespmem:s23+$0x5440] =	vst v0  }
0x37c: {  	[tilespmem:s23+$0x54C0] =	vst v1  }
0x37d: {  	v0 =	vld [tilespmem:s24+$0x450]  }
0x37e: {  	v1 =	vld [tilespmem:s25+$0x450]  }
0x37f: {  	v2 =	vld [tilespmem:s26+$0x450];
	_ =	sdelay $0x2  }
0x380: {  	v0 =	vmul.f32 $2.500000000e-01, v0;
	_ =	sdelay $0x1  }
0x381: {  	v1 =	vmul.f32 $7.500000000e-01, v1;
	v2 =	vmul.f32 $2.500000000e-01, v2;
	_ =	sdelay $0x1  }
0x382: {  	v0 =	vadd.f32 v1, v0;
	v1 =	vadd.f32 v2, v1;
	_ =	sdelay $0x1  }
0x383: {  	[tilespmem:s23+$0x5450] =	vst v0  }
0x384: {  	[tilespmem:s23+$0x54D0] =	vst v1  }
0x385: {  	v0 =	vld [tilespmem:s25+$0x460]  }
0x386: {  	v1 =	vld [tilespmem:s24+$0x460]  }
0x387: {  	v2 =	vld [tilespmem:s26+$0x460];
	_ =	sdelay $0x3  }
0x388: {  	v0 =	vmul.f32 $7.500000000e-01, v0;
	v1 =	vmul.f32 $2.500000000e-01, v1  }
0x389: {  	v2 =	vmul.f32 $2.500000000e-01, v2  }
0x38a: {  	v1 =	vadd.f32 v0, v1  }
0x38b: {  	v0 =	vadd.f32 v2, v0  }
0x38c: {  	[tilespmem:s23+$0x5460] =	vst v1  }
0x38d: {  	[tilespmem:s23+$0x54E0] =	vst v0  }
0x38e: {  	v0 =	vld [tilespmem:s24+$0x470]  }
0x38f: {  	v1 =	vld [tilespmem:s25+$0x470]  }
0x390: {  	v2 =	vld [tilespmem:s26+$0x470];
	_ =	sdelay $0x1  }
0x391: {  	p1 =	slt.s32 s13, $0x1FE;
	s0 =	sand.u32 $0x380, s22;
	s2 =	smov.u32 s13  }
0x392: {  	s3 =	sadd.s32 s31, s9;
	s2 =	simm.s32 @!p1 $0x1FE;
	s24 =	sadd.s32 s22, s14  }
0x393: {  	s2 =	sadd.s32 $0x1, s2;
	s25 =	sadd.s32 $0x700, s3;
	s3 =	sadd.s32 $0x800, s3;
	v0 =	vmul.f32 $2.500000000e-01, v0;
	v1 =	vmul.f32 $7.500000000e-01, v1  }
0x394: {  	s26 =	ssub.s32 s2, s1;
	s25 =	sand.u32 $0xFFFFF800, s25;
	s2 =	sshll.u32 s2, $0x7;
	v2 =	vmul.f32 $2.500000000e-01, v2  }
0x395: {  	s24 =	sadd.s32 $0xFFFFE800, s24;
	s3 =	sand.u32 $0xFFFFF800, s3;
	s26 =	sshll.u32 s26, $0x8;
	v0 =	vadd.f32 v1, v0  }
0x396: {  	s24 =	sand.u32 $0x380, s24;
	s2 =	sand.u32 $0x380, s2;
	s26 =	sand.u32 $0xFFFFF800, s26;
	v1 =	vadd.f32 v2, v1  }
0x397: {  	s24 =	sor.u32 s24, s25;
	s25 =	sor.u32 s0, s3;
	s26 =	sor.u32 s2, s26;
	[tilespmem:s23+$0x5470] =	vst v0  }
0x398: {  	[tilespmem:s23+$0x54F0] =	vst v1  }
0x399: {  	v0 =	vld [tilespmem:s24+$0x0]  }
0x39a: {  	v1 =	vld [tilespmem:s26+$0x0]  }
0x39b: {  	v2 =	vld [tilespmem:s25+$0x0];
	_ =	sdelay $0x3  }
0x39c: {  	v1 =	vmul.f32 $2.500000000e-01, v1  }
0x39d: {  	v0 =	vmul.f32 $2.500000000e-01, v0;
	v2 =	vmul.f32 $7.500000000e-01, v2;
	_ =	sdelay $0x1  }
0x39e: {  	s0 =	sand.u32 $0x7800, s28;
	s2 =	sand.u32 $0x300, s31;
	v0 =	vadd.f32 v2, v0;
	v1 =	vadd.f32 v1, v2  }
0x39f: {  	s23 =	sor.u32 s2, s0  }
0x3a0: {  	[tilespmem:s23+$0x5000] =	vst v0  }
0x3a1: {  	[tilespmem:s23+$0x5080] =	vst v1  }
0x3a2: {  	v0 =	vld [tilespmem:s25+$0x10]  }
0x3a3: {  	v1 =	vld [tilespmem:s24+$0x10]  }
0x3a4: {  	v2 =	vld [tilespmem:s26+$0x10];
	_ =	sdelay $0x3  }
0x3a5: {  	v0 =	vmul.f32 $7.500000000e-01, v0;
	v1 =	vmul.f32 $2.500000000e-01, v1  }
0x3a6: {  	v2 =	vmul.f32 $2.500000000e-01, v2  }
0x3a7: {  	v1 =	vadd.f32 v0, v1  }
0x3a8: {  	v0 =	vadd.f32 v2, v0  }
0x3a9: {  	[tilespmem:s23+$0x5010] =	vst v1  }
0x3aa: {  	[tilespmem:s23+$0x5090] =	vst v0  }
0x3ab: {  	v0 =	vld [tilespmem:s24+$0x20]  }
0x3ac: {  	v1 =	vld [tilespmem:s25+$0x20]  }
0x3ad: {  	v2 =	vld [tilespmem:s26+$0x20];
	_ =	sdelay $0x3  }
0x3ae: {  	v0 =	vmul.f32 $2.500000000e-01, v0;
	v1 =	vmul.f32 $7.500000000e-01, v1  }
0x3af: {  	v2 =	vmul.f32 $2.500000000e-01, v2  }
0x3b0: {  	v0 =	vadd.f32 v1, v0  }
0x3b1: {  	v1 =	vadd.f32 v2, v1  }
0x3b2: {  	[tilespmem:s23+$0x5020] =	vst v0  }
0x3b3: {  	[tilespmem:s23+$0x50A0] =	vst v1  }
0x3b4: {  	v0 =	vld [tilespmem:s24+$0x30]  }
0x3b5: {  	v1 =	vld [tilespmem:s25+$0x30]  }
0x3b6: {  	v2 =	vld [tilespmem:s26+$0x30];
	_ =	sdelay $0x2  }
0x3b7: {  	v0 =	vmul.f32 $2.500000000e-01, v0;
	_ =	sdelay $0x1  }
0x3b8: {  	v1 =	vmul.f32 $7.500000000e-01, v1;
	v2 =	vmul.f32 $2.500000000e-01, v2;
	_ =	sdelay $0x1  }
0x3b9: {  	v0 =	vadd.f32 v1, v0;
	v1 =	vadd.f32 v2, v1;
	_ =	sdelay $0x1  }
0x3ba: {  	[tilespmem:s23+$0x50B0] =	vst v1  }
0x3bb: {  	[tilespmem:s23+$0x5030] =	vst v0  }
0x3bc: {  	v0 =	vld [tilespmem:s24+$0x40]  }
0x3bd: {  	v1 =	vld [tilespmem:s25+$0x40]  }
0x3be: {  	v2 =	vld [tilespmem:s26+$0x40];
	_ =	sdelay $0x2  }
0x3bf: {  	v0 =	vmul.f32 $2.500000000e-01, v0;
	_ =	sdelay $0x1  }
0x3c0: {  	v1 =	vmul.f32 $7.500000000e-01, v1;
	v2 =	vmul.f32 $2.500000000e-01, v2;
	_ =	sdelay $0x1  }
0x3c1: {  	v0 =	vadd.f32 v1, v0;
	v1 =	vadd.f32 v2, v1;
	_ =	sdelay $0x1  }
0x3c2: {  	[tilespmem:s23+$0x50C0] =	vst v1  }
0x3c3: {  	[tilespmem:s23+$0x5040] =	vst v0  }
0x3c4: {  	v0 =	vld [tilespmem:s25+$0x50]  }
0x3c5: {  	v1 =	vld [tilespmem:s24+$0x50]  }
0x3c6: {  	v2 =	vld [tilespmem:s26+$0x50];
	_ =	sdelay $0x3  }
0x3c7: {  	v0 =	vmul.f32 $7.500000000e-01, v0;
	v1 =	vmul.f32 $2.500000000e-01, v1  }
0x3c8: {  	v2 =	vmul.f32 $2.500000000e-01, v2  }
0x3c9: {  	v1 =	vadd.f32 v0, v1  }
0x3ca: {  	v0 =	vadd.f32 v2, v0  }
0x3cb: {  	[tilespmem:s23+$0x5050] =	vst v1  }
0x3cc: {  	[tilespmem:s23+$0x50D0] =	vst v0  }
0x3cd: {  	v0 =	vld [tilespmem:s25+$0x60]  }
0x3ce: {  	v1 =	vld [tilespmem:s24+$0x60]  }
0x3cf: {  	v2 =	vld [tilespmem:s26+$0x60];
	_ =	sdelay $0x3  }
0x3d0: {  	v0 =	vmul.f32 $7.500000000e-01, v0;
	v1 =	vmul.f32 $2.500000000e-01, v1  }
0x3d1: {  	v2 =	vmul.f32 $2.500000000e-01, v2  }
0x3d2: {  	v1 =	vadd.f32 v0, v1  }
0x3d3: {  	v0 =	vadd.f32 v2, v0  }
0x3d4: {  	[tilespmem:s23+$0x5060] =	vst v1  }
0x3d5: {  	[tilespmem:s23+$0x50E0] =	vst v0  }
0x3d6: {  	v0 =	vld [tilespmem:s25+$0x70]  }
0x3d7: {  	v1 =	vld [tilespmem:s24+$0x70]  }
0x3d8: {  	v2 =	vld [tilespmem:s26+$0x70];
	_ =	sdelay $0x3  }
0x3d9: {  	v0 =	vmul.f32 $7.500000000e-01, v0;
	v1 =	vmul.f32 $2.500000000e-01, v1  }
0x3da: {  	v2 =	vmul.f32 $2.500000000e-01, v2  }
0x3db: {  	v1 =	vadd.f32 v0, v1  }
0x3dc: {  	v0 =	vadd.f32 v2, v0  }
0x3dd: {  	[tilespmem:s23+$0x5070] =	vst v1  }
0x3de: {  	[tilespmem:s23+$0x50F0] =	vst v0  }
0x3df: {  	v0 =	vld [tilespmem:s25+$0x400]  }
0x3e0: {  	v1 =	vld [tilespmem:s24+$0x400]  }
0x3e1: {  	v2 =	vld [tilespmem:s26+$0x400];
	_ =	sdelay $0x3  }
0x3e2: {  	v0 =	vmul.f32 $7.500000000e-01, v0;
	v1 =	vmul.f32 $2.500000000e-01, v1  }
0x3e3: {  	v2 =	vmul.f32 $2.500000000e-01, v2  }
0x3e4: {  	v1 =	vadd.f32 v0, v1  }
0x3e5: {  	v0 =	vadd.f32 v2, v0  }
0x3e6: {  	[tilespmem:s23+$0x5400] =	vst v1  }
0x3e7: {  	[tilespmem:s23+$0x5480] =	vst v0  }
0x3e8: {  	v0 =	vld [tilespmem:s24+$0x410]  }
0x3e9: {  	v1 =	vld [tilespmem:s25+$0x410]  }
0x3ea: {  	v2 =	vld [tilespmem:s26+$0x410];
	_ =	sdelay $0x3  }
0x3eb: {  	v0 =	vmul.f32 $2.500000000e-01, v0;
	v1 =	vmul.f32 $7.500000000e-01, v1  }
0x3ec: {  	v2 =	vmul.f32 $2.500000000e-01, v2  }
0x3ed: {  	v0 =	vadd.f32 v1, v0  }
0x3ee: {  	v1 =	vadd.f32 v2, v1  }
0x3ef: {  	[tilespmem:s23+$0x5410] =	vst v0  }
0x3f0: {  	[tilespmem:s23+$0x5490] =	vst v1  }
0x3f1: {  	v0 =	vld [tilespmem:s24+$0x420]  }
0x3f2: {  	v1 =	vld [tilespmem:s25+$0x420]  }
0x3f3: {  	v2 =	vld [tilespmem:s26+$0x420];
	_ =	sdelay $0x2  }
0x3f4: {  	v0 =	vmul.f32 $2.500000000e-01, v0;
	_ =	sdelay $0x1  }
0x3f5: {  	v1 =	vmul.f32 $7.500000000e-01, v1;
	v2 =	vmul.f32 $2.500000000e-01, v2;
	_ =	sdelay $0x1  }
0x3f6: {  	v0 =	vadd.f32 v1, v0;
	v1 =	vadd.f32 v2, v1;
	_ =	sdelay $0x1  }
0x3f7: {  	[tilespmem:s23+$0x54A0] =	vst v1;
	_ =	sdelay $0x5  }
0x3f8: {  	[tilespmem:s23+$0x5420] =	vst v0  }
0x3f9: {  	v0 =	vld [tilespmem:s24+$0x430]  }
0x3fa: {  	v1 =	vld [tilespmem:s25+$0x430]  }
0x3fb: {  	v2 =	vld [tilespmem:s26+$0x430];
	_ =	sdelay $0x2  }
0x3fc: {  	v0 =	vmul.f32 $2.500000000e-01, v0;
	_ =	sdelay $0x1  }
0x3fd: {  	v1 =	vmul.f32 $7.500000000e-01, v1;
	v2 =	vmul.f32 $2.500000000e-01, v2;
	_ =	sdelay $0x1  }
0x3fe: {  	v0 =	vadd.f32 v1, v0;
	v1 =	vadd.f32 v2, v1;
	_ =	sdelay $0x1  }
.Ltmp3:
0x3ff: {  	[tilespmem:s23+$0x54B0] =	vst v1;
	(pc) =	sbr.rel @p0 .LBB2_8-.Ltmp3, $4  }
0x400: {  	[tilespmem:s23+$0x5430] =	vst v0  }
0x401: {  	v0 =	vld [tilespmem:s24+$0x440]  }
0x402: {  	v1 =	vld [tilespmem:s25+$0x440]  }
0x403: {  	v2 =	vld [tilespmem:s26+$0x440]  }
0x404: {  	_ =	sdelay $0x2  }
0x405: {  	v0 =	vmul.f32 $2.500000000e-01, v0;
	v1 =	vmul.f32 $7.500000000e-01, v1  }
0x406: {  	v2 =	vmul.f32 $2.500000000e-01, v2  }
0x407: {  	v0 =	vadd.f32 v1, v0  }
0x408: {  	v1 =	vadd.f32 v2, v1  }
0x409: {  	[tilespmem:s23+$0x5440] =	vst v0  }
0x40a: {  	[tilespmem:s23+$0x54C0] =	vst v1  }
0x40b: {  	v0 =	vld [tilespmem:s24+$0x450]  }
0x40c: {  	v1 =	vld [tilespmem:s25+$0x450]  }
0x40d: {  	v61 =	vld [tilespmem:s26+$0x450];
	_ =	sdelay $0x3  }
0x40e: {  	v0 =	vmul.f32 $2.500000000e-01, v0;
	v1 =	vmul.f32 $7.500000000e-01, v1  }
0x40f: {  	v2 =	vmul.f32 $2.500000000e-01, v61  }
0x410: {  	v0 =	vadd.f32 v1, v0  }
0x411: {  	v1 =	vadd.f32 v2, v1  }
0x412: {  	[tilespmem:s23+$0x5450] =	vst v0  }
0x413: {  	[tilespmem:s23+$0x54D0] =	vst v1  }
0x414: {  	v0 =	vld [tilespmem:s25+$0x460]  }
0x415: {  	v1 =	vld [tilespmem:s24+$0x460]  }
0x416: {  	v62 =	vld [tilespmem:s26+$0x460];
	_ =	sdelay $0x3  }
0x417: {  	v1 =	vmul.f32 $2.500000000e-01, v1;
	v0 =	vmul.f32 $7.500000000e-01, v0  }
0x418: {  	v2 =	vmul.f32 $2.500000000e-01, v62  }
0x419: {  	v1 =	vadd.f32 v0, v1  }
0x41a: {  	v0 =	vadd.f32 v2, v0  }
0x41b: {  	[tilespmem:s23+$0x5460] =	vst v1  }
0x41c: {  	[tilespmem:s23+$0x54E0] =	vst v0  }
0x41d: {  	v0 =	vld [tilespmem:s24+$0x470]  }
0x41e: {  	v1 =	vld [tilespmem:s25+$0x470]  }
0x41f: {  	v63 =	vld [tilespmem:s26+$0x470];
	_ =	sdelay $0x3  }
0x420: {  	v0 =	vmul.f32 $2.500000000e-01, v0;
	v1 =	vmul.f32 $7.500000000e-01, v1  }
0x421: {  	v2 =	vmul.f32 $2.500000000e-01, v63  }
0x422: {  	v0 =	vadd.f32 v1, v0  }
0x423: {  	s0 =	sld [smem:$0x7F1];
	v1 =	vadd.f32 v2, v1  }
0x424: {  	[tilespmem:s23+$0x5470] =	vst v0  }
0x425: {  	s31 =	sld [smem:$0x7F2];
	[tilespmem:s23+$0x54F0] =	vst v1  }
0x426: {  	[hbm4b:s0+s8] =	stream.linear.scatter [tilespmem:s19], [sflag:$0x1], $0x2000, $0x38;
	[tilespmem:$0xD000] =	vst v63  }
0x427: {  	s2 =	sld [smem:$0x7F3]  }
0x428: {  	[hbm4b:s31+s8] =	stream.linear.scatter [tilespmem:s19], [sflag:$0x1], $0x2000, $0x38;
	[tilespmem:$0xD000] =	vst v63  }
0x429: {  	s3 =	sld [smem:$0x7F4]  }
0x42a: {  	[hbm4b:s2+s8] =	stream.linear.scatter [tilespmem:s19], [sflag:$0x1], $0x2000, $0x38;
	[tilespmem:$0xD000] =	vst v63  }
0x42b: {  	s13 =	sld [smem:$0x7F5]  }
0x42c: {  	[hbm4b:s3+s8] =	stream.linear.scatter [tilespmem:s19], [sflag:$0x1], $0x2000, $0x38;
	[tilespmem:$0xD000] =	vst v63  }
0x42d: {  	s22 =	sld [smem:$0x7F6]  }
0x42e: {  	[hbm4b:s13+s8] =	stream.linear.scatter [tilespmem:s19], [sflag:$0x1], $0x2000, $0x38;
	[tilespmem:$0xD000] =	vst v63  }
0x42f: {  	s23 =	sld [smem:$0x7F7]  }
0x430: {  	[hbm4b:s22+s8] =	stream.linear.scatter [tilespmem:s19], [sflag:$0x1], $0x2000, $0x38;
	[tilespmem:$0xD000] =	vst v63  }
0x431: {  	s24 =	sld [smem:$0x7F8]  }
0x432: {  	[hbm4b:s23+s8] =	stream.linear.scatter [tilespmem:s19], [sflag:$0x1], $0x2000, $0x38;
	[tilespmem:$0xD000] =	vst v63  }
0x433: {  	s25 =	sld [smem:$0x7F9]  }
0x434: {  	[hbm4b:s24+s8] =	stream.linear.scatter [tilespmem:s19], [sflag:$0x1], $0x2000, $0x38;
	[tilespmem:$0xD000] =	vst v63  }
0x435: {  	s26 =	sld [smem:$0x7FA]  }
0x436: {  	[hbm4b:s25+s8] =	stream.linear.scatter [tilespmem:s19], [sflag:$0x1], $0x2000, $0x38;
	[tilespmem:$0xD000] =	vst v63  }
0x437: {  	s28 =	sld [smem:$0x7FB]  }
0x438: {  	[hbm4b:s26+s8] =	stream.linear.scatter [tilespmem:s19], [sflag:$0x1], $0x2000, $0x38;
	[tilespmem:$0xD000] =	vst v63  }
0x439: {  	s29 =	sld [smem:$0x7FC]  }
0x43a: {  	[hbm4b:s28+s8] =	stream.linear.scatter [tilespmem:s19], [sflag:$0x1], $0x2000, $0x38;
	[tilespmem:$0xD000] =	vst v63  }
0x43b: {  	s31 =	sld [smem:$0x7FD]  }
0x43c: {  	[hbm4b:s29+s8] =	stream.linear.scatter [tilespmem:s19], [sflag:$0x1], $0x2000, $0x38;
	[tilespmem:$0xD000] =	vst v63  }
0x43d: {  	_ = 	snop  }
0x43e: {  	[hbm4b:s31+s8] =	stream.linear.scatter [tilespmem:s19], [sflag:$0x1], $0x2000, $0x38;
	[tilespmem:$0xD000] =	vst v63  }
0x43f: {  	_ = 	snop  }
0x440: {  	[hbm4b:s4+s8] =	stream.linear.scatter [tilespmem:s19], [sflag:$0x1], $0x2000, $0x38;
	[tilespmem:$0xD000] =	vst v63  }
0x441: {  	_ = 	snop  }
0x442: {  	[hbm4b:s5+s8] =	stream.linear.scatter [tilespmem:s19], [sflag:$0x1], $0x2000, $0x38;
	[tilespmem:$0xD000] =	vst v63  }
0x443: {  	_ = 	snop  }
0x444: {  	[hbm4b:s6+s8] =	stream.linear.scatter [tilespmem:s19], [sflag:$0x1], $0x2000, $0x38;
	[tilespmem:$0xD000] =	vst v63  }
0x445: {  	_ =	swait.ge [sflag:s20], $0x2000  }
0x446: {  	[sflag:s20] =	ssyncset.done $0x0  }
0x447: {  	[sflag:s20] =	ssyncadd.s32 $0xFFFFE000  }
0x448: {  	_ =	swait.ge [sflag:s20], $0x2000  }
0x449: {  	[sflag:s20] =	ssyncset.done $0x0  }
0x44a: {  	[sflag:s20] =	ssyncadd.s32 $0xFFFFE000  }
0x44b: {  	_ =	swait.ge [sflag:s20], $0x2000  }
0x44c: {  	[sflag:s20] =	ssyncset.done $0x0  }
0x44d: {  	[sflag:s20] =	ssyncadd.s32 $0xFFFFE000  }
0x44e: {  	_ =	swait.ge [sflag:s20], $0x2000  }
0x44f: {  	[sflag:s20] =	ssyncset.done $0x0  }
0x450: {  	[sflag:s20] =	ssyncadd.s32 $0xFFFFE000  }
0x451: {  	_ =	swait.ge [sflag:s20], $0x2000  }
0x452: {  	[sflag:s20] =	ssyncset.done $0x0  }
0x453: {  	[sflag:s20] =	ssyncadd.s32 $0xFFFFE000  }
0x454: {  	_ =	swait.ge [sflag:s20], $0x2000  }
0x455: {  	[sflag:s20] =	ssyncset.done $0x0  }
0x456: {  	[sflag:s20] =	ssyncadd.s32 $0xFFFFE000  }
0x457: {  	_ =	swait.ge [sflag:s20], $0x2000  }
0x458: {  	[sflag:s20] =	ssyncset.done $0x0  }
0x459: {  	[sflag:s20] =	ssyncadd.s32 $0xFFFFE000  }
0x45a: {  	_ =	swait.ge [sflag:s20], $0x2000  }
0x45b: {  	[sflag:s20] =	ssyncset.done $0x0  }
0x45c: {  	[sflag:s20] =	ssyncadd.s32 $0xFFFFE000  }
0x45d: {  	_ =	swait.ge [sflag:s20], $0x2000  }
0x45e: {  	[sflag:s20] =	ssyncset.done $0x0  }
0x45f: {  	[sflag:s20] =	ssyncadd.s32 $0xFFFFE000  }
0x460: {  	_ =	swait.ge [sflag:s20], $0x2000  }
0x461: {  	[sflag:s20] =	ssyncset.done $0x0  }
0x462: {  	[sflag:s20] =	ssyncadd.s32 $0xFFFFE000  }
0x463: {  	_ =	swait.ge [sflag:s20], $0x2000  }
0x464: {  	[sflag:s20] =	ssyncset.done $0x0  }
0x465: {  	[sflag:s20] =	ssyncadd.s32 $0xFFFFE000  }
0x466: {  	_ =	swait.ge [sflag:s20], $0x2000  }
0x467: {  	[sflag:s20] =	ssyncset.done $0x0  }
0x468: {  	[sflag:s20] =	ssyncadd.s32 $0xFFFFE000  }
0x469: {  	_ =	swait.ge [sflag:s20], $0x2000  }
0x46a: {  	[sflag:s20] =	ssyncset.done $0x0  }
0x46b: {  	[sflag:s20] =	ssyncadd.s32 $0xFFFFE000  }
0x46c: {  	_ =	swait.ge [sflag:s20], $0x2000  }
0x46d: {  	[sflag:s20] =	ssyncset.done $0x0  }
0x46e: {  	[sflag:s20] =	ssyncadd.s32 $0xFFFFE000  }
0x46f: {  	_ =	swait.ge [sflag:s20], $0x2000  }
0x470: {  	[sflag:s20] =	ssyncset.done $0x0  }
0x471: {  	[sflag:s20] =	ssyncadd.s32 $0xFFFFE000  }
0x472: {  	_ =	swait.ge [sflag:s20], $0x2000  }
0x473: {  	[sflag:s20] =	ssyncset.done $0x0  }
0x474: {  	[sflag:s20] =	ssyncadd.s32 $0xFFFFE000  }
0x475: {  	_ =	swait.ge [sflag:s20], $0x2000  }
0x476: {  	[sflag:s20] =	ssyncset.done $0x0  }
0x477: {  	[sflag:s20] =	ssyncadd.s32 $0xFFFFE000  }
0x478: {  	_ =	swait.ge [sflag:s20], $0x2000  }
0x479: {  	[sflag:s20] =	ssyncset.done $0x0  }
0x47a: {  	[sflag:s20] =	ssyncadd.s32 $0xFFFFE000  }
0x47b: {  	_ =	swait.ge [sflag:s20], $0x2000  }
0x47c: {  	[sflag:s20] =	ssyncset.done $0x0  }
0x47d: {  	[sflag:s20] =	ssyncadd.s32 $0xFFFFE000  }
0x47e: {  	_ =	swait.ge [sflag:s20], $0x2000  }
0x47f: {  	[sflag:s20] =	ssyncset.done $0x0  }
0x480: {  	[sflag:s20] =	ssyncadd.s32 $0xFFFFE000  }
0x481: {  	_ =	swait.ge [sflag:s20], $0x2000  }
0x482: {  	[sflag:s20] =	ssyncset.done $0x0  }
0x483: {  	[sflag:s20] =	ssyncadd.s32 $0xFFFFE000  }
0x484: {  	_ =	swait.ge [sflag:s20], $0x2000  }
0x485: {  	[sflag:s20] =	ssyncset.done $0x0  }
0x486: {  	[sflag:s20] =	ssyncadd.s32 $0xFFFFE000  }
0x487: {  	_ =	swait.ge [sflag:s20], $0x2000  }
0x488: {  	[sflag:s20] =	ssyncset.done $0x0  }
0x489: {  	[sflag:s20] =	ssyncadd.s32 $0xFFFFE000  }
0x48a: {  	_ =	swait.ge [sflag:s20], $0x2000  }
0x48b: {  	[sflag:s20] =	ssyncset.done $0x0  }
0x48c: {  	[sflag:s20] =	ssyncadd.s32 $0xFFFFE000  }
0x48d: {  	_ =	swait.ge [sflag:s20], $0x2000  }
0x48e: {  	[sflag:s20] =	ssyncset.done $0x0  }
0x48f: {  	[sflag:s20] =	ssyncadd.s32 $0xFFFFE000  }
0x490: {  	_ =	swait.ge [sflag:s20], $0x2000  }
0x491: {  	[sflag:s20] =	ssyncset.done $0x0  }
0x492: {  	[sflag:s20] =	ssyncadd.s32 $0xFFFFE000  }
0x493: {  	_ =	swait.ge [sflag:s20], $0x2000  }
0x494: {  	[sflag:s20] =	ssyncset.done $0x0  }
0x495: {  	[sflag:s20] =	ssyncadd.s32 $0xFFFFE000  }
0x496: {  	_ =	swait.ge [sflag:s20], $0x2000  }
0x497: {  	[sflag:s20] =	ssyncset.done $0x0  }
0x498: {  	[sflag:s20] =	ssyncadd.s32 $0xFFFFE000  }
0x499: {  	_ =	swait.ge [sflag:s20], $0x2000  }
0x49a: {  	[sflag:s20] =	ssyncset.done $0x0  }
0x49b: {  	[sflag:s20] =	ssyncadd.s32 $0xFFFFE000  }
0x49c: {  	_ =	swait.ge [sflag:s20], $0x2000  }
0x49d: {  	[sflag:s20] =	ssyncset.done $0x0  }
0x49e: {  	[sflag:s20] =	ssyncadd.s32 $0xFFFFE000  }
0x49f: {  	_ =	swait.ge [sflag:s20], $0x2000  }
0x4a0: {  	[sflag:s20] =	ssyncset.done $0x0  }
0x4a1: {  	[sflag:s20] =	ssyncadd.s32 $0xFFFFE000  }
0x4a2: {  	_ =	swait.ge [sflag:s20], $0x2000  }
0x4a3: {  	[sflag:s20] =	ssyncset.done $0x0  }
0x4a4: {  	[sflag:s20] =	ssyncadd.s32 $0xFFFFE000  }
0x4a5: {  	_ =	swait.ge [sflag:s20], $0x2000  }
0x4a6: {  	[sflag:s20] =	ssyncset.done $0x0  }
0x4a7: {  	[sflag:s20] =	ssyncadd.s32 $0xFFFFE000  }
0x4a8: {  	_ =	swait.ge [sflag:s20], $0x2000  }
0x4a9: {  	[sflag:s20] =	ssyncset.done $0x0  }
0x4aa: {  	[sflag:s20] =	ssyncadd.s32 $0xFFFFE000  }
0x4ab: {  	_ =	swait.ge [sflag:s20], $0x2000  }
0x4ac: {  	[sflag:s20] =	ssyncset.done $0x0  }
0x4ad: {  	[sflag:s20] =	ssyncadd.s32 $0xFFFFE000  }
0x4ae: {  	_ =	swait.ge [sflag:s20], $0x2000  }
0x4af: {  	[sflag:s20] =	ssyncset.done $0x0  }
0x4b0: {  	[sflag:s20] =	ssyncadd.s32 $0xFFFFE000  }
0x4b1: {  	_ =	swait.ge [sflag:s20], $0x2000  }
0x4b2: {  	[sflag:s20] =	ssyncset.done $0x0  }
0x4b3: {  	[sflag:s20] =	ssyncadd.s32 $0xFFFFE000  }
0x4b4: {  	_ =	swait.ge [sflag:s20], $0x2000  }
0x4b5: {  	[sflag:s20] =	ssyncset.done $0x0  }
0x4b6: {  	[sflag:s20] =	ssyncadd.s32 $0xFFFFE000  }
0x4b7: {  	_ =	swait.ge [sflag:s20], $0x2000  }
0x4b8: {  	[sflag:s20] =	ssyncset.done $0x0  }
0x4b9: {  	[sflag:s20] =	ssyncadd.s32 $0xFFFFE000  }
0x4ba: {  	_ =	swait.ge [sflag:s20], $0x2000  }
0x4bb: {  	[sflag:s20] =	ssyncset.done $0x0  }
0x4bc: {  	[sflag:s20] =	ssyncadd.s32 $0xFFFFE000  }
0x4bd: {  	_ =	swait.ge [sflag:s20], $0x2000  }
0x4be: {  	[sflag:s20] =	ssyncset.done $0x0  }
0x4bf: {  	[sflag:s20] =	ssyncadd.s32 $0xFFFFE000  }
0x4c0: {  	_ =	swait.ge [sflag:s20], $0x2000  }
0x4c1: {  	[sflag:s20] =	ssyncset.done $0x0  }
0x4c2: {  	[sflag:s20] =	ssyncadd.s32 $0xFFFFE000  }
0x4c3: {  	_ =	swait.ge [sflag:s20], $0x2000  }
0x4c4: {  	[sflag:s20] =	ssyncset.done $0x0  }
0x4c5: {  	[sflag:s20] =	ssyncadd.s32 $0xFFFFE000  }
0x4c6: {  	_ =	swait.ge [sflag:s20], $0x2000  }
0x4c7: {  	[sflag:s20] =	ssyncset.done $0x0  }
0x4c8: {  	[sflag:s20] =	ssyncadd.s32 $0xFFFFE000  }
0x4c9: {  	_ =	swait.ge [sflag:s20], $0x2000  }
0x4ca: {  	[sflag:s20] =	ssyncset.done $0x0  }
0x4cb: {  	[sflag:s20] =	ssyncadd.s32 $0xFFFFE000  }
0x4cc: {  	_ =	swait.ge [sflag:s20], $0x2000  }
0x4cd: {  	[sflag:s20] =	ssyncset.done $0x0  }
0x4ce: {  	[sflag:s20] =	ssyncadd.s32 $0xFFFFE000  }
0x4cf: {  	_ =	swait.ge [sflag:s20], $0x2000  }
0x4d0: {  	[sflag:s20] =	ssyncset.done $0x0  }
0x4d1: {  	[sflag:s20] =	ssyncadd.s32 $0xFFFFE000  }
0x4d2: {  	_ =	swait.ge [sflag:s20], $0x2000  }
0x4d3: {  	[sflag:s20] =	ssyncset.done $0x0  }
0x4d4: {  	[sflag:s20] =	ssyncadd.s32 $0xFFFFE000  }
0x4d5: {  	_ =	swait.ge [sflag:s20], $0x2000  }
0x4d6: {  	[sflag:s20] =	ssyncset.done $0x0  }
0x4d7: {  	[sflag:s20] =	ssyncadd.s32 $0xFFFFE000  }
0x4d8: {  	_ =	swait.ge [sflag:s20], $0x2000  }
0x4d9: {  	[sflag:s20] =	ssyncset.done $0x0  }
0x4da: {  	[sflag:s20] =	ssyncadd.s32 $0xFFFFE000  }
0x4db: {  	_ =	swait.ge [sflag:s20], $0x2000  }
0x4dc: {  	[sflag:s20] =	ssyncset.done $0x0  }
0x4dd: {  	[sflag:s20] =	ssyncadd.s32 $0xFFFFE000  }
0x4de: {  	_ =	swait.ge [sflag:s20], $0x2000  }
0x4df: {  	[sflag:s20] =	ssyncset.done $0x0  }
0x4e0: {  	[sflag:s20] =	ssyncadd.s32 $0xFFFFE000  }
0x4e1: {  	_ =	swait.ge [sflag:s20], $0x2000  }
0x4e2: {  	[sflag:s20] =	ssyncset.done $0x0  }
0x4e3: {  	[sflag:s20] =	ssyncadd.s32 $0xFFFFE000  }
0x4e4: {  	_ =	swait.ge [sflag:s20], $0x2000  }
0x4e5: {  	[sflag:s20] =	ssyncset.done $0x0  }
0x4e6: {  	[sflag:s20] =	ssyncadd.s32 $0xFFFFE000  }
0x4e7: {  	_ =	swait.ge [sflag:s20], $0x2000  }
0x4e8: {  	[sflag:s20] =	ssyncset.done $0x0  }
0x4e9: {  	[sflag:s20] =	ssyncadd.s32 $0xFFFFE000  }
0x4ea: {  	_ =	swait.ge [sflag:s20], $0x2000  }
0x4eb: {  	[sflag:s20] =	ssyncset.done $0x0  }
0x4ec: {  	[sflag:s20] =	ssyncadd.s32 $0xFFFFE000  }
0x4ed: {  	_ =	swait.ge [sflag:s20], $0x2000  }
0x4ee: {  	[sflag:s20] =	ssyncset.done $0x0  }
0x4ef: {  	[sflag:s20] =	ssyncadd.s32 $0xFFFFE000  }
0x4f0: {  	_ =	swait.ge [sflag:s20], $0x2000  }
0x4f1: {  	[sflag:s20] =	ssyncset.done $0x0  }
0x4f2: {  	[sflag:s20] =	ssyncadd.s32 $0xFFFFE000  }
0x4f3: {  	_ =	swait.ge [sflag:s20], $0x2000  }
0x4f4: {  	[sflag:s20] =	ssyncset.done $0x0  }
0x4f5: {  	[sflag:s20] =	ssyncadd.s32 $0xFFFFE000  }
0x4f6: {  	_ =	swait.ge [sflag:s20], $0x2000  }
0x4f7: {  	[sflag:s20] =	ssyncset.done $0x0  }
0x4f8: {  	[sflag:s20] =	ssyncadd.s32 $0xFFFFE000  }
0x4f9: {  	_ =	swait.ge [sflag:s20], $0x2000  }
0x4fa: {  	[sflag:s20] =	ssyncset.done $0x0  }
0x4fb: {  	[sflag:s20] =	ssyncadd.s32 $0xFFFFE000  }
0x4fc: {  	_ =	swait.ge [sflag:s20], $0x2000  }
0x4fd: {  	[sflag:s20] =	ssyncset.done $0x0  }
0x4fe: {  	s21 =	sadd.s32 $0x1, s21;
	[sflag:s20] =	ssyncadd.s32 $0xFFFFE000  }
0x4ff: {  	p0 =	sne.s32 s21, s11;
	_ =	swait.ge [sflag:s20], $0x2000  }
.Ltmp4:
0x500: {  	[sflag:s20] =	ssyncset.done $0x0;
	(pc) =	sbr.rel @p0 .LBB2_1-.Ltmp4, $4  }
0x501: {  	[sflag:s20] =	ssyncadd.s32 $0xFFFFE000  }
0x502: {  	_ =	swait.ge [sflag:s20], $0x2000  }
0x503: {  	[sflag:s20] =	ssyncset.done $0x0  }
0x504: {  	[sflag:s20] =	ssyncadd.s32 $0xFFFFE000  }
0x505: {  	_ =	sfence.sel $0x180000  }
0x506: {  	[bflag:$0x0] =	sbarrier.arrive $0xFFFF  }
0x507: {  	_ =	strace $0x90000047  }
0x508: {  	s0 =	stileid.u32;
	[bflag:$0x2] =	sbarrier.arrive $0xFFFF  }
0x509: {  	p0 =	sne.s32 s0, $0x0;
	s0 =	rddreg [dreg:$0x2]  }
0x50a: {  	s0 =	sadd.s32 @!p0 $0x100000, s0  }
0x50b: {  	[sflag:s0] =	ssyncadd.tile.s32 @!p0 $0x1;
	_ =	shalt  }
.Lfunc_end2:
_tile_overlayer_lowered:
.L_overlay_start_2:
0x50c: {  	(tag) =	ssettag $0x2  }
0x50d: {  	s0 =	rddreg [dreg:$0x0];
	s2 =	stileid.u32  }
0x50e: {  	s1 =	rddreg [dreg:$0x1];
	p0 =	sne.s32 s2, $0x0  }
0x50f: {  	s3 =	rddreg [dreg:$0x2];
	[bflag:$0x3] =	sbarrier.arrive $0xFFFF;
	s2 =	simm.s32 @!p0 $0x1C02  }
0x510: {  	[timem:s3], [sflag:s2] =	dma.local @!p0 [hbm:s0], s1  }
0x511: {  	s0 =	simm.s32 @!p0 $0x2  }
0x512: {  	_ =	swait.ge @!p0 [sflag:s0], s1  }
0x513: {  	s1 =	ssub.s32 @!p0 $0x0, s1;
	[sflag:s0] =	ssyncset.done @!p0 $0x0  }
0x514: {  	[sflag:s0] =	ssyncadd.s32 @!p0 s1  }
0x515: {  	[bflag:$0x3] =	sbarrier.arrive $0xFFFF  }
0x516: {  	_ =	shalt  }

</sc_bundles>
